<compile_context>
chip_gen: v7x
topology: tpu7x:2x2x1
jax: 0.10.2.dev20260603
libtpu: 0.0.44.dev20260713+nightly
codegen_flags: <defaults>
</compile_context>

<pallas_src>
import functools

import jax
import jax.numpy as jnp
from jax import lax
from jax.experimental import pallas as pl
from jax.experimental.pallas import tpu as pltpu
from jax.experimental.pallas import tpu_sc as plsc

N = 10000
E = 320000
F_IN = 128
HID = 64
NC = 16
G = 64
IMG = 50176

NCORES = 2
NSUB = 16
NW = NCORES * NSUB

CHUNK = 128
NPAD = 10240
RPT = NPAD // NSUB
NCOPY = RPT // CHUNK
NITER = 80
EPW = NITER * CHUNK
EPAD = EPW * NW
NITER_T = EPAD // (NSUB * CHUNK)

_HIGH = jax.lax.Precision.HIGHEST


def _dot(a, b):
    return jnp.dot(a, b, precision=_HIGH, preferred_element_type=jnp.float32)



DW = 16


def _sc_hist(dst2):
    mesh = plsc.VectorSubcoreMesh(core_axis_name="c", subcore_axis_name="s")

    @functools.partial(
        pl.kernel,
        out_type=jax.ShapeDtypeStruct((NCORES, NPAD, DW), jnp.float32),
        mesh=mesh,
        compiler_params=pltpu.CompilerParams(use_tc_tiling_on_sc=False),
        scratch_types=[
            pltpu.VMEM((NITER, CHUNK), jnp.int32),
            pltpu.VMEM((CHUNK, DW), jnp.float32),
            pltpu.VMEM_SHARED((NPAD, DW), jnp.float32),
        ],
    )
    def k(dst_hbm, out_hbm, dsta, buf, acc):
        c = lax.axis_index("c")
        s = lax.axis_index("s")
        w = c * NSUB + s

        def fill(val):
            def body(r, _):
                buf[r, pl.ds(0, DW)] = jnp.full((DW,), val, jnp.float32)
                return 0
            lax.fori_loop(0, CHUNK, body, 0)

        fill(0.0)
        for j in range(NCOPY):
            pltpu.sync_copy(buf, acc.at[pl.ds(s * RPT + j * CHUNK, CHUNK)])
        fill(1.0)
        pltpu.sync_copy(dst_hbm.at[pl.ds(w * NITER, NITER)], dsta)
        plsc.subcore_barrier()

        def step(g, _):
            pltpu.sync_copy(buf, acc.at[dsta.at[g]], add=True)
            return 0

        lax.fori_loop(0, NITER, step, 0)
        plsc.subcore_barrier()

        for j in range(NCOPY):
            r0 = s * RPT + j * CHUNK
            pltpu.sync_copy(acc.at[pl.ds(r0, CHUNK)], buf)
            pltpu.sync_copy(buf, out_hbm.at[c, pl.ds(r0, CHUNK)])

    return k(dst2)


def _sc_aggregate(src3, dst3, tab_split, Dh, stage_tab=False):
    NBUF = 4
    LEAD = 2
    mesh = plsc.VectorSubcoreMesh(core_axis_name="c", subcore_axis_name="s")

    @functools.partial(
        pl.kernel,
        out_type=jax.ShapeDtypeStruct((NCORES, NPAD, Dh), jnp.float32),
        mesh=mesh,
        compiler_params=pltpu.CompilerParams(use_tc_tiling_on_sc=False),
        scratch_types=[
            pltpu.VMEM((NITER_T, CHUNK), jnp.int32),
            pltpu.VMEM((NITER_T, CHUNK), jnp.int32),
            [pltpu.VMEM((CHUNK, Dh), jnp.float32) for _ in range(NBUF)],
            pltpu.VMEM_SHARED((NPAD, Dh), jnp.float32),
        ] + ([pltpu.VMEM_SHARED((NPAD, Dh), jnp.float32)] if stage_tab else []) + [
            [pltpu.SemaphoreType.DMA for _ in range(NBUF)],
            [pltpu.SemaphoreType.DMA for _ in range(NBUF)],
        ],
    )
    def k(src_hbm, dst_hbm, tab_hbm, out_hbm, srca, dsta, rows, acc, *rest):
        if stage_tab:
            tabs, gsem, ssem = rest
        else:
            tabs = None
            gsem, ssem = rest
        c = lax.axis_index("c")
        s = lax.axis_index("s")
        if stage_tab:
            for j in range(NCOPY):
                r0 = s * RPT + j * CHUNK
                pltpu.sync_copy(tab_hbm.at[c, pl.ds(r0, CHUNK)], rows[0])
                pltpu.sync_copy(rows[0], tabs.at[pl.ds(r0, CHUNK)])
            tab = tabs
        else:
            tab = tab_hbm.at[c]

        def zrow(r, _):
            for j in range(Dh // 16):
                rows[0][r, pl.ds(j * 16, 16)] = jnp.zeros((16,), jnp.float32)
            return 0

        lax.fori_loop(0, CHUNK, zrow, 0)
        for j in range(NCOPY):
            pltpu.sync_copy(rows[0], acc.at[pl.ds(s * RPT + j * CHUNK, CHUNK)])
        pltpu.sync_copy(src_hbm.at[pl.ds(s * NITER_T, NITER_T)], srca)
        pltpu.sync_copy(dst_hbm.at[pl.ds(s * NITER_T, NITER_T)], dsta)
        plsc.subcore_barrier()

        for b in range(LEAD):
            pltpu.async_copy(tab.at[srca.at[b]], rows[b], gsem[b])

        def quad(q, _):
            for b in range(NBUF):
                g = NBUF * q + b
                bg = (b + LEAD) % NBUF
                g2 = g + LEAD

                @pl.when(jnp.logical_and(g2 >= NBUF, g2 < NITER_T))
                def _():
                    pltpu.make_async_copy(rows[bg], acc.at[dsta.at[g2 - NBUF]],
                                          ssem[bg]).wait()

                @pl.when(g2 < NITER_T)
                def _():
                    pltpu.async_copy(tab.at[srca.at[g2]], rows[bg], gsem[bg])

                pltpu.make_async_copy(tab.at[srca.at[g]], rows[b], gsem[b]).wait()
                pltpu.async_copy(rows[b], acc.at[dsta.at[g]], ssem[b], add=True)
            return 0

        lax.fori_loop(0, NITER_T // NBUF, quad, 0)
        for b in range(NBUF):
            g = NITER_T - NBUF + b
            pltpu.make_async_copy(rows[b], acc.at[dsta.at[g]], ssem[b]).wait()
        plsc.subcore_barrier()

        for j in range(NCOPY):
            r0 = s * RPT + j * CHUNK
            pltpu.sync_copy(acc.at[pl.ds(r0, CHUNK)], rows[0])
            pltpu.sync_copy(rows[0], out_hbm.at[c, pl.ds(r0, CHUNK)])

    return k(src3, dst3, tab_split)



RB = 2048
KB = 1024


def _img_body(img_ref, wm0_ref, bm0_ref, wm1_ref, bm1_ref, out_ref, acc_ref):
    kstep = pl.program_id(0)

    @pl.when(kstep == 0)
    def _():
        acc_ref[...] = jnp.zeros_like(acc_ref)

    acc_ref[...] += _dot(img_ref[...], wm0_ref[...])

    @pl.when(kstep == IMG // KB - 1)
    def _():
        y = acc_ref[...] + bm0_ref[...][None, :]
        out_ref[...] = _dot(y, wm1_ref[...]) + bm1_ref[...][None, :]


def _img_mlp(img, Wm0, bm0, Wm1, bm1):
    return pl.pallas_call(
        _img_body,
        grid=(IMG // KB,),
        in_specs=[
            pl.BlockSpec((G, KB), lambda k: (0, k)),
            pl.BlockSpec((KB, 1024), lambda k: (k, 0)),
            pl.BlockSpec((1024,), lambda k: (0,)),
            pl.BlockSpec((1024, HID), lambda k: (0, 0)),
            pl.BlockSpec((HID,), lambda k: (0,)),
        ],
        out_specs=pl.BlockSpec((G, HID), lambda k: (0, 0)),
        out_shape=jax.ShapeDtypeStruct((G, HID), jnp.float32),
        scratch_shapes=[pltpu.VMEM((G, 1024), jnp.float32)],
    )(img, Wm0, bm0, Wm1, bm1)


def _xw_body(x_ref, w1_ref, xw_ref):
    xw_ref[...] = _dot(x_ref[...], w1_ref[...])


def _xw(x_pad, W1):
    return pl.pallas_call(
        _xw_body,
        grid=(NPAD // RB,),
        in_specs=[
            pl.BlockSpec((RB, F_IN), lambda i: (i, 0)),
            pl.BlockSpec((F_IN, F_IN), lambda i: (0, 0)),
        ],
        out_specs=pl.BlockSpec((RB, F_IN), lambda i: (i, 0)),
        out_shape=jax.ShapeDtypeStruct((NPAD, F_IN), jnp.float32),
    )(x_pad, W1)


QW = F_IN // 4


def _prescale_body(deg_ref, xw_ref, dinv_ref, hs1a_ref, hs1b_ref):
    deg = deg_ref[0, :, 0] + deg_ref[1, :, 0] + 1.0
    dinv = lax.rsqrt(jnp.maximum(deg, 1.0))
    dinv_ref[...] = dinv
    hs = xw_ref[...] * dinv[:, None]
    hs1a_ref[0] = hs[:, 0 * QW:1 * QW]
    hs1a_ref[1] = hs[:, 1 * QW:2 * QW]
    hs1b_ref[0] = hs[:, 2 * QW:3 * QW]
    hs1b_ref[1] = hs[:, 3 * QW:4 * QW]


def _prescale(deg_part, xw):
    return pl.pallas_call(
        _prescale_body,
        grid=(NPAD // RB,),
        in_specs=[
            pl.BlockSpec((NCORES, RB, DW), lambda i: (0, i, 0)),
            pl.BlockSpec((RB, F_IN), lambda i: (i, 0)),
        ],
        out_specs=[
            pl.BlockSpec((RB,), lambda i: (i,)),
            pl.BlockSpec((NCORES, RB, QW), lambda i: (0, i, 0)),
            pl.BlockSpec((NCORES, RB, QW), lambda i: (0, i, 0)),
        ],
        out_shape=[
            jax.ShapeDtypeStruct((NPAD,), jnp.float32),
            jax.ShapeDtypeStruct((NCORES, NPAD, QW), jnp.float32),
            jax.ShapeDtypeStruct((NCORES, NPAD, QW), jnp.float32),
        ],
    )(deg_part, xw)


def _mid_body(agga_ref, aggb_ref, hs1a_ref, hs1b_ref, dinv_ref, b1_ref,
              w2_ref, hs2_ref):
    dinv = dinv_ref[...]
    tot = (jnp.concatenate([agga_ref[0], agga_ref[1],
                            aggb_ref[0], aggb_ref[1]], axis=1)
           + jnp.concatenate([hs1a_ref[0], hs1a_ref[1],
                              hs1b_ref[0], hs1b_ref[1]], axis=1))
    h1 = jnp.maximum(tot * dinv[:, None] + b1_ref[...][None, :], 0.0)
    hs2 = _dot(h1, w2_ref[...]) * dinv[:, None]
    hs2_ref[0] = hs2[:, :HID // 2]
    hs2_ref[1] = hs2[:, HID // 2:]


def _mid_layer(agg1a, agg1b, hs1a, hs1b, dinv, b1, W2):
    return pl.pallas_call(
        _mid_body,
        grid=(NPAD // RB,),
        in_specs=[
            pl.BlockSpec((NCORES, RB, QW), lambda i: (0, i, 0)),
            pl.BlockSpec((NCORES, RB, QW), lambda i: (0, i, 0)),
            pl.BlockSpec((NCORES, RB, QW), lambda i: (0, i, 0)),
            pl.BlockSpec((NCORES, RB, QW), lambda i: (0, i, 0)),
            pl.BlockSpec((RB,), lambda i: (i,)),
            pl.BlockSpec((F_IN,), lambda i: (0,)),
            pl.BlockSpec((F_IN, HID), lambda i: (0, 0)),
        ],
        out_specs=pl.BlockSpec((NCORES, RB, HID // 2), lambda i: (0, i, 0)),
        out_shape=jax.ShapeDtypeStruct((NCORES, NPAD, HID // 2), jnp.float32),
    )(agg1a, agg1b, hs1a, hs1b, dinv, b1, W2)


def _final_body(agg_ref, hs2_ref, dinv_ref, b2_ref, batch_ref, x0_ref,
                wmx_ref, bmx_ref, wfc_ref, bfc_ref, out_ref, pool_ref):
    i = pl.program_id(0)

    @pl.when(i == 0)
    def _():
        pool_ref[...] = jnp.zeros_like(pool_ref)

    dinv = dinv_ref[...]
    tot = (jnp.concatenate([agg_ref[0], agg_ref[1]], axis=1)
           + jnp.concatenate([hs2_ref[0], hs2_ref[1]], axis=1))
    h2 = jnp.maximum(tot * dinv[:, None] + b2_ref[...][None, :], 0.0)
    gid = lax.broadcasted_iota(jnp.int32, (G, RB), 0)
    seg = (batch_ref[...][None, :] == gid).astype(jnp.float32)
    pool_ref[...] += _dot(seg, h2)

    @pl.when(i == NPAD // RB - 1)
    def _():
        xg = _dot(pool_ref[...], wmx_ref[...]) + bmx_ref[...][None, :]
        xt = jnp.concatenate([x0_ref[...], xg], axis=1)
        logits = _dot(xt, wfc_ref[...]) + bfc_ref[...][None, :]
        m = jnp.max(logits, axis=1, keepdims=True)
        lse = m + jnp.log(jnp.sum(jnp.exp(logits - m), axis=1, keepdims=True))
        out_ref[...] = logits - lse


def _final(agg2, hs2, dinv, b2, batch_pad, x0, Wmx, bmx, Wfc, bfc):
    return pl.pallas_call(
        _final_body,
        grid=(NPAD // RB,),
        in_specs=[
            pl.BlockSpec((NCORES, RB, HID // 2), lambda i: (0, i, 0)),
            pl.BlockSpec((NCORES, RB, HID // 2), lambda i: (0, i, 0)),
            pl.BlockSpec((RB,), lambda i: (i,)),
            pl.BlockSpec((HID,), lambda i: (0,)),
            pl.BlockSpec((RB,), lambda i: (i,)),
            pl.BlockSpec((G, HID), lambda i: (0, 0)),
            pl.BlockSpec((HID, HID), lambda i: (0, 0)),
            pl.BlockSpec((HID,), lambda i: (0,)),
            pl.BlockSpec((2 * HID, NC), lambda i: (0, 0)),
            pl.BlockSpec((NC,), lambda i: (0,)),
        ],
        out_specs=pl.BlockSpec((G, NC), lambda i: (0, 0)),
        out_shape=jax.ShapeDtypeStruct((G, NC), jnp.float32),
        scratch_shapes=[pltpu.VMEM((G, HID), jnp.float32)],
    )(agg2, hs2, dinv, b2, batch_pad, x0, Wmx, bmx, Wfc, bfc)



def kernel(x, edge_index, img_features, batch, W1, b1, W2, b2,
           Wm0, bm0, Wm1, bm1, Wmx, bmx, Wfc, bfc):
    src = edge_index[0].astype(jnp.int32)
    dst = edge_index[1].astype(jnp.int32)
    npd = EPAD - E
    src_pad = jnp.concatenate([src, jnp.full((npd,), N, jnp.int32)])
    dst_pad = jnp.concatenate(
        [dst, N + (jnp.arange(npd, dtype=jnp.int32) % (NPAD - N))])
    src2 = src_pad.reshape(EPAD // CHUNK, CHUNK)
    dst2 = dst_pad.reshape(EPAD // CHUNK, CHUNK)
    x_pad = jnp.pad(x, ((0, NPAD - N), (0, 0)))
    batch_pad = jnp.concatenate(
        [batch.astype(jnp.int32), jnp.full((NPAD - N,), G, jnp.int32)])
    x0 = _img_mlp(img_features, Wm0, bm0, Wm1, bm1)

    xw = _xw(x_pad, W1)
    deg_part = _sc_hist(dst2)
    dinv, hs1a, hs1b = _prescale(deg_part, xw)
    agg1a = _sc_aggregate(src2, dst2, hs1a, QW, stage_tab=True)
    agg1b = _sc_aggregate(src2, dst2, hs1b, QW, stage_tab=True)
    hs2 = _mid_layer(agg1a, agg1b, hs1a, hs1b, dinv, b1, W2)
    hs2, x0 = lax.optimization_barrier((hs2, x0))
    agg2 = _sc_aggregate(src2, dst2, hs2, HID // 2, stage_tab=True)
    return _final(agg2, hs2, dinv, b2, batch_pad, x0, Wmx, bmx, Wfc, bfc)

# --- scband reference (transcript-rebuilt; emitter-appended) ---
"""Pipeline reference for scband-gnnmodel-59992103191101 (READ-ONLY COPY).

The authoritative reference and input builder live on the scoring server;
editing this copy changes nothing except your own understanding.
"""

import jax, jax.numpy as jnp
import numpy as np

N = 10000
E = 320000
F_IN = 128
HID = 64
NC = 16
G = 64
IMG = 50176


def _gcn_conv(x, edge_index, W, b):
    n = x.shape[0]
    loop = jnp.arange(n, dtype=edge_index.dtype)
    src = jnp.concatenate([edge_index[0], loop])
    dst = jnp.concatenate([edge_index[1], loop])
    deg = jnp.zeros((n,), jnp.float32).at[dst].add(1.0)
    dinv = jax.lax.rsqrt(jnp.maximum(deg, 1.0))
    h = x @ W
    norm = dinv[src] * dinv[dst]
    msg = h[src] * norm[:, None]
    out = jnp.zeros((n, W.shape[1]), jnp.float32).at[dst].add(msg)
    return out + b


def setup_inputs(seed: int = 0) -> dict:
    key = jax.random.key(seed)
    ks = jax.random.split(key, 16)
    x = jax.random.normal(ks[0], (N, F_IN), jnp.float32)
    edge_index = jax.random.randint(ks[1], (2, E), 0, N)
    img_features = jax.random.normal(ks[2], (G, IMG), jnp.float32)
    batch = jnp.sort(jax.random.randint(ks[3], (N,), 0, G))
    W1 = jax.random.normal(ks[4], (F_IN, 2 * HID), jnp.float32) / np.sqrt(F_IN)
    b1 = jnp.zeros((2 * HID,), jnp.float32)
    W2 = jax.random.normal(ks[5], (2 * HID, HID), jnp.float32) / np.sqrt(2 * HID)
    b2 = jnp.zeros((HID,), jnp.float32)
    Wm0 = jax.random.normal(ks[6], (IMG, 1024), jnp.float32) / np.sqrt(IMG)
    bm0 = jnp.zeros((1024,), jnp.float32)
    Wm1 = jax.random.normal(ks[7], (1024, HID), jnp.float32) / np.sqrt(1024)
    bm1 = jnp.zeros((HID,), jnp.float32)
    Wmx = jax.random.normal(ks[8], (HID, HID), jnp.float32) / np.sqrt(HID)
    bmx = jnp.zeros((HID,), jnp.float32)
    Wfc = jax.random.normal(ks[9], (2 * HID, NC), jnp.float32) / np.sqrt(2 * HID)
    bfc = jnp.zeros((NC,), jnp.float32)
    return {"x": x, "edge_index": edge_index, "img_features": img_features, "batch": batch,
            "W1": W1, "b1": b1, "W2": W2, "b2": b2, "Wm0": Wm0, "bm0": bm0,
            "Wm1": Wm1, "bm1": bm1, "Wmx": Wmx, "bmx": bmx, "Wfc": Wfc, "bfc": bfc}


def reference(x, edge_index, img_features, batch, W1, b1, W2, b2, Wm0, bm0, Wm1, bm1, Wmx, bmx, Wfc, bfc):
    x0 = img_features @ Wm0 + bm0
    x0 = x0 @ Wm1 + bm1
    h = jax.nn.relu(_gcn_conv(x, edge_index, W1, b1))
    h = jax.nn.relu(_gcn_conv(h, edge_index, W2, b2))
    pooled = jax.ops.segment_sum(h, batch, num_segments=G)
    xg = pooled @ Wmx + bmx
    xt = jnp.concatenate([x0, xg], axis=1)
    logits = xt @ Wfc + bfc
    return jax.nn.log_softmax(logits, axis=1)

if __name__ == "__main__":
    import jax
    _d = setup_inputs()
    print(jax.jit(kernel)(*tuple(_d.values())))

</pallas_src>

<mosaic_0001>
#map = affine_map<(d0, d1) -> (0, 0)>
#map1 = affine_map<(d0, d1) -> (0, 0, 0)>
module attributes {stable_mosaic.version = 14 : i64} {
  func.func @k(%arg0: i32, %arg1: i32, %arg2: memref<2560x128xi32, #tpu.memory_space<hbm>>, %arg3: memref<2560x128xi32, #tpu.memory_space<hbm>>, %arg4: memref<2x10240x32xf32, #tpu.memory_space<hbm>>, %arg5: memref<2x10240x32xf32, #tpu.memory_space<hbm>>, %arg6: memref<160x128xi32, #tpu.memory_space<vmem>>, %arg7: memref<160x128xi32, #tpu.memory_space<vmem>>, %arg8: memref<128x32xf32, #tpu.memory_space<vmem>>, %arg9: memref<128x32xf32, #tpu.memory_space<vmem>>, %arg10: memref<128x32xf32, #tpu.memory_space<vmem>>, %arg11: memref<128x32xf32, #tpu.memory_space<vmem>>, %arg12: memref<10240x32xf32, #tpu.memory_space<vmem_shared>>, %arg13: memref<10240x32xf32, #tpu.memory_space<vmem_shared>>, %arg14: memref<!tpu.dma_semaphore, #tpu.memory_space<semaphore_mem>>, %arg15: memref<!tpu.dma_semaphore, #tpu.memory_space<semaphore_mem>>, %arg16: memref<!tpu.dma_semaphore, #tpu.memory_space<semaphore_mem>>, %arg17: memref<!tpu.dma_semaphore, #tpu.memory_space<semaphore_mem>>, %arg18: memref<!tpu.dma_semaphore, #tpu.memory_space<semaphore_mem>>, %arg19: memref<!tpu.dma_semaphore, #tpu.memory_space<semaphore_mem>>, %arg20: memref<!tpu.dma_semaphore, #tpu.memory_space<semaphore_mem>>, %arg21: memref<!tpu.dma_semaphore, #tpu.memory_space<semaphore_mem>>) attributes {dimension_semantics = [#tpu.dimension_semantics<core_parallel>, #tpu.dimension_semantics<subcore_parallel>], iteration_bounds = array<i64: 2, 16>, scalar_prefetch = 0 : i64, scratch_operands = 16 : i64, tpu.core_type = #tpu.core_type<sc_vector_subcore>, window_params = [{transform_indices = #map}, {transform_indices = #map}, {transform_indices = #map1}, {transform_indices = #map1}]} {
    %mul3A = arith.constant 640 : i32
    %mul3A_0 = arith.muli %arg1, %mul3A : i32
    %add3A = arith.constant 0 : i32
    %add3A_1 = arith.addi %mul3A_0, %add3A : i32
    "tpu.region"() ({
      %run_scoped3A = tpu.sem_alloc : memref<!tpu.dma_semaphore, #tpu.memory_space<semaphore_mem>>
      %dma_start3A_116 = arith.constant 0 : i32
      %dma_start3A_117 = tpu.memref_slice %arg4[%arg0, %add3A_1, %dma_start3A_116] : memref<2x10240x32xf32, #tpu.memory_space<hbm>> -> memref<1x128x32xf32, #tpu.memory_space<hbm>>
      %dma_start3A_118 = tpu.memref_squeeze %dma_start3A_117 : memref<1x128x32xf32, #tpu.memory_space<hbm>> -> memref<128x32xf32, #tpu.memory_space<hbm>>
      %dma_start3A_119 = arith.constant 0 : i32
      %dma_start3A_120 = tpu.memref_slice %arg4[%arg0, %add3A_1, %dma_start3A_119] : memref<2x10240x32xf32, #tpu.memory_space<hbm>> -> memref<1x128x32xf32, #tpu.memory_space<hbm>>
      %dma_start3A_121 = tpu.memref_squeeze %dma_start3A_120 : memref<1x128x32xf32, #tpu.memory_space<hbm>> -> memref<128x32xf32, #tpu.memory_space<hbm>>
      tpu.enqueue_dma source(%dma_start3A_121 : memref<128x32xf32, #tpu.memory_space<hbm>>) target(%arg8 : memref<128x32xf32, #tpu.memory_space<vmem>>) target_semaphore(%run_scoped3A : memref<!tpu.dma_semaphore, #tpu.memory_space<semaphore_mem>>)
      %dma_wait3A_122 = arith.constant 0 : i32
      %dma_wait3A_123 = tpu.memref_slice %arg4[%arg0, %add3A_1, %dma_wait3A_122] : memref<2x10240x32xf32, #tpu.memory_space<hbm>> -> memref<1x128x32xf32, #tpu.memory_space<hbm>>
      %dma_wait3A_124 = tpu.memref_squeeze %dma_wait3A_123 : memref<1x128x32xf32, #tpu.memory_space<hbm>> -> memref<128x32xf32, #tpu.memory_space<hbm>>
      %dma_wait3A_125 = arith.constant 0 : i32
      %dma_wait3A_126 = tpu.memref_slice %arg4[%arg0, %add3A_1, %dma_wait3A_125] : memref<2x10240x32xf32, #tpu.memory_space<hbm>> -> memref<1x128x32xf32, #tpu.memory_space<hbm>>
      %dma_wait3A_127 = tpu.memref_squeeze %dma_wait3A_126 : memref<1x128x32xf32, #tpu.memory_space<hbm>> -> memref<128x32xf32, #tpu.memory_space<hbm>>
      tpu.wait_dma2 semaphore(%run_scoped3A : memref<!tpu.dma_semaphore, #tpu.memory_space<semaphore_mem>>) src(%dma_wait3A_127 : memref<128x32xf32, #tpu.memory_space<hbm>>) dst(%arg8 : memref<128x32xf32, #tpu.memory_space<vmem>>)
      tpu.yield
    }) : () -> ()
    "tpu.region"() ({
      %run_scoped3A = tpu.sem_alloc : memref<!tpu.dma_semaphore, #tpu.memory_space<semaphore_mem>>
      %dma_start3A_116 = arith.constant 0 : i32
      %dma_start3A_117 = tpu.memref_slice %arg13[%add3A_1, %dma_start3A_116] : memref<10240x32xf32, #tpu.memory_space<vmem_shared>> -> memref<128x32xf32, #tpu.memory_space<vmem_shared>>
      %dma_start3A_118 = arith.constant 0 : i32
      %dma_start3A_119 = tpu.memref_slice %arg13[%add3A_1, %dma_start3A_118] : memref<10240x32xf32, #tpu.memory_space<vmem_shared>> -> memref<128x32xf32, #tpu.memory_space<vmem_shared>>
      tpu.enqueue_dma source(%arg8 : memref<128x32xf32, #tpu.memory_space<vmem>>) target(%dma_start3A_119 : memref<128x32xf32, #tpu.memory_space<vmem_shared>>) target_semaphore(%run_scoped3A : memref<!tpu.dma_semaphore, #tpu.memory_space<semaphore_mem>>)
      %dma_wait3A_120 = arith.constant 0 : i32
      %dma_wait3A_121 = tpu.memref_slice %arg13[%add3A_1, %dma_wait3A_120] : memref<10240x32xf32, #tpu.memory_space<vmem_shared>> -> memref<128x32xf32, #tpu.memory_space<vmem_shared>>
      %dma_wait3A_122 = arith.constant 0 : i32
      %dma_wait3A_123 = tpu.memref_slice %arg13[%add3A_1, %dma_wait3A_122] : memref<10240x32xf32, #tpu.memory_space<vmem_shared>> -> memref<128x32xf32, #tpu.memory_space<vmem_shared>>
      tpu.wait_dma2 semaphore(%run_scoped3A : memref<!tpu.dma_semaphore, #tpu.memory_space<semaphore_mem>>) src(%arg8 : memref<128x32xf32, #tpu.memory_space<vmem>>) dst(%dma_wait3A_123 : memref<128x32xf32, #tpu.memory_space<vmem_shared>>)
      tpu.yield
    }) : () -> ()
    %mul3A_2 = arith.constant 640 : i32
    %mul3A_3 = arith.muli %arg1, %mul3A_2 : i32
    %add3A_4 = arith.constant 128 : i32
    %add3A_5 = arith.addi %mul3A_3, %add3A_4 : i32
    "tpu.region"() ({
      %run_scoped3A = tpu.sem_alloc : memref<!tpu.dma_semaphore, #tpu.memory_space<semaphore_mem>>
      %dma_start3A_116 = arith.constant 0 : i32
      %dma_start3A_117 = tpu.memref_slice %arg4[%arg0, %add3A_5, %dma_start3A_116] : memref<2x10240x32xf32, #tpu.memory_space<hbm>> -> memref<1x128x32xf32, #tpu.memory_space<hbm>>
      %dma_start3A_118 = tpu.memref_squeeze %dma_start3A_117 : memref<1x128x32xf32, #tpu.memory_space<hbm>> -> memref<128x32xf32, #tpu.memory_space<hbm>>
      %dma_start3A_119 = arith.constant 0 : i32
      %dma_start3A_120 = tpu.memref_slice %arg4[%arg0, %add3A_5, %dma_start3A_119] : memref<2x10240x32xf32, #tpu.memory_space<hbm>> -> memref<1x128x32xf32, #tpu.memory_space<hbm>>
      %dma_start3A_121 = tpu.memref_squeeze %dma_start3A_120 : memref<1x128x32xf32, #tpu.memory_space<hbm>> -> memref<128x32xf32, #tpu.memory_space<hbm>>
      tpu.enqueue_dma source(%dma_start3A_121 : memref<128x32xf32, #tpu.memory_space<hbm>>) target(%arg8 : memref<128x32xf32, #tpu.memory_space<vmem>>) target_semaphore(%run_scoped3A : memref<!tpu.dma_semaphore, #tpu.memory_space<semaphore_mem>>)
      %dma_wait3A_122 = arith.constant 0 : i32
      %dma_wait3A_123 = tpu.memref_slice %arg4[%arg0, %add3A_5, %dma_wait3A_122] : memref<2x10240x32xf32, #tpu.memory_space<hbm>> -> memref<1x128x32xf32, #tpu.memory_space<hbm>>
      %dma_wait3A_124 = tpu.memref_squeeze %dma_wait3A_123 : memref<1x128x32xf32, #tpu.memory_space<hbm>> -> memref<128x32xf32, #tpu.memory_space<hbm>>
      %dma_wait3A_125 = arith.constant 0 : i32
      %dma_wait3A_126 = tpu.memref_slice %arg4[%arg0, %add3A_5, %dma_wait3A_125] : memref<2x10240x32xf32, #tpu.memory_space<hbm>> -> memref<1x128x32xf32, #tpu.memory_space<hbm>>
      %dma_wait3A_127 = tpu.memref_squeeze %dma_wait3A_126 : memref<1x128x32xf32, #tpu.memory_space<hbm>> -> memref<128x32xf32, #tpu.memory_space<hbm>>
      tpu.wait_dma2 semaphore(%run_scoped3A : memref<!tpu.dma_semaphore, #tpu.memory_space<semaphore_mem>>) src(%dma_wait3A_127 : memref<128x32xf32, #tpu.memory_space<hbm>>) dst(%arg8 : memref<128x32xf32, #tpu.memory_space<vmem>>)
      tpu.yield
    }) : () -> ()
    "tpu.region"() ({
      %run_scoped3A = tpu.sem_alloc : memref<!tpu.dma_semaphore, #tpu.memory_space<semaphore_mem>>
      %dma_start3A_116 = arith.constant 0 : i32
      %dma_start3A_117 = tpu.memref_slice %arg13[%add3A_5, %dma_start3A_116] : memref<10240x32xf32, #tpu.memory_space<vmem_shared>> -> memref<128x32xf32, #tpu.memory_space<vmem_shared>>
      %dma_start3A_118 = arith.constant 0 : i32
      %dma_start3A_119 = tpu.memref_slice %arg13[%add3A_5, %dma_start3A_118] : memref<10240x32xf32, #tpu.memory_space<vmem_shared>> -> memref<128x32xf32, #tpu.memory_space<vmem_shared>>
      tpu.enqueue_dma source(%arg8 : memref<128x32xf32, #tpu.memory_space<vmem>>) target(%dma_start3A_119 : memref<128x32xf32, #tpu.memory_space<vmem_shared>>) target_semaphore(%run_scoped3A : memref<!tpu.dma_semaphore, #tpu.memory_space<semaphore_mem>>)
      %dma_wait3A_120 = arith.constant 0 : i32
      %dma_wait3A_121 = tpu.memref_slice %arg13[%add3A_5, %dma_wait3A_120] : memref<10240x32xf32, #tpu.memory_space<vmem_shared>> -> memref<128x32xf32, #tpu.memory_space<vmem_shared>>
      %dma_wait3A_122 = arith.constant 0 : i32
      %dma_wait3A_123 = tpu.memref_slice %arg13[%add3A_5, %dma_wait3A_122] : memref<10240x32xf32, #tpu.memory_space<vmem_shared>> -> memref<128x32xf32, #tpu.memory_space<vmem_shared>>
      tpu.wait_dma2 semaphore(%run_scoped3A : memref<!tpu.dma_semaphore, #tpu.memory_space<semaphore_mem>>) src(%arg8 : memref<128x32xf32, #tpu.memory_space<vmem>>) dst(%dma_wait3A_123 : memref<128x32xf32, #tpu.memory_space<vmem_shared>>)
      tpu.yield
    }) : () -> ()
    %mul3A_6 = arith.constant 640 : i32
    %mul3A_7 = arith.muli %arg1, %mul3A_6 : i32
    %add3A_8 = arith.constant 256 : i32
    %add3A_9 = arith.addi %mul3A_7, %add3A_8 : i32
    "tpu.region"() ({
      %run_scoped3A = tpu.sem_alloc : memref<!tpu.dma_semaphore, #tpu.memory_space<semaphore_mem>>
      %dma_start3A_116 = arith.constant 0 : i32
      %dma_start3A_117 = tpu.memref_slice %arg4[%arg0, %add3A_9, %dma_start3A_116] : memref<2x10240x32xf32, #tpu.memory_space<hbm>> -> memref<1x128x32xf32, #tpu.memory_space<hbm>>
      %dma_start3A_118 = tpu.memref_squeeze %dma_start3A_117 : memref<1x128x32xf32, #tpu.memory_space<hbm>> -> memref<128x32xf32, #tpu.memory_space<hbm>>
      %dma_start3A_119 = arith.constant 0 : i32
      %dma_start3A_120 = tpu.memref_slice %arg4[%arg0, %add3A_9, %dma_start3A_119] : memref<2x10240x32xf32, #tpu.memory_space<hbm>> -> memref<1x128x32xf32, #tpu.memory_space<hbm>>
      %dma_start3A_121 = tpu.memref_squeeze %dma_start3A_120 : memref<1x128x32xf32, #tpu.memory_space<hbm>> -> memref<128x32xf32, #tpu.memory_space<hbm>>
      tpu.enqueue_dma source(%dma_start3A_121 : memref<128x32xf32, #tpu.memory_space<hbm>>) target(%arg8 : memref<128x32xf32, #tpu.memory_space<vmem>>) target_semaphore(%run_scoped3A : memref<!tpu.dma_semaphore, #tpu.memory_space<semaphore_mem>>)
      %dma_wait3A_122 = arith.constant 0 : i32
      %dma_wait3A_123 = tpu.memref_slice %arg4[%arg0, %add3A_9, %dma_wait3A_122] : memref<2x10240x32xf32, #tpu.memory_space<hbm>> -> memref<1x128x32xf32, #tpu.memory_space<hbm>>
      %dma_wait3A_124 = tpu.memref_squeeze %dma_wait3A_123 : memref<1x128x32xf32, #tpu.memory_space<hbm>> -> memref<128x32xf32, #tpu.memory_space<hbm>>
      %dma_wait3A_125 = arith.constant 0 : i32
      %dma_wait3A_126 = tpu.memref_slice %arg4[%arg0, %add3A_9, %dma_wait3A_125] : memref<2x10240x32xf32, #tpu.memory_space<hbm>> -> memref<1x128x32xf32, #tpu.memory_space<hbm>>
      %dma_wait3A_127 = tpu.memref_squeeze %dma_wait3A_126 : memref<1x128x32xf32, #tpu.memory_space<hbm>> -> memref<128x32xf32, #tpu.memory_space<hbm>>
      tpu.wait_dma2 semaphore(%run_scoped3A : memref<!tpu.dma_semaphore, #tpu.memory_space<semaphore_mem>>) src(%dma_wait3A_127 : memref<128x32xf32, #tpu.memory_space<hbm>>) dst(%arg8 : memref<128x32xf32, #tpu.memory_space<vmem>>)
      tpu.yield
    }) : () -> ()
    "tpu.region"() ({
      %run_scoped3A = tpu.sem_alloc : memref<!tpu.dma_semaphore, #tpu.memory_space<semaphore_mem>>
      %dma_start3A_116 = arith.constant 0 : i32
      %dma_start3A_117 = tpu.memref_slice %arg13[%add3A_9, %dma_start3A_116] : memref<10240x32xf32, #tpu.memory_space<vmem_shared>> -> memref<128x32xf32, #tpu.memory_space<vmem_shared>>
      %dma_start3A_118 = arith.constant 0 : i32
      %dma_start3A_119 = tpu.memref_slice %arg13[%add3A_9, %dma_start3A_118] : memref<10240x32xf32, #tpu.memory_space<vmem_shared>> -> memref<128x32xf32, #tpu.memory_space<vmem_shared>>
      tpu.enqueue_dma source(%arg8 : memref<128x32xf32, #tpu.memory_space<vmem>>) target(%dma_start3A_119 : memref<128x32xf32, #tpu.memory_space<vmem_shared>>) target_semaphore(%run_scoped3A : memref<!tpu.dma_semaphore, #tpu.memory_space<semaphore_mem>>)
      %dma_wait3A_120 = arith.constant 0 : i32
      %dma_wait3A_121 = tpu.memref_slice %arg13[%add3A_9, %dma_wait3A_120] : memref<10240x32xf32, #tpu.memory_space<vmem_shared>> -> memref<128x32xf32, #tpu.memory_space<vmem_shared>>
      %dma_wait3A_122 = arith.constant 0 : i32
      %dma_wait3A_123 = tpu.memref_slice %arg13[%add3A_9, %dma_wait3A_122] : memref<10240x32xf32, #tpu.memory_space<vmem_shared>> -> memref<128x32xf32, #tpu.memory_space<vmem_shared>>
      tpu.wait_dma2 semaphore(%run_scoped3A : memref<!tpu.dma_semaphore, #tpu.memory_space<semaphore_mem>>) src(%arg8 : memref<128x32xf32, #tpu.memory_space<vmem>>) dst(%dma_wait3A_123 : memref<128x32xf32, #tpu.memory_space<vmem_shared>>)
      tpu.yield
    }) : () -> ()
    %mul3A_10 = arith.constant 640 : i32
    %mul3A_11 = arith.muli %arg1, %mul3A_10 : i32
    %add3A_12 = arith.constant 384 : i32
    %add3A_13 = arith.addi %mul3A_11, %add3A_12 : i32
    "tpu.region"() ({
      %run_scoped3A = tpu.sem_alloc : memref<!tpu.dma_semaphore, #tpu.memory_space<semaphore_mem>>
      %dma_start3A_116 = arith.constant 0 : i32
      %dma_start3A_117 = tpu.memref_slice %arg4[%arg0, %add3A_13, %dma_start3A_116] : memref<2x10240x32xf32, #tpu.memory_space<hbm>> -> memref<1x128x32xf32, #tpu.memory_space<hbm>>
      %dma_start3A_118 = tpu.memref_squeeze %dma_start3A_117 : memref<1x128x32xf32, #tpu.memory_space<hbm>> -> memref<128x32xf32, #tpu.memory_space<hbm>>
      %dma_start3A_119 = arith.constant 0 : i32
      %dma_start3A_120 = tpu.memref_slice %arg4[%arg0, %add3A_13, %dma_start3A_119] : memref<2x10240x32xf32, #tpu.memory_space<hbm>> -> memref<1x128x32xf32, #tpu.memory_space<hbm>>
      %dma_start3A_121 = tpu.memref_squeeze %dma_start3A_120 : memref<1x128x32xf32, #tpu.memory_space<hbm>> -> memref<128x32xf32, #tpu.memory_space<hbm>>
      tpu.enqueue_dma source(%dma_start3A_121 : memref<128x32xf32, #tpu.memory_space<hbm>>) target(%arg8 : memref<128x32xf32, #tpu.memory_space<vmem>>) target_semaphore(%run_scoped3A : memref<!tpu.dma_semaphore, #tpu.memory_space<semaphore_mem>>)
      %dma_wait3A_122 = arith.constant 0 : i32
      %dma_wait3A_123 = tpu.memref_slice %arg4[%arg0, %add3A_13, %dma_wait3A_122] : memref<2x10240x32xf32, #tpu.memory_space<hbm>> -> memref<1x128x32xf32, #tpu.memory_space<hbm>>
      %dma_wait3A_124 = tpu.memref_squeeze %dma_wait3A_123 : memref<1x128x32xf32, #tpu.memory_space<hbm>> -> memref<128x32xf32, #tpu.memory_space<hbm>>
      %dma_wait3A_125 = arith.constant 0 : i32
      %dma_wait3A_126 = tpu.memref_slice %arg4[%arg0, %add3A_13, %dma_wait3A_125] : memref<2x10240x32xf32, #tpu.memory_space<hbm>> -> memref<1x128x32xf32, #tpu.memory_space<hbm>>
      %dma_wait3A_127 = tpu.memref_squeeze %dma_wait3A_126 : memref<1x128x32xf32, #tpu.memory_space<hbm>> -> memref<128x32xf32, #tpu.memory_space<hbm>>
      tpu.wait_dma2 semaphore(%run_scoped3A : memref<!tpu.dma_semaphore, #tpu.memory_space<semaphore_mem>>) src(%dma_wait3A_127 : memref<128x32xf32, #tpu.memory_space<hbm>>) dst(%arg8 : memref<128x32xf32, #tpu.memory_space<vmem>>)
      tpu.yield
    }) : () -> ()
    "tpu.region"() ({
      %run_scoped3A = tpu.sem_alloc : memref<!tpu.dma_semaphore, #tpu.memory_space<semaphore_mem>>
      %dma_start3A_116 = arith.constant 0 : i32
      %dma_start3A_117 = tpu.memref_slice %arg13[%add3A_13, %dma_start3A_116] : memref<10240x32xf32, #tpu.memory_space<vmem_shared>> -> memref<128x32xf32, #tpu.memory_space<vmem_shared>>
      %dma_start3A_118 = arith.constant 0 : i32
      %dma_start3A_119 = tpu.memref_slice %arg13[%add3A_13, %dma_start3A_118] : memref<10240x32xf32, #tpu.memory_space<vmem_shared>> -> memref<128x32xf32, #tpu.memory_space<vmem_shared>>
      tpu.enqueue_dma source(%arg8 : memref<128x32xf32, #tpu.memory_space<vmem>>) target(%dma_start3A_119 : memref<128x32xf32, #tpu.memory_space<vmem_shared>>) target_semaphore(%run_scoped3A : memref<!tpu.dma_semaphore, #tpu.memory_space<semaphore_mem>>)
      %dma_wait3A_120 = arith.constant 0 : i32
      %dma_wait3A_121 = tpu.memref_slice %arg13[%add3A_13, %dma_wait3A_120] : memref<10240x32xf32, #tpu.memory_space<vmem_shared>> -> memref<128x32xf32, #tpu.memory_space<vmem_shared>>
      %dma_wait3A_122 = arith.constant 0 : i32
      %dma_wait3A_123 = tpu.memref_slice %arg13[%add3A_13, %dma_wait3A_122] : memref<10240x32xf32, #tpu.memory_space<vmem_shared>> -> memref<128x32xf32, #tpu.memory_space<vmem_shared>>
      tpu.wait_dma2 semaphore(%run_scoped3A : memref<!tpu.dma_semaphore, #tpu.memory_space<semaphore_mem>>) src(%arg8 : memref<128x32xf32, #tpu.memory_space<vmem>>) dst(%dma_wait3A_123 : memref<128x32xf32, #tpu.memory_space<vmem_shared>>)
      tpu.yield
    }) : () -> ()
    %mul3A_14 = arith.constant 640 : i32
    %mul3A_15 = arith.muli %arg1, %mul3A_14 : i32
    %add3A_16 = arith.constant 512 : i32
    %add3A_17 = arith.addi %mul3A_15, %add3A_16 : i32
    "tpu.region"() ({
      %run_scoped3A = tpu.sem_alloc : memref<!tpu.dma_semaphore, #tpu.memory_space<semaphore_mem>>
      %dma_start3A_116 = arith.constant 0 : i32
      %dma_start3A_117 = tpu.memref_slice %arg4[%arg0, %add3A_17, %dma_start3A_116] : memref<2x10240x32xf32, #tpu.memory_space<hbm>> -> memref<1x128x32xf32, #tpu.memory_space<hbm>>
      %dma_start3A_118 = tpu.memref_squeeze %dma_start3A_117 : memref<1x128x32xf32, #tpu.memory_space<hbm>> -> memref<128x32xf32, #tpu.memory_space<hbm>>
      %dma_start3A_119 = arith.constant 0 : i32
      %dma_start3A_120 = tpu.memref_slice %arg4[%arg0, %add3A_17, %dma_start3A_119] : memref<2x10240x32xf32, #tpu.memory_space<hbm>> -> memref<1x128x32xf32, #tpu.memory_space<hbm>>
      %dma_start3A_121 = tpu.memref_squeeze %dma_start3A_120 : memref<1x128x32xf32, #tpu.memory_space<hbm>> -> memref<128x32xf32, #tpu.memory_space<hbm>>
      tpu.enqueue_dma source(%dma_start3A_121 : memref<128x32xf32, #tpu.memory_space<hbm>>) target(%arg8 : memref<128x32xf32, #tpu.memory_space<vmem>>) target_semaphore(%run_scoped3A : memref<!tpu.dma_semaphore, #tpu.memory_space<semaphore_mem>>)
      %dma_wait3A_122 = arith.constant 0 : i32
      %dma_wait3A_123 = tpu.memref_slice %arg4[%arg0, %add3A_17, %dma_wait3A_122] : memref<2x10240x32xf32, #tpu.memory_space<hbm>> -> memref<1x128x32xf32, #tpu.memory_space<hbm>>
      %dma_wait3A_124 = tpu.memref_squeeze %dma_wait3A_123 : memref<1x128x32xf32, #tpu.memory_space<hbm>> -> memref<128x32xf32, #tpu.memory_space<hbm>>
      %dma_wait3A_125 = arith.constant 0 : i32
      %dma_wait3A_126 = tpu.memref_slice %arg4[%arg0, %add3A_17, %dma_wait3A_125] : memref<2x10240x32xf32, #tpu.memory_space<hbm>> -> memref<1x128x32xf32, #tpu.memory_space<hbm>>
      %dma_wait3A_127 = tpu.memref_squeeze %dma_wait3A_126 : memref<1x128x32xf32, #tpu.memory_space<hbm>> -> memref<128x32xf32, #tpu.memory_space<hbm>>
      tpu.wait_dma2 semaphore(%run_scoped3A : memref<!tpu.dma_semaphore, #tpu.memory_space<semaphore_mem>>) src(%dma_wait3A_127 : memref<128x32xf32, #tpu.memory_space<hbm>>) dst(%arg8 : memref<128x32xf32, #tpu.memory_space<vmem>>)
      tpu.yield
    }) : () -> ()
    "tpu.region"() ({
      %run_scoped3A = tpu.sem_alloc : memref<!tpu.dma_semaphore, #tpu.memory_space<semaphore_mem>>
      %dma_start3A_116 = arith.constant 0 : i32
      %dma_start3A_117 = tpu.memref_slice %arg13[%add3A_17, %dma_start3A_116] : memref<10240x32xf32, #tpu.memory_space<vmem_shared>> -> memref<128x32xf32, #tpu.memory_space<vmem_shared>>
      %dma_start3A_118 = arith.constant 0 : i32
      %dma_start3A_119 = tpu.memref_slice %arg13[%add3A_17, %dma_start3A_118] : memref<10240x32xf32, #tpu.memory_space<vmem_shared>> -> memref<128x32xf32, #tpu.memory_space<vmem_shared>>
      tpu.enqueue_dma source(%arg8 : memref<128x32xf32, #tpu.memory_space<vmem>>) target(%dma_start3A_119 : memref<128x32xf32, #tpu.memory_space<vmem_shared>>) target_semaphore(%run_scoped3A : memref<!tpu.dma_semaphore, #tpu.memory_space<semaphore_mem>>)
      %dma_wait3A_120 = arith.constant 0 : i32
      %dma_wait3A_121 = tpu.memref_slice %arg13[%add3A_17, %dma_wait3A_120] : memref<10240x32xf32, #tpu.memory_space<vmem_shared>> -> memref<128x32xf32, #tpu.memory_space<vmem_shared>>
      %dma_wait3A_122 = arith.constant 0 : i32
      %dma_wait3A_123 = tpu.memref_slice %arg13[%add3A_17, %dma_wait3A_122] : memref<10240x32xf32, #tpu.memory_space<vmem_shared>> -> memref<128x32xf32, #tpu.memory_space<vmem_shared>>
      tpu.wait_dma2 semaphore(%run_scoped3A : memref<!tpu.dma_semaphore, #tpu.memory_space<semaphore_mem>>) src(%arg8 : memref<128x32xf32, #tpu.memory_space<vmem>>) dst(%dma_wait3A_123 : memref<128x32xf32, #tpu.memory_space<vmem_shared>>)
      tpu.yield
    }) : () -> ()
    %scan3A = arith.constant 0 : i32
    %scan3A_18 = arith.constant 0 : i32
    %scan3A_19 = arith.constant 128 : i32
    %scan3A_20 = arith.addi %scan3A_18, %scan3A_19 : i32
    %scan3A_21 = arith.constant 1 : i32
    %scan3A_22 = scf.for %scan3A_116 = %scan3A_18 to %scan3A_20 step %scan3A_21 iter_args(%scan3A_117 = %scan3A) -> (i32)  : i32 {
      %broadcast_in_dim3A = arith.constant 0.000000e+00 : f32
      %broadcast_in_dim3A_118 = vector.broadcast %broadcast_in_dim3A : f32 to vector<16xf32>
      %swap3A = arith.index_cast %scan3A_116 : i32 to index
      %swap3A_119 = arith.constant 0 : index
      %swap3A_120 = tpu.vector_load %arg8[%swap3A, %swap3A_119] {strides = array<i32>} : memref<128x32xf32, #tpu.memory_space<vmem>>, vector<1x16xf32>,
      %swap3A_121 = vector.shape_cast %swap3A_120 : vector<1x16xf32> to vector<16xf32>
      %swap3A_122 = vector.shape_cast %broadcast_in_dim3A_118 : vector<16xf32> to vector<1x16xf32>
      tpu.vector_store %arg8[%swap3A, %swap3A_119], %swap3A_122 {strides = array<i32>} : memref<128x32xf32, #tpu.memory_space<vmem>>, vector<1x16xf32>,
      %broadcast_in_dim3A_123 = arith.constant 0.000000e+00 : f32
      %broadcast_in_dim3A_124 = vector.broadcast %broadcast_in_dim3A_123 : f32 to vector<16xf32>
      %swap3A_125 = arith.index_cast %scan3A_116 : i32 to index
      %swap3A_126 = arith.constant 16 : index
      %swap3A_127 = tpu.vector_load %arg8[%swap3A_125, %swap3A_126] {strides = array<i32>} : memref<128x32xf32, #tpu.memory_space<vmem>>, vector<1x16xf32>,
      %swap3A_128 = vector.shape_cast %swap3A_127 : vector<1x16xf32> to vector<16xf32>
      %swap3A_129 = vector.shape_cast %broadcast_in_dim3A_124 : vector<16xf32> to vector<1x16xf32>
      tpu.vector_store %arg8[%swap3A_125, %swap3A_126], %swap3A_129 {strides = array<i32>} : memref<128x32xf32, #tpu.memory_space<vmem>>, vector<1x16xf32>,
      %scan3A_130 = arith.constant 0 : i32
      scf.yield %scan3A_130 : i32
    }
    %scan3A_23 = arith.constant 128 : i32
    %mul3A_24 = arith.constant 640 : i32
    %mul3A_25 = arith.muli %arg1, %mul3A_24 : i32
    %add3A_26 = arith.constant 0 : i32
    %add3A_27 = arith.addi %mul3A_25, %add3A_26 : i32
    "tpu.region"() ({
      %run_scoped3A = tpu.sem_alloc : memref<!tpu.dma_semaphore, #tpu.memory_space<semaphore_mem>>
      %dma_start3A_116 = arith.constant 0 : i32
      %dma_start3A_117 = tpu.memref_slice %arg12[%add3A_27, %dma_start3A_116] : memref<10240x32xf32, #tpu.memory_space<vmem_shared>> -> memref<128x32xf32, #tpu.memory_space<vmem_shared>>
      %dma_start3A_118 = arith.constant 0 : i32
      %dma_start3A_119 = tpu.memref_slice %arg12[%add3A_27, %dma_start3A_118] : memref<10240x32xf32, #tpu.memory_space<vmem_shared>> -> memref<128x32xf32, #tpu.memory_space<vmem_shared>>
      tpu.enqueue_dma source(%arg8 : memref<128x32xf32, #tpu.memory_space<vmem>>) target(%dma_start3A_119 : memref<128x32xf32, #tpu.memory_space<vmem_shared>>) target_semaphore(%run_scoped3A : memref<!tpu.dma_semaphore, #tpu.memory_space<semaphore_mem>>)
      %dma_wait3A_120 = arith.constant 0 : i32
      %dma_wait3A_121 = tpu.memref_slice %arg12[%add3A_27, %dma_wait3A_120] : memref<10240x32xf32, #tpu.memory_space<vmem_shared>> -> memref<128x32xf32, #tpu.memory_space<vmem_shared>>
      %dma_wait3A_122 = arith.constant 0 : i32
      %dma_wait3A_123 = tpu.memref_slice %arg12[%add3A_27, %dma_wait3A_122] : memref<10240x32xf32, #tpu.memory_space<vmem_shared>> -> memref<128x32xf32, #tpu.memory_space<vmem_shared>>
      tpu.wait_dma2 semaphore(%run_scoped3A : memref<!tpu.dma_semaphore, #tpu.memory_space<semaphore_mem>>) src(%arg8 : memref<128x32xf32, #tpu.memory_space<vmem>>) dst(%dma_wait3A_123 : memref<128x32xf32, #tpu.memory_space<vmem_shared>>)
      tpu.yield
    }) : () -> ()
    %mul3A_28 = arith.constant 640 : i32
    %mul3A_29 = arith.muli %arg1, %mul3A_28 : i32
    %add3A_30 = arith.constant 128 : i32
    %add3A_31 = arith.addi %mul3A_29, %add3A_30 : i32
    "tpu.region"() ({
      %run_scoped3A = tpu.sem_alloc : memref<!tpu.dma_semaphore, #tpu.memory_space<semaphore_mem>>
      %dma_start3A_116 = arith.constant 0 : i32
      %dma_start3A_117 = tpu.memref_slice %arg12[%add3A_31, %dma_start3A_116] : memref<10240x32xf32, #tpu.memory_space<vmem_shared>> -> memref<128x32xf32, #tpu.memory_space<vmem_shared>>
      %dma_start3A_118 = arith.constant 0 : i32
      %dma_start3A_119 = tpu.memref_slice %arg12[%add3A_31, %dma_start3A_118] : memref<10240x32xf32, #tpu.memory_space<vmem_shared>> -> memref<128x32xf32, #tpu.memory_space<vmem_shared>>
      tpu.enqueue_dma source(%arg8 : memref<128x32xf32, #tpu.memory_space<vmem>>) target(%dma_start3A_119 : memref<128x32xf32, #tpu.memory_space<vmem_shared>>) target_semaphore(%run_scoped3A : memref<!tpu.dma_semaphore, #tpu.memory_space<semaphore_mem>>)
      %dma_wait3A_120 = arith.constant 0 : i32
      %dma_wait3A_121 = tpu.memref_slice %arg12[%add3A_31, %dma_wait3A_120] : memref<10240x32xf32, #tpu.memory_space<vmem_shared>> -> memref<128x32xf32, #tpu.memory_space<vmem_shared>>
      %dma_wait3A_122 = arith.constant 0 : i32
      %dma_wait3A_123 = tpu.memref_slice %arg12[%add3A_31, %dma_wait3A_122] : memref<10240x32xf32, #tpu.memory_space<vmem_shared>> -> memref<128x32xf32, #tpu.memory_space<vmem_shared>>
      tpu.wait_dma2 semaphore(%run_scoped3A : memref<!tpu.dma_semaphore, #tpu.memory_space<semaphore_mem>>) src(%arg8 : memref<128x32xf32, #tpu.memory_space<vmem>>) dst(%dma_wait3A_123 : memref<128x32xf32, #tpu.memory_space<vmem_shared>>)
      tpu.yield
    }) : () -> ()
    %mul3A_32 = arith.constant 640 : i32
    %mul3A_33 = arith.muli %arg1, %mul3A_32 : i32
    %add3A_34 = arith.constant 256 : i32
    %add3A_35 = arith.addi %mul3A_33, %add3A_34 : i32
    "tpu.region"() ({
      %run_scoped3A = tpu.sem_alloc : memref<!tpu.dma_semaphore, #tpu.memory_space<semaphore_mem>>
      %dma_start3A_116 = arith.constant 0 : i32
      %dma_start3A_117 = tpu.memref_slice %arg12[%add3A_35, %dma_start3A_116] : memref<10240x32xf32, #tpu.memory_space<vmem_shared>> -> memref<128x32xf32, #tpu.memory_space<vmem_shared>>
      %dma_start3A_118 = arith.constant 0 : i32
      %dma_start3A_119 = tpu.memref_slice %arg12[%add3A_35, %dma_start3A_118] : memref<10240x32xf32, #tpu.memory_space<vmem_shared>> -> memref<128x32xf32, #tpu.memory_space<vmem_shared>>
      tpu.enqueue_dma source(%arg8 : memref<128x32xf32, #tpu.memory_space<vmem>>) target(%dma_start3A_119 : memref<128x32xf32, #tpu.memory_space<vmem_shared>>) target_semaphore(%run_scoped3A : memref<!tpu.dma_semaphore, #tpu.memory_space<semaphore_mem>>)
      %dma_wait3A_120 = arith.constant 0 : i32
      %dma_wait3A_121 = tpu.memref_slice %arg12[%add3A_35, %dma_wait3A_120] : memref<10240x32xf32, #tpu.memory_space<vmem_shared>> -> memref<128x32xf32, #tpu.memory_space<vmem_shared>>
      %dma_wait3A_122 = arith.constant 0 : i32
      %dma_wait3A_123 = tpu.memref_slice %arg12[%add3A_35, %dma_wait3A_122] : memref<10240x32xf32, #tpu.memory_space<vmem_shared>> -> memref<128x32xf32, #tpu.memory_space<vmem_shared>>
      tpu.wait_dma2 semaphore(%run_scoped3A : memref<!tpu.dma_semaphore, #tpu.memory_space<semaphore_mem>>) src(%arg8 : memref<128x32xf32, #tpu.memory_space<vmem>>) dst(%dma_wait3A_123 : memref<128x32xf32, #tpu.memory_space<vmem_shared>>)
      tpu.yield
    }) : () -> ()
    %mul3A_36 = arith.constant 640 : i32
    %mul3A_37 = arith.muli %arg1, %mul3A_36 : i32
    %add3A_38 = arith.constant 384 : i32
    %add3A_39 = arith.addi %mul3A_37, %add3A_38 : i32
    "tpu.region"() ({
      %run_scoped3A = tpu.sem_alloc : memref<!tpu.dma_semaphore, #tpu.memory_space<semaphore_mem>>
      %dma_start3A_116 = arith.constant 0 : i32
      %dma_start3A_117 = tpu.memref_slice %arg12[%add3A_39, %dma_start3A_116] : memref<10240x32xf32, #tpu.memory_space<vmem_shared>> -> memref<128x32xf32, #tpu.memory_space<vmem_shared>>
      %dma_start3A_118 = arith.constant 0 : i32
      %dma_start3A_119 = tpu.memref_slice %arg12[%add3A_39, %dma_start3A_118] : memref<10240x32xf32, #tpu.memory_space<vmem_shared>> -> memref<128x32xf32, #tpu.memory_space<vmem_shared>>
      tpu.enqueue_dma source(%arg8 : memref<128x32xf32, #tpu.memory_space<vmem>>) target(%dma_start3A_119 : memref<128x32xf32, #tpu.memory_space<vmem_shared>>) target_semaphore(%run_scoped3A : memref<!tpu.dma_semaphore, #tpu.memory_space<semaphore_mem>>)
      %dma_wait3A_120 = arith.constant 0 : i32
      %dma_wait3A_121 = tpu.memref_slice %arg12[%add3A_39, %dma_wait3A_120] : memref<10240x32xf32, #tpu.memory_space<vmem_shared>> -> memref<128x32xf32, #tpu.memory_space<vmem_shared>>
      %dma_wait3A_122 = arith.constant 0 : i32
      %dma_wait3A_123 = tpu.memref_slice %arg12[%add3A_39, %dma_wait3A_122] : memref<10240x32xf32, #tpu.memory_space<vmem_shared>> -> memref<128x32xf32, #tpu.memory_space<vmem_shared>>
      tpu.wait_dma2 semaphore(%run_scoped3A : memref<!tpu.dma_semaphore, #tpu.memory_space<semaphore_mem>>) src(%arg8 : memref<128x32xf32, #tpu.memory_space<vmem>>) dst(%dma_wait3A_123 : memref<128x32xf32, #tpu.memory_space<vmem_shared>>)
      tpu.yield
    }) : () -> ()
    %mul3A_40 = arith.constant 640 : i32
    %mul3A_41 = arith.muli %arg1, %mul3A_40 : i32
    %add3A_42 = arith.constant 512 : i32
    %add3A_43 = arith.addi %mul3A_41, %add3A_42 : i32
    "tpu.region"() ({
      %run_scoped3A = tpu.sem_alloc : memref<!tpu.dma_semaphore, #tpu.memory_space<semaphore_mem>>
      %dma_start3A_116 = arith.constant 0 : i32
      %dma_start3A_117 = tpu.memref_slice %arg12[%add3A_43, %dma_start3A_116] : memref<10240x32xf32, #tpu.memory_space<vmem_shared>> -> memref<128x32xf32, #tpu.memory_space<vmem_shared>>
      %dma_start3A_118 = arith.constant 0 : i32
      %dma_start3A_119 = tpu.memref_slice %arg12[%add3A_43, %dma_start3A_118] : memref<10240x32xf32, #tpu.memory_space<vmem_shared>> -> memref<128x32xf32, #tpu.memory_space<vmem_shared>>
      tpu.enqueue_dma source(%arg8 : memref<128x32xf32, #tpu.memory_space<vmem>>) target(%dma_start3A_119 : memref<128x32xf32, #tpu.memory_space<vmem_shared>>) target_semaphore(%run_scoped3A : memref<!tpu.dma_semaphore, #tpu.memory_space<semaphore_mem>>)
      %dma_wait3A_120 = arith.constant 0 : i32
      %dma_wait3A_121 = tpu.memref_slice %arg12[%add3A_43, %dma_wait3A_120] : memref<10240x32xf32, #tpu.memory_space<vmem_shared>> -> memref<128x32xf32, #tpu.memory_space<vmem_shared>>
      %dma_wait3A_122 = arith.constant 0 : i32
      %dma_wait3A_123 = tpu.memref_slice %arg12[%add3A_43, %dma_wait3A_122] : memref<10240x32xf32, #tpu.memory_space<vmem_shared>> -> memref<128x32xf32, #tpu.memory_space<vmem_shared>>
      tpu.wait_dma2 semaphore(%run_scoped3A : memref<!tpu.dma_semaphore, #tpu.memory_space<semaphore_mem>>) src(%arg8 : memref<128x32xf32, #tpu.memory_space<vmem>>) dst(%dma_wait3A_123 : memref<128x32xf32, #tpu.memory_space<vmem_shared>>)
      tpu.yield
    }) : () -> ()
    %mul3A_44 = arith.constant 160 : i32
    %mul3A_45 = arith.muli %arg1, %mul3A_44 : i32
    "tpu.region"() ({
      %run_scoped3A = tpu.sem_alloc : memref<!tpu.dma_semaphore, #tpu.memory_space<semaphore_mem>>
      %dma_start3A_116 = arith.constant 0 : i32
      %dma_start3A_117 = tpu.memref_slice %arg2[%mul3A_45, %dma_start3A_116] : memref<2560x128xi32, #tpu.memory_space<hbm>> -> memref<160x128xi32, #tpu.memory_space<hbm>>
      %dma_start3A_118 = arith.constant 0 : i32
      %dma_start3A_119 = tpu.memref_slice %arg2[%mul3A_45, %dma_start3A_118] : memref<2560x128xi32, #tpu.memory_space<hbm>> -> memref<160x128xi32, #tpu.memory_space<hbm>>
      tpu.enqueue_dma source(%dma_start3A_119 : memref<160x128xi32, #tpu.memory_space<hbm>>) target(%arg6 : memref<160x128xi32, #tpu.memory_space<vmem>>) target_semaphore(%run_scoped3A : memref<!tpu.dma_semaphore, #tpu.memory_space<semaphore_mem>>)
      %dma_wait3A_120 = arith.constant 0 : i32
      %dma_wait3A_121 = tpu.memref_slice %arg2[%mul3A_45, %dma_wait3A_120] : memref<2560x128xi32, #tpu.memory_space<hbm>> -> memref<160x128xi32, #tpu.memory_space<hbm>>
      %dma_wait3A_122 = arith.constant 0 : i32
      %dma_wait3A_123 = tpu.memref_slice %arg2[%mul3A_45, %dma_wait3A_122] : memref<2560x128xi32, #tpu.memory_space<hbm>> -> memref<160x128xi32, #tpu.memory_space<hbm>>
      tpu.wait_dma2 semaphore(%run_scoped3A : memref<!tpu.dma_semaphore, #tpu.memory_space<semaphore_mem>>) src(%dma_wait3A_123 : memref<160x128xi32, #tpu.memory_space<hbm>>) dst(%arg6 : memref<160x128xi32, #tpu.memory_space<vmem>>)
      tpu.yield
    }) : () -> ()
    %mul3A_46 = arith.constant 160 : i32
    %mul3A_47 = arith.muli %arg1, %mul3A_46 : i32
    "tpu.region"() ({
      %run_scoped3A = tpu.sem_alloc : memref<!tpu.dma_semaphore, #tpu.memory_space<semaphore_mem>>
      %dma_start3A_116 = arith.constant 0 : i32
      %dma_start3A_117 = tpu.memref_slice %arg3[%mul3A_47, %dma_start3A_116] : memref<2560x128xi32, #tpu.memory_space<hbm>> -> memref<160x128xi32, #tpu.memory_space<hbm>>
      %dma_start3A_118 = arith.constant 0 : i32
      %dma_start3A_119 = tpu.memref_slice %arg3[%mul3A_47, %dma_start3A_118] : memref<2560x128xi32, #tpu.memory_space<hbm>> -> memref<160x128xi32, #tpu.memory_space<hbm>>
      tpu.enqueue_dma source(%dma_start3A_119 : memref<160x128xi32, #tpu.memory_space<hbm>>) target(%arg7 : memref<160x128xi32, #tpu.memory_space<vmem>>) target_semaphore(%run_scoped3A : memref<!tpu.dma_semaphore, #tpu.memory_space<semaphore_mem>>)
      %dma_wait3A_120 = arith.constant 0 : i32
      %dma_wait3A_121 = tpu.memref_slice %arg3[%mul3A_47, %dma_wait3A_120] : memref<2560x128xi32, #tpu.memory_space<hbm>> -> memref<160x128xi32, #tpu.memory_space<hbm>>
      %dma_wait3A_122 = arith.constant 0 : i32
      %dma_wait3A_123 = tpu.memref_slice %arg3[%mul3A_47, %dma_wait3A_122] : memref<2560x128xi32, #tpu.memory_space<hbm>> -> memref<160x128xi32, #tpu.memory_space<hbm>>
      tpu.wait_dma2 semaphore(%run_scoped3A : memref<!tpu.dma_semaphore, #tpu.memory_space<semaphore_mem>>) src(%dma_wait3A_123 : memref<160x128xi32, #tpu.memory_space<hbm>>) dst(%arg7 : memref<160x128xi32, #tpu.memory_space<vmem>>)
      tpu.yield
    }) : () -> ()
    %barrier3A = arith.constant 0 : index
    tpu.barrier barrier_id(%barrier3A)
    %dma_start3A = arith.constant 0 : i32
    %dma_start3A_48 = arith.constant 0 : i32
    %dma_start3A_49 = tpu.memref_slice %arg6[%dma_start3A, %dma_start3A_48] : memref<160x128xi32, #tpu.memory_space<vmem>> -> memref<1x128xi32, #tpu.memory_space<vmem>>
    %dma_start3A_50 = tpu.memref_squeeze %dma_start3A_49 : memref<1x128xi32, #tpu.memory_space<vmem>> -> memref<128xi32, #tpu.memory_space<vmem>>
    %dma_start3A_51 = arith.constant 0 : i32
    %dma_start3A_52 = arith.constant 0 : i32
    %dma_start3A_53 = tpu.memref_slice %arg13[%dma_start3A_51, %dma_start3A_52] : memref<10240x32xf32, #tpu.memory_space<vmem_shared>> -> memref<10240x32xf32, #tpu.memory_space<vmem_shared>>
    tpu.enqueue_indirect_dma source(%dma_start3A_53 : memref<10240x32xf32, #tpu.memory_space<vmem_shared>>) target(%arg8 : memref<128x32xf32, #tpu.memory_space<vmem>>) offsets(%dma_start3A_50 : memref<128xi32, #tpu.memory_space<vmem>>) semaphore(%arg14 : memref<!tpu.dma_semaphore, #tpu.memory_space<semaphore_mem>>)
    %dma_start3A_54 = arith.constant 1 : i32
    %dma_start3A_55 = arith.constant 0 : i32
    %dma_start3A_56 = tpu.memref_slice %arg6[%dma_start3A_54, %dma_start3A_55] : memref<160x128xi32, #tpu.memory_space<vmem>> -> memref<1x128xi32, #tpu.memory_space<vmem>>
    %dma_start3A_57 = tpu.memref_squeeze %dma_start3A_56 : memref<1x128xi32, #tpu.memory_space<vmem>> -> memref<128xi32, #tpu.memory_space<vmem>>
    %dma_start3A_58 = arith.constant 0 : i32
    %dma_start3A_59 = arith.constant 0 : i32
    %dma_start3A_60 = tpu.memref_slice %arg13[%dma_start3A_58, %dma_start3A_59] : memref<10240x32xf32, #tpu.memory_space<vmem_shared>> -> memref<10240x32xf32, #tpu.memory_space<vmem_shared>>
    tpu.enqueue_indirect_dma source(%dma_start3A_60 : memref<10240x32xf32, #tpu.memory_space<vmem_shared>>) target(%arg9 : memref<128x32xf32, #tpu.memory_space<vmem>>) offsets(%dma_start3A_57 : memref<128xi32, #tpu.memory_space<vmem>>) semaphore(%arg15 : memref<!tpu.dma_semaphore, #tpu.memory_space<semaphore_mem>>)
    %scan3A_61 = arith.constant 0 : i32
    %scan3A_62 = arith.constant 0 : i32
    %scan3A_63 = arith.constant 40 : i32
    %scan3A_64 = arith.addi %scan3A_62, %scan3A_63 : i32
    %scan3A_65 = arith.constant 1 : i32
    %scan3A_66 = scf.for %scan3A_116 = %scan3A_62 to %scan3A_64 step %scan3A_65 iter_args(%scan3A_117 = %scan3A_61) -> (i32)  : i32 {
      %mul3A_118 = arith.constant 4 : i32
      %mul3A_119 = arith.muli %mul3A_118, %scan3A_116 : i32
      %add3A_120 = arith.constant 0 : i32
      %add3A_121 = arith.addi %mul3A_119, %add3A_120 : i32
      %add3A_122 = arith.constant 2 : i32
      %add3A_123 = arith.addi %add3A_121, %add3A_122 : i32
      %ge3A = arith.constant 4 : i32
      %ge3A_124 = arith.cmpi sge, %add3A_123, %ge3A : i32
      %lt3A = arith.constant 160 : i32
      %lt3A_125 = arith.cmpi slt, %add3A_123, %lt3A : i32
      %and3A = arith.andi %ge3A_124, %lt3A_125 : i1
      %convert_element_type3A = arith.extui %and3A : i1 to i32
      %cond3A = arith.constant 0 : i32
      %cond3A_126 = arith.cmpi ne, %convert_element_type3A, %cond3A : i32
      scf.if %cond3A_126 {
        %sub3A = arith.constant 4 : i32
        %sub3A_238 = arith.subi %add3A_123, %sub3A : i32
        %dma_wait3A_239 = arith.constant 0 : i32
        %dma_wait3A_240 = tpu.memref_slice %arg7[%sub3A_238, %dma_wait3A_239] : memref<160x128xi32, #tpu.memory_space<vmem>> -> memref<1x128xi32, #tpu.memory_space<vmem>>
        %dma_wait3A_241 = tpu.memref_squeeze %dma_wait3A_240 : memref<1x128xi32, #tpu.memory_space<vmem>> -> memref<128xi32, #tpu.memory_space<vmem>>
        %dma_wait3A_242 = arith.constant 0 : i32
        %dma_wait3A_243 = arith.constant 0 : i32
        %dma_wait3A_244 = tpu.memref_slice %arg12[%dma_wait3A_242, %dma_wait3A_243] : memref<10240x32xf32, #tpu.memory_space<vmem_shared>> -> memref<10240x32xf32, #tpu.memory_space<vmem_shared>>
        tpu.wait_indirect_dma semaphore(%arg20 : memref<!tpu.dma_semaphore, #tpu.memory_space<semaphore_mem>>) src(%arg10 : memref<128x32xf32, #tpu.memory_space<vmem>>) dst(%dma_wait3A_244 : memref<10240x32xf32, #tpu.memory_space<vmem_shared>>)
      } else {
      }
      %lt3A_127 = arith.constant 160 : i32
      %lt3A_128 = arith.cmpi slt, %add3A_123, %lt3A_127 : i32
      %convert_element_type3A_129 = arith.extui %lt3A_128 : i1 to i32
      %cond3A_130 = arith.constant 0 : i32
      %cond3A_131 = arith.cmpi ne, %convert_element_type3A_129, %cond3A_130 : i32
      scf.if %cond3A_131 {
        %dma_start3A_238 = arith.constant 0 : i32
        %dma_start3A_239 = tpu.memref_slice %arg6[%add3A_123, %dma_start3A_238] : memref<160x128xi32, #tpu.memory_space<vmem>> -> memref<1x128xi32, #tpu.memory_space<vmem>>
        %dma_start3A_240 = tpu.memref_squeeze %dma_start3A_239 : memref<1x128xi32, #tpu.memory_space<vmem>> -> memref<128xi32, #tpu.memory_space<vmem>>
        %dma_start3A_241 = arith.constant 0 : i32
        %dma_start3A_242 = arith.constant 0 : i32
        %dma_start3A_243 = tpu.memref_slice %arg13[%dma_start3A_241, %dma_start3A_242] : memref<10240x32xf32, #tpu.memory_space<vmem_shared>> -> memref<10240x32xf32, #tpu.memory_space<vmem_shared>>
        tpu.enqueue_indirect_dma source(%dma_start3A_243 : memref<10240x32xf32, #tpu.memory_space<vmem_shared>>) target(%arg10 : memref<128x32xf32, #tpu.memory_space<vmem>>) offsets(%dma_start3A_240 : memref<128xi32, #tpu.memory_space<vmem>>) semaphore(%arg16 : memref<!tpu.dma_semaphore, #tpu.memory_space<semaphore_mem>>)
      } else {
      }
      %dma_wait3A_132 = arith.constant 0 : i32
      %dma_wait3A_133 = tpu.memref_slice %arg6[%add3A_121, %dma_wait3A_132] : memref<160x128xi32, #tpu.memory_space<vmem>> -> memref<1x128xi32, #tpu.memory_space<vmem>>
      %dma_wait3A_134 = tpu.memref_squeeze %dma_wait3A_133 : memref<1x128xi32, #tpu.memory_space<vmem>> -> memref<128xi32, #tpu.memory_space<vmem>>
      %dma_wait3A_135 = arith.constant 0 : i32
      %dma_wait3A_136 = arith.constant 0 : i32
      %dma_wait3A_137 = tpu.memref_slice %arg13[%dma_wait3A_135, %dma_wait3A_136] : memref<10240x32xf32, #tpu.memory_space<vmem_shared>> -> memref<10240x32xf32, #tpu.memory_space<vmem_shared>>
      tpu.wait_indirect_dma semaphore(%arg14 : memref<!tpu.dma_semaphore, #tpu.memory_space<semaphore_mem>>) src(%dma_wait3A_137 : memref<10240x32xf32, #tpu.memory_space<vmem_shared>>) dst(%arg8 : memref<128x32xf32, #tpu.memory_space<vmem>>)
      %dma_start3A_138 = arith.constant 0 : i32
      %dma_start3A_139 = tpu.memref_slice %arg7[%add3A_121, %dma_start3A_138] : memref<160x128xi32, #tpu.memory_space<vmem>> -> memref<1x128xi32, #tpu.memory_space<vmem>>
      %dma_start3A_140 = tpu.memref_squeeze %dma_start3A_139 : memref<1x128xi32, #tpu.memory_space<vmem>> -> memref<128xi32, #tpu.memory_space<vmem>>
      %dma_start3A_141 = arith.constant 0 : i32
      %dma_start3A_142 = arith.constant 0 : i32
      %dma_start3A_143 = tpu.memref_slice %arg12[%dma_start3A_141, %dma_start3A_142] : memref<10240x32xf32, #tpu.memory_space<vmem_shared>> -> memref<10240x32xf32, #tpu.memory_space<vmem_shared>>
      tpu.enqueue_indirect_dma source(%arg8 : memref<128x32xf32, #tpu.memory_space<vmem>>) target(%dma_start3A_143 : memref<10240x32xf32, #tpu.memory_space<vmem_shared>>) offsets(%dma_start3A_140 : memref<128xi32, #tpu.memory_space<vmem>>) semaphore(%arg18 : memref<!tpu.dma_semaphore, #tpu.memory_space<semaphore_mem>>) {add = true}
      %mul3A_144 = arith.constant 4 : i32
      %mul3A_145 = arith.muli %mul3A_144, %scan3A_116 : i32
      %add3A_146 = arith.constant 1 : i32
      %add3A_147 = arith.addi %mul3A_145, %add3A_146 : i32
      %add3A_148 = arith.constant 2 : i32
      %add3A_149 = arith.addi %add3A_147, %add3A_148 : i32
      %ge3A_150 = arith.constant 4 : i32
      %ge3A_151 = arith.cmpi sge, %add3A_149, %ge3A_150 : i32
      %lt3A_152 = arith.constant 160 : i32
      %lt3A_153 = arith.cmpi slt, %add3A_149, %lt3A_152 : i32
      %and3A_154 = arith.andi %ge3A_151, %lt3A_153 : i1
      %convert_element_type3A_155 = arith.extui %and3A_154 : i1 to i32
      %cond3A_156 = arith.constant 0 : i32
      %cond3A_157 = arith.cmpi ne, %convert_element_type3A_155, %cond3A_156 : i32
      scf.if %cond3A_157 {
        %sub3A = arith.constant 4 : i32
        %sub3A_238 = arith.subi %add3A_149, %sub3A : i32
        %dma_wait3A_239 = arith.constant 0 : i32
        %dma_wait3A_240 = tpu.memref_slice %arg7[%sub3A_238, %dma_wait3A_239] : memref<160x128xi32, #tpu.memory_space<vmem>> -> memref<1x128xi32, #tpu.memory_space<vmem>>
        %dma_wait3A_241 = tpu.memref_squeeze %dma_wait3A_240 : memref<1x128xi32, #tpu.memory_space<vmem>> -> memref<128xi32, #tpu.memory_space<vmem>>
        %dma_wait3A_242 = arith.constant 0 : i32
        %dma_wait3A_243 = arith.constant 0 : i32
        %dma_wait3A_244 = tpu.memref_slice %arg12[%dma_wait3A_242, %dma_wait3A_243] : memref<10240x32xf32, #tpu.memory_space<vmem_shared>> -> memref<10240x32xf32, #tpu.memory_space<vmem_shared>>
        tpu.wait_indirect_dma semaphore(%arg21 : memref<!tpu.dma_semaphore, #tpu.memory_space<semaphore_mem>>) src(%arg11 : memref<128x32xf32, #tpu.memory_space<vmem>>) dst(%dma_wait3A_244 : memref<10240x32xf32, #tpu.memory_space<vmem_shared>>)
      } else {
      }
      %lt3A_158 = arith.constant 160 : i32
      %lt3A_159 = arith.cmpi slt, %add3A_149, %lt3A_158 : i32
      %convert_element_type3A_160 = arith.extui %lt3A_159 : i1 to i32
      %cond3A_161 = arith.constant 0 : i32
      %cond3A_162 = arith.cmpi ne, %convert_element_type3A_160, %cond3A_161 : i32
      scf.if %cond3A_162 {
        %dma_start3A_238 = arith.constant 0 : i32
        %dma_start3A_239 = tpu.memref_slice %arg6[%add3A_149, %dma_start3A_238] : memref<160x128xi32, #tpu.memory_space<vmem>> -> memref<1x128xi32, #tpu.memory_space<vmem>>
        %dma_start3A_240 = tpu.memref_squeeze %dma_start3A_239 : memref<1x128xi32, #tpu.memory_space<vmem>> -> memref<128xi32, #tpu.memory_space<vmem>>
        %dma_start3A_241 = arith.constant 0 : i32
        %dma_start3A_242 = arith.constant 0 : i32
        %dma_start3A_243 = tpu.memref_slice %arg13[%dma_start3A_241, %dma_start3A_242] : memref<10240x32xf32, #tpu.memory_space<vmem_shared>> -> memref<10240x32xf32, #tpu.memory_space<vmem_shared>>
        tpu.enqueue_indirect_dma source(%dma_start3A_243 : memref<10240x32xf32, #tpu.memory_space<vmem_shared>>) target(%arg11 : memref<128x32xf32, #tpu.memory_space<vmem>>) offsets(%dma_start3A_240 : memref<128xi32, #tpu.memory_space<vmem>>) semaphore(%arg17 : memref<!tpu.dma_semaphore, #tpu.memory_space<semaphore_mem>>)
      } else {
      }
      %dma_wait3A_163 = arith.constant 0 : i32
      %dma_wait3A_164 = tpu.memref_slice %arg6[%add3A_147, %dma_wait3A_163] : memref<160x128xi32, #tpu.memory_space<vmem>> -> memref<1x128xi32, #tpu.memory_space<vmem>>
      %dma_wait3A_165 = tpu.memref_squeeze %dma_wait3A_164 : memref<1x128xi32, #tpu.memory_space<vmem>> -> memref<128xi32, #tpu.memory_space<vmem>>
      %dma_wait3A_166 = arith.constant 0 : i32
      %dma_wait3A_167 = arith.constant 0 : i32
      %dma_wait3A_168 = tpu.memref_slice %arg13[%dma_wait3A_166, %dma_wait3A_167] : memref<10240x32xf32, #tpu.memory_space<vmem_shared>> -> memref<10240x32xf32, #tpu.memory_space<vmem_shared>>
      tpu.wait_indirect_dma semaphore(%arg15 : memref<!tpu.dma_semaphore, #tpu.memory_space<semaphore_mem>>) src(%dma_wait3A_168 : memref<10240x32xf32, #tpu.memory_space<vmem_shared>>) dst(%arg9 : memref<128x32xf32, #tpu.memory_space<vmem>>)
      %dma_start3A_169 = arith.constant 0 : i32
      %dma_start3A_170 = tpu.memref_slice %arg7[%add3A_147, %dma_start3A_169] : memref<160x128xi32, #tpu.memory_space<vmem>> -> memref<1x128xi32, #tpu.memory_space<vmem>>
      %dma_start3A_171 = tpu.memref_squeeze %dma_start3A_170 : memref<1x128xi32, #tpu.memory_space<vmem>> -> memref<128xi32, #tpu.memory_space<vmem>>
      %dma_start3A_172 = arith.constant 0 : i32
      %dma_start3A_173 = arith.constant 0 : i32
      %dma_start3A_174 = tpu.memref_slice %arg12[%dma_start3A_172, %dma_start3A_173] : memref<10240x32xf32, #tpu.memory_space<vmem_shared>> -> memref<10240x32xf32, #tpu.memory_space<vmem_shared>>
      tpu.enqueue_indirect_dma source(%arg9 : memref<128x32xf32, #tpu.memory_space<vmem>>) target(%dma_start3A_174 : memref<10240x32xf32, #tpu.memory_space<vmem_shared>>) offsets(%dma_start3A_171 : memref<128xi32, #tpu.memory_space<vmem>>) semaphore(%arg19 : memref<!tpu.dma_semaphore, #tpu.memory_space<semaphore_mem>>) {add = true}
      %mul3A_175 = arith.constant 4 : i32
      %mul3A_176 = arith.muli %mul3A_175, %scan3A_116 : i32
      %add3A_177 = arith.constant 2 : i32
      %add3A_178 = arith.addi %mul3A_176, %add3A_177 : i32
      %add3A_179 = arith.constant 2 : i32
      %add3A_180 = arith.addi %add3A_178, %add3A_179 : i32
      %ge3A_181 = arith.constant 4 : i32
      %ge3A_182 = arith.cmpi sge, %add3A_180, %ge3A_181 : i32
      %lt3A_183 = arith.constant 160 : i32
      %lt3A_184 = arith.cmpi slt, %add3A_180, %lt3A_183 : i32
      %and3A_185 = arith.andi %ge3A_182, %lt3A_184 : i1
      %convert_element_type3A_186 = arith.extui %and3A_185 : i1 to i32
      %cond3A_187 = arith.constant 0 : i32
      %cond3A_188 = arith.cmpi ne, %convert_element_type3A_186, %cond3A_187 : i32
      scf.if %cond3A_188 {
        %sub3A = arith.constant 4 : i32
        %sub3A_238 = arith.subi %add3A_180, %sub3A : i32
        %dma_wait3A_239 = arith.constant 0 : i32
        %dma_wait3A_240 = tpu.memref_slice %arg7[%sub3A_238, %dma_wait3A_239] : memref<160x128xi32, #tpu.memory_space<vmem>> -> memref<1x128xi32, #tpu.memory_space<vmem>>
        %dma_wait3A_241 = tpu.memref_squeeze %dma_wait3A_240 : memref<1x128xi32, #tpu.memory_space<vmem>> -> memref<128xi32, #tpu.memory_space<vmem>>
        %dma_wait3A_242 = arith.constant 0 : i32
        %dma_wait3A_243 = arith.constant 0 : i32
        %dma_wait3A_244 = tpu.memref_slice %arg12[%dma_wait3A_242, %dma_wait3A_243] : memref<10240x32xf32, #tpu.memory_space<vmem_shared>> -> memref<10240x32xf32, #tpu.memory_space<vmem_shared>>
        tpu.wait_indirect_dma semaphore(%arg18 : memref<!tpu.dma_semaphore, #tpu.memory_space<semaphore_mem>>) src(%arg8 : memref<128x32xf32, #tpu.memory_space<vmem>>) dst(%dma_wait3A_244 : memref<10240x32xf32, #tpu.memory_space<vmem_shared>>)
      } else {
      }
      %lt3A_189 = arith.constant 160 : i32
      %lt3A_190 = arith.cmpi slt, %add3A_180, %lt3A_189 : i32
      %convert_element_type3A_191 = arith.extui %lt3A_190 : i1 to i32
      %cond3A_192 = arith.constant 0 : i32
      %cond3A_193 = arith.cmpi ne, %convert_element_type3A_191, %cond3A_192 : i32
      scf.if %cond3A_193 {
        %dma_start3A_238 = arith.constant 0 : i32
        %dma_start3A_239 = tpu.memref_slice %arg6[%add3A_180, %dma_start3A_238] : memref<160x128xi32, #tpu.memory_space<vmem>> -> memref<1x128xi32, #tpu.memory_space<vmem>>
        %dma_start3A_240 = tpu.memref_squeeze %dma_start3A_239 : memref<1x128xi32, #tpu.memory_space<vmem>> -> memref<128xi32, #tpu.memory_space<vmem>>
        %dma_start3A_241 = arith.constant 0 : i32
        %dma_start3A_242 = arith.constant 0 : i32
        %dma_start3A_243 = tpu.memref_slice %arg13[%dma_start3A_241, %dma_start3A_242] : memref<10240x32xf32, #tpu.memory_space<vmem_shared>> -> memref<10240x32xf32, #tpu.memory_space<vmem_shared>>
        tpu.enqueue_indirect_dma source(%dma_start3A_243 : memref<10240x32xf32, #tpu.memory_space<vmem_shared>>) target(%arg8 : memref<128x32xf32, #tpu.memory_space<vmem>>) offsets(%dma_start3A_240 : memref<128xi32, #tpu.memory_space<vmem>>) semaphore(%arg14 : memref<!tpu.dma_semaphore, #tpu.memory_space<semaphore_mem>>)
      } else {
      }
      %dma_wait3A_194 = arith.constant 0 : i32
      %dma_wait3A_195 = tpu.memref_slice %arg6[%add3A_178, %dma_wait3A_194] : memref<160x128xi32, #tpu.memory_space<vmem>> -> memref<1x128xi32, #tpu.memory_space<vmem>>
      %dma_wait3A_196 = tpu.memref_squeeze %dma_wait3A_195 : memref<1x128xi32, #tpu.memory_space<vmem>> -> memref<128xi32, #tpu.memory_space<vmem>>
      %dma_wait3A_197 = arith.constant 0 : i32
      %dma_wait3A_198 = arith.constant 0 : i32
      %dma_wait3A_199 = tpu.memref_slice %arg13[%dma_wait3A_197, %dma_wait3A_198] : memref<10240x32xf32, #tpu.memory_space<vmem_shared>> -> memref<10240x32xf32, #tpu.memory_space<vmem_shared>>
      tpu.wait_indirect_dma semaphore(%arg16 : memref<!tpu.dma_semaphore, #tpu.memory_space<semaphore_mem>>) src(%dma_wait3A_199 : memref<10240x32xf32, #tpu.memory_space<vmem_shared>>) dst(%arg10 : memref<128x32xf32, #tpu.memory_space<vmem>>)
      %dma_start3A_200 = arith.constant 0 : i32
      %dma_start3A_201 = tpu.memref_slice %arg7[%add3A_178, %dma_start3A_200] : memref<160x128xi32, #tpu.memory_space<vmem>> -> memref<1x128xi32, #tpu.memory_space<vmem>>
      %dma_start3A_202 = tpu.memref_squeeze %dma_start3A_201 : memref<1x128xi32, #tpu.memory_space<vmem>> -> memref<128xi32, #tpu.memory_space<vmem>>
      %dma_start3A_203 = arith.constant 0 : i32
      %dma_start3A_204 = arith.constant 0 : i32
      %dma_start3A_205 = tpu.memref_slice %arg12[%dma_start3A_203, %dma_start3A_204] : memref<10240x32xf32, #tpu.memory_space<vmem_shared>> -> memref<10240x32xf32, #tpu.memory_space<vmem_shared>>
      tpu.enqueue_indirect_dma source(%arg10 : memref<128x32xf32, #tpu.memory_space<vmem>>) target(%dma_start3A_205 : memref<10240x32xf32, #tpu.memory_space<vmem_shared>>) offsets(%dma_start3A_202 : memref<128xi32, #tpu.memory_space<vmem>>) semaphore(%arg20 : memref<!tpu.dma_semaphore, #tpu.memory_space<semaphore_mem>>) {add = true}
      %mul3A_206 = arith.constant 4 : i32
      %mul3A_207 = arith.muli %mul3A_206, %scan3A_116 : i32
      %add3A_208 = arith.constant 3 : i32
      %add3A_209 = arith.addi %mul3A_207, %add3A_208 : i32
      %add3A_210 = arith.constant 2 : i32
      %add3A_211 = arith.addi %add3A_209, %add3A_210 : i32
      %ge3A_212 = arith.constant 4 : i32
      %ge3A_213 = arith.cmpi sge, %add3A_211, %ge3A_212 : i32
      %lt3A_214 = arith.constant 160 : i32
      %lt3A_215 = arith.cmpi slt, %add3A_211, %lt3A_214 : i32
      %and3A_216 = arith.andi %ge3A_213, %lt3A_215 : i1
      %convert_element_type3A_217 = arith.extui %and3A_216 : i1 to i32
      %cond3A_218 = arith.constant 0 : i32
      %cond3A_219 = arith.cmpi ne, %convert_element_type3A_217, %cond3A_218 : i32
      scf.if %cond3A_219 {
        %sub3A = arith.constant 4 : i32
        %sub3A_238 = arith.subi %add3A_211, %sub3A : i32
        %dma_wait3A_239 = arith.constant 0 : i32
        %dma_wait3A_240 = tpu.memref_slice %arg7[%sub3A_238, %dma_wait3A_239] : memref<160x128xi32, #tpu.memory_space<vmem>> -> memref<1x128xi32, #tpu.memory_space<vmem>>
        %dma_wait3A_241 = tpu.memref_squeeze %dma_wait3A_240 : memref<1x128xi32, #tpu.memory_space<vmem>> -> memref<128xi32, #tpu.memory_space<vmem>>
        %dma_wait3A_242 = arith.constant 0 : i32
        %dma_wait3A_243 = arith.constant 0 : i32
        %dma_wait3A_244 = tpu.memref_slice %arg12[%dma_wait3A_242, %dma_wait3A_243] : memref<10240x32xf32, #tpu.memory_space<vmem_shared>> -> memref<10240x32xf32, #tpu.memory_space<vmem_shared>>
        tpu.wait_indirect_dma semaphore(%arg19 : memref<!tpu.dma_semaphore, #tpu.memory_space<semaphore_mem>>) src(%arg9 : memref<128x32xf32, #tpu.memory_space<vmem>>) dst(%dma_wait3A_244 : memref<10240x32xf32, #tpu.memory_space<vmem_shared>>)
      } else {
      }
      %lt3A_220 = arith.constant 160 : i32
      %lt3A_221 = arith.cmpi slt, %add3A_211, %lt3A_220 : i32
      %convert_element_type3A_222 = arith.extui %lt3A_221 : i1 to i32
      %cond3A_223 = arith.constant 0 : i32
      %cond3A_224 = arith.cmpi ne, %convert_element_type3A_222, %cond3A_223 : i32
      scf.if %cond3A_224 {
        %dma_start3A_238 = arith.constant 0 : i32
        %dma_start3A_239 = tpu.memref_slice %arg6[%add3A_211, %dma_start3A_238] : memref<160x128xi32, #tpu.memory_space<vmem>> -> memref<1x128xi32, #tpu.memory_space<vmem>>
        %dma_start3A_240 = tpu.memref_squeeze %dma_start3A_239 : memref<1x128xi32, #tpu.memory_space<vmem>> -> memref<128xi32, #tpu.memory_space<vmem>>
        %dma_start3A_241 = arith.constant 0 : i32
        %dma_start3A_242 = arith.constant 0 : i32
        %dma_start3A_243 = tpu.memref_slice %arg13[%dma_start3A_241, %dma_start3A_242] : memref<10240x32xf32, #tpu.memory_space<vmem_shared>> -> memref<10240x32xf32, #tpu.memory_space<vmem_shared>>
        tpu.enqueue_indirect_dma source(%dma_start3A_243 : memref<10240x32xf32, #tpu.memory_space<vmem_shared>>) target(%arg9 : memref<128x32xf32, #tpu.memory_space<vmem>>) offsets(%dma_start3A_240 : memref<128xi32, #tpu.memory_space<vmem>>) semaphore(%arg15 : memref<!tpu.dma_semaphore, #tpu.memory_space<semaphore_mem>>)
      } else {
      }
      %dma_wait3A_225 = arith.constant 0 : i32
      %dma_wait3A_226 = tpu.memref_slice %arg6[%add3A_209, %dma_wait3A_225] : memref<160x128xi32, #tpu.memory_space<vmem>> -> memref<1x128xi32, #tpu.memory_space<vmem>>
      %dma_wait3A_227 = tpu.memref_squeeze %dma_wait3A_226 : memref<1x128xi32, #tpu.memory_space<vmem>> -> memref<128xi32, #tpu.memory_space<vmem>>
      %dma_wait3A_228 = arith.constant 0 : i32
      %dma_wait3A_229 = arith.constant 0 : i32
      %dma_wait3A_230 = tpu.memref_slice %arg13[%dma_wait3A_228, %dma_wait3A_229] : memref<10240x32xf32, #tpu.memory_space<vmem_shared>> -> memref<10240x32xf32, #tpu.memory_space<vmem_shared>>
      tpu.wait_indirect_dma semaphore(%arg17 : memref<!tpu.dma_semaphore, #tpu.memory_space<semaphore_mem>>) src(%dma_wait3A_230 : memref<10240x32xf32, #tpu.memory_space<vmem_shared>>) dst(%arg11 : memref<128x32xf32, #tpu.memory_space<vmem>>)
      %dma_start3A_231 = arith.constant 0 : i32
      %dma_start3A_232 = tpu.memref_slice %arg7[%add3A_209, %dma_start3A_231] : memref<160x128xi32, #tpu.memory_space<vmem>> -> memref<1x128xi32, #tpu.memory_space<vmem>>
      %dma_start3A_233 = tpu.memref_squeeze %dma_start3A_232 : memref<1x128xi32, #tpu.memory_space<vmem>> -> memref<128xi32, #tpu.memory_space<vmem>>
      %dma_start3A_234 = arith.constant 0 : i32
      %dma_start3A_235 = arith.constant 0 : i32
      %dma_start3A_236 = tpu.memref_slice %arg12[%dma_start3A_234, %dma_start3A_235] : memref<10240x32xf32, #tpu.memory_space<vmem_shared>> -> memref<10240x32xf32, #tpu.memory_space<vmem_shared>>
      tpu.enqueue_indirect_dma source(%arg11 : memref<128x32xf32, #tpu.memory_space<vmem>>) target(%dma_start3A_236 : memref<10240x32xf32, #tpu.memory_space<vmem_shared>>) offsets(%dma_start3A_233 : memref<128xi32, #tpu.memory_space<vmem>>) semaphore(%arg21 : memref<!tpu.dma_semaphore, #tpu.memory_space<semaphore_mem>>) {add = true}
      %scan3A_237 = arith.constant 0 : i32
      scf.yield %scan3A_237 : i32
    }
    %scan3A_67 = arith.constant 40 : i32
    %dma_wait3A = arith.constant 156 : i32
    %dma_wait3A_68 = arith.constant 0 : i32
    %dma_wait3A_69 = tpu.memref_slice %arg7[%dma_wait3A, %dma_wait3A_68] : memref<160x128xi32, #tpu.memory_space<vmem>> -> memref<1x128xi32, #tpu.memory_space<vmem>>
    %dma_wait3A_70 = tpu.memref_squeeze %dma_wait3A_69 : memref<1x128xi32, #tpu.memory_space<vmem>> -> memref<128xi32, #tpu.memory_space<vmem>>
    %dma_wait3A_71 = arith.constant 0 : i32
    %dma_wait3A_72 = arith.constant 0 : i32
    %dma_wait3A_73 = tpu.memref_slice %arg12[%dma_wait3A_71, %dma_wait3A_72] : memref<10240x32xf32, #tpu.memory_space<vmem_shared>> -> memref<10240x32xf32, #tpu.memory_space<vmem_shared>>
    tpu.wait_indirect_dma semaphore(%arg18 : memref<!tpu.dma_semaphore, #tpu.memory_space<semaphore_mem>>) src(%arg8 : memref<128x32xf32, #tpu.memory_space<vmem>>) dst(%dma_wait3A_73 : memref<10240x32xf32, #tpu.memory_space<vmem_shared>>)
    %dma_wait3A_74 = arith.constant 157 : i32
    %dma_wait3A_75 = arith.constant 0 : i32
    %dma_wait3A_76 = tpu.memref_slice %arg7[%dma_wait3A_74, %dma_wait3A_75] : memref<160x128xi32, #tpu.memory_space<vmem>> -> memref<1x128xi32, #tpu.memory_space<vmem>>
    %dma_wait3A_77 = tpu.memref_squeeze %dma_wait3A_76 : memref<1x128xi32, #tpu.memory_space<vmem>> -> memref<128xi32, #tpu.memory_space<vmem>>
    %dma_wait3A_78 = arith.constant 0 : i32
    %dma_wait3A_79 = arith.constant 0 : i32
    %dma_wait3A_80 = tpu.memref_slice %arg12[%dma_wait3A_78, %dma_wait3A_79] : memref<10240x32xf32, #tpu.memory_space<vmem_shared>> -> memref<10240x32xf32, #tpu.memory_space<vmem_shared>>
    tpu.wait_indirect_dma semaphore(%arg19 : memref<!tpu.dma_semaphore, #tpu.memory_space<semaphore_mem>>) src(%arg9 : memref<128x32xf32, #tpu.memory_space<vmem>>) dst(%dma_wait3A_80 : memref<10240x32xf32, #tpu.memory_space<vmem_shared>>)
    %dma_wait3A_81 = arith.constant 158 : i32
    %dma_wait3A_82 = arith.constant 0 : i32
    %dma_wait3A_83 = tpu.memref_slice %arg7[%dma_wait3A_81, %dma_wait3A_82] : memref<160x128xi32, #tpu.memory_space<vmem>> -> memref<1x128xi32, #tpu.memory_space<vmem>>
    %dma_wait3A_84 = tpu.memref_squeeze %dma_wait3A_83 : memref<1x128xi32, #tpu.memory_space<vmem>> -> memref<128xi32, #tpu.memory_space<vmem>>
    %dma_wait3A_85 = arith.constant 0 : i32
    %dma_wait3A_86 = arith.constant 0 : i32
    %dma_wait3A_87 = tpu.memref_slice %arg12[%dma_wait3A_85, %dma_wait3A_86] : memref<10240x32xf32, #tpu.memory_space<vmem_shared>> -> memref<10240x32xf32, #tpu.memory_space<vmem_shared>>
    tpu.wait_indirect_dma semaphore(%arg20 : memref<!tpu.dma_semaphore, #tpu.memory_space<semaphore_mem>>) src(%arg10 : memref<128x32xf32, #tpu.memory_space<vmem>>) dst(%dma_wait3A_87 : memref<10240x32xf32, #tpu.memory_space<vmem_shared>>)
    %dma_wait3A_88 = arith.constant 159 : i32
    %dma_wait3A_89 = arith.constant 0 : i32
    %dma_wait3A_90 = tpu.memref_slice %arg7[%dma_wait3A_88, %dma_wait3A_89] : memref<160x128xi32, #tpu.memory_space<vmem>> -> memref<1x128xi32, #tpu.memory_space<vmem>>
    %dma_wait3A_91 = tpu.memref_squeeze %dma_wait3A_90 : memref<1x128xi32, #tpu.memory_space<vmem>> -> memref<128xi32, #tpu.memory_space<vmem>>
    %dma_wait3A_92 = arith.constant 0 : i32
    %dma_wait3A_93 = arith.constant 0 : i32
    %dma_wait3A_94 = tpu.memref_slice %arg12[%dma_wait3A_92, %dma_wait3A_93] : memref<10240x32xf32, #tpu.memory_space<vmem_shared>> -> memref<10240x32xf32, #tpu.memory_space<vmem_shared>>
    tpu.wait_indirect_dma semaphore(%arg21 : memref<!tpu.dma_semaphore, #tpu.memory_space<semaphore_mem>>) src(%arg11 : memref<128x32xf32, #tpu.memory_space<vmem>>) dst(%dma_wait3A_94 : memref<10240x32xf32, #tpu.memory_space<vmem_shared>>)
    %barrier3A_95 = arith.constant 0 : index
    tpu.barrier barrier_id(%barrier3A_95)
    %mul3A_96 = arith.constant 640 : i32
    %mul3A_97 = arith.muli %arg1, %mul3A_96 : i32
    %add3A_98 = arith.constant 0 : i32
    %add3A_99 = arith.addi %mul3A_97, %add3A_98 : i32
    "tpu.region"() ({
      %run_scoped3A = tpu.sem_alloc : memref<!tpu.dma_semaphore, #tpu.memory_space<semaphore_mem>>
      %dma_start3A_116 = arith.constant 0 : i32
      %dma_start3A_117 = tpu.memref_slice %arg12[%add3A_99, %dma_start3A_116] : memref<10240x32xf32, #tpu.memory_space<vmem_shared>> -> memref<128x32xf32, #tpu.memory_space<vmem_shared>>
      %dma_start3A_118 = arith.constant 0 : i32
      %dma_start3A_119 = tpu.memref_slice %arg12[%add3A_99, %dma_start3A_118] : memref<10240x32xf32, #tpu.memory_space<vmem_shared>> -> memref<128x32xf32, #tpu.memory_space<vmem_shared>>
      tpu.enqueue_dma source(%dma_start3A_119 : memref<128x32xf32, #tpu.memory_space<vmem_shared>>) target(%arg8 : memref<128x32xf32, #tpu.memory_space<vmem>>) target_semaphore(%run_scoped3A : memref<!tpu.dma_semaphore, #tpu.memory_space<semaphore_mem>>)
      %dma_wait3A_120 = arith.constant 0 : i32
      %dma_wait3A_121 = tpu.memref_slice %arg12[%add3A_99, %dma_wait3A_120] : memref<10240x32xf32, #tpu.memory_space<vmem_shared>> -> memref<128x32xf32, #tpu.memory_space<vmem_shared>>
      %dma_wait3A_122 = arith.constant 0 : i32
      %dma_wait3A_123 = tpu.memref_slice %arg12[%add3A_99, %dma_wait3A_122] : memref<10240x32xf32, #tpu.memory_space<vmem_shared>> -> memref<128x32xf32, #tpu.memory_space<vmem_shared>>
      tpu.wait_dma2 semaphore(%run_scoped3A : memref<!tpu.dma_semaphore, #tpu.memory_space<semaphore_mem>>) src(%dma_wait3A_123 : memref<128x32xf32, #tpu.memory_space<vmem_shared>>) dst(%arg8 : memref<128x32xf32, #tpu.memory_space<vmem>>)
      tpu.yield
    }) : () -> ()
    "tpu.region"() ({
      %run_scoped3A = tpu.sem_alloc : memref<!tpu.dma_semaphore, #tpu.memory_space<semaphore_mem>>
      %dma_start3A_116 = arith.constant 0 : i32
      %dma_start3A_117 = tpu.memref_slice %arg5[%arg0, %add3A_99, %dma_start3A_116] : memref<2x10240x32xf32, #tpu.memory_space<hbm>> -> memref<1x128x32xf32, #tpu.memory_space<hbm>>
      %dma_start3A_118 = tpu.memref_squeeze %dma_start3A_117 : memref<1x128x32xf32, #tpu.memory_space<hbm>> -> memref<128x32xf32, #tpu.memory_space<hbm>>
      %dma_start3A_119 = arith.constant 0 : i32
      %dma_start3A_120 = tpu.memref_slice %arg5[%arg0, %add3A_99, %dma_start3A_119] : memref<2x10240x32xf32, #tpu.memory_space<hbm>> -> memref<1x128x32xf32, #tpu.memory_space<hbm>>
      %dma_start3A_121 = tpu.memref_squeeze %dma_start3A_120 : memref<1x128x32xf32, #tpu.memory_space<hbm>> -> memref<128x32xf32, #tpu.memory_space<hbm>>
      tpu.enqueue_dma source(%arg8 : memref<128x32xf32, #tpu.memory_space<vmem>>) target(%dma_start3A_121 : memref<128x32xf32, #tpu.memory_space<hbm>>) target_semaphore(%run_scoped3A : memref<!tpu.dma_semaphore, #tpu.memory_space<semaphore_mem>>)
      %dma_wait3A_122 = arith.constant 0 : i32
      %dma_wait3A_123 = tpu.memref_slice %arg5[%arg0, %add3A_99, %dma_wait3A_122] : memref<2x10240x32xf32, #tpu.memory_space<hbm>> -> memref<1x128x32xf32, #tpu.memory_space<hbm>>
      %dma_wait3A_124 = tpu.memref_squeeze %dma_wait3A_123 : memref<1x128x32xf32, #tpu.memory_space<hbm>> -> memref<128x32xf32, #tpu.memory_space<hbm>>
      %dma_wait3A_125 = arith.constant 0 : i32
      %dma_wait3A_126 = tpu.memref_slice %arg5[%arg0, %add3A_99, %dma_wait3A_125] : memref<2x10240x32xf32, #tpu.memory_space<hbm>> -> memref<1x128x32xf32, #tpu.memory_space<hbm>>
      %dma_wait3A_127 = tpu.memref_squeeze %dma_wait3A_126 : memref<1x128x32xf32, #tpu.memory_space<hbm>> -> memref<128x32xf32, #tpu.memory_space<hbm>>
      tpu.wait_dma2 semaphore(%run_scoped3A : memref<!tpu.dma_semaphore, #tpu.memory_space<semaphore_mem>>) src(%arg8 : memref<128x32xf32, #tpu.memory_space<vmem>>) dst(%dma_wait3A_127 : memref<128x32xf32, #tpu.memory_space<hbm>>)
      tpu.yield
    }) : () -> ()
    %mul3A_100 = arith.constant 640 : i32
    %mul3A_101 = arith.muli %arg1, %mul3A_100 : i32
    %add3A_102 = arith.constant 128 : i32
    %add3A_103 = arith.addi %mul3A_101, %add3A_102 : i32
    "tpu.region"() ({
      %run_scoped3A = tpu.sem_alloc : memref<!tpu.dma_semaphore, #tpu.memory_space<semaphore_mem>>
      %dma_start3A_116 = arith.constant 0 : i32
      %dma_start3A_117 = tpu.memref_slice %arg12[%add3A_103, %dma_start3A_116] : memref<10240x32xf32, #tpu.memory_space<vmem_shared>> -> memref<128x32xf32, #tpu.memory_space<vmem_shared>>
      %dma_start3A_118 = arith.constant 0 : i32
      %dma_start3A_119 = tpu.memref_slice %arg12[%add3A_103, %dma_start3A_118] : memref<10240x32xf32, #tpu.memory_space<vmem_shared>> -> memref<128x32xf32, #tpu.memory_space<vmem_shared>>
      tpu.enqueue_dma source(%dma_start3A_119 : memref<128x32xf32, #tpu.memory_space<vmem_shared>>) target(%arg8 : memref<128x32xf32, #tpu.memory_space<vmem>>) target_semaphore(%run_scoped3A : memref<!tpu.dma_semaphore, #tpu.memory_space<semaphore_mem>>)
      %dma_wait3A_120 = arith.constant 0 : i32
      %dma_wait3A_121 = tpu.memref_slice %arg12[%add3A_103, %dma_wait3A_120] : memref<10240x32xf32, #tpu.memory_space<vmem_shared>> -> memref<128x32xf32, #tpu.memory_space<vmem_shared>>
      %dma_wait3A_122 = arith.constant 0 : i32
      %dma_wait3A_123 = tpu.memref_slice %arg12[%add3A_103, %dma_wait3A_122] : memref<10240x32xf32, #tpu.memory_space<vmem_shared>> -> memref<128x32xf32, #tpu.memory_space<vmem_shared>>
      tpu.wait_dma2 semaphore(%run_scoped3A : memref<!tpu.dma_semaphore, #tpu.memory_space<semaphore_mem>>) src(%dma_wait3A_123 : memref<128x32xf32, #tpu.memory_space<vmem_shared>>) dst(%arg8 : memref<128x32xf32, #tpu.memory_space<vmem>>)
      tpu.yield
    }) : () -> ()
    "tpu.region"() ({
      %run_scoped3A = tpu.sem_alloc : memref<!tpu.dma_semaphore, #tpu.memory_space<semaphore_mem>>
      %dma_start3A_116 = arith.constant 0 : i32
      %dma_start3A_117 = tpu.memref_slice %arg5[%arg0, %add3A_103, %dma_start3A_116] : memref<2x10240x32xf32, #tpu.memory_space<hbm>> -> memref<1x128x32xf32, #tpu.memory_space<hbm>>
      %dma_start3A_118 = tpu.memref_squeeze %dma_start3A_117 : memref<1x128x32xf32, #tpu.memory_space<hbm>> -> memref<128x32xf32, #tpu.memory_space<hbm>>
      %dma_start3A_119 = arith.constant 0 : i32
      %dma_start3A_120 = tpu.memref_slice %arg5[%arg0, %add3A_103, %dma_start3A_119] : memref<2x10240x32xf32, #tpu.memory_space<hbm>> -> memref<1x128x32xf32, #tpu.memory_space<hbm>>
      %dma_start3A_121 = tpu.memref_squeeze %dma_start3A_120 : memref<1x128x32xf32, #tpu.memory_space<hbm>> -> memref<128x32xf32, #tpu.memory_space<hbm>>
      tpu.enqueue_dma source(%arg8 : memref<128x32xf32, #tpu.memory_space<vmem>>) target(%dma_start3A_121 : memref<128x32xf32, #tpu.memory_space<hbm>>) target_semaphore(%run_scoped3A : memref<!tpu.dma_semaphore, #tpu.memory_space<semaphore_mem>>)
      %dma_wait3A_122 = arith.constant 0 : i32
      %dma_wait3A_123 = tpu.memref_slice %arg5[%arg0, %add3A_103, %dma_wait3A_122] : memref<2x10240x32xf32, #tpu.memory_space<hbm>> -> memref<1x128x32xf32, #tpu.memory_space<hbm>>
      %dma_wait3A_124 = tpu.memref_squeeze %dma_wait3A_123 : memref<1x128x32xf32, #tpu.memory_space<hbm>> -> memref<128x32xf32, #tpu.memory_space<hbm>>
      %dma_wait3A_125 = arith.constant 0 : i32
      %dma_wait3A_126 = tpu.memref_slice %arg5[%arg0, %add3A_103, %dma_wait3A_125] : memref<2x10240x32xf32, #tpu.memory_space<hbm>> -> memref<1x128x32xf32, #tpu.memory_space<hbm>>
      %dma_wait3A_127 = tpu.memref_squeeze %dma_wait3A_126 : memref<1x128x32xf32, #tpu.memory_space<hbm>> -> memref<128x32xf32, #tpu.memory_space<hbm>>
      tpu.wait_dma2 semaphore(%run_scoped3A : memref<!tpu.dma_semaphore, #tpu.memory_space<semaphore_mem>>) src(%arg8 : memref<128x32xf32, #tpu.memory_space<vmem>>) dst(%dma_wait3A_127 : memref<128x32xf32, #tpu.memory_space<hbm>>)
      tpu.yield
    }) : () -> ()
    %mul3A_104 = arith.constant 640 : i32
    %mul3A_105 = arith.muli %arg1, %mul3A_104 : i32
    %add3A_106 = arith.constant 256 : i32
    %add3A_107 = arith.addi %mul3A_105, %add3A_106 : i32
    "tpu.region"() ({
      %run_scoped3A = tpu.sem_alloc : memref<!tpu.dma_semaphore, #tpu.memory_space<semaphore_mem>>
      %dma_start3A_116 = arith.constant 0 : i32
      %dma_start3A_117 = tpu.memref_slice %arg12[%add3A_107, %dma_start3A_116] : memref<10240x32xf32, #tpu.memory_space<vmem_shared>> -> memref<128x32xf32, #tpu.memory_space<vmem_shared>>
      %dma_start3A_118 = arith.constant 0 : i32
      %dma_start3A_119 = tpu.memref_slice %arg12[%add3A_107, %dma_start3A_118] : memref<10240x32xf32, #tpu.memory_space<vmem_shared>> -> memref<128x32xf32, #tpu.memory_space<vmem_shared>>
      tpu.enqueue_dma source(%dma_start3A_119 : memref<128x32xf32, #tpu.memory_space<vmem_shared>>) target(%arg8 : memref<128x32xf32, #tpu.memory_space<vmem>>) target_semaphore(%run_scoped3A : memref<!tpu.dma_semaphore, #tpu.memory_space<semaphore_mem>>)
      %dma_wait3A_120 = arith.constant 0 : i32
      %dma_wait3A_121 = tpu.memref_slice %arg12[%add3A_107, %dma_wait3A_120] : memref<10240x32xf32, #tpu.memory_space<vmem_shared>> -> memref<128x32xf32, #tpu.memory_space<vmem_shared>>
      %dma_wait3A_122 = arith.constant 0 : i32
      %dma_wait3A_123 = tpu.memref_slice %arg12[%add3A_107, %dma_wait3A_122] : memref<10240x32xf32, #tpu.memory_space<vmem_shared>> -> memref<128x32xf32, #tpu.memory_space<vmem_shared>>
      tpu.wait_dma2 semaphore(%run_scoped3A : memref<!tpu.dma_semaphore, #tpu.memory_space<semaphore_mem>>) src(%dma_wait3A_123 : memref<128x32xf32, #tpu.memory_space<vmem_shared>>) dst(%arg8 : memref<128x32xf32, #tpu.memory_space<vmem>>)
      tpu.yield
    }) : () -> ()
    "tpu.region"() ({
      %run_scoped3A = tpu.sem_alloc : memref<!tpu.dma_semaphore, #tpu.memory_space<semaphore_mem>>
      %dma_start3A_116 = arith.constant 0 : i32
      %dma_start3A_117 = tpu.memref_slice %arg5[%arg0, %add3A_107, %dma_start3A_116] : memref<2x10240x32xf32, #tpu.memory_space<hbm>> -> memref<1x128x32xf32, #tpu.memory_space<hbm>>
      %dma_start3A_118 = tpu.memref_squeeze %dma_start3A_117 : memref<1x128x32xf32, #tpu.memory_space<hbm>> -> memref<128x32xf32, #tpu.memory_space<hbm>>
      %dma_start3A_119 = arith.constant 0 : i32
      %dma_start3A_120 = tpu.memref_slice %arg5[%arg0, %add3A_107, %dma_start3A_119] : memref<2x10240x32xf32, #tpu.memory_space<hbm>> -> memref<1x128x32xf32, #tpu.memory_space<hbm>>
      %dma_start3A_121 = tpu.memref_squeeze %dma_start3A_120 : memref<1x128x32xf32, #tpu.memory_space<hbm>> -> memref<128x32xf32, #tpu.memory_space<hbm>>
      tpu.enqueue_dma source(%arg8 : memref<128x32xf32, #tpu.memory_space<vmem>>) target(%dma_start3A_121 : memref<128x32xf32, #tpu.memory_space<hbm>>) target_semaphore(%run_scoped3A : memref<!tpu.dma_semaphore, #tpu.memory_space<semaphore_mem>>)
      %dma_wait3A_122 = arith.constant 0 : i32
      %dma_wait3A_123 = tpu.memref_slice %arg5[%arg0, %add3A_107, %dma_wait3A_122] : memref<2x10240x32xf32, #tpu.memory_space<hbm>> -> memref<1x128x32xf32, #tpu.memory_space<hbm>>
      %dma_wait3A_124 = tpu.memref_squeeze %dma_wait3A_123 : memref<1x128x32xf32, #tpu.memory_space<hbm>> -> memref<128x32xf32, #tpu.memory_space<hbm>>
      %dma_wait3A_125 = arith.constant 0 : i32
      %dma_wait3A_126 = tpu.memref_slice %arg5[%arg0, %add3A_107, %dma_wait3A_125] : memref<2x10240x32xf32, #tpu.memory_space<hbm>> -> memref<1x128x32xf32, #tpu.memory_space<hbm>>
      %dma_wait3A_127 = tpu.memref_squeeze %dma_wait3A_126 : memref<1x128x32xf32, #tpu.memory_space<hbm>> -> memref<128x32xf32, #tpu.memory_space<hbm>>
      tpu.wait_dma2 semaphore(%run_scoped3A : memref<!tpu.dma_semaphore, #tpu.memory_space<semaphore_mem>>) src(%arg8 : memref<128x32xf32, #tpu.memory_space<vmem>>) dst(%dma_wait3A_127 : memref<128x32xf32, #tpu.memory_space<hbm>>)
      tpu.yield
    }) : () -> ()
    %mul3A_108 = arith.constant 640 : i32
    %mul3A_109 = arith.muli %arg1, %mul3A_108 : i32
    %add3A_110 = arith.constant 384 : i32
    %add3A_111 = arith.addi %mul3A_109, %add3A_110 : i32
    "tpu.region"() ({
      %run_scoped3A = tpu.sem_alloc : memref<!tpu.dma_semaphore, #tpu.memory_space<semaphore_mem>>
      %dma_start3A_116 = arith.constant 0 : i32
      %dma_start3A_117 = tpu.memref_slice %arg12[%add3A_111, %dma_start3A_116] : memref<10240x32xf32, #tpu.memory_space<vmem_shared>> -> memref<128x32xf32, #tpu.memory_space<vmem_shared>>
      %dma_start3A_118 = arith.constant 0 : i32
      %dma_start3A_119 = tpu.memref_slice %arg12[%add3A_111, %dma_start3A_118] : memref<10240x32xf32, #tpu.memory_space<vmem_shared>> -> memref<128x32xf32, #tpu.memory_space<vmem_shared>>
      tpu.enqueue_dma source(%dma_start3A_119 : memref<128x32xf32, #tpu.memory_space<vmem_shared>>) target(%arg8 : memref<128x32xf32, #tpu.memory_space<vmem>>) target_semaphore(%run_scoped3A : memref<!tpu.dma_semaphore, #tpu.memory_space<semaphore_mem>>)
      %dma_wait3A_120 = arith.constant 0 : i32
      %dma_wait3A_121 = tpu.memref_slice %arg12[%add3A_111, %dma_wait3A_120] : memref<10240x32xf32, #tpu.memory_space<vmem_shared>> -> memref<128x32xf32, #tpu.memory_space<vmem_shared>>
      %dma_wait3A_122 = arith.constant 0 : i32
      %dma_wait3A_123 = tpu.memref_slice %arg12[%add3A_111, %dma_wait3A_122] : memref<10240x32xf32, #tpu.memory_space<vmem_shared>> -> memref<128x32xf32, #tpu.memory_space<vmem_shared>>
      tpu.wait_dma2 semaphore(%run_scoped3A : memref<!tpu.dma_semaphore, #tpu.memory_space<semaphore_mem>>) src(%dma_wait3A_123 : memref<128x32xf32, #tpu.memory_space<vmem_shared>>) dst(%arg8 : memref<128x32xf32, #tpu.memory_space<vmem>>)
      tpu.yield
    }) : () -> ()
    "tpu.region"() ({
      %run_scoped3A = tpu.sem_alloc : memref<!tpu.dma_semaphore, #tpu.memory_space<semaphore_mem>>
      %dma_start3A_116 = arith.constant 0 : i32
      %dma_start3A_117 = tpu.memref_slice %arg5[%arg0, %add3A_111, %dma_start3A_116] : memref<2x10240x32xf32, #tpu.memory_space<hbm>> -> memref<1x128x32xf32, #tpu.memory_space<hbm>>
      %dma_start3A_118 = tpu.memref_squeeze %dma_start3A_117 : memref<1x128x32xf32, #tpu.memory_space<hbm>> -> memref<128x32xf32, #tpu.memory_space<hbm>>
      %dma_start3A_119 = arith.constant 0 : i32
      %dma_start3A_120 = tpu.memref_slice %arg5[%arg0, %add3A_111, %dma_start3A_119] : memref<2x10240x32xf32, #tpu.memory_space<hbm>> -> memref<1x128x32xf32, #tpu.memory_space<hbm>>
      %dma_start3A_121 = tpu.memref_squeeze %dma_start3A_120 : memref<1x128x32xf32, #tpu.memory_space<hbm>> -> memref<128x32xf32, #tpu.memory_space<hbm>>
      tpu.enqueue_dma source(%arg8 : memref<128x32xf32, #tpu.memory_space<vmem>>) target(%dma_start3A_121 : memref<128x32xf32, #tpu.memory_space<hbm>>) target_semaphore(%run_scoped3A : memref<!tpu.dma_semaphore, #tpu.memory_space<semaphore_mem>>)
      %dma_wait3A_122 = arith.constant 0 : i32
      %dma_wait3A_123 = tpu.memref_slice %arg5[%arg0, %add3A_111, %dma_wait3A_122] : memref<2x10240x32xf32, #tpu.memory_space<hbm>> -> memref<1x128x32xf32, #tpu.memory_space<hbm>>
      %dma_wait3A_124 = tpu.memref_squeeze %dma_wait3A_123 : memref<1x128x32xf32, #tpu.memory_space<hbm>> -> memref<128x32xf32, #tpu.memory_space<hbm>>
      %dma_wait3A_125 = arith.constant 0 : i32
      %dma_wait3A_126 = tpu.memref_slice %arg5[%arg0, %add3A_111, %dma_wait3A_125] : memref<2x10240x32xf32, #tpu.memory_space<hbm>> -> memref<1x128x32xf32, #tpu.memory_space<hbm>>
      %dma_wait3A_127 = tpu.memref_squeeze %dma_wait3A_126 : memref<1x128x32xf32, #tpu.memory_space<hbm>> -> memref<128x32xf32, #tpu.memory_space<hbm>>
      tpu.wait_dma2 semaphore(%run_scoped3A : memref<!tpu.dma_semaphore, #tpu.memory_space<semaphore_mem>>) src(%arg8 : memref<128x32xf32, #tpu.memory_space<vmem>>) dst(%dma_wait3A_127 : memref<128x32xf32, #tpu.memory_space<hbm>>)
      tpu.yield
    }) : () -> ()
    %mul3A_112 = arith.constant 640 : i32
    %mul3A_113 = arith.muli %arg1, %mul3A_112 : i32
    %add3A_114 = arith.constant 512 : i32
    %add3A_115 = arith.addi %mul3A_113, %add3A_114 : i32
    "tpu.region"() ({
      %run_scoped3A = tpu.sem_alloc : memref<!tpu.dma_semaphore, #tpu.memory_space<semaphore_mem>>
      %dma_start3A_116 = arith.constant 0 : i32
      %dma_start3A_117 = tpu.memref_slice %arg12[%add3A_115, %dma_start3A_116] : memref<10240x32xf32, #tpu.memory_space<vmem_shared>> -> memref<128x32xf32, #tpu.memory_space<vmem_shared>>
      %dma_start3A_118 = arith.constant 0 : i32
      %dma_start3A_119 = tpu.memref_slice %arg12[%add3A_115, %dma_start3A_118] : memref<10240x32xf32, #tpu.memory_space<vmem_shared>> -> memref<128x32xf32, #tpu.memory_space<vmem_shared>>
      tpu.enqueue_dma source(%dma_start3A_119 : memref<128x32xf32, #tpu.memory_space<vmem_shared>>) target(%arg8 : memref<128x32xf32, #tpu.memory_space<vmem>>) target_semaphore(%run_scoped3A : memref<!tpu.dma_semaphore, #tpu.memory_space<semaphore_mem>>)
      %dma_wait3A_120 = arith.constant 0 : i32
      %dma_wait3A_121 = tpu.memref_slice %arg12[%add3A_115, %dma_wait3A_120] : memref<10240x32xf32, #tpu.memory_space<vmem_shared>> -> memref<128x32xf32, #tpu.memory_space<vmem_shared>>
      %dma_wait3A_122 = arith.constant 0 : i32
      %dma_wait3A_123 = tpu.memref_slice %arg12[%add3A_115, %dma_wait3A_122] : memref<10240x32xf32, #tpu.memory_space<vmem_shared>> -> memref<128x32xf32, #tpu.memory_space<vmem_shared>>
      tpu.wait_dma2 semaphore(%run_scoped3A : memref<!tpu.dma_semaphore, #tpu.memory_space<semaphore_mem>>) src(%dma_wait3A_123 : memref<128x32xf32, #tpu.memory_space<vmem_shared>>) dst(%arg8 : memref<128x32xf32, #tpu.memory_space<vmem>>)
      tpu.yield
    }) : () -> ()
    "tpu.region"() ({
      %run_scoped3A = tpu.sem_alloc : memref<!tpu.dma_semaphore, #tpu.memory_space<semaphore_mem>>
      %dma_start3A_116 = arith.constant 0 : i32
      %dma_start3A_117 = tpu.memref_slice %arg5[%arg0, %add3A_115, %dma_start3A_116] : memref<2x10240x32xf32, #tpu.memory_space<hbm>> -> memref<1x128x32xf32, #tpu.memory_space<hbm>>
      %dma_start3A_118 = tpu.memref_squeeze %dma_start3A_117 : memref<1x128x32xf32, #tpu.memory_space<hbm>> -> memref<128x32xf32, #tpu.memory_space<hbm>>
      %dma_start3A_119 = arith.constant 0 : i32
      %dma_start3A_120 = tpu.memref_slice %arg5[%arg0, %add3A_115, %dma_start3A_119] : memref<2x10240x32xf32, #tpu.memory_space<hbm>> -> memref<1x128x32xf32, #tpu.memory_space<hbm>>
      %dma_start3A_121 = tpu.memref_squeeze %dma_start3A_120 : memref<1x128x32xf32, #tpu.memory_space<hbm>> -> memref<128x32xf32, #tpu.memory_space<hbm>>
      tpu.enqueue_dma source(%arg8 : memref<128x32xf32, #tpu.memory_space<vmem>>) target(%dma_start3A_121 : memref<128x32xf32, #tpu.memory_space<hbm>>) target_semaphore(%run_scoped3A : memref<!tpu.dma_semaphore, #tpu.memory_space<semaphore_mem>>)
      %dma_wait3A_122 = arith.constant 0 : i32
      %dma_wait3A_123 = tpu.memref_slice %arg5[%arg0, %add3A_115, %dma_wait3A_122] : memref<2x10240x32xf32, #tpu.memory_space<hbm>> -> memref<1x128x32xf32, #tpu.memory_space<hbm>>
      %dma_wait3A_124 = tpu.memref_squeeze %dma_wait3A_123 : memref<1x128x32xf32, #tpu.memory_space<hbm>> -> memref<128x32xf32, #tpu.memory_space<hbm>>
      %dma_wait3A_125 = arith.constant 0 : i32
      %dma_wait3A_126 = tpu.memref_slice %arg5[%arg0, %add3A_115, %dma_wait3A_125] : memref<2x10240x32xf32, #tpu.memory_space<hbm>> -> memref<1x128x32xf32, #tpu.memory_space<hbm>>
      %dma_wait3A_127 = tpu.memref_squeeze %dma_wait3A_126 : memref<1x128x32xf32, #tpu.memory_space<hbm>> -> memref<128x32xf32, #tpu.memory_space<hbm>>
      tpu.wait_dma2 semaphore(%run_scoped3A : memref<!tpu.dma_semaphore, #tpu.memory_space<semaphore_mem>>) src(%arg8 : memref<128x32xf32, #tpu.memory_space<vmem>>) dst(%dma_wait3A_127 : memref<128x32xf32, #tpu.memory_space<hbm>>)
      tpu.yield
    }) : () -> ()
    return
  }
}

#map = affine_map<(d0, d1) -> (0, 0)>
#map1 = affine_map<(d0, d1) -> (0, 0, 0)>
module attributes {stable_mosaic.version = 14 : i64} {
  func.func @k(%arg0: i32, %arg1: i32, %arg2: memref<2560x128xi32, #tpu.memory_space<hbm>>, %arg3: memref<2560x128xi32, #tpu.memory_space<hbm>>, %arg4: memref<2x10240x32xf32, #tpu.memory_space<hbm>>, %arg5: memref<2x10240x32xf32, #tpu.memory_space<hbm>>, %arg6: memref<160x128xi32, #tpu.memory_space<vmem>>, %arg7: memref<160x128xi32, #tpu.memory_space<vmem>>, %arg8: memref<128x32xf32, #tpu.memory_space<vmem>>, %arg9: memref<128x32xf32, #tpu.memory_space<vmem>>, %arg10: memref<128x32xf32, #tpu.memory_space<vmem>>, %arg11: memref<128x32xf32, #tpu.memory_space<vmem>>, %arg12: memref<10240x32xf32, #tpu.memory_space<vmem_shared>>, %arg13: memref<10240x32xf32, #tpu.memory_space<vmem_shared>>, %arg14: memref<!tpu.dma_semaphore, #tpu.memory_space<semaphore_mem>>, %arg15: memref<!tpu.dma_semaphore, #tpu.memory_space<semaphore_mem>>, %arg16: memref<!tpu.dma_semaphore, #tpu.memory_space<semaphore_mem>>, %arg17: memref<!tpu.dma_semaphore, #tpu.memory_space<semaphore_mem>>, %arg18: memref<!tpu.dma_semaphore, #tpu.memory_space<semaphore_mem>>, %arg19: memref<!tpu.dma_semaphore, #tpu.memory_space<semaphore_mem>>, %arg20: memref<!tpu.dma_semaphore, #tpu.memory_space<semaphore_mem>>, %arg21: memref<!tpu.dma_semaphore, #tpu.memory_space<semaphore_mem>>) attributes {dimension_semantics = [#tpu.dimension_semantics<core_parallel>, #tpu.dimension_semantics<subcore_parallel>], iteration_bounds = array<i64: 2, 16>, scalar_prefetch = 0 : i64, scratch_operands = 16 : i64, tpu.core_type = #tpu.core_type<sc_vector_subcore>, window_params = [{transform_indices = #map}, {transform_indices = #map}, {transform_indices = #map1}, {transform_indices = #map1}]} {
    %mul3A = arith.constant 640 : i32
    %mul3A_0 = arith.muli %arg1, %mul3A : i32
    %add3A = arith.constant 0 : i32
    %add3A_1 = arith.addi %mul3A_0, %add3A : i32
    "tpu.region"() ({
      %run_scoped3A = tpu.sem_alloc : memref<!tpu.dma_semaphore, #tpu.memory_space<semaphore_mem>>
      %dma_start3A_116 = arith.constant 0 : i32
      %dma_start3A_117 = tpu.memref_slice %arg4[%arg0, %add3A_1, %dma_start3A_116] : memref<2x10240x32xf32, #tpu.memory_space<hbm>> -> memref<1x128x32xf32, #tpu.memory_space<hbm>>
      %dma_start3A_118 = tpu.memref_squeeze %dma_start3A_117 : memref<1x128x32xf32, #tpu.memory_space<hbm>> -> memref<128x32xf32, #tpu.memory_space<hbm>>
      %dma_start3A_119 = arith.constant 0 : i32
      %dma_start3A_120 = tpu.memref_slice %arg4[%arg0, %add3A_1, %dma_start3A_119] : memref<2x10240x32xf32, #tpu.memory_space<hbm>> -> memref<1x128x32xf32, #tpu.memory_space<hbm>>
      %dma_start3A_121 = tpu.memref_squeeze %dma_start3A_120 : memref<1x128x32xf32, #tpu.memory_space<hbm>> -> memref<128x32xf32, #tpu.memory_space<hbm>>
      tpu.enqueue_dma source(%dma_start3A_121 : memref<128x32xf32, #tpu.memory_space<hbm>>) target(%arg8 : memref<128x32xf32, #tpu.memory_space<vmem>>) target_semaphore(%run_scoped3A : memref<!tpu.dma_semaphore, #tpu.memory_space<semaphore_mem>>)
      %dma_wait3A_122 = arith.constant 0 : i32
      %dma_wait3A_123 = tpu.memref_slice %arg4[%arg0, %add3A_1, %dma_wait3A_122] : memref<2x10240x32xf32, #tpu.memory_space<hbm>> -> memref<1x128x32xf32, #tpu.memory_space<hbm>>
      %dma_wait3A_124 = tpu.memref_squeeze %dma_wait3A_123 : memref<1x128x32xf32, #tpu.memory_space<hbm>> -> memref<128x32xf32, #tpu.memory_space<hbm>>
      %dma_wait3A_125 = arith.constant 0 : i32
      %dma_wait3A_126 = tpu.memref_slice %arg4[%arg0, %add3A_1, %dma_wait3A_125] : memref<2x10240x32xf32, #tpu.memory_space<hbm>> -> memref<1x128x32xf32, #tpu.memory_space<hbm>>
      %dma_wait3A_127 = tpu.memref_squeeze %dma_wait3A_126 : memref<1x128x32xf32, #tpu.memory_space<hbm>> -> memref<128x32xf32, #tpu.memory_space<hbm>>
      tpu.wait_dma2 semaphore(%run_scoped3A : memref<!tpu.dma_semaphore, #tpu.memory_space<semaphore_mem>>) src(%dma_wait3A_127 : memref<128x32xf32, #tpu.memory_space<hbm>>) dst(%arg8 : memref<128x32xf32, #tpu.memory_space<vmem>>)
      tpu.yield
    }) : () -> ()
    "tpu.region"() ({
      %run_scoped3A = tpu.sem_alloc : memref<!tpu.dma_semaphore, #tpu.memory_space<semaphore_mem>>
      %dma_start3A_116 = arith.constant 0 : i32
      %dma_start3A_117 = tpu.memref_slice %arg13[%add3A_1, %dma_start3A_116] : memref<10240x32xf32, #tpu.memory_space<vmem_shared>> -> memref<128x32xf32, #tpu.memory_space<vmem_shared>>
      %dma_start3A_118 = arith.constant 0 : i32
      %dma_start3A_119 = tpu.memref_slice %arg13[%add3A_1, %dma_start3A_118] : memref<10240x32xf32, #tpu.memory_space<vmem_shared>> -> memref<128x32xf32, #tpu.memory_space<vmem_shared>>
      tpu.enqueue_dma source(%arg8 : memref<128x32xf32, #tpu.memory_space<vmem>>) target(%dma_start3A_119 : memref<128x32xf32, #tpu.memory_space<vmem_shared>>) target_semaphore(%run_scoped3A : memref<!tpu.dma_semaphore, #tpu.memory_space<semaphore_mem>>)
      %dma_wait3A_120 = arith.constant 0 : i32
      %dma_wait3A_121 = tpu.memref_slice %arg13[%add3A_1, %dma_wait3A_120] : memref<10240x32xf32, #tpu.memory_space<vmem_shared>> -> memref<128x32xf32, #tpu.memory_space<vmem_shared>>
      %dma_wait3A_122 = arith.constant 0 : i32
      %dma_wait3A_123 = tpu.memref_slice %arg13[%add3A_1, %dma_wait3A_122] : memref<10240x32xf32, #tpu.memory_space<vmem_shared>> -> memref<128x32xf32, #tpu.memory_space<vmem_shared>>
      tpu.wait_dma2 semaphore(%run_scoped3A : memref<!tpu.dma_semaphore, #tpu.memory_space<semaphore_mem>>) src(%arg8 : memref<128x32xf32, #tpu.memory_space<vmem>>) dst(%dma_wait3A_123 : memref<128x32xf32, #tpu.memory_space<vmem_shared>>)
      tpu.yield
    }) : () -> ()
    %mul3A_2 = arith.constant 640 : i32
    %mul3A_3 = arith.muli %arg1, %mul3A_2 : i32
    %add3A_4 = arith.constant 128 : i32
    %add3A_5 = arith.addi %mul3A_3, %add3A_4 : i32
    "tpu.region"() ({
      %run_scoped3A = tpu.sem_alloc : memref<!tpu.dma_semaphore, #tpu.memory_space<semaphore_mem>>
      %dma_start3A_116 = arith.constant 0 : i32
      %dma_start3A_117 = tpu.memref_slice %arg4[%arg0, %add3A_5, %dma_start3A_116] : memref<2x10240x32xf32, #tpu.memory_space<hbm>> -> memref<1x128x32xf32, #tpu.memory_space<hbm>>
      %dma_start3A_118 = tpu.memref_squeeze %dma_start3A_117 : memref<1x128x32xf32, #tpu.memory_space<hbm>> -> memref<128x32xf32, #tpu.memory_space<hbm>>
      %dma_start3A_119 = arith.constant 0 : i32
      %dma_start3A_120 = tpu.memref_slice %arg4[%arg0, %add3A_5, %dma_start3A_119] : memref<2x10240x32xf32, #tpu.memory_space<hbm>> -> memref<1x128x32xf32, #tpu.memory_space<hbm>>
      %dma_start3A_121 = tpu.memref_squeeze %dma_start3A_120 : memref<1x128x32xf32, #tpu.memory_space<hbm>> -> memref<128x32xf32, #tpu.memory_space<hbm>>
      tpu.enqueue_dma source(%dma_start3A_121 : memref<128x32xf32, #tpu.memory_space<hbm>>) target(%arg8 : memref<128x32xf32, #tpu.memory_space<vmem>>) target_semaphore(%run_scoped3A : memref<!tpu.dma_semaphore, #tpu.memory_space<semaphore_mem>>)
      %dma_wait3A_122 = arith.constant 0 : i32
      %dma_wait3A_123 = tpu.memref_slice %arg4[%arg0, %add3A_5, %dma_wait3A_122] : memref<2x10240x32xf32, #tpu.memory_space<hbm>> -> memref<1x128x32xf32, #tpu.memory_space<hbm>>
      %dma_wait3A_124 = tpu.memref_squeeze %dma_wait3A_123 : memref<1x128x32xf32, #tpu.memory_space<hbm>> -> memref<128x32xf32, #tpu.memory_space<hbm>>
      %dma_wait3A_125 = arith.constant 0 : i32
      %dma_wait3A_126 = tpu.memref_slice %arg4[%arg0, %add3A_5, %dma_wait3A_125] : memref<2x10240x32xf32, #tpu.memory_space<hbm>> -> memref<1x128x32xf32, #tpu.memory_space<hbm>>
      %dma_wait3A_127 = tpu.memref_squeeze %dma_wait3A_126 : memref<1x128x32xf32, #tpu.memory_space<hbm>> -> memref<128x32xf32, #tpu.memory_space<hbm>>
      tpu.wait_dma2 semaphore(%run_scoped3A : memref<!tpu.dma_semaphore, #tpu.memory_space<semaphore_mem>>) src(%dma_wait3A_127 : memref<128x32xf32, #tpu.memory_space<hbm>>) dst(%arg8 : memref<128x32xf32, #tpu.memory_space<vmem>>)
      tpu.yield
    }) : () -> ()
    "tpu.region"() ({
      %run_scoped3A = tpu.sem_alloc : memref<!tpu.dma_semaphore, #tpu.memory_space<semaphore_mem>>
      %dma_start3A_116 = arith.constant 0 : i32
      %dma_start3A_117 = tpu.memref_slice %arg13[%add3A_5, %dma_start3A_116] : memref<10240x32xf32, #tpu.memory_space<vmem_shared>> -> memref<128x32xf32, #tpu.memory_space<vmem_shared>>
      %dma_start3A_118 = arith.constant 0 : i32
      %dma_start3A_119 = tpu.memref_slice %arg13[%add3A_5, %dma_start3A_118] : memref<10240x32xf32, #tpu.memory_space<vmem_shared>> -> memref<128x32xf32, #tpu.memory_space<vmem_shared>>
      tpu.enqueue_dma source(%arg8 : memref<128x32xf32, #tpu.memory_space<vmem>>) target(%dma_start3A_119 : memref<128x32xf32, #tpu.memory_space<vmem_shared>>) target_semaphore(%run_scoped3A : memref<!tpu.dma_semaphore, #tpu.memory_space<semaphore_mem>>)
      %dma_wait3A_120 = arith.constant 0 : i32
      %dma_wait3A_121 = tpu.memref_slice %arg13[%add3A_5, %dma_wait3A_120] : memref<10240x32xf32, #tpu.memory_space<vmem_shared>> -> memref<128x32xf32, #tpu.memory_space<vmem_shared>>
      %dma_wait3A_122 = arith.constant 0 : i32
      %dma_wait3A_123 = tpu.memref_slice %arg13[%add3A_5, %dma_wait3A_122] : memref<10240x32xf32, #tpu.memory_space<vmem_shared>> -> memref<128x32xf32, #tpu.memory_space<vmem_shared>>
      tpu.wait_dma2 semaphore(%run_scoped3A : memref<!tpu.dma_semaphore, #tpu.memory_space<semaphore_mem>>) src(%arg8 : memref<128x32xf32, #tpu.memory_space<vmem>>) dst(%dma_wait3A_123 : memref<128x32xf32, #tpu.memory_space<vmem_shared>>)
      tpu.yield
    }) : () -> ()
    %mul3A_6 = arith.constant 640 : i32
    %mul3A_7 = arith.muli %arg1, %mul3A_6 : i32
    %add3A_8 = arith.constant 256 : i32
    %add3A_9 = arith.addi %mul3A_7, %add3A_8 : i32
    "tpu.region"() ({
      %run_scoped3A = tpu.sem_alloc : memref<!tpu.dma_semaphore, #tpu.memory_space<semaphore_mem>>
      %dma_start3A_116 = arith.constant 0 : i32
      %dma_start3A_117 = tpu.memref_slice %arg4[%arg0, %add3A_9, %dma_start3A_116] : memref<2x10240x32xf32, #tpu.memory_space<hbm>> -> memref<1x128x32xf32, #tpu.memory_space<hbm>>
      %dma_start3A_118 = tpu.memref_squeeze %dma_start3A_117 : memref<1x128x32xf32, #tpu.memory_space<hbm>> -> memref<128x32xf32, #tpu.memory_space<hbm>>
      %dma_start3A_119 = arith.constant 0 : i32
      %dma_start3A_120 = tpu.memref_slice %arg4[%arg0, %add3A_9, %dma_start3A_119] : memref<2x10240x32xf32, #tpu.memory_space<hbm>> -> memref<1x128x32xf32, #tpu.memory_space<hbm>>
      %dma_start3A_121 = tpu.memref_squeeze %dma_start3A_120 : memref<1x128x32xf32, #tpu.memory_space<hbm>> -> memref<128x32xf32, #tpu.memory_space<hbm>>
      tpu.enqueue_dma source(%dma_start3A_121 : memref<128x32xf32, #tpu.memory_space<hbm>>) target(%arg8 : memref<128x32xf32, #tpu.memory_space<vmem>>) target_semaphore(%run_scoped3A : memref<!tpu.dma_semaphore, #tpu.memory_space<semaphore_mem>>)
      %dma_wait3A_122 = arith.constant 0 : i32
      %dma_wait3A_123 = tpu.memref_slice %arg4[%arg0, %add3A_9, %dma_wait3A_122] : memref<2x10240x32xf32, #tpu.memory_space<hbm>> -> memref<1x128x32xf32, #tpu.memory_space<hbm>>
      %dma_wait3A_124 = tpu.memref_squeeze %dma_wait3A_123 : memref<1x128x32xf32, #tpu.memory_space<hbm>> -> memref<128x32xf32, #tpu.memory_space<hbm>>
      %dma_wait3A_125 = arith.constant 0 : i32
      %dma_wait3A_126 = tpu.memref_slice %arg4[%arg0, %add3A_9, %dma_wait3A_125] : memref<2x10240x32xf32, #tpu.memory_space<hbm>> -> memref<1x128x32xf32, #tpu.memory_space<hbm>>
      %dma_wait3A_127 = tpu.memref_squeeze %dma_wait3A_126 : memref<1x128x32xf32, #tpu.memory_space<hbm>> -> memref<128x32xf32, #tpu.memory_space<hbm>>
      tpu.wait_dma2 semaphore(%run_scoped3A : memref<!tpu.dma_semaphore, #tpu.memory_space<semaphore_mem>>) src(%dma_wait3A_127 : memref<128x32xf32, #tpu.memory_space<hbm>>) dst(%arg8 : memref<128x32xf32, #tpu.memory_space<vmem>>)
      tpu.yield
    }) : () -> ()
    "tpu.region"() ({
      %run_scoped3A = tpu.sem_alloc : memref<!tpu.dma_semaphore, #tpu.memory_space<semaphore_mem>>
      %dma_start3A_116 = arith.constant 0 : i32
      %dma_start3A_117 = tpu.memref_slice %arg13[%add3A_9, %dma_start3A_116] : memref<10240x32xf32, #tpu.memory_space<vmem_shared>> -> memref<128x32xf32, #tpu.memory_space<vmem_shared>>
      %dma_start3A_118 = arith.constant 0 : i32
      %dma_start3A_119 = tpu.memref_slice %arg13[%add3A_9, %dma_start3A_118] : memref<10240x32xf32, #tpu.memory_space<vmem_shared>> -> memref<128x32xf32, #tpu.memory_space<vmem_shared>>
      tpu.enqueue_dma source(%arg8 : memref<128x32xf32, #tpu.memory_space<vmem>>) target(%dma_start3A_119 : memref<128x32xf32, #tpu.memory_space<vmem_shared>>) target_semaphore(%run_scoped3A : memref<!tpu.dma_semaphore, #tpu.memory_space<semaphore_mem>>)
      %dma_wait3A_120 = arith.constant 0 : i32
      %dma_wait3A_121 = tpu.memref_slice %arg13[%add3A_9, %dma_wait3A_120] : memref<10240x32xf32, #tpu.memory_space<vmem_shared>> -> memref<128x32xf32, #tpu.memory_space<vmem_shared>>
      %dma_wait3A_122 = arith.constant 0 : i32
      %dma_wait3A_123 = tpu.memref_slice %arg13[%add3A_9, %dma_wait3A_122] : memref<10240x32xf32, #tpu.memory_space<vmem_shared>> -> memref<128x32xf32, #tpu.memory_space<vmem_shared>>
      tpu.wait_dma2 semaphore(%run_scoped3A : memref<!tpu.dma_semaphore, #tpu.memory_space<semaphore_mem>>) src(%arg8 : memref<128x32xf32, #tpu.memory_space<vmem>>) dst(%dma_wait3A_123 : memref<128x32xf32, #tpu.memory_space<vmem_shared>>)
      tpu.yield
    }) : () -> ()
    %mul3A_10 = arith.constant 640 : i32
    %mul3A_11 = arith.muli %arg1, %mul3A_10 : i32
    %add3A_12 = arith.constant 384 : i32
    %add3A_13 = arith.addi %mul3A_11, %add3A_12 : i32
    "tpu.region"() ({
      %run_scoped3A = tpu.sem_alloc : memref<!tpu.dma_semaphore, #tpu.memory_space<semaphore_mem>>
      %dma_start3A_116 = arith.constant 0 : i32
      %dma_start3A_117 = tpu.memref_slice %arg4[%arg0, %add3A_13, %dma_start3A_116] : memref<2x10240x32xf32, #tpu.memory_space<hbm>> -> memref<1x128x32xf32, #tpu.memory_space<hbm>>
      %dma_start3A_118 = tpu.memref_squeeze %dma_start3A_117 : memref<1x128x32xf32, #tpu.memory_space<hbm>> -> memref<128x32xf32, #tpu.memory_space<hbm>>
      %dma_start3A_119 = arith.constant 0 : i32
      %dma_start3A_120 = tpu.memref_slice %arg4[%arg0, %add3A_13, %dma_start3A_119] : memref<2x10240x32xf32, #tpu.memory_space<hbm>> -> memref<1x128x32xf32, #tpu.memory_space<hbm>>
      %dma_start3A_121 = tpu.memref_squeeze %dma_start3A_120 : memref<1x128x32xf32, #tpu.memory_space<hbm>> -> memref<128x32xf32, #tpu.memory_space<hbm>>
      tpu.enqueue_dma source(%dma_start3A_121 : memref<128x32xf32, #tpu.memory_space<hbm>>) target(%arg8 : memref<128x32xf32, #tpu.memory_space<vmem>>) target_semaphore(%run_scoped3A : memref<!tpu.dma_semaphore, #tpu.memory_space<semaphore_mem>>)
      %dma_wait3A_122 = arith.constant 0 : i32
      %dma_wait3A_123 = tpu.memref_slice %arg4[%arg0, %add3A_13, %dma_wait3A_122] : memref<2x10240x32xf32, #tpu.memory_space<hbm>> -> memref<1x128x32xf32, #tpu.memory_space<hbm>>
      %dma_wait3A_124 = tpu.memref_squeeze %dma_wait3A_123 : memref<1x128x32xf32, #tpu.memory_space<hbm>> -> memref<128x32xf32, #tpu.memory_space<hbm>>
      %dma_wait3A_125 = arith.constant 0 : i32
      %dma_wait3A_126 = tpu.memref_slice %arg4[%arg0, %add3A_13, %dma_wait3A_125] : memref<2x10240x32xf32, #tpu.memory_space<hbm>> -> memref<1x128x32xf32, #tpu.memory_space<hbm>>
      %dma_wait3A_127 = tpu.memref_squeeze %dma_wait3A_126 : memref<1x128x32xf32, #tpu.memory_space<hbm>> -> memref<128x32xf32, #tpu.memory_space<hbm>>
      tpu.wait_dma2 semaphore(%run_scoped3A : memref<!tpu.dma_semaphore, #tpu.memory_space<semaphore_mem>>) src(%dma_wait3A_127 : memref<128x32xf32, #tpu.memory_space<hbm>>) dst(%arg8 : memref<128x32xf32, #tpu.memory_space<vmem>>)
      tpu.yield
    }) : () -> ()
    "tpu.region"() ({
      %run_scoped3A = tpu.sem_alloc : memref<!tpu.dma_semaphore, #tpu.memory_space<semaphore_mem>>
      %dma_start3A_116 = arith.constant 0 : i32
      %dma_start3A_117 = tpu.memref_slice %arg13[%add3A_13, %dma_start3A_116] : memref<10240x32xf32, #tpu.memory_space<vmem_shared>> -> memref<128x32xf32, #tpu.memory_space<vmem_shared>>
      %dma_start3A_118 = arith.constant 0 : i32
      %dma_start3A_119 = tpu.memref_slice %arg13[%add3A_13, %dma_start3A_118] : memref<10240x32xf32, #tpu.memory_space<vmem_shared>> -> memref<128x32xf32, #tpu.memory_space<vmem_shared>>
      tpu.enqueue_dma source(%arg8 : memref<128x32xf32, #tpu.memory_space<vmem>>) target(%dma_start3A_119 : memref<128x32xf32, #tpu.memory_space<vmem_shared>>) target_semaphore(%run_scoped3A : memref<!tpu.dma_semaphore, #tpu.memory_space<semaphore_mem>>)
      %dma_wait3A_120 = arith.constant 0 : i32
      %dma_wait3A_121 = tpu.memref_slice %arg13[%add3A_13, %dma_wait3A_120] : memref<10240x32xf32, #tpu.memory_space<vmem_shared>> -> memref<128x32xf32, #tpu.memory_space<vmem_shared>>
      %dma_wait3A_122 = arith.constant 0 : i32
      %dma_wait3A_123 = tpu.memref_slice %arg13[%add3A_13, %dma_wait3A_122] : memref<10240x32xf32, #tpu.memory_space<vmem_shared>> -> memref<128x32xf32, #tpu.memory_space<vmem_shared>>
      tpu.wait_dma2 semaphore(%run_scoped3A : memref<!tpu.dma_semaphore, #tpu.memory_space<semaphore_mem>>) src(%arg8 : memref<128x32xf32, #tpu.memory_space<vmem>>) dst(%dma_wait3A_123 : memref<128x32xf32, #tpu.memory_space<vmem_shared>>)
      tpu.yield
    }) : () -> ()
    %mul3A_14 = arith.constant 640 : i32
    %mul3A_15 = arith.muli %arg1, %mul3A_14 : i32
    %add3A_16 = arith.constant 512 : i32
    %add3A_17 = arith.addi %mul3A_15, %add3A_16 : i32
    "tpu.region"() ({
      %run_scoped3A = tpu.sem_alloc : memref<!tpu.dma_semaphore, #tpu.memory_space<semaphore_mem>>
      %dma_start3A_116 = arith.constant 0 : i32
      %dma_start3A_117 = tpu.memref_slice %arg4[%arg0, %add3A_17, %dma_start3A_116] : memref<2x10240x32xf32, #tpu.memory_space<hbm>> -> memref<1x128x32xf32, #tpu.memory_space<hbm>>
      %dma_start3A_118 = tpu.memref_squeeze %dma_start3A_117 : memref<1x128x32xf32, #tpu.memory_space<hbm>> -> memref<128x32xf32, #tpu.memory_space<hbm>>
      %dma_start3A_119 = arith.constant 0 : i32
      %dma_start3A_120 = tpu.memref_slice %arg4[%arg0, %add3A_17, %dma_start3A_119] : memref<2x10240x32xf32, #tpu.memory_space<hbm>> -> memref<1x128x32xf32, #tpu.memory_space<hbm>>
      %dma_start3A_121 = tpu.memref_squeeze %dma_start3A_120 : memref<1x128x32xf32, #tpu.memory_space<hbm>> -> memref<128x32xf32, #tpu.memory_space<hbm>>
      tpu.enqueue_dma source(%dma_start3A_121 : memref<128x32xf32, #tpu.memory_space<hbm>>) target(%arg8 : memref<128x32xf32, #tpu.memory_space<vmem>>) target_semaphore(%run_scoped3A : memref<!tpu.dma_semaphore, #tpu.memory_space<semaphore_mem>>)
      %dma_wait3A_122 = arith.constant 0 : i32
      %dma_wait3A_123 = tpu.memref_slice %arg4[%arg0, %add3A_17, %dma_wait3A_122] : memref<2x10240x32xf32, #tpu.memory_space<hbm>> -> memref<1x128x32xf32, #tpu.memory_space<hbm>>
      %dma_wait3A_124 = tpu.memref_squeeze %dma_wait3A_123 : memref<1x128x32xf32, #tpu.memory_space<hbm>> -> memref<128x32xf32, #tpu.memory_space<hbm>>
      %dma_wait3A_125 = arith.constant 0 : i32
      %dma_wait3A_126 = tpu.memref_slice %arg4[%arg0, %add3A_17, %dma_wait3A_125] : memref<2x10240x32xf32, #tpu.memory_space<hbm>> -> memref<1x128x32xf32, #tpu.memory_space<hbm>>
      %dma_wait3A_127 = tpu.memref_squeeze %dma_wait3A_126 : memref<1x128x32xf32, #tpu.memory_space<hbm>> -> memref<128x32xf32, #tpu.memory_space<hbm>>
      tpu.wait_dma2 semaphore(%run_scoped3A : memref<!tpu.dma_semaphore, #tpu.memory_space<semaphore_mem>>) src(%dma_wait3A_127 : memref<128x32xf32, #tpu.memory_space<hbm>>) dst(%arg8 : memref<128x32xf32, #tpu.memory_space<vmem>>)
      tpu.yield
    }) : () -> ()
    "tpu.region"() ({
      %run_scoped3A = tpu.sem_alloc : memref<!tpu.dma_semaphore, #tpu.memory_space<semaphore_mem>>
      %dma_start3A_116 = arith.constant 0 : i32
      %dma_start3A_117 = tpu.memref_slice %arg13[%add3A_17, %dma_start3A_116] : memref<10240x32xf32, #tpu.memory_space<vmem_shared>> -> memref<128x32xf32, #tpu.memory_space<vmem_shared>>
      %dma_start3A_118 = arith.constant 0 : i32
      %dma_start3A_119 = tpu.memref_slice %arg13[%add3A_17, %dma_start3A_118] : memref<10240x32xf32, #tpu.memory_space<vmem_shared>> -> memref<128x32xf32, #tpu.memory_space<vmem_shared>>
      tpu.enqueue_dma source(%arg8 : memref<128x32xf32, #tpu.memory_space<vmem>>) target(%dma_start3A_119 : memref<128x32xf32, #tpu.memory_space<vmem_shared>>) target_semaphore(%run_scoped3A : memref<!tpu.dma_semaphore, #tpu.memory_space<semaphore_mem>>)
      %dma_wait3A_120 = arith.constant 0 : i32
      %dma_wait3A_121 = tpu.memref_slice %arg13[%add3A_17, %dma_wait3A_120] : memref<10240x32xf32, #tpu.memory_space<vmem_shared>> -> memref<128x32xf32, #tpu.memory_space<vmem_shared>>
      %dma_wait3A_122 = arith.constant 0 : i32
      %dma_wait3A_123 = tpu.memref_slice %arg13[%add3A_17, %dma_wait3A_122] : memref<10240x32xf32, #tpu.memory_space<vmem_shared>> -> memref<128x32xf32, #tpu.memory_space<vmem_shared>>
      tpu.wait_dma2 semaphore(%run_scoped3A : memref<!tpu.dma_semaphore, #tpu.memory_space<semaphore_mem>>) src(%arg8 : memref<128x32xf32, #tpu.memory_space<vmem>>) dst(%dma_wait3A_123 : memref<128x32xf32, #tpu.memory_space<vmem_shared>>)
      tpu.yield
    }) : () -> ()
    %scan3A = arith.constant 0 : i32
    %scan3A_18 = arith.constant 0 : i32
    %scan3A_19 = arith.constant 128 : i32
    %scan3A_20 = arith.addi %scan3A_18, %scan3A_19 : i32
    %scan3A_21 = arith.constant 1 : i32
    %scan3A_22 = scf.for %scan3A_116 = %scan3A_18 to %scan3A_20 step %scan3A_21 iter_args(%scan3A_117 = %scan3A) -> (i32)  : i32 {
      %broadcast_in_dim3A = arith.constant 0.000000e+00 : f32
      %broadcast_in_dim3A_118 = vector.broadcast %broadcast_in_dim3A : f32 to vector<16xf32>
      %swap3A = arith.index_cast %scan3A_116 : i32 to index
      %swap3A_119 = arith.constant 0 : index
      %swap3A_120 = tpu.vector_load %arg8[%swap3A, %swap3A_119] {strides = array<i32>} : memref<128x32xf32, #tpu.memory_space<vmem>>, vector<1x16xf32>,
      %swap3A_121 = vector.shape_cast %swap3A_120 : vector<1x16xf32> to vector<16xf32>
      %swap3A_122 = vector.shape_cast %broadcast_in_dim3A_118 : vector<16xf32> to vector<1x16xf32>
      tpu.vector_store %arg8[%swap3A, %swap3A_119], %swap3A_122 {strides = array<i32>} : memref<128x32xf32, #tpu.memory_space<vmem>>, vector<1x16xf32>,
      %broadcast_in_dim3A_123 = arith.constant 0.000000e+00 : f32
      %broadcast_in_dim3A_124 = vector.broadcast %broadcast_in_dim3A_123 : f32 to vector<16xf32>
      %swap3A_125 = arith.index_cast %scan3A_116 : i32 to index
      %swap3A_126 = arith.constant 16 : index
      %swap3A_127 = tpu.vector_load %arg8[%swap3A_125, %swap3A_126] {strides = array<i32>} : memref<128x32xf32, #tpu.memory_space<vmem>>, vector<1x16xf32>,
      %swap3A_128 = vector.shape_cast %swap3A_127 : vector<1x16xf32> to vector<16xf32>
      %swap3A_129 = vector.shape_cast %broadcast_in_dim3A_124 : vector<16xf32> to vector<1x16xf32>
      tpu.vector_store %arg8[%swap3A_125, %swap3A_126], %swap3A_129 {strides = array<i32>} : memref<128x32xf32, #tpu.memory_space<vmem>>, vector<1x16xf32>,
      %scan3A_130 = arith.constant 0 : i32
      scf.yield %scan3A_130 : i32
    }
    %scan3A_23 = arith.constant 128 : i32
    %mul3A_24 = arith.constant 640 : i32
    %mul3A_25 = arith.muli %arg1, %mul3A_24 : i32
    %add3A_26 = arith.constant 0 : i32
    %add3A_27 = arith.addi %mul3A_25, %add3A_26 : i32
    "tpu.region"() ({
      %run_scoped3A = tpu.sem_alloc : memref<!tpu.dma_semaphore, #tpu.memory_space<semaphore_mem>>
      %dma_start3A_116 = arith.constant 0 : i32
      %dma_start3A_117 = tpu.memref_slice %arg12[%add3A_27, %dma_start3A_116] : memref<10240x32xf32, #tpu.memory_space<vmem_shared>> -> memref<128x32xf32, #tpu.memory_space<vmem_shared>>
      %dma_start3A_118 = arith.constant 0 : i32
      %dma_start3A_119 = tpu.memref_slice %arg12[%add3A_27, %dma_start3A_118] : memref<10240x32xf32, #tpu.memory_space<vmem_shared>> -> memref<128x32xf32, #tpu.memory_space<vmem_shared>>
      tpu.enqueue_dma source(%arg8 : memref<128x32xf32, #tpu.memory_space<vmem>>) target(%dma_start3A_119 : memref<128x32xf32, #tpu.memory_space<vmem_shared>>) target_semaphore(%run_scoped3A : memref<!tpu.dma_semaphore, #tpu.memory_space<semaphore_mem>>)
      %dma_wait3A_120 = arith.constant 0 : i32
      %dma_wait3A_121 = tpu.memref_slice %arg12[%add3A_27, %dma_wait3A_120] : memref<10240x32xf32, #tpu.memory_space<vmem_shared>> -> memref<128x32xf32, #tpu.memory_space<vmem_shared>>
      %dma_wait3A_122 = arith.constant 0 : i32
      %dma_wait3A_123 = tpu.memref_slice %arg12[%add3A_27, %dma_wait3A_122] : memref<10240x32xf32, #tpu.memory_space<vmem_shared>> -> memref<128x32xf32, #tpu.memory_space<vmem_shared>>
      tpu.wait_dma2 semaphore(%run_scoped3A : memref<!tpu.dma_semaphore, #tpu.memory_space<semaphore_mem>>) src(%arg8 : memref<128x32xf32, #tpu.memory_space<vmem>>) dst(%dma_wait3A_123 : memref<128x32xf32, #tpu.memory_space<vmem_shared>>)
      tpu.yield
    }) : () -> ()
    %mul3A_28 = arith.constant 640 : i32
    %mul3A_29 = arith.muli %arg1, %mul3A_28 : i32
    %add3A_30 = arith.constant 128 : i32
    %add3A_31 = arith.addi %mul3A_29, %add3A_30 : i32
    "tpu.region"() ({
      %run_scoped3A = tpu.sem_alloc : memref<!tpu.dma_semaphore, #tpu.memory_space<semaphore_mem>>
      %dma_start3A_116 = arith.constant 0 : i32
      %dma_start3A_117 = tpu.memref_slice %arg12[%add3A_31, %dma_start3A_116] : memref<10240x32xf32, #tpu.memory_space<vmem_shared>> -> memref<128x32xf32, #tpu.memory_space<vmem_shared>>
      %dma_start3A_118 = arith.constant 0 : i32
      %dma_start3A_119 = tpu.memref_slice %arg12[%add3A_31, %dma_start3A_118] : memref<10240x32xf32, #tpu.memory_space<vmem_shared>> -> memref<128x32xf32, #tpu.memory_space<vmem_shared>>
      tpu.enqueue_dma source(%arg8 : memref<128x32xf32, #tpu.memory_space<vmem>>) target(%dma_start3A_119 : memref<128x32xf32, #tpu.memory_space<vmem_shared>>) target_semaphore(%run_scoped3A : memref<!tpu.dma_semaphore, #tpu.memory_space<semaphore_mem>>)
      %dma_wait3A_120 = arith.constant 0 : i32
      %dma_wait3A_121 = tpu.memref_slice %arg12[%add3A_31, %dma_wait3A_120] : memref<10240x32xf32, #tpu.memory_space<vmem_shared>> -> memref<128x32xf32, #tpu.memory_space<vmem_shared>>
      %dma_wait3A_122 = arith.constant 0 : i32
      %dma_wait3A_123 = tpu.memref_slice %arg12[%add3A_31, %dma_wait3A_122] : memref<10240x32xf32, #tpu.memory_space<vmem_shared>> -> memref<128x32xf32, #tpu.memory_space<vmem_shared>>
      tpu.wait_dma2 semaphore(%run_scoped3A : memref<!tpu.dma_semaphore, #tpu.memory_space<semaphore_mem>>) src(%arg8 : memref<128x32xf32, #tpu.memory_space<vmem>>) dst(%dma_wait3A_123 : memref<128x32xf32, #tpu.memory_space<vmem_shared>>)
      tpu.yield
    }) : () -> ()
    %mul3A_32 = arith.constant 640 : i32
    %mul3A_33 = arith.muli %arg1, %mul3A_32 : i32
    %add3A_34 = arith.constant 256 : i32
    %add3A_35 = arith.addi %mul3A_33, %add3A_34 : i32
    "tpu.region"() ({
      %run_scoped3A = tpu.sem_alloc : memref<!tpu.dma_semaphore, #tpu.memory_space<semaphore_mem>>
      %dma_start3A_116 = arith.constant 0 : i32
      %dma_start3A_117 = tpu.memref_slice %arg12[%add3A_35, %dma_start3A_116] : memref<10240x32xf32, #tpu.memory_space<vmem_shared>> -> memref<128x32xf32, #tpu.memory_space<vmem_shared>>
      %dma_start3A_118 = arith.constant 0 : i32
      %dma_start3A_119 = tpu.memref_slice %arg12[%add3A_35, %dma_start3A_118] : memref<10240x32xf32, #tpu.memory_space<vmem_shared>> -> memref<128x32xf32, #tpu.memory_space<vmem_shared>>
      tpu.enqueue_dma source(%arg8 : memref<128x32xf32, #tpu.memory_space<vmem>>) target(%dma_start3A_119 : memref<128x32xf32, #tpu.memory_space<vmem_shared>>) target_semaphore(%run_scoped3A : memref<!tpu.dma_semaphore, #tpu.memory_space<semaphore_mem>>)
      %dma_wait3A_120 = arith.constant 0 : i32
      %dma_wait3A_121 = tpu.memref_slice %arg12[%add3A_35, %dma_wait3A_120] : memref<10240x32xf32, #tpu.memory_space<vmem_shared>> -> memref<128x32xf32, #tpu.memory_space<vmem_shared>>
      %dma_wait3A_122 = arith.constant 0 : i32
      %dma_wait3A_123 = tpu.memref_slice %arg12[%add3A_35, %dma_wait3A_122] : memref<10240x32xf32, #tpu.memory_space<vmem_shared>> -> memref<128x32xf32, #tpu.memory_space<vmem_shared>>
      tpu.wait_dma2 semaphore(%run_scoped3A : memref<!tpu.dma_semaphore, #tpu.memory_space<semaphore_mem>>) src(%arg8 : memref<128x32xf32, #tpu.memory_space<vmem>>) dst(%dma_wait3A_123 : memref<128x32xf32, #tpu.memory_space<vmem_shared>>)
      tpu.yield
    }) : () -> ()
    %mul3A_36 = arith.constant 640 : i32
    %mul3A_37 = arith.muli %arg1, %mul3A_36 : i32
    %add3A_38 = arith.constant 384 : i32
    %add3A_39 = arith.addi %mul3A_37, %add3A_38 : i32
    "tpu.region"() ({
      %run_scoped3A = tpu.sem_alloc : memref<!tpu.dma_semaphore, #tpu.memory_space<semaphore_mem>>
      %dma_start3A_116 = arith.constant 0 : i32
      %dma_start3A_117 = tpu.memref_slice %arg12[%add3A_39, %dma_start3A_116] : memref<10240x32xf32, #tpu.memory_space<vmem_shared>> -> memref<128x32xf32, #tpu.memory_space<vmem_shared>>
      %dma_start3A_118 = arith.constant 0 : i32
      %dma_start3A_119 = tpu.memref_slice %arg12[%add3A_39, %dma_start3A_118] : memref<10240x32xf32, #tpu.memory_space<vmem_shared>> -> memref<128x32xf32, #tpu.memory_space<vmem_shared>>
      tpu.enqueue_dma source(%arg8 : memref<128x32xf32, #tpu.memory_space<vmem>>) target(%dma_start3A_119 : memref<128x32xf32, #tpu.memory_space<vmem_shared>>) target_semaphore(%run_scoped3A : memref<!tpu.dma_semaphore, #tpu.memory_space<semaphore_mem>>)
      %dma_wait3A_120 = arith.constant 0 : i32
      %dma_wait3A_121 = tpu.memref_slice %arg12[%add3A_39, %dma_wait3A_120] : memref<10240x32xf32, #tpu.memory_space<vmem_shared>> -> memref<128x32xf32, #tpu.memory_space<vmem_shared>>
      %dma_wait3A_122 = arith.constant 0 : i32
      %dma_wait3A_123 = tpu.memref_slice %arg12[%add3A_39, %dma_wait3A_122] : memref<10240x32xf32, #tpu.memory_space<vmem_shared>> -> memref<128x32xf32, #tpu.memory_space<vmem_shared>>
      tpu.wait_dma2 semaphore(%run_scoped3A : memref<!tpu.dma_semaphore, #tpu.memory_space<semaphore_mem>>) src(%arg8 : memref<128x32xf32, #tpu.memory_space<vmem>>) dst(%dma_wait3A_123 : memref<128x32xf32, #tpu.memory_space<vmem_shared>>)
      tpu.yield
    }) : () -> ()
    %mul3A_40 = arith.constant 640 : i32
    %mul3A_41 = arith.muli %arg1, %mul3A_40 : i32
    %add3A_42 = arith.constant 512 : i32
    %add3A_43 = arith.addi %mul3A_41, %add3A_42 : i32
    "tpu.region"() ({
      %run_scoped3A = tpu.sem_alloc : memref<!tpu.dma_semaphore, #tpu.memory_space<semaphore_mem>>
      %dma_start3A_116 = arith.constant 0 : i32
      %dma_start3A_117 = tpu.memref_slice %arg12[%add3A_43, %dma_start3A_116] : memref<10240x32xf32, #tpu.memory_space<vmem_shared>> -> memref<128x32xf32, #tpu.memory_space<vmem_shared>>
      %dma_start3A_118 = arith.constant 0 : i32
      %dma_start3A_119 = tpu.memref_slice %arg12[%add3A_43, %dma_start3A_118] : memref<10240x32xf32, #tpu.memory_space<vmem_shared>> -> memref<128x32xf32, #tpu.memory_space<vmem_shared>>
      tpu.enqueue_dma source(%arg8 : memref<128x32xf32, #tpu.memory_space<vmem>>) target(%dma_start3A_119 : memref<128x32xf32, #tpu.memory_space<vmem_shared>>) target_semaphore(%run_scoped3A : memref<!tpu.dma_semaphore, #tpu.memory_space<semaphore_mem>>)
      %dma_wait3A_120 = arith.constant 0 : i32
      %dma_wait3A_121 = tpu.memref_slice %arg12[%add3A_43, %dma_wait3A_120] : memref<10240x32xf32, #tpu.memory_space<vmem_shared>> -> memref<128x32xf32, #tpu.memory_space<vmem_shared>>
      %dma_wait3A_122 = arith.constant 0 : i32
      %dma_wait3A_123 = tpu.memref_slice %arg12[%add3A_43, %dma_wait3A_122] : memref<10240x32xf32, #tpu.memory_space<vmem_shared>> -> memref<128x32xf32, #tpu.memory_space<vmem_shared>>
      tpu.wait_dma2 semaphore(%run_scoped3A : memref<!tpu.dma_semaphore, #tpu.memory_space<semaphore_mem>>) src(%arg8 : memref<128x32xf32, #tpu.memory_space<vmem>>) dst(%dma_wait3A_123 : memref<128x32xf32, #tpu.memory_space<vmem_shared>>)
      tpu.yield
    }) : () -> ()
    %mul3A_44 = arith.constant 160 : i32
    %mul3A_45 = arith.muli %arg1, %mul3A_44 : i32
    "tpu.region"() ({
      %run_scoped3A = tpu.sem_alloc : memref<!tpu.dma_semaphore, #tpu.memory_space<semaphore_mem>>
      %dma_start3A_116 = arith.constant 0 : i32
      %dma_start3A_117 = tpu.memref_slice %arg2[%mul3A_45, %dma_start3A_116] : memref<2560x128xi32, #tpu.memory_space<hbm>> -> memref<160x128xi32, #tpu.memory_space<hbm>>
      %dma_start3A_118 = arith.constant 0 : i32
      %dma_start3A_119 = tpu.memref_slice %arg2[%mul3A_45, %dma_start3A_118] : memref<2560x128xi32, #tpu.memory_space<hbm>> -> memref<160x128xi32, #tpu.memory_space<hbm>>
      tpu.enqueue_dma source(%dma_start3A_119 : memref<160x128xi32, #tpu.memory_space<hbm>>) target(%arg6 : memref<160x128xi32, #tpu.memory_space<vmem>>) target_semaphore(%run_scoped3A : memref<!tpu.dma_semaphore, #tpu.memory_space<semaphore_mem>>)
      %dma_wait3A_120 = arith.constant 0 : i32
      %dma_wait3A_121 = tpu.memref_slice %arg2[%mul3A_45, %dma_wait3A_120] : memref<2560x128xi32, #tpu.memory_space<hbm>> -> memref<160x128xi32, #tpu.memory_space<hbm>>
      %dma_wait3A_122 = arith.constant 0 : i32
      %dma_wait3A_123 = tpu.memref_slice %arg2[%mul3A_45, %dma_wait3A_122] : memref<2560x128xi32, #tpu.memory_space<hbm>> -> memref<160x128xi32, #tpu.memory_space<hbm>>
      tpu.wait_dma2 semaphore(%run_scoped3A : memref<!tpu.dma_semaphore, #tpu.memory_space<semaphore_mem>>) src(%dma_wait3A_123 : memref<160x128xi32, #tpu.memory_space<hbm>>) dst(%arg6 : memref<160x128xi32, #tpu.memory_space<vmem>>)
      tpu.yield
    }) : () -> ()
    %mul3A_46 = arith.constant 160 : i32
    %mul3A_47 = arith.muli %arg1, %mul3A_46 : i32
    "tpu.region"() ({
      %run_scoped3A = tpu.sem_alloc : memref<!tpu.dma_semaphore, #tpu.memory_space<semaphore_mem>>
      %dma_start3A_116 = arith.constant 0 : i32
      %dma_start3A_117 = tpu.memref_slice %arg3[%mul3A_47, %dma_start3A_116] : memref<2560x128xi32, #tpu.memory_space<hbm>> -> memref<160x128xi32, #tpu.memory_space<hbm>>
      %dma_start3A_118 = arith.constant 0 : i32
      %dma_start3A_119 = tpu.memref_slice %arg3[%mul3A_47, %dma_start3A_118] : memref<2560x128xi32, #tpu.memory_space<hbm>> -> memref<160x128xi32, #tpu.memory_space<hbm>>
      tpu.enqueue_dma source(%dma_start3A_119 : memref<160x128xi32, #tpu.memory_space<hbm>>) target(%arg7 : memref<160x128xi32, #tpu.memory_space<vmem>>) target_semaphore(%run_scoped3A : memref<!tpu.dma_semaphore, #tpu.memory_space<semaphore_mem>>)
      %dma_wait3A_120 = arith.constant 0 : i32
      %dma_wait3A_121 = tpu.memref_slice %arg3[%mul3A_47, %dma_wait3A_120] : memref<2560x128xi32, #tpu.memory_space<hbm>> -> memref<160x128xi32, #tpu.memory_space<hbm>>
      %dma_wait3A_122 = arith.constant 0 : i32
      %dma_wait3A_123 = tpu.memref_slice %arg3[%mul3A_47, %dma_wait3A_122] : memref<2560x128xi32, #tpu.memory_space<hbm>> -> memref<160x128xi32, #tpu.memory_space<hbm>>
      tpu.wait_dma2 semaphore(%run_scoped3A : memref<!tpu.dma_semaphore, #tpu.memory_space<semaphore_mem>>) src(%dma_wait3A_123 : memref<160x128xi32, #tpu.memory_space<hbm>>) dst(%arg7 : memref<160x128xi32, #tpu.memory_space<vmem>>)
      tpu.yield
    }) : () -> ()
    %barrier3A = arith.constant 0 : index
    tpu.barrier barrier_id(%barrier3A)
    %dma_start3A = arith.constant 0 : i32
    %dma_start3A_48 = arith.constant 0 : i32
    %dma_start3A_49 = tpu.memref_slice %arg6[%dma_start3A, %dma_start3A_48] : memref<160x128xi32, #tpu.memory_space<vmem>> -> memref<1x128xi32, #tpu.memory_space<vmem>>
    %dma_start3A_50 = tpu.memref_squeeze %dma_start3A_49 : memref<1x128xi32, #tpu.memory_space<vmem>> -> memref<128xi32, #tpu.memory_space<vmem>>
    %dma_start3A_51 = arith.constant 0 : i32
    %dma_start3A_52 = arith.constant 0 : i32
    %dma_start3A_53 = tpu.memref_slice %arg13[%dma_start3A_51, %dma_start3A_52] : memref<10240x32xf32, #tpu.memory_space<vmem_shared>> -> memref<10240x32xf32, #tpu.memory_space<vmem_shared>>
    tpu.enqueue_indirect_dma source(%dma_start3A_53 : memref<10240x32xf32, #tpu.memory_space<vmem_shared>>) target(%arg8 : memref<128x32xf32, #tpu.memory_space<vmem>>) offsets(%dma_start3A_50 : memref<128xi32, #tpu.memory_space<vmem>>) semaphore(%arg14 : memref<!tpu.dma_semaphore, #tpu.memory_space<semaphore_mem>>)
    %dma_start3A_54 = arith.constant 1 : i32
    %dma_start3A_55 = arith.constant 0 : i32
    %dma_start3A_56 = tpu.memref_slice %arg6[%dma_start3A_54, %dma_start3A_55] : memref<160x128xi32, #tpu.memory_space<vmem>> -> memref<1x128xi32, #tpu.memory_space<vmem>>
    %dma_start3A_57 = tpu.memref_squeeze %dma_start3A_56 : memref<1x128xi32, #tpu.memory_space<vmem>> -> memref<128xi32, #tpu.memory_space<vmem>>
    %dma_start3A_58 = arith.constant 0 : i32
    %dma_start3A_59 = arith.constant 0 : i32
    %dma_start3A_60 = tpu.memref_slice %arg13[%dma_start3A_58, %dma_start3A_59] : memref<10240x32xf32, #tpu.memory_space<vmem_shared>> -> memref<10240x32xf32, #tpu.memory_space<vmem_shared>>
    tpu.enqueue_indirect_dma source(%dma_start3A_60 : memref<10240x32xf32, #tpu.memory_space<vmem_shared>>) target(%arg9 : memref<128x32xf32, #tpu.memory_space<vmem>>) offsets(%dma_start3A_57 : memref<128xi32, #tpu.memory_space<vmem>>) semaphore(%arg15 : memref<!tpu.dma_semaphore, #tpu.memory_space<semaphore_mem>>)
    %scan3A_61 = arith.constant 0 : i32
    %scan3A_62 = arith.constant 0 : i32
    %scan3A_63 = arith.constant 40 : i32
    %scan3A_64 = arith.addi %scan3A_62, %scan3A_63 : i32
    %scan3A_65 = arith.constant 1 : i32
    %scan3A_66 = scf.for %scan3A_116 = %scan3A_62 to %scan3A_64 step %scan3A_65 iter_args(%scan3A_117 = %scan3A_61) -> (i32)  : i32 {
      %mul3A_118 = arith.constant 4 : i32
      %mul3A_119 = arith.muli %mul3A_118, %scan3A_116 : i32
      %add3A_120 = arith.constant 0 : i32
      %add3A_121 = arith.addi %mul3A_119, %add3A_120 : i32
      %add3A_122 = arith.constant 2 : i32
      %add3A_123 = arith.addi %add3A_121, %add3A_122 : i32
      %ge3A = arith.constant 4 : i32
      %ge3A_124 = arith.cmpi sge, %add3A_123, %ge3A : i32
      %lt3A = arith.constant 160 : i32
      %lt3A_125 = arith.cmpi slt, %add3A_123, %lt3A : i32
      %and3A = arith.andi %ge3A_124, %lt3A_125 : i1
      %convert_element_type3A = arith.extui %and3A : i1 to i32
      %cond3A = arith.constant 0 : i32
      %cond3A_126 = arith.cmpi ne, %convert_element_type3A, %cond3A : i32
      scf.if %cond3A_126 {
        %sub3A = arith.constant 4 : i32
        %sub3A_238 = arith.subi %add3A_123, %sub3A : i32
        %dma_wait3A_239 = arith.constant 0 : i32
        %dma_wait3A_240 = tpu.memref_slice %arg7[%sub3A_238, %dma_wait3A_239] : memref<160x128xi32, #tpu.memory_space<vmem>> -> memref<1x128xi32, #tpu.memory_space<vmem>>
        %dma_wait3A_241 = tpu.memref_squeeze %dma_wait3A_240 : memref<1x128xi32, #tpu.memory_space<vmem>> -> memref<128xi32, #tpu.memory_space<vmem>>
        %dma_wait3A_242 = arith.constant 0 : i32
        %dma_wait3A_243 = arith.constant 0 : i32
        %dma_wait3A_244 = tpu.memref_slice %arg12[%dma_wait3A_242, %dma_wait3A_243] : memref<10240x32xf32, #tpu.memory_space<vmem_shared>> -> memref<10240x32xf32, #tpu.memory_space<vmem_shared>>
        tpu.wait_indirect_dma semaphore(%arg20 : memref<!tpu.dma_semaphore, #tpu.memory_space<semaphore_mem>>) src(%arg10 : memref<128x32xf32, #tpu.memory_space<vmem>>) dst(%dma_wait3A_244 : memref<10240x32xf32, #tpu.memory_space<vmem_shared>>)
      } else {
      }
      %lt3A_127 = arith.constant 160 : i32
      %lt3A_128 = arith.cmpi slt, %add3A_123, %lt3A_127 : i32
      %convert_element_type3A_129 = arith.extui %lt3A_128 : i1 to i32
      %cond3A_130 = arith.constant 0 : i32
      %cond3A_131 = arith.cmpi ne, %convert_element_type3A_129, %cond3A_130 : i32
      scf.if %cond3A_131 {
        %dma_start3A_238 = arith.constant 0 : i32
        %dma_start3A_239 = tpu.memref_slice %arg6[%add3A_123, %dma_start3A_238] : memref<160x128xi32, #tpu.memory_space<vmem>> -> memref<1x128xi32, #tpu.memory_space<vmem>>
        %dma_start3A_240 = tpu.memref_squeeze %dma_start3A_239 : memref<1x128xi32, #tpu.memory_space<vmem>> -> memref<128xi32, #tpu.memory_space<vmem>>
        %dma_start3A_241 = arith.constant 0 : i32
        %dma_start3A_242 = arith.constant 0 : i32
        %dma_start3A_243 = tpu.memref_slice %arg13[%dma_start3A_241, %dma_start3A_242] : memref<10240x32xf32, #tpu.memory_space<vmem_shared>> -> memref<10240x32xf32, #tpu.memory_space<vmem_shared>>
        tpu.enqueue_indirect_dma source(%dma_start3A_243 : memref<10240x32xf32, #tpu.memory_space<vmem_shared>>) target(%arg10 : memref<128x32xf32, #tpu.memory_space<vmem>>) offsets(%dma_start3A_240 : memref<128xi32, #tpu.memory_space<vmem>>) semaphore(%arg16 : memref<!tpu.dma_semaphore, #tpu.memory_space<semaphore_mem>>)
      } else {
      }
      %dma_wait3A_132 = arith.constant 0 : i32
      %dma_wait3A_133 = tpu.memref_slice %arg6[%add3A_121, %dma_wait3A_132] : memref<160x128xi32, #tpu.memory_space<vmem>> -> memref<1x128xi32, #tpu.memory_space<vmem>>
      %dma_wait3A_134 = tpu.memref_squeeze %dma_wait3A_133 : memref<1x128xi32, #tpu.memory_space<vmem>> -> memref<128xi32, #tpu.memory_space<vmem>>
      %dma_wait3A_135 = arith.constant 0 : i32
      %dma_wait3A_136 = arith.constant 0 : i32
      %dma_wait3A_137 = tpu.memref_slice %arg13[%dma_wait3A_135, %dma_wait3A_136] : memref<10240x32xf32, #tpu.memory_space<vmem_shared>> -> memref<10240x32xf32, #tpu.memory_space<vmem_shared>>
      tpu.wait_indirect_dma semaphore(%arg14 : memref<!tpu.dma_semaphore, #tpu.memory_space<semaphore_mem>>) src(%dma_wait3A_137 : memref<10240x32xf32, #tpu.memory_space<vmem_shared>>) dst(%arg8 : memref<128x32xf32, #tpu.memory_space<vmem>>)
      %dma_start3A_138 = arith.constant 0 : i32
      %dma_start3A_139 = tpu.memref_slice %arg7[%add3A_121, %dma_start3A_138] : memref<160x128xi32, #tpu.memory_space<vmem>> -> memref<1x128xi32, #tpu.memory_space<vmem>>
      %dma_start3A_140 = tpu.memref_squeeze %dma_start3A_139 : memref<1x128xi32, #tpu.memory_space<vmem>> -> memref<128xi32, #tpu.memory_space<vmem>>
      %dma_start3A_141 = arith.constant 0 : i32
      %dma_start3A_142 = arith.constant 0 : i32
      %dma_start3A_143 = tpu.memref_slice %arg12[%dma_start3A_141, %dma_start3A_142] : memref<10240x32xf32, #tpu.memory_space<vmem_shared>> -> memref<10240x32xf32, #tpu.memory_space<vmem_shared>>
      tpu.enqueue_indirect_dma source(%arg8 : memref<128x32xf32, #tpu.memory_space<vmem>>) target(%dma_start3A_143 : memref<10240x32xf32, #tpu.memory_space<vmem_shared>>) offsets(%dma_start3A_140 : memref<128xi32, #tpu.memory_space<vmem>>) semaphore(%arg18 : memref<!tpu.dma_semaphore, #tpu.memory_space<semaphore_mem>>) {add = true}
      %mul3A_144 = arith.constant 4 : i32
      %mul3A_145 = arith.muli %mul3A_144, %scan3A_116 : i32
      %add3A_146 = arith.constant 1 : i32
      %add3A_147 = arith.addi %mul3A_145, %add3A_146 : i32
      %add3A_148 = arith.constant 2 : i32
      %add3A_149 = arith.addi %add3A_147, %add3A_148 : i32
      %ge3A_150 = arith.constant 4 : i32
      %ge3A_151 = arith.cmpi sge, %add3A_149, %ge3A_150 : i32
      %lt3A_152 = arith.constant 160 : i32
      %lt3A_153 = arith.cmpi slt, %add3A_149, %lt3A_152 : i32
      %and3A_154 = arith.andi %ge3A_151, %lt3A_153 : i1
      %convert_element_type3A_155 = arith.extui %and3A_154 : i1 to i32
      %cond3A_156 = arith.constant 0 : i32
      %cond3A_157 = arith.cmpi ne, %convert_element_type3A_155, %cond3A_156 : i32
      scf.if %cond3A_157 {
        %sub3A = arith.constant 4 : i32
        %sub3A_238 = arith.subi %add3A_149, %sub3A : i32
        %dma_wait3A_239 = arith.constant 0 : i32
        %dma_wait3A_240 = tpu.memref_slice %arg7[%sub3A_238, %dma_wait3A_239] : memref<160x128xi32, #tpu.memory_space<vmem>> -> memref<1x128xi32, #tpu.memory_space<vmem>>
        %dma_wait3A_241 = tpu.memref_squeeze %dma_wait3A_240 : memref<1x128xi32, #tpu.memory_space<vmem>> -> memref<128xi32, #tpu.memory_space<vmem>>
        %dma_wait3A_242 = arith.constant 0 : i32
        %dma_wait3A_243 = arith.constant 0 : i32
        %dma_wait3A_244 = tpu.memref_slice %arg12[%dma_wait3A_242, %dma_wait3A_243] : memref<10240x32xf32, #tpu.memory_space<vmem_shared>> -> memref<10240x32xf32, #tpu.memory_space<vmem_shared>>
        tpu.wait_indirect_dma semaphore(%arg21 : memref<!tpu.dma_semaphore, #tpu.memory_space<semaphore_mem>>) src(%arg11 : memref<128x32xf32, #tpu.memory_space<vmem>>) dst(%dma_wait3A_244 : memref<10240x32xf32, #tpu.memory_space<vmem_shared>>)
      } else {
      }
      %lt3A_158 = arith.constant 160 : i32
      %lt3A_159 = arith.cmpi slt, %add3A_149, %lt3A_158 : i32
      %convert_element_type3A_160 = arith.extui %lt3A_159 : i1 to i32
      %cond3A_161 = arith.constant 0 : i32
      %cond3A_162 = arith.cmpi ne, %convert_element_type3A_160, %cond3A_161 : i32
      scf.if %cond3A_162 {
        %dma_start3A_238 = arith.constant 0 : i32
        %dma_start3A_239 = tpu.memref_slice %arg6[%add3A_149, %dma_start3A_238] : memref<160x128xi32, #tpu.memory_space<vmem>> -> memref<1x128xi32, #tpu.memory_space<vmem>>
        %dma_start3A_240 = tpu.memref_squeeze %dma_start3A_239 : memref<1x128xi32, #tpu.memory_space<vmem>> -> memref<128xi32, #tpu.memory_space<vmem>>
        %dma_start3A_241 = arith.constant 0 : i32
        %dma_start3A_242 = arith.constant 0 : i32
        %dma_start3A_243 = tpu.memref_slice %arg13[%dma_start3A_241, %dma_start3A_242] : memref<10240x32xf32, #tpu.memory_space<vmem_shared>> -> memref<10240x32xf32, #tpu.memory_space<vmem_shared>>
        tpu.enqueue_indirect_dma source(%dma_start3A_243 : memref<10240x32xf32, #tpu.memory_space<vmem_shared>>) target(%arg11 : memref<128x32xf32, #tpu.memory_space<vmem>>) offsets(%dma_start3A_240 : memref<128xi32, #tpu.memory_space<vmem>>) semaphore(%arg17 : memref<!tpu.dma_semaphore, #tpu.memory_space<semaphore_mem>>)
      } else {
      }
      %dma_wait3A_163 = arith.constant 0 : i32
      %dma_wait3A_164 = tpu.memref_slice %arg6[%add3A_147, %dma_wait3A_163] : memref<160x128xi32, #tpu.memory_space<vmem>> -> memref<1x128xi32, #tpu.memory_space<vmem>>
      %dma_wait3A_165 = tpu.memref_squeeze %dma_wait3A_164 : memref<1x128xi32, #tpu.memory_space<vmem>> -> memref<128xi32, #tpu.memory_space<vmem>>
      %dma_wait3A_166 = arith.constant 0 : i32
      %dma_wait3A_167 = arith.constant 0 : i32
      %dma_wait3A_168 = tpu.memref_slice %arg13[%dma_wait3A_166, %dma_wait3A_167] : memref<10240x32xf32, #tpu.memory_space<vmem_shared>> -> memref<10240x32xf32, #tpu.memory_space<vmem_shared>>
      tpu.wait_indirect_dma semaphore(%arg15 : memref<!tpu.dma_semaphore, #tpu.memory_space<semaphore_mem>>) src(%dma_wait3A_168 : memref<10240x32xf32, #tpu.memory_space<vmem_shared>>) dst(%arg9 : memref<128x32xf32, #tpu.memory_space<vmem>>)
      %dma_start3A_169 = arith.constant 0 : i32
      %dma_start3A_170 = tpu.memref_slice %arg7[%add3A_147, %dma_start3A_169] : memref<160x128xi32, #tpu.memory_space<vmem>> -> memref<1x128xi32, #tpu.memory_space<vmem>>
      %dma_start3A_171 = tpu.memref_squeeze %dma_start3A_170 : memref<1x128xi32, #tpu.memory_space<vmem>> -> memref<128xi32, #tpu.memory_space<vmem>>
      %dma_start3A_172 = arith.constant 0 : i32
      %dma_start3A_173 = arith.constant 0 : i32
      %dma_start3A_174 = tpu.memref_slice %arg12[%dma_start3A_172, %dma_start3A_173] : memref<10240x32xf32, #tpu.memory_space<vmem_shared>> -> memref<10240x32xf32, #tpu.memory_space<vmem_shared>>
      tpu.enqueue_indirect_dma source(%arg9 : memref<128x32xf32, #tpu.memory_space<vmem>>) target(%dma_start3A_174 : memref<10240x32xf32, #tpu.memory_space<vmem_shared>>) offsets(%dma_start3A_171 : memref<128xi32, #tpu.memory_space<vmem>>) semaphore(%arg19 : memref<!tpu.dma_semaphore, #tpu.memory_space<semaphore_mem>>) {add = true}
      %mul3A_175 = arith.constant 4 : i32
      %mul3A_176 = arith.muli %mul3A_175, %scan3A_116 : i32
      %add3A_177 = arith.constant 2 : i32
      %add3A_178 = arith.addi %mul3A_176, %add3A_177 : i32
      %add3A_179 = arith.constant 2 : i32
      %add3A_180 = arith.addi %add3A_178, %add3A_179 : i32
      %ge3A_181 = arith.constant 4 : i32
      %ge3A_182 = arith.cmpi sge, %add3A_180, %ge3A_181 : i32
      %lt3A_183 = arith.constant 160 : i32
      %lt3A_184 = arith.cmpi slt, %add3A_180, %lt3A_183 : i32
      %and3A_185 = arith.andi %ge3A_182, %lt3A_184 : i1
      %convert_element_type3A_186 = arith.extui %and3A_185 : i1 to i32
      %cond3A_187 = arith.constant 0 : i32
      %cond3A_188 = arith.cmpi ne, %convert_element_type3A_186, %cond3A_187 : i32
      scf.if %cond3A_188 {
        %sub3A = arith.constant 4 : i32
        %sub3A_238 = arith.subi %add3A_180, %sub3A : i32
        %dma_wait3A_239 = arith.constant 0 : i32
        %dma_wait3A_240 = tpu.memref_slice %arg7[%sub3A_238, %dma_wait3A_239] : memref<160x128xi32, #tpu.memory_space<vmem>> -> memref<1x128xi32, #tpu.memory_space<vmem>>
        %dma_wait3A_241 = tpu.memref_squeeze %dma_wait3A_240 : memref<1x128xi32, #tpu.memory_space<vmem>> -> memref<128xi32, #tpu.memory_space<vmem>>
        %dma_wait3A_242 = arith.constant 0 : i32
        %dma_wait3A_243 = arith.constant 0 : i32
        %dma_wait3A_244 = tpu.memref_slice %arg12[%dma_wait3A_242, %dma_wait3A_243] : memref<10240x32xf32, #tpu.memory_space<vmem_shared>> -> memref<10240x32xf32, #tpu.memory_space<vmem_shared>>
        tpu.wait_indirect_dma semaphore(%arg18 : memref<!tpu.dma_semaphore, #tpu.memory_space<semaphore_mem>>) src(%arg8 : memref<128x32xf32, #tpu.memory_space<vmem>>) dst(%dma_wait3A_244 : memref<10240x32xf32, #tpu.memory_space<vmem_shared>>)
      } else {
      }
      %lt3A_189 = arith.constant 160 : i32
      %lt3A_190 = arith.cmpi slt, %add3A_180, %lt3A_189 : i32
      %convert_element_type3A_191 = arith.extui %lt3A_190 : i1 to i32
      %cond3A_192 = arith.constant 0 : i32
      %cond3A_193 = arith.cmpi ne, %convert_element_type3A_191, %cond3A_192 : i32
      scf.if %cond3A_193 {
        %dma_start3A_238 = arith.constant 0 : i32
        %dma_start3A_239 = tpu.memref_slice %arg6[%add3A_180, %dma_start3A_238] : memref<160x128xi32, #tpu.memory_space<vmem>> -> memref<1x128xi32, #tpu.memory_space<vmem>>
        %dma_start3A_240 = tpu.memref_squeeze %dma_start3A_239 : memref<1x128xi32, #tpu.memory_space<vmem>> -> memref<128xi32, #tpu.memory_space<vmem>>
        %dma_start3A_241 = arith.constant 0 : i32
        %dma_start3A_242 = arith.constant 0 : i32
        %dma_start3A_243 = tpu.memref_slice %arg13[%dma_start3A_241, %dma_start3A_242] : memref<10240x32xf32, #tpu.memory_space<vmem_shared>> -> memref<10240x32xf32, #tpu.memory_space<vmem_shared>>
        tpu.enqueue_indirect_dma source(%dma_start3A_243 : memref<10240x32xf32, #tpu.memory_space<vmem_shared>>) target(%arg8 : memref<128x32xf32, #tpu.memory_space<vmem>>) offsets(%dma_start3A_240 : memref<128xi32, #tpu.memory_space<vmem>>) semaphore(%arg14 : memref<!tpu.dma_semaphore, #tpu.memory_space<semaphore_mem>>)
      } else {
      }
      %dma_wait3A_194 = arith.constant 0 : i32
      %dma_wait3A_195 = tpu.memref_slice %arg6[%add3A_178, %dma_wait3A_194] : memref<160x128xi32, #tpu.memory_space<vmem>> -> memref<1x128xi32, #tpu.memory_space<vmem>>
      %dma_wait3A_196 = tpu.memref_squeeze %dma_wait3A_195 : memref<1x128xi32, #tpu.memory_space<vmem>> -> memref<128xi32, #tpu.memory_space<vmem>>
      %dma_wait3A_197 = arith.constant 0 : i32
      %dma_wait3A_198 = arith.constant 0 : i32
      %dma_wait3A_199 = tpu.memref_slice %arg13[%dma_wait3A_197, %dma_wait3A_198] : memref<10240x32xf32, #tpu.memory_space<vmem_shared>> -> memref<10240x32xf32, #tpu.memory_space<vmem_shared>>
      tpu.wait_indirect_dma semaphore(%arg16 : memref<!tpu.dma_semaphore, #tpu.memory_space<semaphore_mem>>) src(%dma_wait3A_199 : memref<10240x32xf32, #tpu.memory_space<vmem_shared>>) dst(%arg10 : memref<128x32xf32, #tpu.memory_space<vmem>>)
      %dma_start3A_200 = arith.constant 0 : i32
      %dma_start3A_201 = tpu.memref_slice %arg7[%add3A_178, %dma_start3A_200] : memref<160x128xi32, #tpu.memory_space<vmem>> -> memref<1x128xi32, #tpu.memory_space<vmem>>
      %dma_start3A_202 = tpu.memref_squeeze %dma_start3A_201 : memref<1x128xi32, #tpu.memory_space<vmem>> -> memref<128xi32, #tpu.memory_space<vmem>>
      %dma_start3A_203 = arith.constant 0 : i32
      %dma_start3A_204 = arith.constant 0 : i32
      %dma_start3A_205 = tpu.memref_slice %arg12[%dma_start3A_203, %dma_start3A_204] : memref<10240x32xf32, #tpu.memory_space<vmem_shared>> -> memref<10240x32xf32, #tpu.memory_space<vmem_shared>>
      tpu.enqueue_indirect_dma source(%arg10 : memref<128x32xf32, #tpu.memory_space<vmem>>) target(%dma_start3A_205 : memref<10240x32xf32, #tpu.memory_space<vmem_shared>>) offsets(%dma_start3A_202 : memref<128xi32, #tpu.memory_space<vmem>>) semaphore(%arg20 : memref<!tpu.dma_semaphore, #tpu.memory_space<semaphore_mem>>) {add = true}
      %mul3A_206 = arith.constant 4 : i32
      %mul3A_207 = arith.muli %mul3A_206, %scan3A_116 : i32
      %add3A_208 = arith.constant 3 : i32
      %add3A_209 = arith.addi %mul3A_207, %add3A_208 : i32
      %add3A_210 = arith.constant 2 : i32
      %add3A_211 = arith.addi %add3A_209, %add3A_210 : i32
      %ge3A_212 = arith.constant 4 : i32
      %ge3A_213 = arith.cmpi sge, %add3A_211, %ge3A_212 : i32
      %lt3A_214 = arith.constant 160 : i32
      %lt3A_215 = arith.cmpi slt, %add3A_211, %lt3A_214 : i32
      %and3A_216 = arith.andi %ge3A_213, %lt3A_215 : i1
      %convert_element_type3A_217 = arith.extui %and3A_216 : i1 to i32
      %cond3A_218 = arith.constant 0 : i32
      %cond3A_219 = arith.cmpi ne, %convert_element_type3A_217, %cond3A_218 : i32
      scf.if %cond3A_219 {
        %sub3A = arith.constant 4 : i32
        %sub3A_238 = arith.subi %add3A_211, %sub3A : i32
        %dma_wait3A_239 = arith.constant 0 : i32
        %dma_wait3A_240 = tpu.memref_slice %arg7[%sub3A_238, %dma_wait3A_239] : memref<160x128xi32, #tpu.memory_space<vmem>> -> memref<1x128xi32, #tpu.memory_space<vmem>>
        %dma_wait3A_241 = tpu.memref_squeeze %dma_wait3A_240 : memref<1x128xi32, #tpu.memory_space<vmem>> -> memref<128xi32, #tpu.memory_space<vmem>>
        %dma_wait3A_242 = arith.constant 0 : i32
        %dma_wait3A_243 = arith.constant 0 : i32
        %dma_wait3A_244 = tpu.memref_slice %arg12[%dma_wait3A_242, %dma_wait3A_243] : memref<10240x32xf32, #tpu.memory_space<vmem_shared>> -> memref<10240x32xf32, #tpu.memory_space<vmem_shared>>
        tpu.wait_indirect_dma semaphore(%arg19 : memref<!tpu.dma_semaphore, #tpu.memory_space<semaphore_mem>>) src(%arg9 : memref<128x32xf32, #tpu.memory_space<vmem>>) dst(%dma_wait3A_244 : memref<10240x32xf32, #tpu.memory_space<vmem_shared>>)
      } else {
      }
      %lt3A_220 = arith.constant 160 : i32
      %lt3A_221 = arith.cmpi slt, %add3A_211, %lt3A_220 : i32
      %convert_element_type3A_222 = arith.extui %lt3A_221 : i1 to i32
      %cond3A_223 = arith.constant 0 : i32
      %cond3A_224 = arith.cmpi ne, %convert_element_type3A_222, %cond3A_223 : i32
      scf.if %cond3A_224 {
        %dma_start3A_238 = arith.constant 0 : i32
        %dma_start3A_239 = tpu.memref_slice %arg6[%add3A_211, %dma_start3A_238] : memref<160x128xi32, #tpu.memory_space<vmem>> -> memref<1x128xi32, #tpu.memory_space<vmem>>
        %dma_start3A_240 = tpu.memref_squeeze %dma_start3A_239 : memref<1x128xi32, #tpu.memory_space<vmem>> -> memref<128xi32, #tpu.memory_space<vmem>>
        %dma_start3A_241 = arith.constant 0 : i32
        %dma_start3A_242 = arith.constant 0 : i32
        %dma_start3A_243 = tpu.memref_slice %arg13[%dma_start3A_241, %dma_start3A_242] : memref<10240x32xf32, #tpu.memory_space<vmem_shared>> -> memref<10240x32xf32, #tpu.memory_space<vmem_shared>>
        tpu.enqueue_indirect_dma source(%dma_start3A_243 : memref<10240x32xf32, #tpu.memory_space<vmem_shared>>) target(%arg9 : memref<128x32xf32, #tpu.memory_space<vmem>>) offsets(%dma_start3A_240 : memref<128xi32, #tpu.memory_space<vmem>>) semaphore(%arg15 : memref<!tpu.dma_semaphore, #tpu.memory_space<semaphore_mem>>)
      } else {
      }
      %dma_wait3A_225 = arith.constant 0 : i32
      %dma_wait3A_226 = tpu.memref_slice %arg6[%add3A_209, %dma_wait3A_225] : memref<160x128xi32, #tpu.memory_space<vmem>> -> memref<1x128xi32, #tpu.memory_space<vmem>>
      %dma_wait3A_227 = tpu.memref_squeeze %dma_wait3A_226 : memref<1x128xi32, #tpu.memory_space<vmem>> -> memref<128xi32, #tpu.memory_space<vmem>>
      %dma_wait3A_228 = arith.constant 0 : i32
      %dma_wait3A_229 = arith.constant 0 : i32
      %dma_wait3A_230 = tpu.memref_slice %arg13[%dma_wait3A_228, %dma_wait3A_229] : memref<10240x32xf32, #tpu.memory_space<vmem_shared>> -> memref<10240x32xf32, #tpu.memory_space<vmem_shared>>
      tpu.wait_indirect_dma semaphore(%arg17 : memref<!tpu.dma_semaphore, #tpu.memory_space<semaphore_mem>>) src(%dma_wait3A_230 : memref<10240x32xf32, #tpu.memory_space<vmem_shared>>) dst(%arg11 : memref<128x32xf32, #tpu.memory_space<vmem>>)
      %dma_start3A_231 = arith.constant 0 : i32
      %dma_start3A_232 = tpu.memref_slice %arg7[%add3A_209, %dma_start3A_231] : memref<160x128xi32, #tpu.memory_space<vmem>> -> memref<1x128xi32, #tpu.memory_space<vmem>>
      %dma_start3A_233 = tpu.memref_squeeze %dma_start3A_232 : memref<1x128xi32, #tpu.memory_space<vmem>> -> memref<128xi32, #tpu.memory_space<vmem>>
      %dma_start3A_234 = arith.constant 0 : i32
      %dma_start3A_235 = arith.constant 0 : i32
      %dma_start3A_236 = tpu.memref_slice %arg12[%dma_start3A_234, %dma_start3A_235] : memref<10240x32xf32, #tpu.memory_space<vmem_shared>> -> memref<10240x32xf32, #tpu.memory_space<vmem_shared>>
      tpu.enqueue_indirect_dma source(%arg11 : memref<128x32xf32, #tpu.memory_space<vmem>>) target(%dma_start3A_236 : memref<10240x32xf32, #tpu.memory_space<vmem_shared>>) offsets(%dma_start3A_233 : memref<128xi32, #tpu.memory_space<vmem>>) semaphore(%arg21 : memref<!tpu.dma_semaphore, #tpu.memory_space<semaphore_mem>>) {add = true}
      %scan3A_237 = arith.constant 0 : i32
      scf.yield %scan3A_237 : i32
    }
    %scan3A_67 = arith.constant 40 : i32
    %dma_wait3A = arith.constant 156 : i32
    %dma_wait3A_68 = arith.constant 0 : i32
    %dma_wait3A_69 = tpu.memref_slice %arg7[%dma_wait3A, %dma_wait3A_68] : memref<160x128xi32, #tpu.memory_space<vmem>> -> memref<1x128xi32, #tpu.memory_space<vmem>>
    %dma_wait3A_70 = tpu.memref_squeeze %dma_wait3A_69 : memref<1x128xi32, #tpu.memory_space<vmem>> -> memref<128xi32, #tpu.memory_space<vmem>>
    %dma_wait3A_71 = arith.constant 0 : i32
    %dma_wait3A_72 = arith.constant 0 : i32
    %dma_wait3A_73 = tpu.memref_slice %arg12[%dma_wait3A_71, %dma_wait3A_72] : memref<10240x32xf32, #tpu.memory_space<vmem_shared>> -> memref<10240x32xf32, #tpu.memory_space<vmem_shared>>
    tpu.wait_indirect_dma semaphore(%arg18 : memref<!tpu.dma_semaphore, #tpu.memory_space<semaphore_mem>>) src(%arg8 : memref<128x32xf32, #tpu.memory_space<vmem>>) dst(%dma_wait3A_73 : memref<10240x32xf32, #tpu.memory_space<vmem_shared>>)
    %dma_wait3A_74 = arith.constant 157 : i32
    %dma_wait3A_75 = arith.constant 0 : i32
    %dma_wait3A_76 = tpu.memref_slice %arg7[%dma_wait3A_74, %dma_wait3A_75] : memref<160x128xi32, #tpu.memory_space<vmem>> -> memref<1x128xi32, #tpu.memory_space<vmem>>
    %dma_wait3A_77 = tpu.memref_squeeze %dma_wait3A_76 : memref<1x128xi32, #tpu.memory_space<vmem>> -> memref<128xi32, #tpu.memory_space<vmem>>
    %dma_wait3A_78 = arith.constant 0 : i32
    %dma_wait3A_79 = arith.constant 0 : i32
    %dma_wait3A_80 = tpu.memref_slice %arg12[%dma_wait3A_78, %dma_wait3A_79] : memref<10240x32xf32, #tpu.memory_space<vmem_shared>> -> memref<10240x32xf32, #tpu.memory_space<vmem_shared>>
    tpu.wait_indirect_dma semaphore(%arg19 : memref<!tpu.dma_semaphore, #tpu.memory_space<semaphore_mem>>) src(%arg9 : memref<128x32xf32, #tpu.memory_space<vmem>>) dst(%dma_wait3A_80 : memref<10240x32xf32, #tpu.memory_space<vmem_shared>>)
    %dma_wait3A_81 = arith.constant 158 : i32
    %dma_wait3A_82 = arith.constant 0 : i32
    %dma_wait3A_83 = tpu.memref_slice %arg7[%dma_wait3A_81, %dma_wait3A_82] : memref<160x128xi32, #tpu.memory_space<vmem>> -> memref<1x128xi32, #tpu.memory_space<vmem>>
    %dma_wait3A_84 = tpu.memref_squeeze %dma_wait3A_83 : memref<1x128xi32, #tpu.memory_space<vmem>> -> memref<128xi32, #tpu.memory_space<vmem>>
    %dma_wait3A_85 = arith.constant 0 : i32
    %dma_wait3A_86 = arith.constant 0 : i32
    %dma_wait3A_87 = tpu.memref_slice %arg12[%dma_wait3A_85, %dma_wait3A_86] : memref<10240x32xf32, #tpu.memory_space<vmem_shared>> -> memref<10240x32xf32, #tpu.memory_space<vmem_shared>>
    tpu.wait_indirect_dma semaphore(%arg20 : memref<!tpu.dma_semaphore, #tpu.memory_space<semaphore_mem>>) src(%arg10 : memref<128x32xf32, #tpu.memory_space<vmem>>) dst(%dma_wait3A_87 : memref<10240x32xf32, #tpu.memory_space<vmem_shared>>)
    %dma_wait3A_88 = arith.constant 159 : i32
    %dma_wait3A_89 = arith.constant 0 : i32
    %dma_wait3A_90 = tpu.memref_slice %arg7[%dma_wait3A_88, %dma_wait3A_89] : memref<160x128xi32, #tpu.memory_space<vmem>> -> memref<1x128xi32, #tpu.memory_space<vmem>>
    %dma_wait3A_91 = tpu.memref_squeeze %dma_wait3A_90 : memref<1x128xi32, #tpu.memory_space<vmem>> -> memref<128xi32, #tpu.memory_space<vmem>>
    %dma_wait3A_92 = arith.constant 0 : i32
    %dma_wait3A_93 = arith.constant 0 : i32
    %dma_wait3A_94 = tpu.memref_slice %arg12[%dma_wait3A_92, %dma_wait3A_93] : memref<10240x32xf32, #tpu.memory_space<vmem_shared>> -> memref<10240x32xf32, #tpu.memory_space<vmem_shared>>
    tpu.wait_indirect_dma semaphore(%arg21 : memref<!tpu.dma_semaphore, #tpu.memory_space<semaphore_mem>>) src(%arg11 : memref<128x32xf32, #tpu.memory_space<vmem>>) dst(%dma_wait3A_94 : memref<10240x32xf32, #tpu.memory_space<vmem_shared>>)
    %barrier3A_95 = arith.constant 0 : index
    tpu.barrier barrier_id(%barrier3A_95)
    %mul3A_96 = arith.constant 640 : i32
    %mul3A_97 = arith.muli %arg1, %mul3A_96 : i32
    %add3A_98 = arith.constant 0 : i32
    %add3A_99 = arith.addi %mul3A_97, %add3A_98 : i32
    "tpu.region"() ({
      %run_scoped3A = tpu.sem_alloc : memref<!tpu.dma_semaphore, #tpu.memory_space<semaphore_mem>>
      %dma_start3A_116 = arith.constant 0 : i32
      %dma_start3A_117 = tpu.memref_slice %arg12[%add3A_99, %dma_start3A_116] : memref<10240x32xf32, #tpu.memory_space<vmem_shared>> -> memref<128x32xf32, #tpu.memory_space<vmem_shared>>
      %dma_start3A_118 = arith.constant 0 : i32
      %dma_start3A_119 = tpu.memref_slice %arg12[%add3A_99, %dma_start3A_118] : memref<10240x32xf32, #tpu.memory_space<vmem_shared>> -> memref<128x32xf32, #tpu.memory_space<vmem_shared>>
      tpu.enqueue_dma source(%dma_start3A_119 : memref<128x32xf32, #tpu.memory_space<vmem_shared>>) target(%arg8 : memref<128x32xf32, #tpu.memory_space<vmem>>) target_semaphore(%run_scoped3A : memref<!tpu.dma_semaphore, #tpu.memory_space<semaphore_mem>>)
      %dma_wait3A_120 = arith.constant 0 : i32
      %dma_wait3A_121 = tpu.memref_slice %arg12[%add3A_99, %dma_wait3A_120] : memref<10240x32xf32, #tpu.memory_space<vmem_shared>> -> memref<128x32xf32, #tpu.memory_space<vmem_shared>>
      %dma_wait3A_122 = arith.constant 0 : i32
      %dma_wait3A_123 = tpu.memref_slice %arg12[%add3A_99, %dma_wait3A_122] : memref<10240x32xf32, #tpu.memory_space<vmem_shared>> -> memref<128x32xf32, #tpu.memory_space<vmem_shared>>
      tpu.wait_dma2 semaphore(%run_scoped3A : memref<!tpu.dma_semaphore, #tpu.memory_space<semaphore_mem>>) src(%dma_wait3A_123 : memref<128x32xf32, #tpu.memory_space<vmem_shared>>) dst(%arg8 : memref<128x32xf32, #tpu.memory_space<vmem>>)
      tpu.yield
    }) : () -> ()
    "tpu.region"() ({
      %run_scoped3A = tpu.sem_alloc : memref<!tpu.dma_semaphore, #tpu.memory_space<semaphore_mem>>
      %dma_start3A_116 = arith.constant 0 : i32
      %dma_start3A_117 = tpu.memref_slice %arg5[%arg0, %add3A_99, %dma_start3A_116] : memref<2x10240x32xf32, #tpu.memory_space<hbm>> -> memref<1x128x32xf32, #tpu.memory_space<hbm>>
      %dma_start3A_118 = tpu.memref_squeeze %dma_start3A_117 : memref<1x128x32xf32, #tpu.memory_space<hbm>> -> memref<128x32xf32, #tpu.memory_space<hbm>>
      %dma_start3A_119 = arith.constant 0 : i32
      %dma_start3A_120 = tpu.memref_slice %arg5[%arg0, %add3A_99, %dma_start3A_119] : memref<2x10240x32xf32, #tpu.memory_space<hbm>> -> memref<1x128x32xf32, #tpu.memory_space<hbm>>
      %dma_start3A_121 = tpu.memref_squeeze %dma_start3A_120 : memref<1x128x32xf32, #tpu.memory_space<hbm>> -> memref<128x32xf32, #tpu.memory_space<hbm>>
      tpu.enqueue_dma source(%arg8 : memref<128x32xf32, #tpu.memory_space<vmem>>) target(%dma_start3A_121 : memref<128x32xf32, #tpu.memory_space<hbm>>) target_semaphore(%run_scoped3A : memref<!tpu.dma_semaphore, #tpu.memory_space<semaphore_mem>>)
      %dma_wait3A_122 = arith.constant 0 : i32
      %dma_wait3A_123 = tpu.memref_slice %arg5[%arg0, %add3A_99, %dma_wait3A_122] : memref<2x10240x32xf32, #tpu.memory_space<hbm>> -> memref<1x128x32xf32, #tpu.memory_space<hbm>>
      %dma_wait3A_124 = tpu.memref_squeeze %dma_wait3A_123 : memref<1x128x32xf32, #tpu.memory_space<hbm>> -> memref<128x32xf32, #tpu.memory_space<hbm>>
      %dma_wait3A_125 = arith.constant 0 : i32
      %dma_wait3A_126 = tpu.memref_slice %arg5[%arg0, %add3A_99, %dma_wait3A_125] : memref<2x10240x32xf32, #tpu.memory_space<hbm>> -> memref<1x128x32xf32, #tpu.memory_space<hbm>>
      %dma_wait3A_127 = tpu.memref_squeeze %dma_wait3A_126 : memref<1x128x32xf32, #tpu.memory_space<hbm>> -> memref<128x32xf32, #tpu.memory_space<hbm>>
      tpu.wait_dma2 semaphore(%run_scoped3A : memref<!tpu.dma_semaphore, #tpu.memory_space<semaphore_mem>>) src(%arg8 : memref<128x32xf32, #tpu.memory_space<vmem>>) dst(%dma_wait3A_127 : memref<128x32xf32, #tpu.memory_space<hbm>>)
      tpu.yield
    }) : () -> ()
    %mul3A_100 = arith.constant 640 : i32
    %mul3A_101 = arith.muli %arg1, %mul3A_100 : i32
    %add3A_102 = arith.constant 128 : i32
    %add3A_103 = arith.addi %mul3A_101, %add3A_102 : i32
    "tpu.region"() ({
      %run_scoped3A = tpu.sem_alloc : memref<!tpu.dma_semaphore, #tpu.memory_space<semaphore_mem>>
      %dma_start3A_116 = arith.constant 0 : i32
      %dma_start3A_117 = tpu.memref_slice %arg12[%add3A_103, %dma_start3A_116] : memref<10240x32xf32, #tpu.memory_space<vmem_shared>> -> memref<128x32xf32, #tpu.memory_space<vmem_shared>>
      %dma_start3A_118 = arith.constant 0 : i32
      %dma_start3A_119 = tpu.memref_slice %arg12[%add3A_103, %dma_start3A_118] : memref<10240x32xf32, #tpu.memory_space<vmem_shared>> -> memref<128x32xf32, #tpu.memory_space<vmem_shared>>
      tpu.enqueue_dma source(%dma_start3A_119 : memref<128x32xf32, #tpu.memory_space<vmem_shared>>) target(%arg8 : memref<128x32xf32, #tpu.memory_space<vmem>>) target_semaphore(%run_scoped3A : memref<!tpu.dma_semaphore, #tpu.memory_space<semaphore_mem>>)
      %dma_wait3A_120 = arith.constant 0 : i32
      %dma_wait3A_121 = tpu.memref_slice %arg12[%add3A_103, %dma_wait3A_120] : memref<10240x32xf32, #tpu.memory_space<vmem_shared>> -> memref<128x32xf32, #tpu.memory_space<vmem_shared>>
      %dma_wait3A_122 = arith.constant 0 : i32
      %dma_wait3A_123 = tpu.memref_slice %arg12[%add3A_103, %dma_wait3A_122] : memref<10240x32xf32, #tpu.memory_space<vmem_shared>> -> memref<128x32xf32, #tpu.memory_space<vmem_shared>>
      tpu.wait_dma2 semaphore(%run_scoped3A : memref<!tpu.dma_semaphore, #tpu.memory_space<semaphore_mem>>) src(%dma_wait3A_123 : memref<128x32xf32, #tpu.memory_space<vmem_shared>>) dst(%arg8 : memref<128x32xf32, #tpu.memory_space<vmem>>)
      tpu.yield
    }) : () -> ()
    "tpu.region"() ({
      %run_scoped3A = tpu.sem_alloc : memref<!tpu.dma_semaphore, #tpu.memory_space<semaphore_mem>>
      %dma_start3A_116 = arith.constant 0 : i32
      %dma_start3A_117 = tpu.memref_slice %arg5[%arg0, %add3A_103, %dma_start3A_116] : memref<2x10240x32xf32, #tpu.memory_space<hbm>> -> memref<1x128x32xf32, #tpu.memory_space<hbm>>
      %dma_start3A_118 = tpu.memref_squeeze %dma_start3A_117 : memref<1x128x32xf32, #tpu.memory_space<hbm>> -> memref<128x32xf32, #tpu.memory_space<hbm>>
      %dma_start3A_119 = arith.constant 0 : i32
      %dma_start3A_120 = tpu.memref_slice %arg5[%arg0, %add3A_103, %dma_start3A_119] : memref<2x10240x32xf32, #tpu.memory_space<hbm>> -> memref<1x128x32xf32, #tpu.memory_space<hbm>>
      %dma_start3A_121 = tpu.memref_squeeze %dma_start3A_120 : memref<1x128x32xf32, #tpu.memory_space<hbm>> -> memref<128x32xf32, #tpu.memory_space<hbm>>
      tpu.enqueue_dma source(%arg8 : memref<128x32xf32, #tpu.memory_space<vmem>>) target(%dma_start3A_121 : memref<128x32xf32, #tpu.memory_space<hbm>>) target_semaphore(%run_scoped3A : memref<!tpu.dma_semaphore, #tpu.memory_space<semaphore_mem>>)
      %dma_wait3A_122 = arith.constant 0 : i32
      %dma_wait3A_123 = tpu.memref_slice %arg5[%arg0, %add3A_103, %dma_wait3A_122] : memref<2x10240x32xf32, #tpu.memory_space<hbm>> -> memref<1x128x32xf32, #tpu.memory_space<hbm>>
      %dma_wait3A_124 = tpu.memref_squeeze %dma_wait3A_123 : memref<1x128x32xf32, #tpu.memory_space<hbm>> -> memref<128x32xf32, #tpu.memory_space<hbm>>
      %dma_wait3A_125 = arith.constant 0 : i32
      %dma_wait3A_126 = tpu.memref_slice %arg5[%arg0, %add3A_103, %dma_wait3A_125] : memref<2x10240x32xf32, #tpu.memory_space<hbm>> -> memref<1x128x32xf32, #tpu.memory_space<hbm>>
      %dma_wait3A_127 = tpu.memref_squeeze %dma_wait3A_126 : memref<1x128x32xf32, #tpu.memory_space<hbm>> -> memref<128x32xf32, #tpu.memory_space<hbm>>
      tpu.wait_dma2 semaphore(%run_scoped3A : memref<!tpu.dma_semaphore, #tpu.memory_space<semaphore_mem>>) src(%arg8 : memref<128x32xf32, #tpu.memory_space<vmem>>) dst(%dma_wait3A_127 : memref<128x32xf32, #tpu.memory_space<hbm>>)
      tpu.yield
    }) : () -> ()
    %mul3A_104 = arith.constant 640 : i32
    %mul3A_105 = arith.muli %arg1, %mul3A_104 : i32
    %add3A_106 = arith.constant 256 : i32
    %add3A_107 = arith.addi %mul3A_105, %add3A_106 : i32
    "tpu.region"() ({
      %run_scoped3A = tpu.sem_alloc : memref<!tpu.dma_semaphore, #tpu.memory_space<semaphore_mem>>
      %dma_start3A_116 = arith.constant 0 : i32
      %dma_start3A_117 = tpu.memref_slice %arg12[%add3A_107, %dma_start3A_116] : memref<10240x32xf32, #tpu.memory_space<vmem_shared>> -> memref<128x32xf32, #tpu.memory_space<vmem_shared>>
      %dma_start3A_118 = arith.constant 0 : i32
      %dma_start3A_119 = tpu.memref_slice %arg12[%add3A_107, %dma_start3A_118] : memref<10240x32xf32, #tpu.memory_space<vmem_shared>> -> memref<128x32xf32, #tpu.memory_space<vmem_shared>>
      tpu.enqueue_dma source(%dma_start3A_119 : memref<128x32xf32, #tpu.memory_space<vmem_shared>>) target(%arg8 : memref<128x32xf32, #tpu.memory_space<vmem>>) target_semaphore(%run_scoped3A : memref<!tpu.dma_semaphore, #tpu.memory_space<semaphore_mem>>)
      %dma_wait3A_120 = arith.constant 0 : i32
      %dma_wait3A_121 = tpu.memref_slice %arg12[%add3A_107, %dma_wait3A_120] : memref<10240x32xf32, #tpu.memory_space<vmem_shared>> -> memref<128x32xf32, #tpu.memory_space<vmem_shared>>
      %dma_wait3A_122 = arith.constant 0 : i32
      %dma_wait3A_123 = tpu.memref_slice %arg12[%add3A_107, %dma_wait3A_122] : memref<10240x32xf32, #tpu.memory_space<vmem_shared>> -> memref<128x32xf32, #tpu.memory_space<vmem_shared>>
      tpu.wait_dma2 semaphore(%run_scoped3A : memref<!tpu.dma_semaphore, #tpu.memory_space<semaphore_mem>>) src(%dma_wait3A_123 : memref<128x32xf32, #tpu.memory_space<vmem_shared>>) dst(%arg8 : memref<128x32xf32, #tpu.memory_space<vmem>>)
      tpu.yield
    }) : () -> ()
    "tpu.region"() ({
      %run_scoped3A = tpu.sem_alloc : memref<!tpu.dma_semaphore, #tpu.memory_space<semaphore_mem>>
      %dma_start3A_116 = arith.constant 0 : i32
      %dma_start3A_117 = tpu.memref_slice %arg5[%arg0, %add3A_107, %dma_start3A_116] : memref<2x10240x32xf32, #tpu.memory_space<hbm>> -> memref<1x128x32xf32, #tpu.memory_space<hbm>>
      %dma_start3A_118 = tpu.memref_squeeze %dma_start3A_117 : memref<1x128x32xf32, #tpu.memory_space<hbm>> -> memref<128x32xf32, #tpu.memory_space<hbm>>
      %dma_start3A_119 = arith.constant 0 : i32
      %dma_start3A_120 = tpu.memref_slice %arg5[%arg0, %add3A_107, %dma_start3A_119] : memref<2x10240x32xf32, #tpu.memory_space<hbm>> -> memref<1x128x32xf32, #tpu.memory_space<hbm>>
      %dma_start3A_121 = tpu.memref_squeeze %dma_start3A_120 : memref<1x128x32xf32, #tpu.memory_space<hbm>> -> memref<128x32xf32, #tpu.memory_space<hbm>>
      tpu.enqueue_dma source(%arg8 : memref<128x32xf32, #tpu.memory_space<vmem>>) target(%dma_start3A_121 : memref<128x32xf32, #tpu.memory_space<hbm>>) target_semaphore(%run_scoped3A : memref<!tpu.dma_semaphore, #tpu.memory_space<semaphore_mem>>)
      %dma_wait3A_122 = arith.constant 0 : i32
      %dma_wait3A_123 = tpu.memref_slice %arg5[%arg0, %add3A_107, %dma_wait3A_122] : memref<2x10240x32xf32, #tpu.memory_space<hbm>> -> memref<1x128x32xf32, #tpu.memory_space<hbm>>
      %dma_wait3A_124 = tpu.memref_squeeze %dma_wait3A_123 : memref<1x128x32xf32, #tpu.memory_space<hbm>> -> memref<128x32xf32, #tpu.memory_space<hbm>>
      %dma_wait3A_125 = arith.constant 0 : i32
      %dma_wait3A_126 = tpu.memref_slice %arg5[%arg0, %add3A_107, %dma_wait3A_125] : memref<2x10240x32xf32, #tpu.memory_space<hbm>> -> memref<1x128x32xf32, #tpu.memory_space<hbm>>
      %dma_wait3A_127 = tpu.memref_squeeze %dma_wait3A_126 : memref<1x128x32xf32, #tpu.memory_space<hbm>> -> memref<128x32xf32, #tpu.memory_space<hbm>>
      tpu.wait_dma2 semaphore(%run_scoped3A : memref<!tpu.dma_semaphore, #tpu.memory_space<semaphore_mem>>) src(%arg8 : memref<128x32xf32, #tpu.memory_space<vmem>>) dst(%dma_wait3A_127 : memref<128x32xf32, #tpu.memory_space<hbm>>)
      tpu.yield
    }) : () -> ()
    %mul3A_108 = arith.constant 640 : i32
    %mul3A_109 = arith.muli %arg1, %mul3A_108 : i32
    %add3A_110 = arith.constant 384 : i32
    %add3A_111 = arith.addi %mul3A_109, %add3A_110 : i32
    "tpu.region"() ({
      %run_scoped3A = tpu.sem_alloc : memref<!tpu.dma_semaphore, #tpu.memory_space<semaphore_mem>>
      %dma_start3A_116 = arith.constant 0 : i32
      %dma_start3A_117 = tpu.memref_slice %arg12[%add3A_111, %dma_start3A_116] : memref<10240x32xf32, #tpu.memory_space<vmem_shared>> -> memref<128x32xf32, #tpu.memory_space<vmem_shared>>
      %dma_start3A_118 = arith.constant 0 : i32
      %dma_start3A_119 = tpu.memref_slice %arg12[%add3A_111, %dma_start3A_118] : memref<10240x32xf32, #tpu.memory_space<vmem_shared>> -> memref<128x32xf32, #tpu.memory_space<vmem_shared>>
      tpu.enqueue_dma source(%dma_start3A_119 : memref<128x32xf32, #tpu.memory_space<vmem_shared>>) target(%arg8 : memref<128x32xf32, #tpu.memory_space<vmem>>) target_semaphore(%run_scoped3A : memref<!tpu.dma_semaphore, #tpu.memory_space<semaphore_mem>>)
      %dma_wait3A_120 = arith.constant 0 : i32
      %dma_wait3A_121 = tpu.memref_slice %arg12[%add3A_111, %dma_wait3A_120] : memref<10240x32xf32, #tpu.memory_space<vmem_shared>> -> memref<128x32xf32, #tpu.memory_space<vmem_shared>>
      %dma_wait3A_122 = arith.constant 0 : i32
      %dma_wait3A_123 = tpu.memref_slice %arg12[%add3A_111, %dma_wait3A_122] : memref<10240x32xf32, #tpu.memory_space<vmem_shared>> -> memref<128x32xf32, #tpu.memory_space<vmem_shared>>
      tpu.wait_dma2 semaphore(%run_scoped3A : memref<!tpu.dma_semaphore, #tpu.memory_space<semaphore_mem>>) src(%dma_wait3A_123 : memref<128x32xf32, #tpu.memory_space<vmem_shared>>) dst(%arg8 : memref<128x32xf32, #tpu.memory_space<vmem>>)
      tpu.yield
    }) : () -> ()
    "tpu.region"() ({
      %run_scoped3A = tpu.sem_alloc : memref<!tpu.dma_semaphore, #tpu.memory_space<semaphore_mem>>
      %dma_start3A_116 = arith.constant 0 : i32
      %dma_start3A_117 = tpu.memref_slice %arg5[%arg0, %add3A_111, %dma_start3A_116] : memref<2x10240x32xf32, #tpu.memory_space<hbm>> -> memref<1x128x32xf32, #tpu.memory_space<hbm>>
      %dma_start3A_118 = tpu.memref_squeeze %dma_start3A_117 : memref<1x128x32xf32, #tpu.memory_space<hbm>> -> memref<128x32xf32, #tpu.memory_space<hbm>>
      %dma_start3A_119 = arith.constant 0 : i32
      %dma_start3A_120 = tpu.memref_slice %arg5[%arg0, %add3A_111, %dma_start3A_119] : memref<2x10240x32xf32, #tpu.memory_space<hbm>> -> memref<1x128x32xf32, #tpu.memory_space<hbm>>
      %dma_start3A_121 = tpu.memref_squeeze %dma_start3A_120 : memref<1x128x32xf32, #tpu.memory_space<hbm>> -> memref<128x32xf32, #tpu.memory_space<hbm>>
      tpu.enqueue_dma source(%arg8 : memref<128x32xf32, #tpu.memory_space<vmem>>) target(%dma_start3A_121 : memref<128x32xf32, #tpu.memory_space<hbm>>) target_semaphore(%run_scoped3A : memref<!tpu.dma_semaphore, #tpu.memory_space<semaphore_mem>>)
      %dma_wait3A_122 = arith.constant 0 : i32
      %dma_wait3A_123 = tpu.memref_slice %arg5[%arg0, %add3A_111, %dma_wait3A_122] : memref<2x10240x32xf32, #tpu.memory_space<hbm>> -> memref<1x128x32xf32, #tpu.memory_space<hbm>>
      %dma_wait3A_124 = tpu.memref_squeeze %dma_wait3A_123 : memref<1x128x32xf32, #tpu.memory_space<hbm>> -> memref<128x32xf32, #tpu.memory_space<hbm>>
      %dma_wait3A_125 = arith.constant 0 : i32
      %dma_wait3A_126 = tpu.memref_slice %arg5[%arg0, %add3A_111, %dma_wait3A_125] : memref<2x10240x32xf32, #tpu.memory_space<hbm>> -> memref<1x128x32xf32, #tpu.memory_space<hbm>>
      %dma_wait3A_127 = tpu.memref_squeeze %dma_wait3A_126 : memref<1x128x32xf32, #tpu.memory_space<hbm>> -> memref<128x32xf32, #tpu.memory_space<hbm>>
      tpu.wait_dma2 semaphore(%run_scoped3A : memref<!tpu.dma_semaphore, #tpu.memory_space<semaphore_mem>>) src(%arg8 : memref<128x32xf32, #tpu.memory_space<vmem>>) dst(%dma_wait3A_127 : memref<128x32xf32, #tpu.memory_space<hbm>>)
      tpu.yield
    }) : () -> ()
    %mul3A_112 = arith.constant 640 : i32
    %mul3A_113 = arith.muli %arg1, %mul3A_112 : i32
    %add3A_114 = arith.constant 512 : i32
    %add3A_115 = arith.addi %mul3A_113, %add3A_114 : i32
    "tpu.region"() ({
      %run_scoped3A = tpu.sem_alloc : memref<!tpu.dma_semaphore, #tpu.memory_space<semaphore_mem>>
      %dma_start3A_116 = arith.constant 0 : i32
      %dma_start3A_117 = tpu.memref_slice %arg12[%add3A_115, %dma_start3A_116] : memref<10240x32xf32, #tpu.memory_space<vmem_shared>> -> memref<128x32xf32, #tpu.memory_space<vmem_shared>>
      %dma_start3A_118 = arith.constant 0 : i32
      %dma_start3A_119 = tpu.memref_slice %arg12[%add3A_115, %dma_start3A_118] : memref<10240x32xf32, #tpu.memory_space<vmem_shared>> -> memref<128x32xf32, #tpu.memory_space<vmem_shared>>
      tpu.enqueue_dma source(%dma_start3A_119 : memref<128x32xf32, #tpu.memory_space<vmem_shared>>) target(%arg8 : memref<128x32xf32, #tpu.memory_space<vmem>>) target_semaphore(%run_scoped3A : memref<!tpu.dma_semaphore, #tpu.memory_space<semaphore_mem>>)
      %dma_wait3A_120 = arith.constant 0 : i32
      %dma_wait3A_121 = tpu.memref_slice %arg12[%add3A_115, %dma_wait3A_120] : memref<10240x32xf32, #tpu.memory_space<vmem_shared>> -> memref<128x32xf32, #tpu.memory_space<vmem_shared>>
      %dma_wait3A_122 = arith.constant 0 : i32
      %dma_wait3A_123 = tpu.memref_slice %arg12[%add3A_115, %dma_wait3A_122] : memref<10240x32xf32, #tpu.memory_space<vmem_shared>> -> memref<128x32xf32, #tpu.memory_space<vmem_shared>>
      tpu.wait_dma2 semaphore(%run_scoped3A : memref<!tpu.dma_semaphore, #tpu.memory_space<semaphore_mem>>) src(%dma_wait3A_123 : memref<128x32xf32, #tpu.memory_space<vmem_shared>>) dst(%arg8 : memref<128x32xf32, #tpu.memory_space<vmem>>)
      tpu.yield
    }) : () -> ()
    "tpu.region"() ({
      %run_scoped3A = tpu.sem_alloc : memref<!tpu.dma_semaphore, #tpu.memory_space<semaphore_mem>>
      %dma_start3A_116 = arith.constant 0 : i32
      %dma_start3A_117 = tpu.memref_slice %arg5[%arg0, %add3A_115, %dma_start3A_116] : memref<2x10240x32xf32, #tpu.memory_space<hbm>> -> memref<1x128x32xf32, #tpu.memory_space<hbm>>
      %dma_start3A_118 = tpu.memref_squeeze %dma_start3A_117 : memref<1x128x32xf32, #tpu.memory_space<hbm>> -> memref<128x32xf32, #tpu.memory_space<hbm>>
      %dma_start3A_119 = arith.constant 0 : i32
      %dma_start3A_120 = tpu.memref_slice %arg5[%arg0, %add3A_115, %dma_start3A_119] : memref<2x10240x32xf32, #tpu.memory_space<hbm>> -> memref<1x128x32xf32, #tpu.memory_space<hbm>>
      %dma_start3A_121 = tpu.memref_squeeze %dma_start3A_120 : memref<1x128x32xf32, #tpu.memory_space<hbm>> -> memref<128x32xf32, #tpu.memory_space<hbm>>
      tpu.enqueue_dma source(%arg8 : memref<128x32xf32, #tpu.memory_space<vmem>>) target(%dma_start3A_121 : memref<128x32xf32, #tpu.memory_space<hbm>>) target_semaphore(%run_scoped3A : memref<!tpu.dma_semaphore, #tpu.memory_space<semaphore_mem>>)
      %dma_wait3A_122 = arith.constant 0 : i32
      %dma_wait3A_123 = tpu.memref_slice %arg5[%arg0, %add3A_115, %dma_wait3A_122] : memref<2x10240x32xf32, #tpu.memory_space<hbm>> -> memref<1x128x32xf32, #tpu.memory_space<hbm>>
      %dma_wait3A_124 = tpu.memref_squeeze %dma_wait3A_123 : memref<1x128x32xf32, #tpu.memory_space<hbm>> -> memref<128x32xf32, #tpu.memory_space<hbm>>
      %dma_wait3A_125 = arith.constant 0 : i32
      %dma_wait3A_126 = tpu.memref_slice %arg5[%arg0, %add3A_115, %dma_wait3A_125] : memref<2x10240x32xf32, #tpu.memory_space<hbm>> -> memref<1x128x32xf32, #tpu.memory_space<hbm>>
      %dma_wait3A_127 = tpu.memref_squeeze %dma_wait3A_126 : memref<1x128x32xf32, #tpu.memory_space<hbm>> -> memref<128x32xf32, #tpu.memory_space<hbm>>
      tpu.wait_dma2 semaphore(%run_scoped3A : memref<!tpu.dma_semaphore, #tpu.memory_space<semaphore_mem>>) src(%arg8 : memref<128x32xf32, #tpu.memory_space<vmem>>) dst(%dma_wait3A_127 : memref<128x32xf32, #tpu.memory_space<hbm>>)
      tpu.yield
    }) : () -> ()
    return
  }
}

#map = affine_map<(d0, d1) -> (0, 0)>
#map1 = affine_map<(d0, d1) -> (0, 0, 0)>
module attributes {stable_mosaic.version = 14 : i64} {
  func.func @k(%arg0: i32, %arg1: i32, %arg2: memref<2560x128xi32, #tpu.memory_space<hbm>>, %arg3: memref<2560x128xi32, #tpu.memory_space<hbm>>, %arg4: memref<2x10240x32xf32, #tpu.memory_space<hbm>>, %arg5: memref<2x10240x32xf32, #tpu.memory_space<hbm>>, %arg6: memref<160x128xi32, #tpu.memory_space<vmem>>, %arg7: memref<160x128xi32, #tpu.memory_space<vmem>>, %arg8: memref<128x32xf32, #tpu.memory_space<vmem>>, %arg9: memref<128x32xf32, #tpu.memory_space<vmem>>, %arg10: memref<128x32xf32, #tpu.memory_space<vmem>>, %arg11: memref<128x32xf32, #tpu.memory_space<vmem>>, %arg12: memref<10240x32xf32, #tpu.memory_space<vmem_shared>>, %arg13: memref<10240x32xf32, #tpu.memory_space<vmem_shared>>, %arg14: memref<!tpu.dma_semaphore, #tpu.memory_space<semaphore_mem>>, %arg15: memref<!tpu.dma_semaphore, #tpu.memory_space<semaphore_mem>>, %arg16: memref<!tpu.dma_semaphore, #tpu.memory_space<semaphore_mem>>, %arg17: memref<!tpu.dma_semaphore, #tpu.memory_space<semaphore_mem>>, %arg18: memref<!tpu.dma_semaphore, #tpu.memory_space<semaphore_mem>>, %arg19: memref<!tpu.dma_semaphore, #tpu.memory_space<semaphore_mem>>, %arg20: memref<!tpu.dma_semaphore, #tpu.memory_space<semaphore_mem>>, %arg21: memref<!tpu.dma_semaphore, #tpu.memory_space<semaphore_mem>>) attributes {dimension_semantics = [#tpu.dimension_semantics<core_parallel>, #tpu.dimension_semantics<subcore_parallel>], iteration_bounds = array<i64: 2, 16>, scalar_prefetch = 0 : i64, scratch_operands = 16 : i64, tpu.core_type = #tpu.core_type<sc_vector_subcore>, window_params = [{transform_indices = #map}, {transform_indices = #map}, {transform_indices = #map1}, {transform_indices = #map1}]} {
    %mul3A = arith.constant 640 : i32
    %mul3A_0 = arith.muli %arg1, %mul3A : i32
    %add3A = arith.constant 0 : i32
    %add3A_1 = arith.addi %mul3A_0, %add3A : i32
    "tpu.region"() ({
      %run_scoped3A = tpu.sem_alloc : memref<!tpu.dma_semaphore, #tpu.memory_space<semaphore_mem>>
      %dma_start3A_116 = arith.constant 0 : i32
      %dma_start3A_117 = tpu.memref_slice %arg4[%arg0, %add3A_1, %dma_start3A_116] : memref<2x10240x32xf32, #tpu.memory_space<hbm>> -> memref<1x128x32xf32, #tpu.memory_space<hbm>>
      %dma_start3A_118 = tpu.memref_squeeze %dma_start3A_117 : memref<1x128x32xf32, #tpu.memory_space<hbm>> -> memref<128x32xf32, #tpu.memory_space<hbm>>
      %dma_start3A_119 = arith.constant 0 : i32
      %dma_start3A_120 = tpu.memref_slice %arg4[%arg0, %add3A_1, %dma_start3A_119] : memref<2x10240x32xf32, #tpu.memory_space<hbm>> -> memref<1x128x32xf32, #tpu.memory_space<hbm>>
      %dma_start3A_121 = tpu.memref_squeeze %dma_start3A_120 : memref<1x128x32xf32, #tpu.memory_space<hbm>> -> memref<128x32xf32, #tpu.memory_space<hbm>>
      tpu.enqueue_dma source(%dma_start3A_121 : memref<128x32xf32, #tpu.memory_space<hbm>>) target(%arg8 : memref<128x32xf32, #tpu.memory_space<vmem>>) target_semaphore(%run_scoped3A : memref<!tpu.dma_semaphore, #tpu.memory_space<semaphore_mem>>)
      %dma_wait3A_122 = arith.constant 0 : i32
      %dma_wait3A_123 = tpu.memref_slice %arg4[%arg0, %add3A_1, %dma_wait3A_122] : memref<2x10240x32xf32, #tpu.memory_space<hbm>> -> memref<1x128x32xf32, #tpu.memory_space<hbm>>
      %dma_wait3A_124 = tpu.memref_squeeze %dma_wait3A_123 : memref<1x128x32xf32, #tpu.memory_space<hbm>> -> memref<128x32xf32, #tpu.memory_space<hbm>>
      %dma_wait3A_125 = arith.constant 0 : i32
      %dma_wait3A_126 = tpu.memref_slice %arg4[%arg0, %add3A_1, %dma_wait3A_125] : memref<2x10240x32xf32, #tpu.memory_space<hbm>> -> memref<1x128x32xf32, #tpu.memory_space<hbm>>
      %dma_wait3A_127 = tpu.memref_squeeze %dma_wait3A_126 : memref<1x128x32xf32, #tpu.memory_space<hbm>> -> memref<128x32xf32, #tpu.memory_space<hbm>>
      tpu.wait_dma2 semaphore(%run_scoped3A : memref<!tpu.dma_semaphore, #tpu.memory_space<semaphore_mem>>) src(%dma_wait3A_127 : memref<128x32xf32, #tpu.memory_space<hbm>>) dst(%arg8 : memref<128x32xf32, #tpu.memory_space<vmem>>)
      tpu.yield
    }) : () -> ()
    "tpu.region"() ({
      %run_scoped3A = tpu.sem_alloc : memref<!tpu.dma_semaphore, #tpu.memory_space<semaphore_mem>>
      %dma_start3A_116 = arith.constant 0 : i32
      %dma_start3A_117 = tpu.memref_slice %arg13[%add3A_1, %dma_start3A_116] : memref<10240x32xf32, #tpu.memory_space<vmem_shared>> -> memref<128x32xf32, #tpu.memory_space<vmem_shared>>
      %dma_start3A_118 = arith.constant 0 : i32
      %dma_start3A_119 = tpu.memref_slice %arg13[%add3A_1, %dma_start3A_118] : memref<10240x32xf32, #tpu.memory_space<vmem_shared>> -> memref<128x32xf32, #tpu.memory_space<vmem_shared>>
      tpu.enqueue_dma source(%arg8 : memref<128x32xf32, #tpu.memory_space<vmem>>) target(%dma_start3A_119 : memref<128x32xf32, #tpu.memory_space<vmem_shared>>) target_semaphore(%run_scoped3A : memref<!tpu.dma_semaphore, #tpu.memory_space<semaphore_mem>>)
      %dma_wait3A_120 = arith.constant 0 : i32
      %dma_wait3A_121 = tpu.memref_slice %arg13[%add3A_1, %dma_wait3A_120] : memref<10240x32xf32, #tpu.memory_space<vmem_shared>> -> memref<128x32xf32, #tpu.memory_space<vmem_shared>>
      %dma_wait3A_122 = arith.constant 0 : i32
      %dma_wait3A_123 = tpu.memref_slice %arg13[%add3A_1, %dma_wait3A_122] : memref<10240x32xf32, #tpu.memory_space<vmem_shared>> -> memref<128x32xf32, #tpu.memory_space<vmem_shared>>
      tpu.wait_dma2 semaphore(%run_scoped3A : memref<!tpu.dma_semaphore, #tpu.memory_space<semaphore_mem>>) src(%arg8 : memref<128x32xf32, #tpu.memory_space<vmem>>) dst(%dma_wait3A_123 : memref<128x32xf32, #tpu.memory_space<vmem_shared>>)
      tpu.yield
    }) : () -> ()
    %mul3A_2 = arith.constant 640 : i32
    %mul3A_3 = arith.muli %arg1, %mul3A_2 : i32
    %add3A_4 = arith.constant 128 : i32
    %add3A_5 = arith.addi %mul3A_3, %add3A_4 : i32
    "tpu.region"() ({
      %run_scoped3A = tpu.sem_alloc : memref<!tpu.dma_semaphore, #tpu.memory_space<semaphore_mem>>
      %dma_start3A_116 = arith.constant 0 : i32
      %dma_start3A_117 = tpu.memref_slice %arg4[%arg0, %add3A_5, %dma_start3A_116] : memref<2x10240x32xf32, #tpu.memory_space<hbm>> -> memref<1x128x32xf32, #tpu.memory_space<hbm>>
      %dma_start3A_118 = tpu.memref_squeeze %dma_start3A_117 : memref<1x128x32xf32, #tpu.memory_space<hbm>> -> memref<128x32xf32, #tpu.memory_space<hbm>>
      %dma_start3A_119 = arith.constant 0 : i32
      %dma_start3A_120 = tpu.memref_slice %arg4[%arg0, %add3A_5, %dma_start3A_119] : memref<2x10240x32xf32, #tpu.memory_space<hbm>> -> memref<1x128x32xf32, #tpu.memory_space<hbm>>
      %dma_start3A_121 = tpu.memref_squeeze %dma_start3A_120 : memref<1x128x32xf32, #tpu.memory_space<hbm>> -> memref<128x32xf32, #tpu.memory_space<hbm>>
      tpu.enqueue_dma source(%dma_start3A_121 : memref<128x32xf32, #tpu.memory_space<hbm>>) target(%arg8 : memref<128x32xf32, #tpu.memory_space<vmem>>) target_semaphore(%run_scoped3A : memref<!tpu.dma_semaphore, #tpu.memory_space<semaphore_mem>>)
      %dma_wait3A_122 = arith.constant 0 : i32
      %dma_wait3A_123 = tpu.memref_slice %arg4[%arg0, %add3A_5, %dma_wait3A_122] : memref<2x10240x32xf32, #tpu.memory_space<hbm>> -> memref<1x128x32xf32, #tpu.memory_space<hbm>>
      %dma_wait3A_124 = tpu.memref_squeeze %dma_wait3A_123 : memref<1x128x32xf32, #tpu.memory_space<hbm>> -> memref<128x32xf32, #tpu.memory_space<hbm>>
      %dma_wait3A_125 = arith.constant 0 : i32
      %dma_wait3A_126 = tpu.memref_slice %arg4[%arg0, %add3A_5, %dma_wait3A_125] : memref<2x10240x32xf32, #tpu.memory_space<hbm>> -> memref<1x128x32xf32, #tpu.memory_space<hbm>>
      %dma_wait3A_127 = tpu.memref_squeeze %dma_wait3A_126 : memref<1x128x32xf32, #tpu.memory_space<hbm>> -> memref<128x32xf32, #tpu.memory_space<hbm>>
      tpu.wait_dma2 semaphore(%run_scoped3A : memref<!tpu.dma_semaphore, #tpu.memory_space<semaphore_mem>>) src(%dma_wait3A_127 : memref<128x32xf32, #tpu.memory_space<hbm>>) dst(%arg8 : memref<128x32xf32, #tpu.memory_space<vmem>>)
      tpu.yield
    }) : () -> ()
    "tpu.region"() ({
      %run_scoped3A = tpu.sem_alloc : memref<!tpu.dma_semaphore, #tpu.memory_space<semaphore_mem>>
      %dma_start3A_116 = arith.constant 0 : i32
      %dma_start3A_117 = tpu.memref_slice %arg13[%add3A_5, %dma_start3A_116] : memref<10240x32xf32, #tpu.memory_space<vmem_shared>> -> memref<128x32xf32, #tpu.memory_space<vmem_shared>>
      %dma_start3A_118 = arith.constant 0 : i32
      %dma_start3A_119 = tpu.memref_slice %arg13[%add3A_5, %dma_start3A_118] : memref<10240x32xf32, #tpu.memory_space<vmem_shared>> -> memref<128x32xf32, #tpu.memory_space<vmem_shared>>
      tpu.enqueue_dma source(%arg8 : memref<128x32xf32, #tpu.memory_space<vmem>>) target(%dma_start3A_119 : memref<128x32xf32, #tpu.memory_space<vmem_shared>>) target_semaphore(%run_scoped3A : memref<!tpu.dma_semaphore, #tpu.memory_space<semaphore_mem>>)
      %dma_wait3A_120 = arith.constant 0 : i32
      %dma_wait3A_121 = tpu.memref_slice %arg13[%add3A_5, %dma_wait3A_120] : memref<10240x32xf32, #tpu.memory_space<vmem_shared>> -> memref<128x32xf32, #tpu.memory_space<vmem_shared>>
      %dma_wait3A_122 = arith.constant 0 : i32
      %dma_wait3A_123 = tpu.memref_slice %arg13[%add3A_5, %dma_wait3A_122] : memref<10240x32xf32, #tpu.memory_space<vmem_shared>> -> memref<128x32xf32, #tpu.memory_space<vmem_shared>>
      tpu.wait_dma2 semaphore(%run_scoped3A : memref<!tpu.dma_semaphore, #tpu.memory_space<semaphore_mem>>) src(%arg8 : memref<128x32xf32, #tpu.memory_space<vmem>>) dst(%dma_wait3A_123 : memref<128x32xf32, #tpu.memory_space<vmem_shared>>)
      tpu.yield
    }) : () -> ()
    %mul3A_6 = arith.constant 640 : i32
    %mul3A_7 = arith.muli %arg1, %mul3A_6 : i32
    %add3A_8 = arith.constant 256 : i32
    %add3A_9 = arith.addi %mul3A_7, %add3A_8 : i32
    "tpu.region"() ({
      %run_scoped3A = tpu.sem_alloc : memref<!tpu.dma_semaphore, #tpu.memory_space<semaphore_mem>>
      %dma_start3A_116 = arith.constant 0 : i32
      %dma_start3A_117 = tpu.memref_slice %arg4[%arg0, %add3A_9, %dma_start3A_116] : memref<2x10240x32xf32, #tpu.memory_space<hbm>> -> memref<1x128x32xf32, #tpu.memory_space<hbm>>
      %dma_start3A_118 = tpu.memref_squeeze %dma_start3A_117 : memref<1x128x32xf32, #tpu.memory_space<hbm>> -> memref<128x32xf32, #tpu.memory_space<hbm>>
      %dma_start3A_119 = arith.constant 0 : i32
      %dma_start3A_120 = tpu.memref_slice %arg4[%arg0, %add3A_9, %dma_start3A_119] : memref<2x10240x32xf32, #tpu.memory_space<hbm>> -> memref<1x128x32xf32, #tpu.memory_space<hbm>>
      %dma_start3A_121 = tpu.memref_squeeze %dma_start3A_120 : memref<1x128x32xf32, #tpu.memory_space<hbm>> -> memref<128x32xf32, #tpu.memory_space<hbm>>
      tpu.enqueue_dma source(%dma_start3A_121 : memref<128x32xf32, #tpu.memory_space<hbm>>) target(%arg8 : memref<128x32xf32, #tpu.memory_space<vmem>>) target_semaphore(%run_scoped3A : memref<!tpu.dma_semaphore, #tpu.memory_space<semaphore_mem>>)
      %dma_wait3A_122 = arith.constant 0 : i32
      %dma_wait3A_123 = tpu.memref_slice %arg4[%arg0, %add3A_9, %dma_wait3A_122] : memref<2x10240x32xf32, #tpu.memory_space<hbm>> -> memref<1x128x32xf32, #tpu.memory_space<hbm>>
      %dma_wait3A_124 = tpu.memref_squeeze %dma_wait3A_123 : memref<1x128x32xf32, #tpu.memory_space<hbm>> -> memref<128x32xf32, #tpu.memory_space<hbm>>
      %dma_wait3A_125 = arith.constant 0 : i32
      %dma_wait3A_126 = tpu.memref_slice %arg4[%arg0, %add3A_9, %dma_wait3A_125] : memref<2x10240x32xf32, #tpu.memory_space<hbm>> -> memref<1x128x32xf32, #tpu.memory_space<hbm>>
      %dma_wait3A_127 = tpu.memref_squeeze %dma_wait3A_126 : memref<1x128x32xf32, #tpu.memory_space<hbm>> -> memref<128x32xf32, #tpu.memory_space<hbm>>
      tpu.wait_dma2 semaphore(%run_scoped3A : memref<!tpu.dma_semaphore, #tpu.memory_space<semaphore_mem>>) src(%dma_wait3A_127 : memref<128x32xf32, #tpu.memory_space<hbm>>) dst(%arg8 : memref<128x32xf32, #tpu.memory_space<vmem>>)
      tpu.yield
    }) : () -> ()
    "tpu.region"() ({
      %run_scoped3A = tpu.sem_alloc : memref<!tpu.dma_semaphore, #tpu.memory_space<semaphore_mem>>
      %dma_start3A_116 = arith.constant 0 : i32
      %dma_start3A_117 = tpu.memref_slice %arg13[%add3A_9, %dma_start3A_116] : memref<10240x32xf32, #tpu.memory_space<vmem_shared>> -> memref<128x32xf32, #tpu.memory_space<vmem_shared>>
      %dma_start3A_118 = arith.constant 0 : i32
      %dma_start3A_119 = tpu.memref_slice %arg13[%add3A_9, %dma_start3A_118] : memref<10240x32xf32, #tpu.memory_space<vmem_shared>> -> memref<128x32xf32, #tpu.memory_space<vmem_shared>>
      tpu.enqueue_dma source(%arg8 : memref<128x32xf32, #tpu.memory_space<vmem>>) target(%dma_start3A_119 : memref<128x32xf32, #tpu.memory_space<vmem_shared>>) target_semaphore(%run_scoped3A : memref<!tpu.dma_semaphore, #tpu.memory_space<semaphore_mem>>)
      %dma_wait3A_120 = arith.constant 0 : i32
      %dma_wait3A_121 = tpu.memref_slice %arg13[%add3A_9, %dma_wait3A_120] : memref<10240x32xf32, #tpu.memory_space<vmem_shared>> -> memref<128x32xf32, #tpu.memory_space<vmem_shared>>
      %dma_wait3A_122 = arith.constant 0 : i32
      %dma_wait3A_123 = tpu.memref_slice %arg13[%add3A_9, %dma_wait3A_122] : memref<10240x32xf32, #tpu.memory_space<vmem_shared>> -> memref<128x32xf32, #tpu.memory_space<vmem_shared>>
      tpu.wait_dma2 semaphore(%run_scoped3A : memref<!tpu.dma_semaphore, #tpu.memory_space<semaphore_mem>>) src(%arg8 : memref<128x32xf32, #tpu.memory_space<vmem>>) dst(%dma_wait3A_123 : memref<128x32xf32, #tpu.memory_space<vmem_shared>>)
      tpu.yield
    }) : () -> ()
    %mul3A_10 = arith.constant 640 : i32
    %mul3A_11 = arith.muli %arg1, %mul3A_10 : i32
    %add3A_12 = arith.constant 384 : i32
    %add3A_13 = arith.addi %mul3A_11, %add3A_12 : i32
    "tpu.region"() ({
      %run_scoped3A = tpu.sem_alloc : memref<!tpu.dma_semaphore, #tpu.memory_space<semaphore_mem>>
      %dma_start3A_116 = arith.constant 0 : i32
      %dma_start3A_117 = tpu.memref_slice %arg4[%arg0, %add3A_13, %dma_start3A_116] : memref<2x10240x32xf32, #tpu.memory_space<hbm>> -> memref<1x128x32xf32, #tpu.memory_space<hbm>>
      %dma_start3A_118 = tpu.memref_squeeze %dma_start3A_117 : memref<1x128x32xf32, #tpu.memory_space<hbm>> -> memref<128x32xf32, #tpu.memory_space<hbm>>
      %dma_start3A_119 = arith.constant 0 : i32
      %dma_start3A_120 = tpu.memref_slice %arg4[%arg0, %add3A_13, %dma_start3A_119] : memref<2x10240x32xf32, #tpu.memory_space<hbm>> -> memref<1x128x32xf32, #tpu.memory_space<hbm>>
      %dma_start3A_121 = tpu.memref_squeeze %dma_start3A_120 : memref<1x128x32xf32, #tpu.memory_space<hbm>> -> memref<128x32xf32, #tpu.memory_space<hbm>>
      tpu.enqueue_dma source(%dma_start3A_121 : memref<128x32xf32, #tpu.memory_space<hbm>>) target(%arg8 : memref<128x32xf32, #tpu.memory_space<vmem>>) target_semaphore(%run_scoped3A : memref<!tpu.dma_semaphore, #tpu.memory_space<semaphore_mem>>)
      %dma_wait3A_122 = arith.constant 0 : i32
      %dma_wait3A_123 = tpu.memref_slice %arg4[%arg0, %add3A_13, %dma_wait3A_122] : memref<2x10240x32xf32, #tpu.memory_space<hbm>> -> memref<1x128x32xf32, #tpu.memory_space<hbm>>
      %dma_wait3A_124 = tpu.memref_squeeze %dma_wait3A_123 : memref<1x128x32xf32, #tpu.memory_space<hbm>> -> memref<128x32xf32, #tpu.memory_space<hbm>>
      %dma_wait3A_125 = arith.constant 0 : i32
      %dma_wait3A_126 = tpu.memref_slice %arg4[%arg0, %add3A_13, %dma_wait3A_125] : memref<2x10240x32xf32, #tpu.memory_space<hbm>> -> memref<1x128x32xf32, #tpu.memory_space<hbm>>
      %dma_wait3A_127 = tpu.memref_squeeze %dma_wait3A_126 : memref<1x128x32xf32, #tpu.memory_space<hbm>> -> memref<128x32xf32, #tpu.memory_space<hbm>>
      tpu.wait_dma2 semaphore(%run_scoped3A : memref<!tpu.dma_semaphore, #tpu.memory_space<semaphore_mem>>) src(%dma_wait3A_127 : memref<128x32xf32, #tpu.memory_space<hbm>>) dst(%arg8 : memref<128x32xf32, #tpu.memory_space<vmem>>)
      tpu.yield
    }) : () -> ()
    "tpu.region"() ({
      %run_scoped3A = tpu.sem_alloc : memref<!tpu.dma_semaphore, #tpu.memory_space<semaphore_mem>>
      %dma_start3A_116 = arith.constant 0 : i32
      %dma_start3A_117 = tpu.memref_slice %arg13[%add3A_13, %dma_start3A_116] : memref<10240x32xf32, #tpu.memory_space<vmem_shared>> -> memref<128x32xf32, #tpu.memory_space<vmem_shared>>
      %dma_start3A_118 = arith.constant 0 : i32
      %dma_start3A_119 = tpu.memref_slice %arg13[%add3A_13, %dma_start3A_118] : memref<10240x32xf32, #tpu.memory_space<vmem_shared>> -> memref<128x32xf32, #tpu.memory_space<vmem_shared>>
      tpu.enqueue_dma source(%arg8 : memref<128x32xf32, #tpu.memory_space<vmem>>) target(%dma_start3A_119 : memref<128x32xf32, #tpu.memory_space<vmem_shared>>) target_semaphore(%run_scoped3A : memref<!tpu.dma_semaphore, #tpu.memory_space<semaphore_mem>>)
      %dma_wait3A_120 = arith.constant 0 : i32
      %dma_wait3A_121 = tpu.memref_slice %arg13[%add3A_13, %dma_wait3A_120] : memref<10240x32xf32, #tpu.memory_space<vmem_shared>> -> memref<128x32xf32, #tpu.memory_space<vmem_shared>>
      %dma_wait3A_122 = arith.constant 0 : i32
      %dma_wait3A_123 = tpu.memref_slice %arg13[%add3A_13, %dma_wait3A_122] : memref<10240x32xf32, #tpu.memory_space<vmem_shared>> -> memref<128x32xf32, #tpu.memory_space<vmem_shared>>
      tpu.wait_dma2 semaphore(%run_scoped3A : memref<!tpu.dma_semaphore, #tpu.memory_space<semaphore_mem>>) src(%arg8 : memref<128x32xf32, #tpu.memory_space<vmem>>) dst(%dma_wait3A_123 : memref<128x32xf32, #tpu.memory_space<vmem_shared>>)
      tpu.yield
    }) : () -> ()
    %mul3A_14 = arith.constant 640 : i32
    %mul3A_15 = arith.muli %arg1, %mul3A_14 : i32
    %add3A_16 = arith.constant 512 : i32
    %add3A_17 = arith.addi %mul3A_15, %add3A_16 : i32
    "tpu.region"() ({
      %run_scoped3A = tpu.sem_alloc : memref<!tpu.dma_semaphore, #tpu.memory_space<semaphore_mem>>
      %dma_start3A_116 = arith.constant 0 : i32
      %dma_start3A_117 = tpu.memref_slice %arg4[%arg0, %add3A_17, %dma_start3A_116] : memref<2x10240x32xf32, #tpu.memory_space<hbm>> -> memref<1x128x32xf32, #tpu.memory_space<hbm>>
      %dma_start3A_118 = tpu.memref_squeeze %dma_start3A_117 : memref<1x128x32xf32, #tpu.memory_space<hbm>> -> memref<128x32xf32, #tpu.memory_space<hbm>>
      %dma_start3A_119 = arith.constant 0 : i32
      %dma_start3A_120 = tpu.memref_slice %arg4[%arg0, %add3A_17, %dma_start3A_119] : memref<2x10240x32xf32, #tpu.memory_space<hbm>> -> memref<1x128x32xf32, #tpu.memory_space<hbm>>
      %dma_start3A_121 = tpu.memref_squeeze %dma_start3A_120 : memref<1x128x32xf32, #tpu.memory_space<hbm>> -> memref<128x32xf32, #tpu.memory_space<hbm>>
      tpu.enqueue_dma source(%dma_start3A_121 : memref<128x32xf32, #tpu.memory_space<hbm>>) target(%arg8 : memref<128x32xf32, #tpu.memory_space<vmem>>) target_semaphore(%run_scoped3A : memref<!tpu.dma_semaphore, #tpu.memory_space<semaphore_mem>>)
      %dma_wait3A_122 = arith.constant 0 : i32
      %dma_wait3A_123 = tpu.memref_slice %arg4[%arg0, %add3A_17, %dma_wait3A_122] : memref<2x10240x32xf32, #tpu.memory_space<hbm>> -> memref<1x128x32xf32, #tpu.memory_space<hbm>>
      %dma_wait3A_124 = tpu.memref_squeeze %dma_wait3A_123 : memref<1x128x32xf32, #tpu.memory_space<hbm>> -> memref<128x32xf32, #tpu.memory_space<hbm>>
      %dma_wait3A_125 = arith.constant 0 : i32
      %dma_wait3A_126 = tpu.memref_slice %arg4[%arg0, %add3A_17, %dma_wait3A_125] : memref<2x10240x32xf32, #tpu.memory_space<hbm>> -> memref<1x128x32xf32, #tpu.memory_space<hbm>>
      %dma_wait3A_127 = tpu.memref_squeeze %dma_wait3A_126 : memref<1x128x32xf32, #tpu.memory_space<hbm>> -> memref<128x32xf32, #tpu.memory_space<hbm>>
      tpu.wait_dma2 semaphore(%run_scoped3A : memref<!tpu.dma_semaphore, #tpu.memory_space<semaphore_mem>>) src(%dma_wait3A_127 : memref<128x32xf32, #tpu.memory_space<hbm>>) dst(%arg8 : memref<128x32xf32, #tpu.memory_space<vmem>>)
      tpu.yield
    }) : () -> ()
    "tpu.region"() ({
      %run_scoped3A = tpu.sem_alloc : memref<!tpu.dma_semaphore, #tpu.memory_space<semaphore_mem>>
      %dma_start3A_116 = arith.constant 0 : i32
      %dma_start3A_117 = tpu.memref_slice %arg13[%add3A_17, %dma_start3A_116] : memref<10240x32xf32, #tpu.memory_space<vmem_shared>> -> memref<128x32xf32, #tpu.memory_space<vmem_shared>>
      %dma_start3A_118 = arith.constant 0 : i32
      %dma_start3A_119 = tpu.memref_slice %arg13[%add3A_17, %dma_start3A_118] : memref<10240x32xf32, #tpu.memory_space<vmem_shared>> -> memref<128x32xf32, #tpu.memory_space<vmem_shared>>
      tpu.enqueue_dma source(%arg8 : memref<128x32xf32, #tpu.memory_space<vmem>>) target(%dma_start3A_119 : memref<128x32xf32, #tpu.memory_space<vmem_shared>>) target_semaphore(%run_scoped3A : memref<!tpu.dma_semaphore, #tpu.memory_space<semaphore_mem>>)
      %dma_wait3A_120 = arith.constant 0 : i32
      %dma_wait3A_121 = tpu.memref_slice %arg13[%add3A_17, %dma_wait3A_120] : memref<10240x32xf32, #tpu.memory_space<vmem_shared>> -> memref<128x32xf32, #tpu.memory_space<vmem_shared>>
      %dma_wait3A_122 = arith.constant 0 : i32
      %dma_wait3A_123 = tpu.memref_slice %arg13[%add3A_17, %dma_wait3A_122] : memref<10240x32xf32, #tpu.memory_space<vmem_shared>> -> memref<128x32xf32, #tpu.memory_space<vmem_shared>>
      tpu.wait_dma2 semaphore(%run_scoped3A : memref<!tpu.dma_semaphore, #tpu.memory_space<semaphore_mem>>) src(%arg8 : memref<128x32xf32, #tpu.memory_space<vmem>>) dst(%dma_wait3A_123 : memref<128x32xf32, #tpu.memory_space<vmem_shared>>)
      tpu.yield
    }) : () -> ()
    %scan3A = arith.constant 0 : i32
    %scan3A_18 = arith.constant 0 : i32
    %scan3A_19 = arith.constant 128 : i32
    %scan3A_20 = arith.addi %scan3A_18, %scan3A_19 : i32
    %scan3A_21 = arith.constant 1 : i32
    %scan3A_22 = scf.for %scan3A_116 = %scan3A_18 to %scan3A_20 step %scan3A_21 iter_args(%scan3A_117 = %scan3A) -> (i32)  : i32 {
      %broadcast_in_dim3A = arith.constant 0.000000e+00 : f32
      %broadcast_in_dim3A_118 = vector.broadcast %broadcast_in_dim3A : f32 to vector<16xf32>
      %swap3A = arith.index_cast %scan3A_116 : i32 to index
      %swap3A_119 = arith.constant 0 : index
      %swap3A_120 = tpu.vector_load %arg8[%swap3A, %swap3A_119] {strides = array<i32>} : memref<128x32xf32, #tpu.memory_space<vmem>>, vector<1x16xf32>,
      %swap3A_121 = vector.shape_cast %swap3A_120 : vector<1x16xf32> to vector<16xf32>
      %swap3A_122 = vector.shape_cast %broadcast_in_dim3A_118 : vector<16xf32> to vector<1x16xf32>
      tpu.vector_store %arg8[%swap3A, %swap3A_119], %swap3A_122 {strides = array<i32>} : memref<128x32xf32, #tpu.memory_space<vmem>>, vector<1x16xf32>,
      %broadcast_in_dim3A_123 = arith.constant 0.000000e+00 : f32
      %broadcast_in_dim3A_124 = vector.broadcast %broadcast_in_dim3A_123 : f32 to vector<16xf32>
      %swap3A_125 = arith.index_cast %scan3A_116 : i32 to index
      %swap3A_126 = arith.constant 16 : index
      %swap3A_127 = tpu.vector_load %arg8[%swap3A_125, %swap3A_126] {strides = array<i32>} : memref<128x32xf32, #tpu.memory_space<vmem>>, vector<1x16xf32>,
      %swap3A_128 = vector.shape_cast %swap3A_127 : vector<1x16xf32> to vector<16xf32>
      %swap3A_129 = vector.shape_cast %broadcast_in_dim3A_124 : vector<16xf32> to vector<1x16xf32>
      tpu.vector_store %arg8[%swap3A_125, %swap3A_126], %swap3A_129 {strides = array<i32>} : memref<128x32xf32, #tpu.memory_space<vmem>>, vector<1x16xf32>,
      %scan3A_130 = arith.constant 0 : i32
      scf.yield %scan3A_130 : i32
    }
    %scan3A_23 = arith.constant 128 : i32
    %mul3A_24 = arith.constant 640 : i32
    %mul3A_25 = arith.muli %arg1, %mul3A_24 : i32
    %add3A_26 = arith.constant 0 : i32
    %add3A_27 = arith.addi %mul3A_25, %add3A_26 : i32
    "tpu.region"() ({
      %run_scoped3A = tpu.sem_alloc : memref<!tpu.dma_semaphore, #tpu.memory_space<semaphore_mem>>
      %dma_start3A_116 = arith.constant 0 : i32
      %dma_start3A_117 = tpu.memref_slice %arg12[%add3A_27, %dma_start3A_116] : memref<10240x32xf32, #tpu.memory_space<vmem_shared>> -> memref<128x32xf32, #tpu.memory_space<vmem_shared>>
      %dma_start3A_118 = arith.constant 0 : i32
      %dma_start3A_119 = tpu.memref_slice %arg12[%add3A_27, %dma_start3A_118] : memref<10240x32xf32, #tpu.memory_space<vmem_shared>> -> memref<128x32xf32, #tpu.memory_space<vmem_shared>>
      tpu.enqueue_dma source(%arg8 : memref<128x32xf32, #tpu.memory_space<vmem>>) target(%dma_start3A_119 : memref<128x32xf32, #tpu.memory_space<vmem_shared>>) target_semaphore(%run_scoped3A : memref<!tpu.dma_semaphore, #tpu.memory_space<semaphore_mem>>)
      %dma_wait3A_120 = arith.constant 0 : i32
      %dma_wait3A_121 = tpu.memref_slice %arg12[%add3A_27, %dma_wait3A_120] : memref<10240x32xf32, #tpu.memory_space<vmem_shared>> -> memref<128x32xf32, #tpu.memory_space<vmem_shared>>
      %dma_wait3A_122 = arith.constant 0 : i32
      %dma_wait3A_123 = tpu.memref_slice %arg12[%add3A_27, %dma_wait3A_122] : memref<10240x32xf32, #tpu.memory_space<vmem_shared>> -> memref<128x32xf32, #tpu.memory_space<vmem_shared>>
      tpu.wait_dma2 semaphore(%run_scoped3A : memref<!tpu.dma_semaphore, #tpu.memory_space<semaphore_mem>>) src(%arg8 : memref<128x32xf32, #tpu.memory_space<vmem>>) dst(%dma_wait3A_123 : memref<128x32xf32, #tpu.memory_space<vmem_shared>>)
      tpu.yield
    }) : () -> ()
    %mul3A_28 = arith.constant 640 : i32
    %mul3A_29 = arith.muli %arg1, %mul3A_28 : i32
    %add3A_30 = arith.constant 128 : i32
    %add3A_31 = arith.addi %mul3A_29, %add3A_30 : i32
    "tpu.region"() ({
      %run_scoped3A = tpu.sem_alloc : memref<!tpu.dma_semaphore, #tpu.memory_space<semaphore_mem>>
      %dma_start3A_116 = arith.constant 0 : i32
      %dma_start3A_117 = tpu.memref_slice %arg12[%add3A_31, %dma_start3A_116] : memref<10240x32xf32, #tpu.memory_space<vmem_shared>> -> memref<128x32xf32, #tpu.memory_space<vmem_shared>>
      %dma_start3A_118 = arith.constant 0 : i32
      %dma_start3A_119 = tpu.memref_slice %arg12[%add3A_31, %dma_start3A_118] : memref<10240x32xf32, #tpu.memory_space<vmem_shared>> -> memref<128x32xf32, #tpu.memory_space<vmem_shared>>
      tpu.enqueue_dma source(%arg8 : memref<128x32xf32, #tpu.memory_space<vmem>>) target(%dma_start3A_119 : memref<128x32xf32, #tpu.memory_space<vmem_shared>>) target_semaphore(%run_scoped3A : memref<!tpu.dma_semaphore, #tpu.memory_space<semaphore_mem>>)
      %dma_wait3A_120 = arith.constant 0 : i32
      %dma_wait3A_121 = tpu.memref_slice %arg12[%add3A_31, %dma_wait3A_120] : memref<10240x32xf32, #tpu.memory_space<vmem_shared>> -> memref<128x32xf32, #tpu.memory_space<vmem_shared>>
      %dma_wait3A_122 = arith.constant 0 : i32
      %dma_wait3A_123 = tpu.memref_slice %arg12[%add3A_31, %dma_wait3A_122] : memref<10240x32xf32, #tpu.memory_space<vmem_shared>> -> memref<128x32xf32, #tpu.memory_space<vmem_shared>>
      tpu.wait_dma2 semaphore(%run_scoped3A : memref<!tpu.dma_semaphore, #tpu.memory_space<semaphore_mem>>) src(%arg8 : memref<128x32xf32, #tpu.memory_space<vmem>>) dst(%dma_wait3A_123 : memref<128x32xf32, #tpu.memory_space<vmem_shared>>)
      tpu.yield
    }) : () -> ()
    %mul3A_32 = arith.constant 640 : i32
    %mul3A_33 = arith.muli %arg1, %mul3A_32 : i32
    %add3A_34 = arith.constant 256 : i32
    %add3A_35 = arith.addi %mul3A_33, %add3A_34 : i32
    "tpu.region"() ({
      %run_scoped3A = tpu.sem_alloc : memref<!tpu.dma_semaphore, #tpu.memory_space<semaphore_mem>>
      %dma_start3A_116 = arith.constant 0 : i32
      %dma_start3A_117 = tpu.memref_slice %arg12[%add3A_35, %dma_start3A_116] : memref<10240x32xf32, #tpu.memory_space<vmem_shared>> -> memref<128x32xf32, #tpu.memory_space<vmem_shared>>
      %dma_start3A_118 = arith.constant 0 : i32
      %dma_start3A_119 = tpu.memref_slice %arg12[%add3A_35, %dma_start3A_118] : memref<10240x32xf32, #tpu.memory_space<vmem_shared>> -> memref<128x32xf32, #tpu.memory_space<vmem_shared>>
      tpu.enqueue_dma source(%arg8 : memref<128x32xf32, #tpu.memory_space<vmem>>) target(%dma_start3A_119 : memref<128x32xf32, #tpu.memory_space<vmem_shared>>) target_semaphore(%run_scoped3A : memref<!tpu.dma_semaphore, #tpu.memory_space<semaphore_mem>>)
      %dma_wait3A_120 = arith.constant 0 : i32
      %dma_wait3A_121 = tpu.memref_slice %arg12[%add3A_35, %dma_wait3A_120] : memref<10240x32xf32, #tpu.memory_space<vmem_shared>> -> memref<128x32xf32, #tpu.memory_space<vmem_shared>>
      %dma_wait3A_122 = arith.constant 0 : i32
      %dma_wait3A_123 = tpu.memref_slice %arg12[%add3A_35, %dma_wait3A_122] : memref<10240x32xf32, #tpu.memory_space<vmem_shared>> -> memref<128x32xf32, #tpu.memory_space<vmem_shared>>
      tpu.wait_dma2 semaphore(%run_scoped3A : memref<!tpu.dma_semaphore, #tpu.memory_space<semaphore_mem>>) src(%arg8 : memref<128x32xf32, #tpu.memory_space<vmem>>) dst(%dma_wait3A_123 : memref<128x32xf32, #tpu.memory_space<vmem_shared>>)
      tpu.yield
    }) : () -> ()
    %mul3A_36 = arith.constant 640 : i32
    %mul3A_37 = arith.muli %arg1, %mul3A_36 : i32
    %add3A_38 = arith.constant 384 : i32
    %add3A_39 = arith.addi %mul3A_37, %add3A_38 : i32
    "tpu.region"() ({
      %run_scoped3A = tpu.sem_alloc : memref<!tpu.dma_semaphore, #tpu.memory_space<semaphore_mem>>
      %dma_start3A_116 = arith.constant 0 : i32
      %dma_start3A_117 = tpu.memref_slice %arg12[%add3A_39, %dma_start3A_116] : memref<10240x32xf32, #tpu.memory_space<vmem_shared>> -> memref<128x32xf32, #tpu.memory_space<vmem_shared>>
      %dma_start3A_118 = arith.constant 0 : i32
      %dma_start3A_119 = tpu.memref_slice %arg12[%add3A_39, %dma_start3A_118] : memref<10240x32xf32, #tpu.memory_space<vmem_shared>> -> memref<128x32xf32, #tpu.memory_space<vmem_shared>>
      tpu.enqueue_dma source(%arg8 : memref<128x32xf32, #tpu.memory_space<vmem>>) target(%dma_start3A_119 : memref<128x32xf32, #tpu.memory_space<vmem_shared>>) target_semaphore(%run_scoped3A : memref<!tpu.dma_semaphore, #tpu.memory_space<semaphore_mem>>)
      %dma_wait3A_120 = arith.constant 0 : i32
      %dma_wait3A_121 = tpu.memref_slice %arg12[%add3A_39, %dma_wait3A_120] : memref<10240x32xf32, #tpu.memory_space<vmem_shared>> -> memref<128x32xf32, #tpu.memory_space<vmem_shared>>
      %dma_wait3A_122 = arith.constant 0 : i32
      %dma_wait3A_123 = tpu.memref_slice %arg12[%add3A_39, %dma_wait3A_122] : memref<10240x32xf32, #tpu.memory_space<vmem_shared>> -> memref<128x32xf32, #tpu.memory_space<vmem_shared>>
      tpu.wait_dma2 semaphore(%run_scoped3A : memref<!tpu.dma_semaphore, #tpu.memory_space<semaphore_mem>>) src(%arg8 : memref<128x32xf32, #tpu.memory_space<vmem>>) dst(%dma_wait3A_123 : memref<128x32xf32, #tpu.memory_space<vmem_shared>>)
      tpu.yield
    }) : () -> ()
    %mul3A_40 = arith.constant 640 : i32
    %mul3A_41 = arith.muli %arg1, %mul3A_40 : i32
    %add3A_42 = arith.constant 512 : i32
    %add3A_43 = arith.addi %mul3A_41, %add3A_42 : i32
    "tpu.region"() ({
      %run_scoped3A = tpu.sem_alloc : memref<!tpu.dma_semaphore, #tpu.memory_space<semaphore_mem>>
      %dma_start3A_116 = arith.constant 0 : i32
      %dma_start3A_117 = tpu.memref_slice %arg12[%add3A_43, %dma_start3A_116] : memref<10240x32xf32, #tpu.memory_space<vmem_shared>> -> memref<128x32xf32, #tpu.memory_space<vmem_shared>>
      %dma_start3A_118 = arith.constant 0 : i32
      %dma_start3A_119 = tpu.memref_slice %arg12[%add3A_43, %dma_start3A_118] : memref<10240x32xf32, #tpu.memory_space<vmem_shared>> -> memref<128x32xf32, #tpu.memory_space<vmem_shared>>
      tpu.enqueue_dma source(%arg8 : memref<128x32xf32, #tpu.memory_space<vmem>>) target(%dma_start3A_119 : memref<128x32xf32, #tpu.memory_space<vmem_shared>>) target_semaphore(%run_scoped3A : memref<!tpu.dma_semaphore, #tpu.memory_space<semaphore_mem>>)
      %dma_wait3A_120 = arith.constant 0 : i32
      %dma_wait3A_121 = tpu.memref_slice %arg12[%add3A_43, %dma_wait3A_120] : memref<10240x32xf32, #tpu.memory_space<vmem_shared>> -> memref<128x32xf32, #tpu.memory_space<vmem_shared>>
      %dma_wait3A_122 = arith.constant 0 : i32
      %dma_wait3A_123 = tpu.memref_slice %arg12[%add3A_43, %dma_wait3A_122] : memref<10240x32xf32, #tpu.memory_space<vmem_shared>> -> memref<128x32xf32, #tpu.memory_space<vmem_shared>>
      tpu.wait_dma2 semaphore(%run_scoped3A : memref<!tpu.dma_semaphore, #tpu.memory_space<semaphore_mem>>) src(%arg8 : memref<128x32xf32, #tpu.memory_space<vmem>>) dst(%dma_wait3A_123 : memref<128x32xf32, #tpu.memory_space<vmem_shared>>)
      tpu.yield
    }) : () -> ()
    %mul3A_44 = arith.constant 160 : i32
    %mul3A_45 = arith.muli %arg1, %mul3A_44 : i32
    "tpu.region"() ({
      %run_scoped3A = tpu.sem_alloc : memref<!tpu.dma_semaphore, #tpu.memory_space<semaphore_mem>>
      %dma_start3A_116 = arith.constant 0 : i32
      %dma_start3A_117 = tpu.memref_slice %arg2[%mul3A_45, %dma_start3A_116] : memref<2560x128xi32, #tpu.memory_space<hbm>> -> memref<160x128xi32, #tpu.memory_space<hbm>>
      %dma_start3A_118 = arith.constant 0 : i32
      %dma_start3A_119 = tpu.memref_slice %arg2[%mul3A_45, %dma_start3A_118] : memref<2560x128xi32, #tpu.memory_space<hbm>> -> memref<160x128xi32, #tpu.memory_space<hbm>>
      tpu.enqueue_dma source(%dma_start3A_119 : memref<160x128xi32, #tpu.memory_space<hbm>>) target(%arg6 : memref<160x128xi32, #tpu.memory_space<vmem>>) target_semaphore(%run_scoped3A : memref<!tpu.dma_semaphore, #tpu.memory_space<semaphore_mem>>)
      %dma_wait3A_120 = arith.constant 0 : i32
      %dma_wait3A_121 = tpu.memref_slice %arg2[%mul3A_45, %dma_wait3A_120] : memref<2560x128xi32, #tpu.memory_space<hbm>> -> memref<160x128xi32, #tpu.memory_space<hbm>>
      %dma_wait3A_122 = arith.constant 0 : i32
      %dma_wait3A_123 = tpu.memref_slice %arg2[%mul3A_45, %dma_wait3A_122] : memref<2560x128xi32, #tpu.memory_space<hbm>> -> memref<160x128xi32, #tpu.memory_space<hbm>>
      tpu.wait_dma2 semaphore(%run_scoped3A : memref<!tpu.dma_semaphore, #tpu.memory_space<semaphore_mem>>) src(%dma_wait3A_123 : memref<160x128xi32, #tpu.memory_space<hbm>>) dst(%arg6 : memref<160x128xi32, #tpu.memory_space<vmem>>)
      tpu.yield
    }) : () -> ()
    %mul3A_46 = arith.constant 160 : i32
    %mul3A_47 = arith.muli %arg1, %mul3A_46 : i32
    "tpu.region"() ({
      %run_scoped3A = tpu.sem_alloc : memref<!tpu.dma_semaphore, #tpu.memory_space<semaphore_mem>>
      %dma_start3A_116 = arith.constant 0 : i32
      %dma_start3A_117 = tpu.memref_slice %arg3[%mul3A_47, %dma_start3A_116] : memref<2560x128xi32, #tpu.memory_space<hbm>> -> memref<160x128xi32, #tpu.memory_space<hbm>>
      %dma_start3A_118 = arith.constant 0 : i32
      %dma_start3A_119 = tpu.memref_slice %arg3[%mul3A_47, %dma_start3A_118] : memref<2560x128xi32, #tpu.memory_space<hbm>> -> memref<160x128xi32, #tpu.memory_space<hbm>>
      tpu.enqueue_dma source(%dma_start3A_119 : memref<160x128xi32, #tpu.memory_space<hbm>>) target(%arg7 : memref<160x128xi32, #tpu.memory_space<vmem>>) target_semaphore(%run_scoped3A : memref<!tpu.dma_semaphore, #tpu.memory_space<semaphore_mem>>)
      %dma_wait3A_120 = arith.constant 0 : i32
      %dma_wait3A_121 = tpu.memref_slice %arg3[%mul3A_47, %dma_wait3A_120] : memref<2560x128xi32, #tpu.memory_space<hbm>> -> memref<160x128xi32, #tpu.memory_space<hbm>>
      %dma_wait3A_122 = arith.constant 0 : i32
      %dma_wait3A_123 = tpu.memref_slice %arg3[%mul3A_47, %dma_wait3A_122] : memref<2560x128xi32, #tpu.memory_space<hbm>> -> memref<160x128xi32, #tpu.memory_space<hbm>>
      tpu.wait_dma2 semaphore(%run_scoped3A : memref<!tpu.dma_semaphore, #tpu.memory_space<semaphore_mem>>) src(%dma_wait3A_123 : memref<160x128xi32, #tpu.memory_space<hbm>>) dst(%arg7 : memref<160x128xi32, #tpu.memory_space<vmem>>)
      tpu.yield
    }) : () -> ()
    %barrier3A = arith.constant 0 : index
    tpu.barrier barrier_id(%barrier3A)
    %dma_start3A = arith.constant 0 : i32
    %dma_start3A_48 = arith.constant 0 : i32
    %dma_start3A_49 = tpu.memref_slice %arg6[%dma_start3A, %dma_start3A_48] : memref<160x128xi32, #tpu.memory_space<vmem>> -> memref<1x128xi32, #tpu.memory_space<vmem>>
    %dma_start3A_50 = tpu.memref_squeeze %dma_start3A_49 : memref<1x128xi32, #tpu.memory_space<vmem>> -> memref<128xi32, #tpu.memory_space<vmem>>
    %dma_start3A_51 = arith.constant 0 : i32
    %dma_start3A_52 = arith.constant 0 : i32
    %dma_start3A_53 = tpu.memref_slice %arg13[%dma_start3A_51, %dma_start3A_52] : memref<10240x32xf32, #tpu.memory_space<vmem_shared>> -> memref<10240x32xf32, #tpu.memory_space<vmem_shared>>
    tpu.enqueue_indirect_dma source(%dma_start3A_53 : memref<10240x32xf32, #tpu.memory_space<vmem_shared>>) target(%arg8 : memref<128x32xf32, #tpu.memory_space<vmem>>) offsets(%dma_start3A_50 : memref<128xi32, #tpu.memory_space<vmem>>) semaphore(%arg14 : memref<!tpu.dma_semaphore, #tpu.memory_space<semaphore_mem>>)
    %dma_start3A_54 = arith.constant 1 : i32
    %dma_start3A_55 = arith.constant 0 : i32
    %dma_start3A_56 = tpu.memref_slice %arg6[%dma_start3A_54, %dma_start3A_55] : memref<160x128xi32, #tpu.memory_space<vmem>> -> memref<1x128xi32, #tpu.memory_space<vmem>>
    %dma_start3A_57 = tpu.memref_squeeze %dma_start3A_56 : memref<1x128xi32, #tpu.memory_space<vmem>> -> memref<128xi32, #tpu.memory_space<vmem>>
    %dma_start3A_58 = arith.constant 0 : i32
    %dma_start3A_59 = arith.constant 0 : i32
    %dma_start3A_60 = tpu.memref_slice %arg13[%dma_start3A_58, %dma_start3A_59] : memref<10240x32xf32, #tpu.memory_space<vmem_shared>> -> memref<10240x32xf32, #tpu.memory_space<vmem_shared>>
    tpu.enqueue_indirect_dma source(%dma_start3A_60 : memref<10240x32xf32, #tpu.memory_space<vmem_shared>>) target(%arg9 : memref<128x32xf32, #tpu.memory_space<vmem>>) offsets(%dma_start3A_57 : memref<128xi32, #tpu.memory_space<vmem>>) semaphore(%arg15 : memref<!tpu.dma_semaphore, #tpu.memory_space<semaphore_mem>>)
    %scan3A_61 = arith.constant 0 : i32
    %scan3A_62 = arith.constant 0 : i32
    %scan3A_63 = arith.constant 40 : i32
    %scan3A_64 = arith.addi %scan3A_62, %scan3A_63 : i32
    %scan3A_65 = arith.constant 1 : i32
    %scan3A_66 = scf.for %scan3A_116 = %scan3A_62 to %scan3A_64 step %scan3A_65 iter_args(%scan3A_117 = %scan3A_61) -> (i32)  : i32 {
      %mul3A_118 = arith.constant 4 : i32
      %mul3A_119 = arith.muli %mul3A_118, %scan3A_116 : i32
      %add3A_120 = arith.constant 0 : i32
      %add3A_121 = arith.addi %mul3A_119, %add3A_120 : i32
      %add3A_122 = arith.constant 2 : i32
      %add3A_123 = arith.addi %add3A_121, %add3A_122 : i32
      %ge3A = arith.constant 4 : i32
      %ge3A_124 = arith.cmpi sge, %add3A_123, %ge3A : i32
      %lt3A = arith.constant 160 : i32
      %lt3A_125 = arith.cmpi slt, %add3A_123, %lt3A : i32
      %and3A = arith.andi %ge3A_124, %lt3A_125 : i1
      %convert_element_type3A = arith.extui %and3A : i1 to i32
      %cond3A = arith.constant 0 : i32
      %cond3A_126 = arith.cmpi ne, %convert_element_type3A, %cond3A : i32
      scf.if %cond3A_126 {
        %sub3A = arith.constant 4 : i32
        %sub3A_238 = arith.subi %add3A_123, %sub3A : i32
        %dma_wait3A_239 = arith.constant 0 : i32
        %dma_wait3A_240 = tpu.memref_slice %arg7[%sub3A_238, %dma_wait3A_239] : memref<160x128xi32, #tpu.memory_space<vmem>> -> memref<1x128xi32, #tpu.memory_space<vmem>>
        %dma_wait3A_241 = tpu.memref_squeeze %dma_wait3A_240 : memref<1x128xi32, #tpu.memory_space<vmem>> -> memref<128xi32, #tpu.memory_space<vmem>>
        %dma_wait3A_242 = arith.constant 0 : i32
        %dma_wait3A_243 = arith.constant 0 : i32
        %dma_wait3A_244 = tpu.memref_slice %arg12[%dma_wait3A_242, %dma_wait3A_243] : memref<10240x32xf32, #tpu.memory_space<vmem_shared>> -> memref<10240x32xf32, #tpu.memory_space<vmem_shared>>
        tpu.wait_indirect_dma semaphore(%arg20 : memref<!tpu.dma_semaphore, #tpu.memory_space<semaphore_mem>>) src(%arg10 : memref<128x32xf32, #tpu.memory_space<vmem>>) dst(%dma_wait3A_244 : memref<10240x32xf32, #tpu.memory_space<vmem_shared>>)
      } else {
      }
      %lt3A_127 = arith.constant 160 : i32
      %lt3A_128 = arith.cmpi slt, %add3A_123, %lt3A_127 : i32
      %convert_element_type3A_129 = arith.extui %lt3A_128 : i1 to i32
      %cond3A_130 = arith.constant 0 : i32
      %cond3A_131 = arith.cmpi ne, %convert_element_type3A_129, %cond3A_130 : i32
      scf.if %cond3A_131 {
        %dma_start3A_238 = arith.constant 0 : i32
        %dma_start3A_239 = tpu.memref_slice %arg6[%add3A_123, %dma_start3A_238] : memref<160x128xi32, #tpu.memory_space<vmem>> -> memref<1x128xi32, #tpu.memory_space<vmem>>
        %dma_start3A_240 = tpu.memref_squeeze %dma_start3A_239 : memref<1x128xi32, #tpu.memory_space<vmem>> -> memref<128xi32, #tpu.memory_space<vmem>>
        %dma_start3A_241 = arith.constant 0 : i32
        %dma_start3A_242 = arith.constant 0 : i32
        %dma_start3A_243 = tpu.memref_slice %arg13[%dma_start3A_241, %dma_start3A_242] : memref<10240x32xf32, #tpu.memory_space<vmem_shared>> -> memref<10240x32xf32, #tpu.memory_space<vmem_shared>>
        tpu.enqueue_indirect_dma source(%dma_start3A_243 : memref<10240x32xf32, #tpu.memory_space<vmem_shared>>) target(%arg10 : memref<128x32xf32, #tpu.memory_space<vmem>>) offsets(%dma_start3A_240 : memref<128xi32, #tpu.memory_space<vmem>>) semaphore(%arg16 : memref<!tpu.dma_semaphore, #tpu.memory_space<semaphore_mem>>)
      } else {
      }
      %dma_wait3A_132 = arith.constant 0 : i32
      %dma_wait3A_133 = tpu.memref_slice %arg6[%add3A_121, %dma_wait3A_132] : memref<160x128xi32, #tpu.memory_space<vmem>> -> memref<1x128xi32, #tpu.memory_space<vmem>>
      %dma_wait3A_134 = tpu.memref_squeeze %dma_wait3A_133 : memref<1x128xi32, #tpu.memory_space<vmem>> -> memref<128xi32, #tpu.memory_space<vmem>>
      %dma_wait3A_135 = arith.constant 0 : i32
      %dma_wait3A_136 = arith.constant 0 : i32
      %dma_wait3A_137 = tpu.memref_slice %arg13[%dma_wait3A_135, %dma_wait3A_136] : memref<10240x32xf32, #tpu.memory_space<vmem_shared>> -> memref<10240x32xf32, #tpu.memory_space<vmem_shared>>
      tpu.wait_indirect_dma semaphore(%arg14 : memref<!tpu.dma_semaphore, #tpu.memory_space<semaphore_mem>>) src(%dma_wait3A_137 : memref<10240x32xf32, #tpu.memory_space<vmem_shared>>) dst(%arg8 : memref<128x32xf32, #tpu.memory_space<vmem>>)
      %dma_start3A_138 = arith.constant 0 : i32
      %dma_start3A_139 = tpu.memref_slice %arg7[%add3A_121, %dma_start3A_138] : memref<160x128xi32, #tpu.memory_space<vmem>> -> memref<1x128xi32, #tpu.memory_space<vmem>>
      %dma_start3A_140 = tpu.memref_squeeze %dma_start3A_139 : memref<1x128xi32, #tpu.memory_space<vmem>> -> memref<128xi32, #tpu.memory_space<vmem>>
      %dma_start3A_141 = arith.constant 0 : i32
      %dma_start3A_142 = arith.constant 0 : i32
      %dma_start3A_143 = tpu.memref_slice %arg12[%dma_start3A_141, %dma_start3A_142] : memref<10240x32xf32, #tpu.memory_space<vmem_shared>> -> memref<10240x32xf32, #tpu.memory_space<vmem_shared>>
      tpu.enqueue_indirect_dma source(%arg8 : memref<128x32xf32, #tpu.memory_space<vmem>>) target(%dma_start3A_143 : memref<10240x32xf32, #tpu.memory_space<vmem_shared>>) offsets(%dma_start3A_140 : memref<128xi32, #tpu.memory_space<vmem>>) semaphore(%arg18 : memref<!tpu.dma_semaphore, #tpu.memory_space<semaphore_mem>>) {add = true}
      %mul3A_144 = arith.constant 4 : i32
      %mul3A_145 = arith.muli %mul3A_144, %scan3A_116 : i32
      %add3A_146 = arith.constant 1 : i32
      %add3A_147 = arith.addi %mul3A_145, %add3A_146 : i32
      %add3A_148 = arith.constant 2 : i32
      %add3A_149 = arith.addi %add3A_147, %add3A_148 : i32
      %ge3A_150 = arith.constant 4 : i32
      %ge3A_151 = arith.cmpi sge, %add3A_149, %ge3A_150 : i32
      %lt3A_152 = arith.constant 160 : i32
      %lt3A_153 = arith.cmpi slt, %add3A_149, %lt3A_152 : i32
      %and3A_154 = arith.andi %ge3A_151, %lt3A_153 : i1
      %convert_element_type3A_155 = arith.extui %and3A_154 : i1 to i32
      %cond3A_156 = arith.constant 0 : i32
      %cond3A_157 = arith.cmpi ne, %convert_element_type3A_155, %cond3A_156 : i32
      scf.if %cond3A_157 {
        %sub3A = arith.constant 4 : i32
        %sub3A_238 = arith.subi %add3A_149, %sub3A : i32
        %dma_wait3A_239 = arith.constant 0 : i32
        %dma_wait3A_240 = tpu.memref_slice %arg7[%sub3A_238, %dma_wait3A_239] : memref<160x128xi32, #tpu.memory_space<vmem>> -> memref<1x128xi32, #tpu.memory_space<vmem>>
        %dma_wait3A_241 = tpu.memref_squeeze %dma_wait3A_240 : memref<1x128xi32, #tpu.memory_space<vmem>> -> memref<128xi32, #tpu.memory_space<vmem>>
        %dma_wait3A_242 = arith.constant 0 : i32
        %dma_wait3A_243 = arith.constant 0 : i32
        %dma_wait3A_244 = tpu.memref_slice %arg12[%dma_wait3A_242, %dma_wait3A_243] : memref<10240x32xf32, #tpu.memory_space<vmem_shared>> -> memref<10240x32xf32, #tpu.memory_space<vmem_shared>>
        tpu.wait_indirect_dma semaphore(%arg21 : memref<!tpu.dma_semaphore, #tpu.memory_space<semaphore_mem>>) src(%arg11 : memref<128x32xf32, #tpu.memory_space<vmem>>) dst(%dma_wait3A_244 : memref<10240x32xf32, #tpu.memory_space<vmem_shared>>)
      } else {
      }
      %lt3A_158 = arith.constant 160 : i32
      %lt3A_159 = arith.cmpi slt, %add3A_149, %lt3A_158 : i32
      %convert_element_type3A_160 = arith.extui %lt3A_159 : i1 to i32
      %cond3A_161 = arith.constant 0 : i32
      %cond3A_162 = arith.cmpi ne, %convert_element_type3A_160, %cond3A_161 : i32
      scf.if %cond3A_162 {
        %dma_start3A_238 = arith.constant 0 : i32
        %dma_start3A_239 = tpu.memref_slice %arg6[%add3A_149, %dma_start3A_238] : memref<160x128xi32, #tpu.memory_space<vmem>> -> memref<1x128xi32, #tpu.memory_space<vmem>>
        %dma_start3A_240 = tpu.memref_squeeze %dma_start3A_239 : memref<1x128xi32, #tpu.memory_space<vmem>> -> memref<128xi32, #tpu.memory_space<vmem>>
        %dma_start3A_241 = arith.constant 0 : i32
        %dma_start3A_242 = arith.constant 0 : i32
        %dma_start3A_243 = tpu.memref_slice %arg13[%dma_start3A_241, %dma_start3A_242] : memref<10240x32xf32, #tpu.memory_space<vmem_shared>> -> memref<10240x32xf32, #tpu.memory_space<vmem_shared>>
        tpu.enqueue_indirect_dma source(%dma_start3A_243 : memref<10240x32xf32, #tpu.memory_space<vmem_shared>>) target(%arg11 : memref<128x32xf32, #tpu.memory_space<vmem>>) offsets(%dma_start3A_240 : memref<128xi32, #tpu.memory_space<vmem>>) semaphore(%arg17 : memref<!tpu.dma_semaphore, #tpu.memory_space<semaphore_mem>>)
      } else {
      }
      %dma_wait3A_163 = arith.constant 0 : i32
      %dma_wait3A_164 = tpu.memref_slice %arg6[%add3A_147, %dma_wait3A_163] : memref<160x128xi32, #tpu.memory_space<vmem>> -> memref<1x128xi32, #tpu.memory_space<vmem>>
      %dma_wait3A_165 = tpu.memref_squeeze %dma_wait3A_164 : memref<1x128xi32, #tpu.memory_space<vmem>> -> memref<128xi32, #tpu.memory_space<vmem>>
      %dma_wait3A_166 = arith.constant 0 : i32
      %dma_wait3A_167 = arith.constant 0 : i32
      %dma_wait3A_168 = tpu.memref_slice %arg13[%dma_wait3A_166, %dma_wait3A_167] : memref<10240x32xf32, #tpu.memory_space<vmem_shared>> -> memref<10240x32xf32, #tpu.memory_space<vmem_shared>>
      tpu.wait_indirect_dma semaphore(%arg15 : memref<!tpu.dma_semaphore, #tpu.memory_space<semaphore_mem>>) src(%dma_wait3A_168 : memref<10240x32xf32, #tpu.memory_space<vmem_shared>>) dst(%arg9 : memref<128x32xf32, #tpu.memory_space<vmem>>)
      %dma_start3A_169 = arith.constant 0 : i32
      %dma_start3A_170 = tpu.memref_slice %arg7[%add3A_147, %dma_start3A_169] : memref<160x128xi32, #tpu.memory_space<vmem>> -> memref<1x128xi32, #tpu.memory_space<vmem>>
      %dma_start3A_171 = tpu.memref_squeeze %dma_start3A_170 : memref<1x128xi32, #tpu.memory_space<vmem>> -> memref<128xi32, #tpu.memory_space<vmem>>
      %dma_start3A_172 = arith.constant 0 : i32
      %dma_start3A_173 = arith.constant 0 : i32
      %dma_start3A_174 = tpu.memref_slice %arg12[%dma_start3A_172, %dma_start3A_173] : memref<10240x32xf32, #tpu.memory_space<vmem_shared>> -> memref<10240x32xf32, #tpu.memory_space<vmem_shared>>
      tpu.enqueue_indirect_dma source(%arg9 : memref<128x32xf32, #tpu.memory_space<vmem>>) target(%dma_start3A_174 : memref<10240x32xf32, #tpu.memory_space<vmem_shared>>) offsets(%dma_start3A_171 : memref<128xi32, #tpu.memory_space<vmem>>) semaphore(%arg19 : memref<!tpu.dma_semaphore, #tpu.memory_space<semaphore_mem>>) {add = true}
      %mul3A_175 = arith.constant 4 : i32
      %mul3A_176 = arith.muli %mul3A_175, %scan3A_116 : i32
      %add3A_177 = arith.constant 2 : i32
      %add3A_178 = arith.addi %mul3A_176, %add3A_177 : i32
      %add3A_179 = arith.constant 2 : i32
      %add3A_180 = arith.addi %add3A_178, %add3A_179 : i32
      %ge3A_181 = arith.constant 4 : i32
      %ge3A_182 = arith.cmpi sge, %add3A_180, %ge3A_181 : i32
      %lt3A_183 = arith.constant 160 : i32
      %lt3A_184 = arith.cmpi slt, %add3A_180, %lt3A_183 : i32
      %and3A_185 = arith.andi %ge3A_182, %lt3A_184 : i1
      %convert_element_type3A_186 = arith.extui %and3A_185 : i1 to i32
      %cond3A_187 = arith.constant 0 : i32
      %cond3A_188 = arith.cmpi ne, %convert_element_type3A_186, %cond3A_187 : i32
      scf.if %cond3A_188 {
        %sub3A = arith.constant 4 : i32
        %sub3A_238 = arith.subi %add3A_180, %sub3A : i32
        %dma_wait3A_239 = arith.constant 0 : i32
        %dma_wait3A_240 = tpu.memref_slice %arg7[%sub3A_238, %dma_wait3A_239] : memref<160x128xi32, #tpu.memory_space<vmem>> -> memref<1x128xi32, #tpu.memory_space<vmem>>
        %dma_wait3A_241 = tpu.memref_squeeze %dma_wait3A_240 : memref<1x128xi32, #tpu.memory_space<vmem>> -> memref<128xi32, #tpu.memory_space<vmem>>
        %dma_wait3A_242 = arith.constant 0 : i32
        %dma_wait3A_243 = arith.constant 0 : i32
        %dma_wait3A_244 = tpu.memref_slice %arg12[%dma_wait3A_242, %dma_wait3A_243] : memref<10240x32xf32, #tpu.memory_space<vmem_shared>> -> memref<10240x32xf32, #tpu.memory_space<vmem_shared>>
        tpu.wait_indirect_dma semaphore(%arg18 : memref<!tpu.dma_semaphore, #tpu.memory_space<semaphore_mem>>) src(%arg8 : memref<128x32xf32, #tpu.memory_space<vmem>>) dst(%dma_wait3A_244 : memref<10240x32xf32, #tpu.memory_space<vmem_shared>>)
      } else {
      }
      %lt3A_189 = arith.constant 160 : i32
      %lt3A_190 = arith.cmpi slt, %add3A_180, %lt3A_189 : i32
      %convert_element_type3A_191 = arith.extui %lt3A_190 : i1 to i32
      %cond3A_192 = arith.constant 0 : i32
      %cond3A_193 = arith.cmpi ne, %convert_element_type3A_191, %cond3A_192 : i32
      scf.if %cond3A_193 {
        %dma_start3A_238 = arith.constant 0 : i32
        %dma_start3A_239 = tpu.memref_slice %arg6[%add3A_180, %dma_start3A_238] : memref<160x128xi32, #tpu.memory_space<vmem>> -> memref<1x128xi32, #tpu.memory_space<vmem>>
        %dma_start3A_240 = tpu.memref_squeeze %dma_start3A_239 : memref<1x128xi32, #tpu.memory_space<vmem>> -> memref<128xi32, #tpu.memory_space<vmem>>
        %dma_start3A_241 = arith.constant 0 : i32
        %dma_start3A_242 = arith.constant 0 : i32
        %dma_start3A_243 = tpu.memref_slice %arg13[%dma_start3A_241, %dma_start3A_242] : memref<10240x32xf32, #tpu.memory_space<vmem_shared>> -> memref<10240x32xf32, #tpu.memory_space<vmem_shared>>
        tpu.enqueue_indirect_dma source(%dma_start3A_243 : memref<10240x32xf32, #tpu.memory_space<vmem_shared>>) target(%arg8 : memref<128x32xf32, #tpu.memory_space<vmem>>) offsets(%dma_start3A_240 : memref<128xi32, #tpu.memory_space<vmem>>) semaphore(%arg14 : memref<!tpu.dma_semaphore, #tpu.memory_space<semaphore_mem>>)
      } else {
      }
      %dma_wait3A_194 = arith.constant 0 : i32
      %dma_wait3A_195 = tpu.memref_slice %arg6[%add3A_178, %dma_wait3A_194] : memref<160x128xi32, #tpu.memory_space<vmem>> -> memref<1x128xi32, #tpu.memory_space<vmem>>
      %dma_wait3A_196 = tpu.memref_squeeze %dma_wait3A_195 : memref<1x128xi32, #tpu.memory_space<vmem>> -> memref<128xi32, #tpu.memory_space<vmem>>
      %dma_wait3A_197 = arith.constant 0 : i32
      %dma_wait3A_198 = arith.constant 0 : i32
      %dma_wait3A_199 = tpu.memref_slice %arg13[%dma_wait3A_197, %dma_wait3A_198] : memref<10240x32xf32, #tpu.memory_space<vmem_shared>> -> memref<10240x32xf32, #tpu.memory_space<vmem_shared>>
      tpu.wait_indirect_dma semaphore(%arg16 : memref<!tpu.dma_semaphore, #tpu.memory_space<semaphore_mem>>) src(%dma_wait3A_199 : memref<10240x32xf32, #tpu.memory_space<vmem_shared>>) dst(%arg10 : memref<128x32xf32, #tpu.memory_space<vmem>>)
      %dma_start3A_200 = arith.constant 0 : i32
      %dma_start3A_201 = tpu.memref_slice %arg7[%add3A_178, %dma_start3A_200] : memref<160x128xi32, #tpu.memory_space<vmem>> -> memref<1x128xi32, #tpu.memory_space<vmem>>
      %dma_start3A_202 = tpu.memref_squeeze %dma_start3A_201 : memref<1x128xi32, #tpu.memory_space<vmem>> -> memref<128xi32, #tpu.memory_space<vmem>>
      %dma_start3A_203 = arith.constant 0 : i32
      %dma_start3A_204 = arith.constant 0 : i32
      %dma_start3A_205 = tpu.memref_slice %arg12[%dma_start3A_203, %dma_start3A_204] : memref<10240x32xf32, #tpu.memory_space<vmem_shared>> -> memref<10240x32xf32, #tpu.memory_space<vmem_shared>>
      tpu.enqueue_indirect_dma source(%arg10 : memref<128x32xf32, #tpu.memory_space<vmem>>) target(%dma_start3A_205 : memref<10240x32xf32, #tpu.memory_space<vmem_shared>>) offsets(%dma_start3A_202 : memref<128xi32, #tpu.memory_space<vmem>>) semaphore(%arg20 : memref<!tpu.dma_semaphore, #tpu.memory_space<semaphore_mem>>) {add = true}
      %mul3A_206 = arith.constant 4 : i32
      %mul3A_207 = arith.muli %mul3A_206, %scan3A_116 : i32
      %add3A_208 = arith.constant 3 : i32
      %add3A_209 = arith.addi %mul3A_207, %add3A_208 : i32
      %add3A_210 = arith.constant 2 : i32
      %add3A_211 = arith.addi %add3A_209, %add3A_210 : i32
      %ge3A_212 = arith.constant 4 : i32
      %ge3A_213 = arith.cmpi sge, %add3A_211, %ge3A_212 : i32
      %lt3A_214 = arith.constant 160 : i32
      %lt3A_215 = arith.cmpi slt, %add3A_211, %lt3A_214 : i32
      %and3A_216 = arith.andi %ge3A_213, %lt3A_215 : i1
      %convert_element_type3A_217 = arith.extui %and3A_216 : i1 to i32
      %cond3A_218 = arith.constant 0 : i32
      %cond3A_219 = arith.cmpi ne, %convert_element_type3A_217, %cond3A_218 : i32
      scf.if %cond3A_219 {
        %sub3A = arith.constant 4 : i32
        %sub3A_238 = arith.subi %add3A_211, %sub3A : i32
        %dma_wait3A_239 = arith.constant 0 : i32
        %dma_wait3A_240 = tpu.memref_slice %arg7[%sub3A_238, %dma_wait3A_239] : memref<160x128xi32, #tpu.memory_space<vmem>> -> memref<1x128xi32, #tpu.memory_space<vmem>>
        %dma_wait3A_241 = tpu.memref_squeeze %dma_wait3A_240 : memref<1x128xi32, #tpu.memory_space<vmem>> -> memref<128xi32, #tpu.memory_space<vmem>>
        %dma_wait3A_242 = arith.constant 0 : i32
        %dma_wait3A_243 = arith.constant 0 : i32
        %dma_wait3A_244 = tpu.memref_slice %arg12[%dma_wait3A_242, %dma_wait3A_243] : memref<10240x32xf32, #tpu.memory_space<vmem_shared>> -> memref<10240x32xf32, #tpu.memory_space<vmem_shared>>
        tpu.wait_indirect_dma semaphore(%arg19 : memref<!tpu.dma_semaphore, #tpu.memory_space<semaphore_mem>>) src(%arg9 : memref<128x32xf32, #tpu.memory_space<vmem>>) dst(%dma_wait3A_244 : memref<10240x32xf32, #tpu.memory_space<vmem_shared>>)
      } else {
      }
      %lt3A_220 = arith.constant 160 : i32
      %lt3A_221 = arith.cmpi slt, %add3A_211, %lt3A_220 : i32
      %convert_element_type3A_222 = arith.extui %lt3A_221 : i1 to i32
      %cond3A_223 = arith.constant 0 : i32
      %cond3A_224 = arith.cmpi ne, %convert_element_type3A_222, %cond3A_223 : i32
      scf.if %cond3A_224 {
        %dma_start3A_238 = arith.constant 0 : i32
        %dma_start3A_239 = tpu.memref_slice %arg6[%add3A_211, %dma_start3A_238] : memref<160x128xi32, #tpu.memory_space<vmem>> -> memref<1x128xi32, #tpu.memory_space<vmem>>
        %dma_start3A_240 = tpu.memref_squeeze %dma_start3A_239 : memref<1x128xi32, #tpu.memory_space<vmem>> -> memref<128xi32, #tpu.memory_space<vmem>>
        %dma_start3A_241 = arith.constant 0 : i32
        %dma_start3A_242 = arith.constant 0 : i32
        %dma_start3A_243 = tpu.memref_slice %arg13[%dma_start3A_241, %dma_start3A_242] : memref<10240x32xf32, #tpu.memory_space<vmem_shared>> -> memref<10240x32xf32, #tpu.memory_space<vmem_shared>>
        tpu.enqueue_indirect_dma source(%dma_start3A_243 : memref<10240x32xf32, #tpu.memory_space<vmem_shared>>) target(%arg9 : memref<128x32xf32, #tpu.memory_space<vmem>>) offsets(%dma_start3A_240 : memref<128xi32, #tpu.memory_space<vmem>>) semaphore(%arg15 : memref<!tpu.dma_semaphore, #tpu.memory_space<semaphore_mem>>)
      } else {
      }
      %dma_wait3A_225 = arith.constant 0 : i32
      %dma_wait3A_226 = tpu.memref_slice %arg6[%add3A_209, %dma_wait3A_225] : memref<160x128xi32, #tpu.memory_space<vmem>> -> memref<1x128xi32, #tpu.memory_space<vmem>>
      %dma_wait3A_227 = tpu.memref_squeeze %dma_wait3A_226 : memref<1x128xi32, #tpu.memory_space<vmem>> -> memref<128xi32, #tpu.memory_space<vmem>>
      %dma_wait3A_228 = arith.constant 0 : i32
      %dma_wait3A_229 = arith.constant 0 : i32
      %dma_wait3A_230 = tpu.memref_slice %arg13[%dma_wait3A_228, %dma_wait3A_229] : memref<10240x32xf32, #tpu.memory_space<vmem_shared>> -> memref<10240x32xf32, #tpu.memory_space<vmem_shared>>
      tpu.wait_indirect_dma semaphore(%arg17 : memref<!tpu.dma_semaphore, #tpu.memory_space<semaphore_mem>>) src(%dma_wait3A_230 : memref<10240x32xf32, #tpu.memory_space<vmem_shared>>) dst(%arg11 : memref<128x32xf32, #tpu.memory_space<vmem>>)
      %dma_start3A_231 = arith.constant 0 : i32
      %dma_start3A_232 = tpu.memref_slice %arg7[%add3A_209, %dma_start3A_231] : memref<160x128xi32, #tpu.memory_space<vmem>> -> memref<1x128xi32, #tpu.memory_space<vmem>>
      %dma_start3A_233 = tpu.memref_squeeze %dma_start3A_232 : memref<1x128xi32, #tpu.memory_space<vmem>> -> memref<128xi32, #tpu.memory_space<vmem>>
      %dma_start3A_234 = arith.constant 0 : i32
      %dma_start3A_235 = arith.constant 0 : i32
      %dma_start3A_236 = tpu.memref_slice %arg12[%dma_start3A_234, %dma_start3A_235] : memref<10240x32xf32, #tpu.memory_space<vmem_shared>> -> memref<10240x32xf32, #tpu.memory_space<vmem_shared>>
      tpu.enqueue_indirect_dma source(%arg11 : memref<128x32xf32, #tpu.memory_space<vmem>>) target(%dma_start3A_236 : memref<10240x32xf32, #tpu.memory_space<vmem_shared>>) offsets(%dma_start3A_233 : memref<128xi32, #tpu.memory_space<vmem>>) semaphore(%arg21 : memref<!tpu.dma_semaphore, #tpu.memory_space<semaphore_mem>>) {add = true}
      %scan3A_237 = arith.constant 0 : i32
      scf.yield %scan3A_237 : i32
    }
    %scan3A_67 = arith.constant 40 : i32
    %dma_wait3A = arith.constant 156 : i32
    %dma_wait3A_68 = arith.constant 0 : i32
    %dma_wait3A_69 = tpu.memref_slice %arg7[%dma_wait3A, %dma_wait3A_68] : memref<160x128xi32, #tpu.memory_space<vmem>> -> memref<1x128xi32, #tpu.memory_space<vmem>>
    %dma_wait3A_70 = tpu.memref_squeeze %dma_wait3A_69 : memref<1x128xi32, #tpu.memory_space<vmem>> -> memref<128xi32, #tpu.memory_space<vmem>>
    %dma_wait3A_71 = arith.constant 0 : i32
    %dma_wait3A_72 = arith.constant 0 : i32
    %dma_wait3A_73 = tpu.memref_slice %arg12[%dma_wait3A_71, %dma_wait3A_72] : memref<10240x32xf32, #tpu.memory_space<vmem_shared>> -> memref<10240x32xf32, #tpu.memory_space<vmem_shared>>
    tpu.wait_indirect_dma semaphore(%arg18 : memref<!tpu.dma_semaphore, #tpu.memory_space<semaphore_mem>>) src(%arg8 : memref<128x32xf32, #tpu.memory_space<vmem>>) dst(%dma_wait3A_73 : memref<10240x32xf32, #tpu.memory_space<vmem_shared>>)
    %dma_wait3A_74 = arith.constant 157 : i32
    %dma_wait3A_75 = arith.constant 0 : i32
    %dma_wait3A_76 = tpu.memref_slice %arg7[%dma_wait3A_74, %dma_wait3A_75] : memref<160x128xi32, #tpu.memory_space<vmem>> -> memref<1x128xi32, #tpu.memory_space<vmem>>
    %dma_wait3A_77 = tpu.memref_squeeze %dma_wait3A_76 : memref<1x128xi32, #tpu.memory_space<vmem>> -> memref<128xi32, #tpu.memory_space<vmem>>
    %dma_wait3A_78 = arith.constant 0 : i32
    %dma_wait3A_79 = arith.constant 0 : i32
    %dma_wait3A_80 = tpu.memref_slice %arg12[%dma_wait3A_78, %dma_wait3A_79] : memref<10240x32xf32, #tpu.memory_space<vmem_shared>> -> memref<10240x32xf32, #tpu.memory_space<vmem_shared>>
    tpu.wait_indirect_dma semaphore(%arg19 : memref<!tpu.dma_semaphore, #tpu.memory_space<semaphore_mem>>) src(%arg9 : memref<128x32xf32, #tpu.memory_space<vmem>>) dst(%dma_wait3A_80 : memref<10240x32xf32, #tpu.memory_space<vmem_shared>>)
    %dma_wait3A_81 = arith.constant 158 : i32
    %dma_wait3A_82 = arith.constant 0 : i32
    %dma_wait3A_83 = tpu.memref_slice %arg7[%dma_wait3A_81, %dma_wait3A_82] : memref<160x128xi32, #tpu.memory_space<vmem>> -> memref<1x128xi32, #tpu.memory_space<vmem>>
    %dma_wait3A_84 = tpu.memref_squeeze %dma_wait3A_83 : memref<1x128xi32, #tpu.memory_space<vmem>> -> memref<128xi32, #tpu.memory_space<vmem>>
    %dma_wait3A_85 = arith.constant 0 : i32
    %dma_wait3A_86 = arith.constant 0 : i32
    %dma_wait3A_87 = tpu.memref_slice %arg12[%dma_wait3A_85, %dma_wait3A_86] : memref<10240x32xf32, #tpu.memory_space<vmem_shared>> -> memref<10240x32xf32, #tpu.memory_space<vmem_shared>>
    tpu.wait_indirect_dma semaphore(%arg20 : memref<!tpu.dma_semaphore, #tpu.memory_space<semaphore_mem>>) src(%arg10 : memref<128x32xf32, #tpu.memory_space<vmem>>) dst(%dma_wait3A_87 : memref<10240x32xf32, #tpu.memory_space<vmem_shared>>)
    %dma_wait3A_88 = arith.constant 159 : i32
    %dma_wait3A_89 = arith.constant 0 : i32
    %dma_wait3A_90 = tpu.memref_slice %arg7[%dma_wait3A_88, %dma_wait3A_89] : memref<160x128xi32, #tpu.memory_space<vmem>> -> memref<1x128xi32, #tpu.memory_space<vmem>>
    %dma_wait3A_91 = tpu.memref_squeeze %dma_wait3A_90 : memref<1x128xi32, #tpu.memory_space<vmem>> -> memref<128xi32, #tpu.memory_space<vmem>>
    %dma_wait3A_92 = arith.constant 0 : i32
    %dma_wait3A_93 = arith.constant 0 : i32
    %dma_wait3A_94 = tpu.memref_slice %arg12[%dma_wait3A_92, %dma_wait3A_93] : memref<10240x32xf32, #tpu.memory_space<vmem_shared>> -> memref<10240x32xf32, #tpu.memory_space<vmem_shared>>
    tpu.wait_indirect_dma semaphore(%arg21 : memref<!tpu.dma_semaphore, #tpu.memory_space<semaphore_mem>>) src(%arg11 : memref<128x32xf32, #tpu.memory_space<vmem>>) dst(%dma_wait3A_94 : memref<10240x32xf32, #tpu.memory_space<vmem_shared>>)
    %barrier3A_95 = arith.constant 0 : index
    tpu.barrier barrier_id(%barrier3A_95)
    %mul3A_96 = arith.constant 640 : i32
    %mul3A_97 = arith.muli %arg1, %mul3A_96 : i32
    %add3A_98 = arith.constant 0 : i32
    %add3A_99 = arith.addi %mul3A_97, %add3A_98 : i32
    "tpu.region"() ({
      %run_scoped3A = tpu.sem_alloc : memref<!tpu.dma_semaphore, #tpu.memory_space<semaphore_mem>>
      %dma_start3A_116 = arith.constant 0 : i32
      %dma_start3A_117 = tpu.memref_slice %arg12[%add3A_99, %dma_start3A_116] : memref<10240x32xf32, #tpu.memory_space<vmem_shared>> -> memref<128x32xf32, #tpu.memory_space<vmem_shared>>
      %dma_start3A_118 = arith.constant 0 : i32
      %dma_start3A_119 = tpu.memref_slice %arg12[%add3A_99, %dma_start3A_118] : memref<10240x32xf32, #tpu.memory_space<vmem_shared>> -> memref<128x32xf32, #tpu.memory_space<vmem_shared>>
      tpu.enqueue_dma source(%dma_start3A_119 : memref<128x32xf32, #tpu.memory_space<vmem_shared>>) target(%arg8 : memref<128x32xf32, #tpu.memory_space<vmem>>) target_semaphore(%run_scoped3A : memref<!tpu.dma_semaphore, #tpu.memory_space<semaphore_mem>>)
      %dma_wait3A_120 = arith.constant 0 : i32
      %dma_wait3A_121 = tpu.memref_slice %arg12[%add3A_99, %dma_wait3A_120] : memref<10240x32xf32, #tpu.memory_space<vmem_shared>> -> memref<128x32xf32, #tpu.memory_space<vmem_shared>>
      %dma_wait3A_122 = arith.constant 0 : i32
      %dma_wait3A_123 = tpu.memref_slice %arg12[%add3A_99, %dma_wait3A_122] : memref<10240x32xf32, #tpu.memory_space<vmem_shared>> -> memref<128x32xf32, #tpu.memory_space<vmem_shared>>
      tpu.wait_dma2 semaphore(%run_scoped3A : memref<!tpu.dma_semaphore, #tpu.memory_space<semaphore_mem>>) src(%dma_wait3A_123 : memref<128x32xf32, #tpu.memory_space<vmem_shared>>) dst(%arg8 : memref<128x32xf32, #tpu.memory_space<vmem>>)
      tpu.yield
    }) : () -> ()
    "tpu.region"() ({
      %run_scoped3A = tpu.sem_alloc : memref<!tpu.dma_semaphore, #tpu.memory_space<semaphore_mem>>
      %dma_start3A_116 = arith.constant 0 : i32
      %dma_start3A_117 = tpu.memref_slice %arg5[%arg0, %add3A_99, %dma_start3A_116] : memref<2x10240x32xf32, #tpu.memory_space<hbm>> -> memref<1x128x32xf32, #tpu.memory_space<hbm>>
      %dma_start3A_118 = tpu.memref_squeeze %dma_start3A_117 : memref<1x128x32xf32, #tpu.memory_space<hbm>> -> memref<128x32xf32, #tpu.memory_space<hbm>>
      %dma_start3A_119 = arith.constant 0 : i32
      %dma_start3A_120 = tpu.memref_slice %arg5[%arg0, %add3A_99, %dma_start3A_119] : memref<2x10240x32xf32, #tpu.memory_space<hbm>> -> memref<1x128x32xf32, #tpu.memory_space<hbm>>
      %dma_start3A_121 = tpu.memref_squeeze %dma_start3A_120 : memref<1x128x32xf32, #tpu.memory_space<hbm>> -> memref<128x32xf32, #tpu.memory_space<hbm>>
      tpu.enqueue_dma source(%arg8 : memref<128x32xf32, #tpu.memory_space<vmem>>) target(%dma_start3A_121 : memref<128x32xf32, #tpu.memory_space<hbm>>) target_semaphore(%run_scoped3A : memref<!tpu.dma_semaphore, #tpu.memory_space<semaphore_mem>>)
      %dma_wait3A_122 = arith.constant 0 : i32
      %dma_wait3A_123 = tpu.memref_slice %arg5[%arg0, %add3A_99, %dma_wait3A_122] : memref<2x10240x32xf32, #tpu.memory_space<hbm>> -> memref<1x128x32xf32, #tpu.memory_space<hbm>>
      %dma_wait3A_124 = tpu.memref_squeeze %dma_wait3A_123 : memref<1x128x32xf32, #tpu.memory_space<hbm>> -> memref<128x32xf32, #tpu.memory_space<hbm>>
      %dma_wait3A_125 = arith.constant 0 : i32
      %dma_wait3A_126 = tpu.memref_slice %arg5[%arg0, %add3A_99, %dma_wait3A_125] : memref<2x10240x32xf32, #tpu.memory_space<hbm>> -> memref<1x128x32xf32, #tpu.memory_space<hbm>>
      %dma_wait3A_127 = tpu.memref_squeeze %dma_wait3A_126 : memref<1x128x32xf32, #tpu.memory_space<hbm>> -> memref<128x32xf32, #tpu.memory_space<hbm>>
      tpu.wait_dma2 semaphore(%run_scoped3A : memref<!tpu.dma_semaphore, #tpu.memory_space<semaphore_mem>>) src(%arg8 : memref<128x32xf32, #tpu.memory_space<vmem>>) dst(%dma_wait3A_127 : memref<128x32xf32, #tpu.memory_space<hbm>>)
      tpu.yield
    }) : () -> ()
    %mul3A_100 = arith.constant 640 : i32
    %mul3A_101 = arith.muli %arg1, %mul3A_100 : i32
    %add3A_102 = arith.constant 128 : i32
    %add3A_103 = arith.addi %mul3A_101, %add3A_102 : i32
    "tpu.region"() ({
      %run_scoped3A = tpu.sem_alloc : memref<!tpu.dma_semaphore, #tpu.memory_space<semaphore_mem>>
      %dma_start3A_116 = arith.constant 0 : i32
      %dma_start3A_117 = tpu.memref_slice %arg12[%add3A_103, %dma_start3A_116] : memref<10240x32xf32, #tpu.memory_space<vmem_shared>> -> memref<128x32xf32, #tpu.memory_space<vmem_shared>>
      %dma_start3A_118 = arith.constant 0 : i32
      %dma_start3A_119 = tpu.memref_slice %arg12[%add3A_103, %dma_start3A_118] : memref<10240x32xf32, #tpu.memory_space<vmem_shared>> -> memref<128x32xf32, #tpu.memory_space<vmem_shared>>
      tpu.enqueue_dma source(%dma_start3A_119 : memref<128x32xf32, #tpu.memory_space<vmem_shared>>) target(%arg8 : memref<128x32xf32, #tpu.memory_space<vmem>>) target_semaphore(%run_scoped3A : memref<!tpu.dma_semaphore, #tpu.memory_space<semaphore_mem>>)
      %dma_wait3A_120 = arith.constant 0 : i32
      %dma_wait3A_121 = tpu.memref_slice %arg12[%add3A_103, %dma_wait3A_120] : memref<10240x32xf32, #tpu.memory_space<vmem_shared>> -> memref<128x32xf32, #tpu.memory_space<vmem_shared>>
      %dma_wait3A_122 = arith.constant 0 : i32
      %dma_wait3A_123 = tpu.memref_slice %arg12[%add3A_103, %dma_wait3A_122] : memref<10240x32xf32, #tpu.memory_space<vmem_shared>> -> memref<128x32xf32, #tpu.memory_space<vmem_shared>>
      tpu.wait_dma2 semaphore(%run_scoped3A : memref<!tpu.dma_semaphore, #tpu.memory_space<semaphore_mem>>) src(%dma_wait3A_123 : memref<128x32xf32, #tpu.memory_space<vmem_shared>>) dst(%arg8 : memref<128x32xf32, #tpu.memory_space<vmem>>)
      tpu.yield
    }) : () -> ()
    "tpu.region"() ({
      %run_scoped3A = tpu.sem_alloc : memref<!tpu.dma_semaphore, #tpu.memory_space<semaphore_mem>>
      %dma_start3A_116 = arith.constant 0 : i32
      %dma_start3A_117 = tpu.memref_slice %arg5[%arg0, %add3A_103, %dma_start3A_116] : memref<2x10240x32xf32, #tpu.memory_space<hbm>> -> memref<1x128x32xf32, #tpu.memory_space<hbm>>
      %dma_start3A_118 = tpu.memref_squeeze %dma_start3A_117 : memref<1x128x32xf32, #tpu.memory_space<hbm>> -> memref<128x32xf32, #tpu.memory_space<hbm>>
      %dma_start3A_119 = arith.constant 0 : i32
      %dma_start3A_120 = tpu.memref_slice %arg5[%arg0, %add3A_103, %dma_start3A_119] : memref<2x10240x32xf32, #tpu.memory_space<hbm>> -> memref<1x128x32xf32, #tpu.memory_space<hbm>>
      %dma_start3A_121 = tpu.memref_squeeze %dma_start3A_120 : memref<1x128x32xf32, #tpu.memory_space<hbm>> -> memref<128x32xf32, #tpu.memory_space<hbm>>
      tpu.enqueue_dma source(%arg8 : memref<128x32xf32, #tpu.memory_space<vmem>>) target(%dma_start3A_121 : memref<128x32xf32, #tpu.memory_space<hbm>>) target_semaphore(%run_scoped3A : memref<!tpu.dma_semaphore, #tpu.memory_space<semaphore_mem>>)
      %dma_wait3A_122 = arith.constant 0 : i32
      %dma_wait3A_123 = tpu.memref_slice %arg5[%arg0, %add3A_103, %dma_wait3A_122] : memref<2x10240x32xf32, #tpu.memory_space<hbm>> -> memref<1x128x32xf32, #tpu.memory_space<hbm>>
      %dma_wait3A_124 = tpu.memref_squeeze %dma_wait3A_123 : memref<1x128x32xf32, #tpu.memory_space<hbm>> -> memref<128x32xf32, #tpu.memory_space<hbm>>
      %dma_wait3A_125 = arith.constant 0 : i32
      %dma_wait3A_126 = tpu.memref_slice %arg5[%arg0, %add3A_103, %dma_wait3A_125] : memref<2x10240x32xf32, #tpu.memory_space<hbm>> -> memref<1x128x32xf32, #tpu.memory_space<hbm>>
      %dma_wait3A_127 = tpu.memref_squeeze %dma_wait3A_126 : memref<1x128x32xf32, #tpu.memory_space<hbm>> -> memref<128x32xf32, #tpu.memory_space<hbm>>
      tpu.wait_dma2 semaphore(%run_scoped3A : memref<!tpu.dma_semaphore, #tpu.memory_space<semaphore_mem>>) src(%arg8 : memref<128x32xf32, #tpu.memory_space<vmem>>) dst(%dma_wait3A_127 : memref<128x32xf32, #tpu.memory_space<hbm>>)
      tpu.yield
    }) : () -> ()
    %mul3A_104 = arith.constant 640 : i32
    %mul3A_105 = arith.muli %arg1, %mul3A_104 : i32
    %add3A_106 = arith.constant 256 : i32
    %add3A_107 = arith.addi %mul3A_105, %add3A_106 : i32
    "tpu.region"() ({
      %run_scoped3A = tpu.sem_alloc : memref<!tpu.dma_semaphore, #tpu.memory_space<semaphore_mem>>
      %dma_start3A_116 = arith.constant 0 : i32
      %dma_start3A_117 = tpu.memref_slice %arg12[%add3A_107, %dma_start3A_116] : memref<10240x32xf32, #tpu.memory_space<vmem_shared>> -> memref<128x32xf32, #tpu.memory_space<vmem_shared>>
      %dma_start3A_118 = arith.constant 0 : i32
      %dma_start3A_119 = tpu.memref_slice %arg12[%add3A_107, %dma_start3A_118] : memref<10240x32xf32, #tpu.memory_space<vmem_shared>> -> memref<128x32xf32, #tpu.memory_space<vmem_shared>>
      tpu.enqueue_dma source(%dma_start3A_119 : memref<128x32xf32, #tpu.memory_space<vmem_shared>>) target(%arg8 : memref<128x32xf32, #tpu.memory_space<vmem>>) target_semaphore(%run_scoped3A : memref<!tpu.dma_semaphore, #tpu.memory_space<semaphore_mem>>)
      %dma_wait3A_120 = arith.constant 0 : i32
      %dma_wait3A_121 = tpu.memref_slice %arg12[%add3A_107, %dma_wait3A_120] : memref<10240x32xf32, #tpu.memory_space<vmem_shared>> -> memref<128x32xf32, #tpu.memory_space<vmem_shared>>
      %dma_wait3A_122 = arith.constant 0 : i32
      %dma_wait3A_123 = tpu.memref_slice %arg12[%add3A_107, %dma_wait3A_122] : memref<10240x32xf32, #tpu.memory_space<vmem_shared>> -> memref<128x32xf32, #tpu.memory_space<vmem_shared>>
      tpu.wait_dma2 semaphore(%run_scoped3A : memref<!tpu.dma_semaphore, #tpu.memory_space<semaphore_mem>>) src(%dma_wait3A_123 : memref<128x32xf32, #tpu.memory_space<vmem_shared>>) dst(%arg8 : memref<128x32xf32, #tpu.memory_space<vmem>>)
      tpu.yield
    }) : () -> ()
    "tpu.region"() ({
      %run_scoped3A = tpu.sem_alloc : memref<!tpu.dma_semaphore, #tpu.memory_space<semaphore_mem>>
      %dma_start3A_116 = arith.constant 0 : i32
      %dma_start3A_117 = tpu.memref_slice %arg5[%arg0, %add3A_107, %dma_start3A_116] : memref<2x10240x32xf32, #tpu.memory_space<hbm>> -> memref<1x128x32xf32, #tpu.memory_space<hbm>>
      %dma_start3A_118 = tpu.memref_squeeze %dma_start3A_117 : memref<1x128x32xf32, #tpu.memory_space<hbm>> -> memref<128x32xf32, #tpu.memory_space<hbm>>
      %dma_start3A_119 = arith.constant 0 : i32
      %dma_start3A_120 = tpu.memref_slice %arg5[%arg0, %add3A_107, %dma_start3A_119] : memref<2x10240x32xf32, #tpu.memory_space<hbm>> -> memref<1x128x32xf32, #tpu.memory_space<hbm>>
      %dma_start3A_121 = tpu.memref_squeeze %dma_start3A_120 : memref<1x128x32xf32, #tpu.memory_space<hbm>> -> memref<128x32xf32, #tpu.memory_space<hbm>>
      tpu.enqueue_dma source(%arg8 : memref<128x32xf32, #tpu.memory_space<vmem>>) target(%dma_start3A_121 : memref<128x32xf32, #tpu.memory_space<hbm>>) target_semaphore(%run_scoped3A : memref<!tpu.dma_semaphore, #tpu.memory_space<semaphore_mem>>)
      %dma_wait3A_122 = arith.constant 0 : i32
      %dma_wait3A_123 = tpu.memref_slice %arg5[%arg0, %add3A_107, %dma_wait3A_122] : memref<2x10240x32xf32, #tpu.memory_space<hbm>> -> memref<1x128x32xf32, #tpu.memory_space<hbm>>
      %dma_wait3A_124 = tpu.memref_squeeze %dma_wait3A_123 : memref<1x128x32xf32, #tpu.memory_space<hbm>> -> memref<128x32xf32, #tpu.memory_space<hbm>>
      %dma_wait3A_125 = arith.constant 0 : i32
      %dma_wait3A_126 = tpu.memref_slice %arg5[%arg0, %add3A_107, %dma_wait3A_125] : memref<2x10240x32xf32, #tpu.memory_space<hbm>> -> memref<1x128x32xf32, #tpu.memory_space<hbm>>
      %dma_wait3A_127 = tpu.memref_squeeze %dma_wait3A_126 : memref<1x128x32xf32, #tpu.memory_space<hbm>> -> memref<128x32xf32, #tpu.memory_space<hbm>>
      tpu.wait_dma2 semaphore(%run_scoped3A : memref<!tpu.dma_semaphore, #tpu.memory_space<semaphore_mem>>) src(%arg8 : memref<128x32xf32, #tpu.memory_space<vmem>>) dst(%dma_wait3A_127 : memref<128x32xf32, #tpu.memory_space<hbm>>)
      tpu.yield
    }) : () -> ()
    %mul3A_108 = arith.constant 640 : i32
    %mul3A_109 = arith.muli %arg1, %mul3A_108 : i32
    %add3A_110 = arith.constant 384 : i32
    %add3A_111 = arith.addi %mul3A_109, %add3A_110 : i32
    "tpu.region"() ({
      %run_scoped3A = tpu.sem_alloc : memref<!tpu.dma_semaphore, #tpu.memory_space<semaphore_mem>>
      %dma_start3A_116 = arith.constant 0 : i32
      %dma_start3A_117 = tpu.memref_slice %arg12[%add3A_111, %dma_start3A_116] : memref<10240x32xf32, #tpu.memory_space<vmem_shared>> -> memref<128x32xf32, #tpu.memory_space<vmem_shared>>
      %dma_start3A_118 = arith.constant 0 : i32
      %dma_start3A_119 = tpu.memref_slice %arg12[%add3A_111, %dma_start3A_118] : memref<10240x32xf32, #tpu.memory_space<vmem_shared>> -> memref<128x32xf32, #tpu.memory_space<vmem_shared>>
      tpu.enqueue_dma source(%dma_start3A_119 : memref<128x32xf32, #tpu.memory_space<vmem_shared>>) target(%arg8 : memref<128x32xf32, #tpu.memory_space<vmem>>) target_semaphore(%run_scoped3A : memref<!tpu.dma_semaphore, #tpu.memory_space<semaphore_mem>>)
      %dma_wait3A_120 = arith.constant 0 : i32
      %dma_wait3A_121 = tpu.memref_slice %arg12[%add3A_111, %dma_wait3A_120] : memref<10240x32xf32, #tpu.memory_space<vmem_shared>> -> memref<128x32xf32, #tpu.memory_space<vmem_shared>>
      %dma_wait3A_122 = arith.constant 0 : i32
      %dma_wait3A_123 = tpu.memref_slice %arg12[%add3A_111, %dma_wait3A_122] : memref<10240x32xf32, #tpu.memory_space<vmem_shared>> -> memref<128x32xf32, #tpu.memory_space<vmem_shared>>
      tpu.wait_dma2 semaphore(%run_scoped3A : memref<!tpu.dma_semaphore, #tpu.memory_space<semaphore_mem>>) src(%dma_wait3A_123 : memref<128x32xf32, #tpu.memory_space<vmem_shared>>) dst(%arg8 : memref<128x32xf32, #tpu.memory_space<vmem>>)
      tpu.yield
    }) : () -> ()
    "tpu.region"() ({
      %run_scoped3A = tpu.sem_alloc : memref<!tpu.dma_semaphore, #tpu.memory_space<semaphore_mem>>
      %dma_start3A_116 = arith.constant 0 : i32
      %dma_start3A_117 = tpu.memref_slice %arg5[%arg0, %add3A_111, %dma_start3A_116] : memref<2x10240x32xf32, #tpu.memory_space<hbm>> -> memref<1x128x32xf32, #tpu.memory_space<hbm>>
      %dma_start3A_118 = tpu.memref_squeeze %dma_start3A_117 : memref<1x128x32xf32, #tpu.memory_space<hbm>> -> memref<128x32xf32, #tpu.memory_space<hbm>>
      %dma_start3A_119 = arith.constant 0 : i32
      %dma_start3A_120 = tpu.memref_slice %arg5[%arg0, %add3A_111, %dma_start3A_119] : memref<2x10240x32xf32, #tpu.memory_space<hbm>> -> memref<1x128x32xf32, #tpu.memory_space<hbm>>
      %dma_start3A_121 = tpu.memref_squeeze %dma_start3A_120 : memref<1x128x32xf32, #tpu.memory_space<hbm>> -> memref<128x32xf32, #tpu.memory_space<hbm>>
      tpu.enqueue_dma source(%arg8 : memref<128x32xf32, #tpu.memory_space<vmem>>) target(%dma_start3A_121 : memref<128x32xf32, #tpu.memory_space<hbm>>) target_semaphore(%run_scoped3A : memref<!tpu.dma_semaphore, #tpu.memory_space<semaphore_mem>>)
      %dma_wait3A_122 = arith.constant 0 : i32
      %dma_wait3A_123 = tpu.memref_slice %arg5[%arg0, %add3A_111, %dma_wait3A_122] : memref<2x10240x32xf32, #tpu.memory_space<hbm>> -> memref<1x128x32xf32, #tpu.memory_space<hbm>>
      %dma_wait3A_124 = tpu.memref_squeeze %dma_wait3A_123 : memref<1x128x32xf32, #tpu.memory_space<hbm>> -> memref<128x32xf32, #tpu.memory_space<hbm>>
      %dma_wait3A_125 = arith.constant 0 : i32
      %dma_wait3A_126 = tpu.memref_slice %arg5[%arg0, %add3A_111, %dma_wait3A_125] : memref<2x10240x32xf32, #tpu.memory_space<hbm>> -> memref<1x128x32xf32, #tpu.memory_space<hbm>>
      %dma_wait3A_127 = tpu.memref_squeeze %dma_wait3A_126 : memref<1x128x32xf32, #tpu.memory_space<hbm>> -> memref<128x32xf32, #tpu.memory_space<hbm>>
      tpu.wait_dma2 semaphore(%run_scoped3A : memref<!tpu.dma_semaphore, #tpu.memory_space<semaphore_mem>>) src(%arg8 : memref<128x32xf32, #tpu.memory_space<vmem>>) dst(%dma_wait3A_127 : memref<128x32xf32, #tpu.memory_space<hbm>>)
      tpu.yield
    }) : () -> ()
    %mul3A_112 = arith.constant 640 : i32
    %mul3A_113 = arith.muli %arg1, %mul3A_112 : i32
    %add3A_114 = arith.constant 512 : i32
    %add3A_115 = arith.addi %mul3A_113, %add3A_114 : i32
    "tpu.region"() ({
      %run_scoped3A = tpu.sem_alloc : memref<!tpu.dma_semaphore, #tpu.memory_space<semaphore_mem>>
      %dma_start3A_116 = arith.constant 0 : i32
      %dma_start3A_117 = tpu.memref_slice %arg12[%add3A_115, %dma_start3A_116] : memref<10240x32xf32, #tpu.memory_space<vmem_shared>> -> memref<128x32xf32, #tpu.memory_space<vmem_shared>>
      %dma_start3A_118 = arith.constant 0 : i32
      %dma_start3A_119 = tpu.memref_slice %arg12[%add3A_115, %dma_start3A_118] : memref<10240x32xf32, #tpu.memory_space<vmem_shared>> -> memref<128x32xf32, #tpu.memory_space<vmem_shared>>
      tpu.enqueue_dma source(%dma_start3A_119 : memref<128x32xf32, #tpu.memory_space<vmem_shared>>) target(%arg8 : memref<128x32xf32, #tpu.memory_space<vmem>>) target_semaphore(%run_scoped3A : memref<!tpu.dma_semaphore, #tpu.memory_space<semaphore_mem>>)
      %dma_wait3A_120 = arith.constant 0 : i32
      %dma_wait3A_121 = tpu.memref_slice %arg12[%add3A_115, %dma_wait3A_120] : memref<10240x32xf32, #tpu.memory_space<vmem_shared>> -> memref<128x32xf32, #tpu.memory_space<vmem_shared>>
      %dma_wait3A_122 = arith.constant 0 : i32
      %dma_wait3A_123 = tpu.memref_slice %arg12[%add3A_115, %dma_wait3A_122] : memref<10240x32xf32, #tpu.memory_space<vmem_shared>> -> memref<128x32xf32, #tpu.memory_space<vmem_shared>>
      tpu.wait_dma2 semaphore(%run_scoped3A : memref<!tpu.dma_semaphore, #tpu.memory_space<semaphore_mem>>) src(%dma_wait3A_123 : memref<128x32xf32, #tpu.memory_space<vmem_shared>>) dst(%arg8 : memref<128x32xf32, #tpu.memory_space<vmem>>)
      tpu.yield
    }) : () -> ()
    "tpu.region"() ({
      %run_scoped3A = tpu.sem_alloc : memref<!tpu.dma_semaphore, #tpu.memory_space<semaphore_mem>>
      %dma_start3A_116 = arith.constant 0 : i32
      %dma_start3A_117 = tpu.memref_slice %arg5[%arg0, %add3A_115, %dma_start3A_116] : memref<2x10240x32xf32, #tpu.memory_space<hbm>> -> memref<1x128x32xf32, #tpu.memory_space<hbm>>
      %dma_start3A_118 = tpu.memref_squeeze %dma_start3A_117 : memref<1x128x32xf32, #tpu.memory_space<hbm>> -> memref<128x32xf32, #tpu.memory_space<hbm>>
      %dma_start3A_119 = arith.constant 0 : i32
      %dma_start3A_120 = tpu.memref_slice %arg5[%arg0, %add3A_115, %dma_start3A_119] : memref<2x10240x32xf32, #tpu.memory_space<hbm>> -> memref<1x128x32xf32, #tpu.memory_space<hbm>>
      %dma_start3A_121 = tpu.memref_squeeze %dma_start3A_120 : memref<1x128x32xf32, #tpu.memory_space<hbm>> -> memref<128x32xf32, #tpu.memory_space<hbm>>
      tpu.enqueue_dma source(%arg8 : memref<128x32xf32, #tpu.memory_space<vmem>>) target(%dma_start3A_121 : memref<128x32xf32, #tpu.memory_space<hbm>>) target_semaphore(%run_scoped3A : memref<!tpu.dma_semaphore, #tpu.memory_space<semaphore_mem>>)
      %dma_wait3A_122 = arith.constant 0 : i32
      %dma_wait3A_123 = tpu.memref_slice %arg5[%arg0, %add3A_115, %dma_wait3A_122] : memref<2x10240x32xf32, #tpu.memory_space<hbm>> -> memref<1x128x32xf32, #tpu.memory_space<hbm>>
      %dma_wait3A_124 = tpu.memref_squeeze %dma_wait3A_123 : memref<1x128x32xf32, #tpu.memory_space<hbm>> -> memref<128x32xf32, #tpu.memory_space<hbm>>
      %dma_wait3A_125 = arith.constant 0 : i32
      %dma_wait3A_126 = tpu.memref_slice %arg5[%arg0, %add3A_115, %dma_wait3A_125] : memref<2x10240x32xf32, #tpu.memory_space<hbm>> -> memref<1x128x32xf32, #tpu.memory_space<hbm>>
      %dma_wait3A_127 = tpu.memref_squeeze %dma_wait3A_126 : memref<1x128x32xf32, #tpu.memory_space<hbm>> -> memref<128x32xf32, #tpu.memory_space<hbm>>
      tpu.wait_dma2 semaphore(%run_scoped3A : memref<!tpu.dma_semaphore, #tpu.memory_space<semaphore_mem>>) src(%arg8 : memref<128x32xf32, #tpu.memory_space<vmem>>) dst(%dma_wait3A_127 : memref<128x32xf32, #tpu.memory_space<hbm>>)
      tpu.yield
    }) : () -> ()
    return
  }
}

#map = affine_map<(d0, d1) -> (0, 0)>
#map1 = affine_map<(d0, d1) -> (0, 0, 0)>
module attributes {stable_mosaic.version = 14 : i64} {
  func.func @k(%arg0: i32, %arg1: i32, %arg2: memref<2560x128xi32, #tpu.memory_space<hbm>>, %arg3: memref<2x10240x16xf32, #tpu.memory_space<hbm>>, %arg4: memref<80x128xi32, #tpu.memory_space<vmem>>, %arg5: memref<128x16xf32, #tpu.memory_space<vmem>>, %arg6: memref<10240x16xf32, #tpu.memory_space<vmem_shared>>) attributes {dimension_semantics = [#tpu.dimension_semantics<core_parallel>, #tpu.dimension_semantics<subcore_parallel>], iteration_bounds = array<i64: 2, 16>, scalar_prefetch = 0 : i64, scratch_operands = 3 : i64, tpu.core_type = #tpu.core_type<sc_vector_subcore>, window_params = [{transform_indices = #map}, {transform_indices = #map1}]} {
    %mul3A = arith.constant 16 : i32
    %mul3A_0 = arith.muli %arg0, %mul3A : i32
    %add3A = arith.addi %mul3A_0, %arg1 : i32
    %scan3A = arith.constant 0 : i32
    %scan3A_1 = arith.constant 0 : i32
    %scan3A_2 = arith.constant 128 : i32
    %scan3A_3 = arith.addi %scan3A_1, %scan3A_2 : i32
    %scan3A_4 = arith.constant 1 : i32
    %scan3A_5 = scf.for %scan3A_64 = %scan3A_1 to %scan3A_3 step %scan3A_4 iter_args(%scan3A_65 = %scan3A) -> (i32)  : i32 {
      %broadcast_in_dim3A = arith.constant 0.000000e+00 : f32
      %broadcast_in_dim3A_66 = vector.broadcast %broadcast_in_dim3A : f32 to vector<16xf32>
      %swap3A = arith.index_cast %scan3A_64 : i32 to index
      %swap3A_67 = arith.constant 0 : index
      %swap3A_68 = tpu.vector_load %arg5[%swap3A, %swap3A_67] {strides = array<i32>} : memref<128x16xf32, #tpu.memory_space<vmem>>, vector<1x16xf32>,
      %swap3A_69 = vector.shape_cast %swap3A_68 : vector<1x16xf32> to vector<16xf32>
      %swap3A_70 = vector.shape_cast %broadcast_in_dim3A_66 : vector<16xf32> to vector<1x16xf32>
      tpu.vector_store %arg5[%swap3A, %swap3A_67], %swap3A_70 {strides = array<i32>} : memref<128x16xf32, #tpu.memory_space<vmem>>, vector<1x16xf32>,
      %scan3A_71 = arith.constant 0 : i32
      scf.yield %scan3A_71 : i32
    }
    %scan3A_6 = arith.constant 128 : i32
    %mul3A_7 = arith.constant 640 : i32
    %mul3A_8 = arith.muli %arg1, %mul3A_7 : i32
    %add3A_9 = arith.constant 0 : i32
    %add3A_10 = arith.addi %mul3A_8, %add3A_9 : i32
    "tpu.region"() ({
      %run_scoped3A = tpu.sem_alloc : memref<!tpu.dma_semaphore, #tpu.memory_space<semaphore_mem>>
      %dma_start3A = arith.constant 0 : i32
      %dma_start3A_64 = tpu.memref_slice %arg6[%add3A_10, %dma_start3A] : memref<10240x16xf32, #tpu.memory_space<vmem_shared>> -> memref<128x16xf32, #tpu.memory_space<vmem_shared>>
      %dma_start3A_65 = arith.constant 0 : i32
      %dma_start3A_66 = tpu.memref_slice %arg6[%add3A_10, %dma_start3A_65] : memref<10240x16xf32, #tpu.memory_space<vmem_shared>> -> memref<128x16xf32, #tpu.memory_space<vmem_shared>>
      tpu.enqueue_dma source(%arg5 : memref<128x16xf32, #tpu.memory_space<vmem>>) target(%dma_start3A_66 : memref<128x16xf32, #tpu.memory_space<vmem_shared>>) target_semaphore(%run_scoped3A : memref<!tpu.dma_semaphore, #tpu.memory_space<semaphore_mem>>)
      %dma_wait3A = arith.constant 0 : i32
      %dma_wait3A_67 = tpu.memref_slice %arg6[%add3A_10, %dma_wait3A] : memref<10240x16xf32, #tpu.memory_space<vmem_shared>> -> memref<128x16xf32, #tpu.memory_space<vmem_shared>>
      %dma_wait3A_68 = arith.constant 0 : i32
      %dma_wait3A_69 = tpu.memref_slice %arg6[%add3A_10, %dma_wait3A_68] : memref<10240x16xf32, #tpu.memory_space<vmem_shared>> -> memref<128x16xf32, #tpu.memory_space<vmem_shared>>
      tpu.wait_dma2 semaphore(%run_scoped3A : memref<!tpu.dma_semaphore, #tpu.memory_space<semaphore_mem>>) src(%arg5 : memref<128x16xf32, #tpu.memory_space<vmem>>) dst(%dma_wait3A_69 : memref<128x16xf32, #tpu.memory_space<vmem_shared>>)
      tpu.yield
    }) : () -> ()
    %mul3A_11 = arith.constant 640 : i32
    %mul3A_12 = arith.muli %arg1, %mul3A_11 : i32
    %add3A_13 = arith.constant 128 : i32
    %add3A_14 = arith.addi %mul3A_12, %add3A_13 : i32
    "tpu.region"() ({
      %run_scoped3A = tpu.sem_alloc : memref<!tpu.dma_semaphore, #tpu.memory_space<semaphore_mem>>
      %dma_start3A = arith.constant 0 : i32
      %dma_start3A_64 = tpu.memref_slice %arg6[%add3A_14, %dma_start3A] : memref<10240x16xf32, #tpu.memory_space<vmem_shared>> -> memref<128x16xf32, #tpu.memory_space<vmem_shared>>
      %dma_start3A_65 = arith.constant 0 : i32
      %dma_start3A_66 = tpu.memref_slice %arg6[%add3A_14, %dma_start3A_65] : memref<10240x16xf32, #tpu.memory_space<vmem_shared>> -> memref<128x16xf32, #tpu.memory_space<vmem_shared>>
      tpu.enqueue_dma source(%arg5 : memref<128x16xf32, #tpu.memory_space<vmem>>) target(%dma_start3A_66 : memref<128x16xf32, #tpu.memory_space<vmem_shared>>) target_semaphore(%run_scoped3A : memref<!tpu.dma_semaphore, #tpu.memory_space<semaphore_mem>>)
      %dma_wait3A = arith.constant 0 : i32
      %dma_wait3A_67 = tpu.memref_slice %arg6[%add3A_14, %dma_wait3A] : memref<10240x16xf32, #tpu.memory_space<vmem_shared>> -> memref<128x16xf32, #tpu.memory_space<vmem_shared>>
      %dma_wait3A_68 = arith.constant 0 : i32
      %dma_wait3A_69 = tpu.memref_slice %arg6[%add3A_14, %dma_wait3A_68] : memref<10240x16xf32, #tpu.memory_space<vmem_shared>> -> memref<128x16xf32, #tpu.memory_space<vmem_shared>>
      tpu.wait_dma2 semaphore(%run_scoped3A : memref<!tpu.dma_semaphore, #tpu.memory_space<semaphore_mem>>) src(%arg5 : memref<128x16xf32, #tpu.memory_space<vmem>>) dst(%dma_wait3A_69 : memref<128x16xf32, #tpu.memory_space<vmem_shared>>)
      tpu.yield
    }) : () -> ()
    %mul3A_15 = arith.constant 640 : i32
    %mul3A_16 = arith.muli %arg1, %mul3A_15 : i32
    %add3A_17 = arith.constant 256 : i32
    %add3A_18 = arith.addi %mul3A_16, %add3A_17 : i32
    "tpu.region"() ({
      %run_scoped3A = tpu.sem_alloc : memref<!tpu.dma_semaphore, #tpu.memory_space<semaphore_mem>>
      %dma_start3A = arith.constant 0 : i32
      %dma_start3A_64 = tpu.memref_slice %arg6[%add3A_18, %dma_start3A] : memref<10240x16xf32, #tpu.memory_space<vmem_shared>> -> memref<128x16xf32, #tpu.memory_space<vmem_shared>>
      %dma_start3A_65 = arith.constant 0 : i32
      %dma_start3A_66 = tpu.memref_slice %arg6[%add3A_18, %dma_start3A_65] : memref<10240x16xf32, #tpu.memory_space<vmem_shared>> -> memref<128x16xf32, #tpu.memory_space<vmem_shared>>
      tpu.enqueue_dma source(%arg5 : memref<128x16xf32, #tpu.memory_space<vmem>>) target(%dma_start3A_66 : memref<128x16xf32, #tpu.memory_space<vmem_shared>>) target_semaphore(%run_scoped3A : memref<!tpu.dma_semaphore, #tpu.memory_space<semaphore_mem>>)
      %dma_wait3A = arith.constant 0 : i32
      %dma_wait3A_67 = tpu.memref_slice %arg6[%add3A_18, %dma_wait3A] : memref<10240x16xf32, #tpu.memory_space<vmem_shared>> -> memref<128x16xf32, #tpu.memory_space<vmem_shared>>
      %dma_wait3A_68 = arith.constant 0 : i32
      %dma_wait3A_69 = tpu.memref_slice %arg6[%add3A_18, %dma_wait3A_68] : memref<10240x16xf32, #tpu.memory_space<vmem_shared>> -> memref<128x16xf32, #tpu.memory_space<vmem_shared>>
      tpu.wait_dma2 semaphore(%run_scoped3A : memref<!tpu.dma_semaphore, #tpu.memory_space<semaphore_mem>>) src(%arg5 : memref<128x16xf32, #tpu.memory_space<vmem>>) dst(%dma_wait3A_69 : memref<128x16xf32, #tpu.memory_space<vmem_shared>>)
      tpu.yield
    }) : () -> ()
    %mul3A_19 = arith.constant 640 : i32
    %mul3A_20 = arith.muli %arg1, %mul3A_19 : i32
    %add3A_21 = arith.constant 384 : i32
    %add3A_22 = arith.addi %mul3A_20, %add3A_21 : i32
    "tpu.region"() ({
      %run_scoped3A = tpu.sem_alloc : memref<!tpu.dma_semaphore, #tpu.memory_space<semaphore_mem>>
      %dma_start3A = arith.constant 0 : i32
      %dma_start3A_64 = tpu.memref_slice %arg6[%add3A_22, %dma_start3A] : memref<10240x16xf32, #tpu.memory_space<vmem_shared>> -> memref<128x16xf32, #tpu.memory_space<vmem_shared>>
      %dma_start3A_65 = arith.constant 0 : i32
      %dma_start3A_66 = tpu.memref_slice %arg6[%add3A_22, %dma_start3A_65] : memref<10240x16xf32, #tpu.memory_space<vmem_shared>> -> memref<128x16xf32, #tpu.memory_space<vmem_shared>>
      tpu.enqueue_dma source(%arg5 : memref<128x16xf32, #tpu.memory_space<vmem>>) target(%dma_start3A_66 : memref<128x16xf32, #tpu.memory_space<vmem_shared>>) target_semaphore(%run_scoped3A : memref<!tpu.dma_semaphore, #tpu.memory_space<semaphore_mem>>)
      %dma_wait3A = arith.constant 0 : i32
      %dma_wait3A_67 = tpu.memref_slice %arg6[%add3A_22, %dma_wait3A] : memref<10240x16xf32, #tpu.memory_space<vmem_shared>> -> memref<128x16xf32, #tpu.memory_space<vmem_shared>>
      %dma_wait3A_68 = arith.constant 0 : i32
      %dma_wait3A_69 = tpu.memref_slice %arg6[%add3A_22, %dma_wait3A_68] : memref<10240x16xf32, #tpu.memory_space<vmem_shared>> -> memref<128x16xf32, #tpu.memory_space<vmem_shared>>
      tpu.wait_dma2 semaphore(%run_scoped3A : memref<!tpu.dma_semaphore, #tpu.memory_space<semaphore_mem>>) src(%arg5 : memref<128x16xf32, #tpu.memory_space<vmem>>) dst(%dma_wait3A_69 : memref<128x16xf32, #tpu.memory_space<vmem_shared>>)
      tpu.yield
    }) : () -> ()
    %mul3A_23 = arith.constant 640 : i32
    %mul3A_24 = arith.muli %arg1, %mul3A_23 : i32
    %add3A_25 = arith.constant 512 : i32
    %add3A_26 = arith.addi %mul3A_24, %add3A_25 : i32
    "tpu.region"() ({
      %run_scoped3A = tpu.sem_alloc : memref<!tpu.dma_semaphore, #tpu.memory_space<semaphore_mem>>
      %dma_start3A = arith.constant 0 : i32
      %dma_start3A_64 = tpu.memref_slice %arg6[%add3A_26, %dma_start3A] : memref<10240x16xf32, #tpu.memory_space<vmem_shared>> -> memref<128x16xf32, #tpu.memory_space<vmem_shared>>
      %dma_start3A_65 = arith.constant 0 : i32
      %dma_start3A_66 = tpu.memref_slice %arg6[%add3A_26, %dma_start3A_65] : memref<10240x16xf32, #tpu.memory_space<vmem_shared>> -> memref<128x16xf32, #tpu.memory_space<vmem_shared>>
      tpu.enqueue_dma source(%arg5 : memref<128x16xf32, #tpu.memory_space<vmem>>) target(%dma_start3A_66 : memref<128x16xf32, #tpu.memory_space<vmem_shared>>) target_semaphore(%run_scoped3A : memref<!tpu.dma_semaphore, #tpu.memory_space<semaphore_mem>>)
      %dma_wait3A = arith.constant 0 : i32
      %dma_wait3A_67 = tpu.memref_slice %arg6[%add3A_26, %dma_wait3A] : memref<10240x16xf32, #tpu.memory_space<vmem_shared>> -> memref<128x16xf32, #tpu.memory_space<vmem_shared>>
      %dma_wait3A_68 = arith.constant 0 : i32
      %dma_wait3A_69 = tpu.memref_slice %arg6[%add3A_26, %dma_wait3A_68] : memref<10240x16xf32, #tpu.memory_space<vmem_shared>> -> memref<128x16xf32, #tpu.memory_space<vmem_shared>>
      tpu.wait_dma2 semaphore(%run_scoped3A : memref<!tpu.dma_semaphore, #tpu.memory_space<semaphore_mem>>) src(%arg5 : memref<128x16xf32, #tpu.memory_space<vmem>>) dst(%dma_wait3A_69 : memref<128x16xf32, #tpu.memory_space<vmem_shared>>)
      tpu.yield
    }) : () -> ()
    %scan3A_27 = arith.constant 0 : i32
    %scan3A_28 = arith.constant 0 : i32
    %scan3A_29 = arith.constant 128 : i32
    %scan3A_30 = arith.addi %scan3A_28, %scan3A_29 : i32
    %scan3A_31 = arith.constant 1 : i32
    %scan3A_32 = scf.for %scan3A_64 = %scan3A_28 to %scan3A_30 step %scan3A_31 iter_args(%scan3A_65 = %scan3A_27) -> (i32)  : i32 {
      %broadcast_in_dim3A = arith.constant 1.000000e+00 : f32
      %broadcast_in_dim3A_66 = vector.broadcast %broadcast_in_dim3A : f32 to vector<16xf32>
      %swap3A = arith.index_cast %scan3A_64 : i32 to index
      %swap3A_67 = arith.constant 0 : index
      %swap3A_68 = tpu.vector_load %arg5[%swap3A, %swap3A_67] {strides = array<i32>} : memref<128x16xf32, #tpu.memory_space<vmem>>, vector<1x16xf32>,
      %swap3A_69 = vector.shape_cast %swap3A_68 : vector<1x16xf32> to vector<16xf32>
      %swap3A_70 = vector.shape_cast %broadcast_in_dim3A_66 : vector<16xf32> to vector<1x16xf32>
      tpu.vector_store %arg5[%swap3A, %swap3A_67], %swap3A_70 {strides = array<i32>} : memref<128x16xf32, #tpu.memory_space<vmem>>, vector<1x16xf32>,
      %scan3A_71 = arith.constant 0 : i32
      scf.yield %scan3A_71 : i32
    }
    %scan3A_33 = arith.constant 128 : i32
    %mul3A_34 = arith.constant 80 : i32
    %mul3A_35 = arith.muli %add3A, %mul3A_34 : i32
    "tpu.region"() ({
      %run_scoped3A = tpu.sem_alloc : memref<!tpu.dma_semaphore, #tpu.memory_space<semaphore_mem>>
      %dma_start3A = arith.constant 0 : i32
      %dma_start3A_64 = tpu.memref_slice %arg2[%mul3A_35, %dma_start3A] : memref<2560x128xi32, #tpu.memory_space<hbm>> -> memref<80x128xi32, #tpu.memory_space<hbm>>
      %dma_start3A_65 = arith.constant 0 : i32
      %dma_start3A_66 = tpu.memref_slice %arg2[%mul3A_35, %dma_start3A_65] : memref<2560x128xi32, #tpu.memory_space<hbm>> -> memref<80x128xi32, #tpu.memory_space<hbm>>
      tpu.enqueue_dma source(%dma_start3A_66 : memref<80x128xi32, #tpu.memory_space<hbm>>) target(%arg4 : memref<80x128xi32, #tpu.memory_space<vmem>>) target_semaphore(%run_scoped3A : memref<!tpu.dma_semaphore, #tpu.memory_space<semaphore_mem>>)
      %dma_wait3A = arith.constant 0 : i32
      %dma_wait3A_67 = tpu.memref_slice %arg2[%mul3A_35, %dma_wait3A] : memref<2560x128xi32, #tpu.memory_space<hbm>> -> memref<80x128xi32, #tpu.memory_space<hbm>>
      %dma_wait3A_68 = arith.constant 0 : i32
      %dma_wait3A_69 = tpu.memref_slice %arg2[%mul3A_35, %dma_wait3A_68] : memref<2560x128xi32, #tpu.memory_space<hbm>> -> memref<80x128xi32, #tpu.memory_space<hbm>>
      tpu.wait_dma2 semaphore(%run_scoped3A : memref<!tpu.dma_semaphore, #tpu.memory_space<semaphore_mem>>) src(%dma_wait3A_69 : memref<80x128xi32, #tpu.memory_space<hbm>>) dst(%arg4 : memref<80x128xi32, #tpu.memory_space<vmem>>)
      tpu.yield
    }) : () -> ()
    %barrier3A = arith.constant 0 : index
    tpu.barrier barrier_id(%barrier3A)
    %scan3A_36 = arith.constant 0 : i32
    %scan3A_37 = arith.constant 0 : i32
    %scan3A_38 = arith.constant 80 : i32
    %scan3A_39 = arith.addi %scan3A_37, %scan3A_38 : i32
    %scan3A_40 = arith.constant 1 : i32
    %scan3A_41 = scf.for %scan3A_64 = %scan3A_37 to %scan3A_39 step %scan3A_40 iter_args(%scan3A_65 = %scan3A_36) -> (i32)  : i32 {
      "tpu.region"() ({
        %run_scoped3A = tpu.sem_alloc : memref<!tpu.dma_semaphore, #tpu.memory_space<semaphore_mem>>
        %dma_start3A = arith.constant 0 : i32
        %dma_start3A_67 = tpu.memref_slice %arg4[%scan3A_64, %dma_start3A] : memref<80x128xi32, #tpu.memory_space<vmem>> -> memref<1x128xi32, #tpu.memory_space<vmem>>
        %dma_start3A_68 = tpu.memref_squeeze %dma_start3A_67 : memref<1x128xi32, #tpu.memory_space<vmem>> -> memref<128xi32, #tpu.memory_space<vmem>>
        %dma_start3A_69 = arith.constant 0 : i32
        %dma_start3A_70 = arith.constant 0 : i32
        %dma_start3A_71 = tpu.memref_slice %arg6[%dma_start3A_69, %dma_start3A_70] : memref<10240x16xf32, #tpu.memory_space<vmem_shared>> -> memref<10240x16xf32, #tpu.memory_space<vmem_shared>>
        tpu.enqueue_indirect_dma source(%arg5 : memref<128x16xf32, #tpu.memory_space<vmem>>) target(%dma_start3A_71 : memref<10240x16xf32, #tpu.memory_space<vmem_shared>>) offsets(%dma_start3A_68 : memref<128xi32, #tpu.memory_space<vmem>>) semaphore(%run_scoped3A : memref<!tpu.dma_semaphore, #tpu.memory_space<semaphore_mem>>) {add = true}
        %dma_wait3A = arith.constant 0 : i32
        %dma_wait3A_72 = tpu.memref_slice %arg4[%scan3A_64, %dma_wait3A] : memref<80x128xi32, #tpu.memory_space<vmem>> -> memref<1x128xi32, #tpu.memory_space<vmem>>
        %dma_wait3A_73 = tpu.memref_squeeze %dma_wait3A_72 : memref<1x128xi32, #tpu.memory_space<vmem>> -> memref<128xi32, #tpu.memory_space<vmem>>
        %dma_wait3A_74 = arith.constant 0 : i32
        %dma_wait3A_75 = arith.constant 0 : i32
        %dma_wait3A_76 = tpu.memref_slice %arg6[%dma_wait3A_74, %dma_wait3A_75] : memref<10240x16xf32, #tpu.memory_space<vmem_shared>> -> memref<10240x16xf32, #tpu.memory_space<vmem_shared>>
        tpu.wait_indirect_dma semaphore(%run_scoped3A : memref<!tpu.dma_semaphore, #tpu.memory_space<semaphore_mem>>) src(%arg5 : memref<128x16xf32, #tpu.memory_space<vmem>>) dst(%dma_wait3A_76 : memref<10240x16xf32, #tpu.memory_space<vmem_shared>>)
        tpu.yield
      }) : () -> ()
      %scan3A_66 = arith.constant 0 : i32
      scf.yield %scan3A_66 : i32
    }
    %scan3A_42 = arith.constant 80 : i32
    %barrier3A_43 = arith.constant 0 : index
    tpu.barrier barrier_id(%barrier3A_43)
    %mul3A_44 = arith.constant 640 : i32
    %mul3A_45 = arith.muli %arg1, %mul3A_44 : i32
    %add3A_46 = arith.constant 0 : i32
    %add3A_47 = arith.addi %mul3A_45, %add3A_46 : i32
    "tpu.region"() ({
      %run_scoped3A = tpu.sem_alloc : memref<!tpu.dma_semaphore, #tpu.memory_space<semaphore_mem>>
      %dma_start3A = arith.constant 0 : i32
      %dma_start3A_64 = tpu.memref_slice %arg6[%add3A_47, %dma_start3A] : memref<10240x16xf32, #tpu.memory_space<vmem_shared>> -> memref<128x16xf32, #tpu.memory_space<vmem_shared>>
      %dma_start3A_65 = arith.constant 0 : i32
      %dma_start3A_66 = tpu.memref_slice %arg6[%add3A_47, %dma_start3A_65] : memref<10240x16xf32, #tpu.memory_space<vmem_shared>> -> memref<128x16xf32, #tpu.memory_space<vmem_shared>>
      tpu.enqueue_dma source(%dma_start3A_66 : memref<128x16xf32, #tpu.memory_space<vmem_shared>>) target(%arg5 : memref<128x16xf32, #tpu.memory_space<vmem>>) target_semaphore(%run_scoped3A : memref<!tpu.dma_semaphore, #tpu.memory_space<semaphore_mem>>)
      %dma_wait3A = arith.constant 0 : i32
      %dma_wait3A_67 = tpu.memref_slice %arg6[%add3A_47, %dma_wait3A] : memref<10240x16xf32, #tpu.memory_space<vmem_shared>> -> memref<128x16xf32, #tpu.memory_space<vmem_shared>>
      %dma_wait3A_68 = arith.constant 0 : i32
      %dma_wait3A_69 = tpu.memref_slice %arg6[%add3A_47, %dma_wait3A_68] : memref<10240x16xf32, #tpu.memory_space<vmem_shared>> -> memref<128x16xf32, #tpu.memory_space<vmem_shared>>
      tpu.wait_dma2 semaphore(%run_scoped3A : memref<!tpu.dma_semaphore, #tpu.memory_space<semaphore_mem>>) src(%dma_wait3A_69 : memref<128x16xf32, #tpu.memory_space<vmem_shared>>) dst(%arg5 : memref<128x16xf32, #tpu.memory_space<vmem>>)
      tpu.yield
    }) : () -> ()
    "tpu.region"() ({
      %run_scoped3A = tpu.sem_alloc : memref<!tpu.dma_semaphore, #tpu.memory_space<semaphore_mem>>
      %dma_start3A = arith.constant 0 : i32
      %dma_start3A_64 = tpu.memref_slice %arg3[%arg0, %add3A_47, %dma_start3A] : memref<2x10240x16xf32, #tpu.memory_space<hbm>> -> memref<1x128x16xf32, #tpu.memory_space<hbm>>
      %dma_start3A_65 = tpu.memref_squeeze %dma_start3A_64 : memref<1x128x16xf32, #tpu.memory_space<hbm>> -> memref<128x16xf32, #tpu.memory_space<hbm>>
      %dma_start3A_66 = arith.constant 0 : i32
      %dma_start3A_67 = tpu.memref_slice %arg3[%arg0, %add3A_47, %dma_start3A_66] : memref<2x10240x16xf32, #tpu.memory_space<hbm>> -> memref<1x128x16xf32, #tpu.memory_space<hbm>>
      %dma_start3A_68 = tpu.memref_squeeze %dma_start3A_67 : memref<1x128x16xf32, #tpu.memory_space<hbm>> -> memref<128x16xf32, #tpu.memory_space<hbm>>
      tpu.enqueue_dma source(%arg5 : memref<128x16xf32, #tpu.memory_space<vmem>>) target(%dma_start3A_68 : memref<128x16xf32, #tpu.memory_space<hbm>>) target_semaphore(%run_scoped3A : memref<!tpu.dma_semaphore, #tpu.memory_space<semaphore_mem>>)
      %dma_wait3A = arith.constant 0 : i32
      %dma_wait3A_69 = tpu.memref_slice %arg3[%arg0, %add3A_47, %dma_wait3A] : memref<2x10240x16xf32, #tpu.memory_space<hbm>> -> memref<1x128x16xf32, #tpu.memory_space<hbm>>
      %dma_wait3A_70 = tpu.memref_squeeze %dma_wait3A_69 : memref<1x128x16xf32, #tpu.memory_space<hbm>> -> memref<128x16xf32, #tpu.memory_space<hbm>>
      %dma_wait3A_71 = arith.constant 0 : i32
      %dma_wait3A_72 = tpu.memref_slice %arg3[%arg0, %add3A_47, %dma_wait3A_71] : memref<2x10240x16xf32, #tpu.memory_space<hbm>> -> memref<1x128x16xf32, #tpu.memory_space<hbm>>
      %dma_wait3A_73 = tpu.memref_squeeze %dma_wait3A_72 : memref<1x128x16xf32, #tpu.memory_space<hbm>> -> memref<128x16xf32, #tpu.memory_space<hbm>>
      tpu.wait_dma2 semaphore(%run_scoped3A : memref<!tpu.dma_semaphore, #tpu.memory_space<semaphore_mem>>) src(%arg5 : memref<128x16xf32, #tpu.memory_space<vmem>>) dst(%dma_wait3A_73 : memref<128x16xf32, #tpu.memory_space<hbm>>)
      tpu.yield
    }) : () -> ()
    %mul3A_48 = arith.constant 640 : i32
    %mul3A_49 = arith.muli %arg1, %mul3A_48 : i32
    %add3A_50 = arith.constant 128 : i32
    %add3A_51 = arith.addi %mul3A_49, %add3A_50 : i32
    "tpu.region"() ({
      %run_scoped3A = tpu.sem_alloc : memref<!tpu.dma_semaphore, #tpu.memory_space<semaphore_mem>>
      %dma_start3A = arith.constant 0 : i32
      %dma_start3A_64 = tpu.memref_slice %arg6[%add3A_51, %dma_start3A] : memref<10240x16xf32, #tpu.memory_space<vmem_shared>> -> memref<128x16xf32, #tpu.memory_space<vmem_shared>>
      %dma_start3A_65 = arith.constant 0 : i32
      %dma_start3A_66 = tpu.memref_slice %arg6[%add3A_51, %dma_start3A_65] : memref<10240x16xf32, #tpu.memory_space<vmem_shared>> -> memref<128x16xf32, #tpu.memory_space<vmem_shared>>
      tpu.enqueue_dma source(%dma_start3A_66 : memref<128x16xf32, #tpu.memory_space<vmem_shared>>) target(%arg5 : memref<128x16xf32, #tpu.memory_space<vmem>>) target_semaphore(%run_scoped3A : memref<!tpu.dma_semaphore, #tpu.memory_space<semaphore_mem>>)
      %dma_wait3A = arith.constant 0 : i32
      %dma_wait3A_67 = tpu.memref_slice %arg6[%add3A_51, %dma_wait3A] : memref<10240x16xf32, #tpu.memory_space<vmem_shared>> -> memref<128x16xf32, #tpu.memory_space<vmem_shared>>
      %dma_wait3A_68 = arith.constant 0 : i32
      %dma_wait3A_69 = tpu.memref_slice %arg6[%add3A_51, %dma_wait3A_68] : memref<10240x16xf32, #tpu.memory_space<vmem_shared>> -> memref<128x16xf32, #tpu.memory_space<vmem_shared>>
      tpu.wait_dma2 semaphore(%run_scoped3A : memref<!tpu.dma_semaphore, #tpu.memory_space<semaphore_mem>>) src(%dma_wait3A_69 : memref<128x16xf32, #tpu.memory_space<vmem_shared>>) dst(%arg5 : memref<128x16xf32, #tpu.memory_space<vmem>>)
      tpu.yield
    }) : () -> ()
    "tpu.region"() ({
      %run_scoped3A = tpu.sem_alloc : memref<!tpu.dma_semaphore, #tpu.memory_space<semaphore_mem>>
      %dma_start3A = arith.constant 0 : i32
      %dma_start3A_64 = tpu.memref_slice %arg3[%arg0, %add3A_51, %dma_start3A] : memref<2x10240x16xf32, #tpu.memory_space<hbm>> -> memref<1x128x16xf32, #tpu.memory_space<hbm>>
      %dma_start3A_65 = tpu.memref_squeeze %dma_start3A_64 : memref<1x128x16xf32, #tpu.memory_space<hbm>> -> memref<128x16xf32, #tpu.memory_space<hbm>>
      %dma_start3A_66 = arith.constant 0 : i32
      %dma_start3A_67 = tpu.memref_slice %arg3[%arg0, %add3A_51, %dma_start3A_66] : memref<2x10240x16xf32, #tpu.memory_space<hbm>> -> memref<1x128x16xf32, #tpu.memory_space<hbm>>
      %dma_start3A_68 = tpu.memref_squeeze %dma_start3A_67 : memref<1x128x16xf32, #tpu.memory_space<hbm>> -> memref<128x16xf32, #tpu.memory_space<hbm>>
      tpu.enqueue_dma source(%arg5 : memref<128x16xf32, #tpu.memory_space<vmem>>) target(%dma_start3A_68 : memref<128x16xf32, #tpu.memory_space<hbm>>) target_semaphore(%run_scoped3A : memref<!tpu.dma_semaphore, #tpu.memory_space<semaphore_mem>>)
      %dma_wait3A = arith.constant 0 : i32
      %dma_wait3A_69 = tpu.memref_slice %arg3[%arg0, %add3A_51, %dma_wait3A] : memref<2x10240x16xf32, #tpu.memory_space<hbm>> -> memref<1x128x16xf32, #tpu.memory_space<hbm>>
      %dma_wait3A_70 = tpu.memref_squeeze %dma_wait3A_69 : memref<1x128x16xf32, #tpu.memory_space<hbm>> -> memref<128x16xf32, #tpu.memory_space<hbm>>
      %dma_wait3A_71 = arith.constant 0 : i32
      %dma_wait3A_72 = tpu.memref_slice %arg3[%arg0, %add3A_51, %dma_wait3A_71] : memref<2x10240x16xf32, #tpu.memory_space<hbm>> -> memref<1x128x16xf32, #tpu.memory_space<hbm>>
      %dma_wait3A_73 = tpu.memref_squeeze %dma_wait3A_72 : memref<1x128x16xf32, #tpu.memory_space<hbm>> -> memref<128x16xf32, #tpu.memory_space<hbm>>
      tpu.wait_dma2 semaphore(%run_scoped3A : memref<!tpu.dma_semaphore, #tpu.memory_space<semaphore_mem>>) src(%arg5 : memref<128x16xf32, #tpu.memory_space<vmem>>) dst(%dma_wait3A_73 : memref<128x16xf32, #tpu.memory_space<hbm>>)
      tpu.yield
    }) : () -> ()
    %mul3A_52 = arith.constant 640 : i32
    %mul3A_53 = arith.muli %arg1, %mul3A_52 : i32
    %add3A_54 = arith.constant 256 : i32
    %add3A_55 = arith.addi %mul3A_53, %add3A_54 : i32
    "tpu.region"() ({
      %run_scoped3A = tpu.sem_alloc : memref<!tpu.dma_semaphore, #tpu.memory_space<semaphore_mem>>
      %dma_start3A = arith.constant 0 : i32
      %dma_start3A_64 = tpu.memref_slice %arg6[%add3A_55, %dma_start3A] : memref<10240x16xf32, #tpu.memory_space<vmem_shared>> -> memref<128x16xf32, #tpu.memory_space<vmem_shared>>
      %dma_start3A_65 = arith.constant 0 : i32
      %dma_start3A_66 = tpu.memref_slice %arg6[%add3A_55, %dma_start3A_65] : memref<10240x16xf32, #tpu.memory_space<vmem_shared>> -> memref<128x16xf32, #tpu.memory_space<vmem_shared>>
      tpu.enqueue_dma source(%dma_start3A_66 : memref<128x16xf32, #tpu.memory_space<vmem_shared>>) target(%arg5 : memref<128x16xf32, #tpu.memory_space<vmem>>) target_semaphore(%run_scoped3A : memref<!tpu.dma_semaphore, #tpu.memory_space<semaphore_mem>>)
      %dma_wait3A = arith.constant 0 : i32
      %dma_wait3A_67 = tpu.memref_slice %arg6[%add3A_55, %dma_wait3A] : memref<10240x16xf32, #tpu.memory_space<vmem_shared>> -> memref<128x16xf32, #tpu.memory_space<vmem_shared>>
      %dma_wait3A_68 = arith.constant 0 : i32
      %dma_wait3A_69 = tpu.memref_slice %arg6[%add3A_55, %dma_wait3A_68] : memref<10240x16xf32, #tpu.memory_space<vmem_shared>> -> memref<128x16xf32, #tpu.memory_space<vmem_shared>>
      tpu.wait_dma2 semaphore(%run_scoped3A : memref<!tpu.dma_semaphore, #tpu.memory_space<semaphore_mem>>) src(%dma_wait3A_69 : memref<128x16xf32, #tpu.memory_space<vmem_shared>>) dst(%arg5 : memref<128x16xf32, #tpu.memory_space<vmem>>)
      tpu.yield
    }) : () -> ()
    "tpu.region"() ({
      %run_scoped3A = tpu.sem_alloc : memref<!tpu.dma_semaphore, #tpu.memory_space<semaphore_mem>>
      %dma_start3A = arith.constant 0 : i32
      %dma_start3A_64 = tpu.memref_slice %arg3[%arg0, %add3A_55, %dma_start3A] : memref<2x10240x16xf32, #tpu.memory_space<hbm>> -> memref<1x128x16xf32, #tpu.memory_space<hbm>>
      %dma_start3A_65 = tpu.memref_squeeze %dma_start3A_64 : memref<1x128x16xf32, #tpu.memory_space<hbm>> -> memref<128x16xf32, #tpu.memory_space<hbm>>
      %dma_start3A_66 = arith.constant 0 : i32
      %dma_start3A_67 = tpu.memref_slice %arg3[%arg0, %add3A_55, %dma_start3A_66] : memref<2x10240x16xf32, #tpu.memory_space<hbm>> -> memref<1x128x16xf32, #tpu.memory_space<hbm>>
      %dma_start3A_68 = tpu.memref_squeeze %dma_start3A_67 : memref<1x128x16xf32, #tpu.memory_space<hbm>> -> memref<128x16xf32, #tpu.memory_space<hbm>>
      tpu.enqueue_dma source(%arg5 : memref<128x16xf32, #tpu.memory_space<vmem>>) target(%dma_start3A_68 : memref<128x16xf32, #tpu.memory_space<hbm>>) target_semaphore(%run_scoped3A : memref<!tpu.dma_semaphore, #tpu.memory_space<semaphore_mem>>)
      %dma_wait3A = arith.constant 0 : i32
      %dma_wait3A_69 = tpu.memref_slice %arg3[%arg0, %add3A_55, %dma_wait3A] : memref<2x10240x16xf32, #tpu.memory_space<hbm>> -> memref<1x128x16xf32, #tpu.memory_space<hbm>>
      %dma_wait3A_70 = tpu.memref_squeeze %dma_wait3A_69 : memref<1x128x16xf32, #tpu.memory_space<hbm>> -> memref<128x16xf32, #tpu.memory_space<hbm>>
      %dma_wait3A_71 = arith.constant 0 : i32
      %dma_wait3A_72 = tpu.memref_slice %arg3[%arg0, %add3A_55, %dma_wait3A_71] : memref<2x10240x16xf32, #tpu.memory_space<hbm>> -> memref<1x128x16xf32, #tpu.memory_space<hbm>>
      %dma_wait3A_73 = tpu.memref_squeeze %dma_wait3A_72 : memref<1x128x16xf32, #tpu.memory_space<hbm>> -> memref<128x16xf32, #tpu.memory_space<hbm>>
      tpu.wait_dma2 semaphore(%run_scoped3A : memref<!tpu.dma_semaphore, #tpu.memory_space<semaphore_mem>>) src(%arg5 : memref<128x16xf32, #tpu.memory_space<vmem>>) dst(%dma_wait3A_73 : memref<128x16xf32, #tpu.memory_space<hbm>>)
      tpu.yield
    }) : () -> ()
    %mul3A_56 = arith.constant 640 : i32
    %mul3A_57 = arith.muli %arg1, %mul3A_56 : i32
    %add3A_58 = arith.constant 384 : i32
    %add3A_59 = arith.addi %mul3A_57, %add3A_58 : i32
    "tpu.region"() ({
      %run_scoped3A = tpu.sem_alloc : memref<!tpu.dma_semaphore, #tpu.memory_space<semaphore_mem>>
      %dma_start3A = arith.constant 0 : i32
      %dma_start3A_64 = tpu.memref_slice %arg6[%add3A_59, %dma_start3A] : memref<10240x16xf32, #tpu.memory_space<vmem_shared>> -> memref<128x16xf32, #tpu.memory_space<vmem_shared>>
      %dma_start3A_65 = arith.constant 0 : i32
      %dma_start3A_66 = tpu.memref_slice %arg6[%add3A_59, %dma_start3A_65] : memref<10240x16xf32, #tpu.memory_space<vmem_shared>> -> memref<128x16xf32, #tpu.memory_space<vmem_shared>>
      tpu.enqueue_dma source(%dma_start3A_66 : memref<128x16xf32, #tpu.memory_space<vmem_shared>>) target(%arg5 : memref<128x16xf32, #tpu.memory_space<vmem>>) target_semaphore(%run_scoped3A : memref<!tpu.dma_semaphore, #tpu.memory_space<semaphore_mem>>)
      %dma_wait3A = arith.constant 0 : i32
      %dma_wait3A_67 = tpu.memref_slice %arg6[%add3A_59, %dma_wait3A] : memref<10240x16xf32, #tpu.memory_space<vmem_shared>> -> memref<128x16xf32, #tpu.memory_space<vmem_shared>>
      %dma_wait3A_68 = arith.constant 0 : i32
      %dma_wait3A_69 = tpu.memref_slice %arg6[%add3A_59, %dma_wait3A_68] : memref<10240x16xf32, #tpu.memory_space<vmem_shared>> -> memref<128x16xf32, #tpu.memory_space<vmem_shared>>
      tpu.wait_dma2 semaphore(%run_scoped3A : memref<!tpu.dma_semaphore, #tpu.memory_space<semaphore_mem>>) src(%dma_wait3A_69 : memref<128x16xf32, #tpu.memory_space<vmem_shared>>) dst(%arg5 : memref<128x16xf32, #tpu.memory_space<vmem>>)
      tpu.yield
    }) : () -> ()
    "tpu.region"() ({
      %run_scoped3A = tpu.sem_alloc : memref<!tpu.dma_semaphore, #tpu.memory_space<semaphore_mem>>
      %dma_start3A = arith.constant 0 : i32
      %dma_start3A_64 = tpu.memref_slice %arg3[%arg0, %add3A_59, %dma_start3A] : memref<2x10240x16xf32, #tpu.memory_space<hbm>> -> memref<1x128x16xf32, #tpu.memory_space<hbm>>
      %dma_start3A_65 = tpu.memref_squeeze %dma_start3A_64 : memref<1x128x16xf32, #tpu.memory_space<hbm>> -> memref<128x16xf32, #tpu.memory_space<hbm>>
      %dma_start3A_66 = arith.constant 0 : i32
      %dma_start3A_67 = tpu.memref_slice %arg3[%arg0, %add3A_59, %dma_start3A_66] : memref<2x10240x16xf32, #tpu.memory_space<hbm>> -> memref<1x128x16xf32, #tpu.memory_space<hbm>>
      %dma_start3A_68 = tpu.memref_squeeze %dma_start3A_67 : memref<1x128x16xf32, #tpu.memory_space<hbm>> -> memref<128x16xf32, #tpu.memory_space<hbm>>
      tpu.enqueue_dma source(%arg5 : memref<128x16xf32, #tpu.memory_space<vmem>>) target(%dma_start3A_68 : memref<128x16xf32, #tpu.memory_space<hbm>>) target_semaphore(%run_scoped3A : memref<!tpu.dma_semaphore, #tpu.memory_space<semaphore_mem>>)
      %dma_wait3A = arith.constant 0 : i32
      %dma_wait3A_69 = tpu.memref_slice %arg3[%arg0, %add3A_59, %dma_wait3A] : memref<2x10240x16xf32, #tpu.memory_space<hbm>> -> memref<1x128x16xf32, #tpu.memory_space<hbm>>
      %dma_wait3A_70 = tpu.memref_squeeze %dma_wait3A_69 : memref<1x128x16xf32, #tpu.memory_space<hbm>> -> memref<128x16xf32, #tpu.memory_space<hbm>>
      %dma_wait3A_71 = arith.constant 0 : i32
      %dma_wait3A_72 = tpu.memref_slice %arg3[%arg0, %add3A_59, %dma_wait3A_71] : memref<2x10240x16xf32, #tpu.memory_space<hbm>> -> memref<1x128x16xf32, #tpu.memory_space<hbm>>
      %dma_wait3A_73 = tpu.memref_squeeze %dma_wait3A_72 : memref<1x128x16xf32, #tpu.memory_space<hbm>> -> memref<128x16xf32, #tpu.memory_space<hbm>>
      tpu.wait_dma2 semaphore(%run_scoped3A : memref<!tpu.dma_semaphore, #tpu.memory_space<semaphore_mem>>) src(%arg5 : memref<128x16xf32, #tpu.memory_space<vmem>>) dst(%dma_wait3A_73 : memref<128x16xf32, #tpu.memory_space<hbm>>)
      tpu.yield
    }) : () -> ()
    %mul3A_60 = arith.constant 640 : i32
    %mul3A_61 = arith.muli %arg1, %mul3A_60 : i32
    %add3A_62 = arith.constant 512 : i32
    %add3A_63 = arith.addi %mul3A_61, %add3A_62 : i32
    "tpu.region"() ({
      %run_scoped3A = tpu.sem_alloc : memref<!tpu.dma_semaphore, #tpu.memory_space<semaphore_mem>>
      %dma_start3A = arith.constant 0 : i32
      %dma_start3A_64 = tpu.memref_slice %arg6[%add3A_63, %dma_start3A] : memref<10240x16xf32, #tpu.memory_space<vmem_shared>> -> memref<128x16xf32, #tpu.memory_space<vmem_shared>>
      %dma_start3A_65 = arith.constant 0 : i32
      %dma_start3A_66 = tpu.memref_slice %arg6[%add3A_63, %dma_start3A_65] : memref<10240x16xf32, #tpu.memory_space<vmem_shared>> -> memref<128x16xf32, #tpu.memory_space<vmem_shared>>
      tpu.enqueue_dma source(%dma_start3A_66 : memref<128x16xf32, #tpu.memory_space<vmem_shared>>) target(%arg5 : memref<128x16xf32, #tpu.memory_space<vmem>>) target_semaphore(%run_scoped3A : memref<!tpu.dma_semaphore, #tpu.memory_space<semaphore_mem>>)
      %dma_wait3A = arith.constant 0 : i32
      %dma_wait3A_67 = tpu.memref_slice %arg6[%add3A_63, %dma_wait3A] : memref<10240x16xf32, #tpu.memory_space<vmem_shared>> -> memref<128x16xf32, #tpu.memory_space<vmem_shared>>
      %dma_wait3A_68 = arith.constant 0 : i32
      %dma_wait3A_69 = tpu.memref_slice %arg6[%add3A_63, %dma_wait3A_68] : memref<10240x16xf32, #tpu.memory_space<vmem_shared>> -> memref<128x16xf32, #tpu.memory_space<vmem_shared>>
      tpu.wait_dma2 semaphore(%run_scoped3A : memref<!tpu.dma_semaphore, #tpu.memory_space<semaphore_mem>>) src(%dma_wait3A_69 : memref<128x16xf32, #tpu.memory_space<vmem_shared>>) dst(%arg5 : memref<128x16xf32, #tpu.memory_space<vmem>>)
      tpu.yield
    }) : () -> ()
    "tpu.region"() ({
      %run_scoped3A = tpu.sem_alloc : memref<!tpu.dma_semaphore, #tpu.memory_space<semaphore_mem>>
      %dma_start3A = arith.constant 0 : i32
      %dma_start3A_64 = tpu.memref_slice %arg3[%arg0, %add3A_63, %dma_start3A] : memref<2x10240x16xf32, #tpu.memory_space<hbm>> -> memref<1x128x16xf32, #tpu.memory_space<hbm>>
      %dma_start3A_65 = tpu.memref_squeeze %dma_start3A_64 : memref<1x128x16xf32, #tpu.memory_space<hbm>> -> memref<128x16xf32, #tpu.memory_space<hbm>>
      %dma_start3A_66 = arith.constant 0 : i32
      %dma_start3A_67 = tpu.memref_slice %arg3[%arg0, %add3A_63, %dma_start3A_66] : memref<2x10240x16xf32, #tpu.memory_space<hbm>> -> memref<1x128x16xf32, #tpu.memory_space<hbm>>
      %dma_start3A_68 = tpu.memref_squeeze %dma_start3A_67 : memref<1x128x16xf32, #tpu.memory_space<hbm>> -> memref<128x16xf32, #tpu.memory_space<hbm>>
      tpu.enqueue_dma source(%arg5 : memref<128x16xf32, #tpu.memory_space<vmem>>) target(%dma_start3A_68 : memref<128x16xf32, #tpu.memory_space<hbm>>) target_semaphore(%run_scoped3A : memref<!tpu.dma_semaphore, #tpu.memory_space<semaphore_mem>>)
      %dma_wait3A = arith.constant 0 : i32
      %dma_wait3A_69 = tpu.memref_slice %arg3[%arg0, %add3A_63, %dma_wait3A] : memref<2x10240x16xf32, #tpu.memory_space<hbm>> -> memref<1x128x16xf32, #tpu.memory_space<hbm>>
      %dma_wait3A_70 = tpu.memref_squeeze %dma_wait3A_69 : memref<1x128x16xf32, #tpu.memory_space<hbm>> -> memref<128x16xf32, #tpu.memory_space<hbm>>
      %dma_wait3A_71 = arith.constant 0 : i32
      %dma_wait3A_72 = tpu.memref_slice %arg3[%arg0, %add3A_63, %dma_wait3A_71] : memref<2x10240x16xf32, #tpu.memory_space<hbm>> -> memref<1x128x16xf32, #tpu.memory_space<hbm>>
      %dma_wait3A_73 = tpu.memref_squeeze %dma_wait3A_72 : memref<1x128x16xf32, #tpu.memory_space<hbm>> -> memref<128x16xf32, #tpu.memory_space<hbm>>
      tpu.wait_dma2 semaphore(%run_scoped3A : memref<!tpu.dma_semaphore, #tpu.memory_space<semaphore_mem>>) src(%arg5 : memref<128x16xf32, #tpu.memory_space<vmem>>) dst(%dma_wait3A_73 : memref<128x16xf32, #tpu.memory_space<hbm>>)
      tpu.yield
    }) : () -> ()
    return
  }
}

module attributes {stable_mosaic.version = 14 : i64} {
  func.func @_xw_body(%arg0: i32, %arg1: memref<2048x128xf32, #tpu.memory_space<vmem>>, %arg2: memref<128x128xf32, #tpu.memory_space<vmem>>, %arg3: memref<2048x128xf32, #tpu.memory_space<vmem>>) attributes {dimension_semantics = [#tpu.dimension_semantics<arbitrary>], iteration_bounds = array<i64: 5>, scalar_prefetch = 0 : i64, scratch_operands = 0 : i64, tpu.core_type = #tpu.core_type<tc>, window_params = [{transform_indices = @transform_0, window_bounds = array<i64: 2048, 128>}, {pipeline_mode = #tpu.pipeline_mode<synchronous>, transform_indices = @transform_1, window_bounds = array<i64: 128, 128>}, {transform_indices = @transform_2, window_bounds = array<i64: 2048, 128>}]} {
    %get3A = arith.constant 0 : index
    %get3A_0 = arith.constant 0 : index
    %get3A_1 = vector.load %arg1[%get3A, %get3A_0] : memref<2048x128xf32, #tpu.memory_space<vmem>>, vector<2048x128xf32>
    %get3A_2 = arith.constant 0 : index
    %get3A_3 = arith.constant 0 : index
    %get3A_4 = vector.load %arg2[%get3A_2, %get3A_3] : memref<128x128xf32, #tpu.memory_space<vmem>>, vector<128x128xf32>
    %dot_general3A = arith.constant dense<0.000000e+00> : vector<2048x128xf32>
    %dot_general3A_5 = tpu.matmul %get3A_1, %get3A_4, %dot_general3A {dimension_numbers = #tpu.dot_dimension_numbers<[1], [0], [0], [1], [0, 0, 1, 1], [], []>, precision = #tpu.contract_precision<fp32>, transpose_lhs_hint = false} : vector<2048x128xf32>, vector<128x128xf32>, vector<2048x128xf32> -> vector<2048x128xf32>
    %swap3A = arith.constant 0 : index
    %swap3A_6 = arith.constant 0 : index
    %swap3A_7 = vector.load %arg3[%swap3A, %swap3A_6] : memref<2048x128xf32, #tpu.memory_space<vmem>>, vector<2048x128xf32>
    tpu.vector_store %arg3[%swap3A, %swap3A_6], %dot_general3A_5 {strides = array<i32>} : memref<2048x128xf32, #tpu.memory_space<vmem>>, vector<2048x128xf32>,
    return
  }
  func.func @transform_0(%arg0: i32) -> (i32, i32) {
    %c0_i32 = arith.constant 0 : i32
    %c0_i32_0 = arith.constant 0 : i32
    return %arg0, %c0_i32 : i32, i32
  }
  func.func @transform_1(%arg0: i32) -> (i32, i32) {
    %c0_i32 = arith.constant 0 : i32
    %c0_i32_0 = arith.constant 0 : i32
    %c0_i32_1 = arith.constant 0 : i32
    return %c0_i32, %c0_i32_0 : i32, i32
  }
  func.func @transform_2(%arg0: i32) -> (i32, i32) {
    %c0_i32 = arith.constant 0 : i32
    %c0_i32_0 = arith.constant 0 : i32
    return %arg0, %c0_i32 : i32, i32
  }
}

module attributes {stable_mosaic.version = 14 : i64} {
  func.func @_prescale_body(%arg0: i32, %arg1: memref<2x2048x16xf32, #tpu.memory_space<vmem>>, %arg2: memref<2048x128xf32, #tpu.memory_space<vmem>>, %arg3: memref<2048xf32, #tpu.memory_space<vmem>>, %arg4: memref<2x2048x32xf32, #tpu.memory_space<vmem>>, %arg5: memref<2x2048x32xf32, #tpu.memory_space<vmem>>) attributes {dimension_semantics = [#tpu.dimension_semantics<arbitrary>], iteration_bounds = array<i64: 5>, scalar_prefetch = 0 : i64, scratch_operands = 0 : i64, tpu.core_type = #tpu.core_type<tc>, window_params = [{transform_indices = @transform_0, window_bounds = array<i64: 2, 2048, 16>}, {transform_indices = @transform_1, window_bounds = array<i64: 2048, 128>}, {transform_indices = @transform_2, window_bounds = array<i64: 2048>}, {transform_indices = @transform_3, window_bounds = array<i64: 2, 2048, 32>}, {transform_indices = @transform_4, window_bounds = array<i64: 2, 2048, 32>}]} {
    %get3A = arith.constant 0 : index
    %get3A_0 = arith.constant 0 : index
    %get3A_1 = arith.constant 0 : index
    %get3A_2 = vector.load %arg1[%get3A, %get3A_0, %get3A_1] : memref<2x2048x16xf32, #tpu.memory_space<vmem>>, vector<1x2048x1xf32>
    %get3A_3 = vector.shape_cast %get3A_2 : vector<1x2048x1xf32> to vector<2048xf32>
    %get3A_4 = arith.constant 1 : index
    %get3A_5 = arith.constant 0 : index
    %get3A_6 = arith.constant 0 : index
    %get3A_7 = vector.load %arg1[%get3A_4, %get3A_5, %get3A_6] : memref<2x2048x16xf32, #tpu.memory_space<vmem>>, vector<1x2048x1xf32>
    %get3A_8 = vector.shape_cast %get3A_7 : vector<1x2048x1xf32> to vector<2048xf32>
    %add3A = arith.addf %get3A_3, %get3A_8 : vector<2048xf32>
    %add3A_9 = arith.constant 1.000000e+00 : f32
    %add3A_10 = vector.broadcast %add3A_9 : f32 to vector<2048xf32>
    %add3A_11 = arith.addf %add3A, %add3A_10 : vector<2048xf32>
    %max3A = arith.constant 1.000000e+00 : f32
    %max3A_12 = vector.broadcast %max3A : f32 to vector<2048xf32>
    %max3A_13 = arith.maximumf %add3A_11, %max3A_12 : vector<2048xf32>
    %rsqrt3A = math.rsqrt %max3A_13 : vector<2048xf32>
    %swap3A = arith.constant 0 : index
    %swap3A_14 = vector.load %arg3[%swap3A] : memref<2048xf32, #tpu.memory_space<vmem>>, vector<2048xf32>
    tpu.vector_store %arg3[%swap3A], %rsqrt3A {strides = array<i32>} : memref<2048xf32, #tpu.memory_space<vmem>>, vector<2048xf32>,
    %get3A_15 = arith.constant 0 : index
    %get3A_16 = arith.constant 0 : index
    %get3A_17 = vector.load %arg2[%get3A_15, %get3A_16] : memref<2048x128xf32, #tpu.memory_space<vmem>>, vector<2048x128xf32>
    %broadcast_in_dim3A = vector.shape_cast %rsqrt3A : vector<2048xf32> to vector<2048x1xf32>
    %mul3A = vector.broadcast %broadcast_in_dim3A : vector<2048x1xf32> to vector<2048x128xf32>
    %mul3A_18 = arith.mulf %get3A_17, %mul3A : vector<2048x128xf32>
    %slice3A = vector.extract_strided_slice %mul3A_18 {offsets = [0, 0], sizes = [2048, 32], strides = [1, 1]} : vector<2048x128xf32> to vector<2048x32xf32>
    %swap3A_19 = arith.constant 0 : index
    %swap3A_20 = arith.constant 0 : index
    %swap3A_21 = arith.constant 0 : index
    %swap3A_22 = vector.load %arg4[%swap3A_19, %swap3A_20, %swap3A_21] : memref<2x2048x32xf32, #tpu.memory_space<vmem>>, vector<1x2048x32xf32>
    %swap3A_23 = vector.shape_cast %swap3A_22 : vector<1x2048x32xf32> to vector<2048x32xf32>
    %swap3A_24 = vector.shape_cast %slice3A : vector<2048x32xf32> to vector<1x2048x32xf32>
    tpu.vector_store %arg4[%swap3A_19, %swap3A_20, %swap3A_21], %swap3A_24 {strides = array<i32>} : memref<2x2048x32xf32, #tpu.memory_space<vmem>>, vector<1x2048x32xf32>,
    %slice3A_25 = vector.extract_strided_slice %mul3A_18 {offsets = [0, 32], sizes = [2048, 32], strides = [1, 1]} : vector<2048x128xf32> to vector<2048x32xf32>
    %swap3A_26 = arith.constant 1 : index
    %swap3A_27 = arith.constant 0 : index
    %swap3A_28 = arith.constant 0 : index
    %swap3A_29 = vector.load %arg4[%swap3A_26, %swap3A_27, %swap3A_28] : memref<2x2048x32xf32, #tpu.memory_space<vmem>>, vector<1x2048x32xf32>
    %swap3A_30 = vector.shape_cast %swap3A_29 : vector<1x2048x32xf32> to vector<2048x32xf32>
    %swap3A_31 = vector.shape_cast %slice3A_25 : vector<2048x32xf32> to vector<1x2048x32xf32>
    tpu.vector_store %arg4[%swap3A_26, %swap3A_27, %swap3A_28], %swap3A_31 {strides = array<i32>} : memref<2x2048x32xf32, #tpu.memory_space<vmem>>, vector<1x2048x32xf32>,
    %slice3A_32 = vector.extract_strided_slice %mul3A_18 {offsets = [0, 64], sizes = [2048, 32], strides = [1, 1]} : vector<2048x128xf32> to vector<2048x32xf32>
    %swap3A_33 = arith.constant 0 : index
    %swap3A_34 = arith.constant 0 : index
    %swap3A_35 = arith.constant 0 : index
    %swap3A_36 = vector.load %arg5[%swap3A_33, %swap3A_34, %swap3A_35] : memref<2x2048x32xf32, #tpu.memory_space<vmem>>, vector<1x2048x32xf32>
    %swap3A_37 = vector.shape_cast %swap3A_36 : vector<1x2048x32xf32> to vector<2048x32xf32>
    %swap3A_38 = vector.shape_cast %slice3A_32 : vector<2048x32xf32> to vector<1x2048x32xf32>
    tpu.vector_store %arg5[%swap3A_33, %swap3A_34, %swap3A_35], %swap3A_38 {strides = array<i32>} : memref<2x2048x32xf32, #tpu.memory_space<vmem>>, vector<1x2048x32xf32>,
    %slice3A_39 = vector.extract_strided_slice %mul3A_18 {offsets = [0, 96], sizes = [2048, 32], strides = [1, 1]} : vector<2048x128xf32> to vector<2048x32xf32>
    %swap3A_40 = arith.constant 1 : index
    %swap3A_41 = arith.constant 0 : index
    %swap3A_42 = arith.constant 0 : index
    %swap3A_43 = vector.load %arg5[%swap3A_40, %swap3A_41, %swap3A_42] : memref<2x2048x32xf32, #tpu.memory_space<vmem>>, vector<1x2048x32xf32>
    %swap3A_44 = vector.shape_cast %swap3A_43 : vector<1x2048x32xf32> to vector<2048x32xf32>
    %swap3A_45 = vector.shape_cast %slice3A_39 : vector<2048x32xf32> to vector<1x2048x32xf32>
    tpu.vector_store %arg5[%swap3A_40, %swap3A_41, %swap3A_42], %swap3A_45 {strides = array<i32>} : memref<2x2048x32xf32, #tpu.memory_space<vmem>>, vector<1x2048x32xf32>,
    return
  }
  func.func @transform_0(%arg0: i32) -> (i32, i32, i32) {
    %c0_i32 = arith.constant 0 : i32
    %c0_i32_0 = arith.constant 0 : i32
    %c0_i32_1 = arith.constant 0 : i32
    return %c0_i32, %arg0, %c0_i32_0 : i32, i32, i32
  }
  func.func @transform_1(%arg0: i32) -> (i32, i32) {
    %c0_i32 = arith.constant 0 : i32
    %c0_i32_0 = arith.constant 0 : i32
    return %arg0, %c0_i32 : i32, i32
  }
  func.func @transform_2(%arg0: i32) -> i32 {
    %c0_i32 = arith.constant 0 : i32
    return %arg0 : i32
  }
  func.func @transform_3(%arg0: i32) -> (i32, i32, i32) {
    %c0_i32 = arith.constant 0 : i32
    %c0_i32_0 = arith.constant 0 : i32
    %c0_i32_1 = arith.constant 0 : i32
    return %c0_i32, %arg0, %c0_i32_0 : i32, i32, i32
  }
  func.func @transform_4(%arg0: i32) -> (i32, i32, i32) {
    %c0_i32 = arith.constant 0 : i32
    %c0_i32_0 = arith.constant 0 : i32
    %c0_i32_1 = arith.constant 0 : i32
    return %c0_i32, %arg0, %c0_i32_0 : i32, i32, i32
  }
}

module attributes {stable_mosaic.version = 14 : i64} {
  func.func @_img_body(%arg0: i32, %arg1: memref<64x1024xf32, #tpu.memory_space<vmem>>, %arg2: memref<1024x1024xf32, #tpu.memory_space<vmem>>, %arg3: memref<1024xf32, #tpu.memory_space<vmem>>, %arg4: memref<1024x64xf32, #tpu.memory_space<vmem>>, %arg5: memref<64xf32, #tpu.memory_space<vmem>>, %arg6: memref<64x64xf32, #tpu.memory_space<vmem>>, %arg7: memref<64x1024xf32, #tpu.memory_space<vmem>>) attributes {dimension_semantics = [#tpu.dimension_semantics<arbitrary>], iteration_bounds = array<i64: 49>, scalar_prefetch = 0 : i64, scratch_operands = 1 : i64, tpu.core_type = #tpu.core_type<tc>, window_params = [{transform_indices = @transform_0, window_bounds = array<i64: 64, 1024>}, {transform_indices = @transform_1, window_bounds = array<i64: 1024, 1024>}, {pipeline_mode = #tpu.pipeline_mode<synchronous>, transform_indices = @transform_2, window_bounds = array<i64: 1024>}, {pipeline_mode = #tpu.pipeline_mode<synchronous>, transform_indices = @transform_3, window_bounds = array<i64: 1024, 64>}, {pipeline_mode = #tpu.pipeline_mode<synchronous>, transform_indices = @transform_4, window_bounds = array<i64: 64>}, {pipeline_mode = #tpu.pipeline_mode<synchronous>, transform_indices = @transform_5, window_bounds = array<i64: 64, 64>}]} {
    %eq3A = arith.constant 0 : i32
    %eq3A_0 = arith.cmpi eq, %arg0, %eq3A : i32
    %convert_element_type3A = arith.extui %eq3A_0 : i1 to i32
    %cond3A = arith.constant 0 : i32
    %cond3A_1 = arith.cmpi ne, %convert_element_type3A, %cond3A : i32
    scf.if %cond3A_1 {
      %broadcast_in_dim3A = arith.constant 0.000000e+00 : f32
      %broadcast_in_dim3A_18 = vector.broadcast %broadcast_in_dim3A : f32 to vector<64x1024xf32>
      %swap3A_19 = arith.constant 0 : index
      %swap3A_20 = arith.constant 0 : index
      %swap3A_21 = vector.load %arg7[%swap3A_19, %swap3A_20] : memref<64x1024xf32, #tpu.memory_space<vmem>>, vector<64x1024xf32>
      tpu.vector_store %arg7[%swap3A_19, %swap3A_20], %broadcast_in_dim3A_18 {strides = array<i32>} : memref<64x1024xf32, #tpu.memory_space<vmem>>, vector<64x1024xf32>,
    } else {
    }
    %get3A = arith.constant 0 : index
    %get3A_2 = arith.constant 0 : index
    %get3A_3 = vector.load %arg7[%get3A, %get3A_2] : memref<64x1024xf32, #tpu.memory_space<vmem>>, vector<64x1024xf32>
    %get3A_4 = arith.constant 0 : index
    %get3A_5 = arith.constant 0 : index
    %get3A_6 = vector.load %arg1[%get3A_4, %get3A_5] : memref<64x1024xf32, #tpu.memory_space<vmem>>, vector<64x1024xf32>
    %get3A_7 = arith.constant 0 : index
    %get3A_8 = arith.constant 0 : index
    %get3A_9 = vector.load %arg2[%get3A_7, %get3A_8] : memref<1024x1024xf32, #tpu.memory_space<vmem>>, vector<1024x1024xf32>
    %dot_general3A = arith.constant dense<0.000000e+00> : vector<64x1024xf32>
    %dot_general3A_10 = tpu.matmul %get3A_6, %get3A_9, %dot_general3A {dimension_numbers = #tpu.dot_dimension_numbers<[1], [0], [0], [1], [0, 0, 1, 1], [], []>, precision = #tpu.contract_precision<fp32>, transpose_lhs_hint = false} : vector<64x1024xf32>, vector<1024x1024xf32>, vector<64x1024xf32> -> vector<64x1024xf32>
    %add3A = arith.addf %get3A_3, %dot_general3A_10 : vector<64x1024xf32>
    %swap3A = arith.constant 0 : index
    %swap3A_11 = arith.constant 0 : index
    %swap3A_12 = vector.load %arg7[%swap3A, %swap3A_11] : memref<64x1024xf32, #tpu.memory_space<vmem>>, vector<64x1024xf32>
    tpu.vector_store %arg7[%swap3A, %swap3A_11], %add3A {strides = array<i32>} : memref<64x1024xf32, #tpu.memory_space<vmem>>, vector<64x1024xf32>,
    %eq3A_13 = arith.constant 48 : i32
    %eq3A_14 = arith.cmpi eq, %arg0, %eq3A_13 : i32
    %convert_element_type3A_15 = arith.extui %eq3A_14 : i1 to i32
    %cond3A_16 = arith.constant 0 : i32
    %cond3A_17 = arith.cmpi ne, %convert_element_type3A_15, %cond3A_16 : i32
    scf.if %cond3A_17 {
      %get3A_18 = arith.constant 0 : index
      %get3A_19 = arith.constant 0 : index
      %get3A_20 = vector.load %arg7[%get3A_18, %get3A_19] : memref<64x1024xf32, #tpu.memory_space<vmem>>, vector<64x1024xf32>
      %get3A_21 = arith.constant 0 : index
      %get3A_22 = vector.load %arg3[%get3A_21] : memref<1024xf32, #tpu.memory_space<vmem>>, vector<1024xf32>
      %broadcast_in_dim3A = vector.shape_cast %get3A_22 : vector<1024xf32> to vector<1x1024xf32>
      %add3A_23 = vector.broadcast %broadcast_in_dim3A : vector<1x1024xf32> to vector<64x1024xf32>
      %add3A_24 = arith.addf %get3A_20, %add3A_23 : vector<64x1024xf32>
      %get3A_25 = arith.constant 0 : index
      %get3A_26 = arith.constant 0 : index
      %get3A_27 = vector.load %arg4[%get3A_25, %get3A_26] : memref<1024x64xf32, #tpu.memory_space<vmem>>, vector<1024x64xf32>
      %dot_general3A_28 = arith.constant dense<0.000000e+00> : vector<64x64xf32>
      %dot_general3A_29 = tpu.matmul %add3A_24, %get3A_27, %dot_general3A_28 {dimension_numbers = #tpu.dot_dimension_numbers<[1], [0], [0], [1], [0, 0, 1, 1], [], []>, precision = #tpu.contract_precision<fp32>, transpose_lhs_hint = false} : vector<64x1024xf32>, vector<1024x64xf32>, vector<64x64xf32> -> vector<64x64xf32>
      %get3A_30 = arith.constant 0 : index
      %get3A_31 = vector.load %arg5[%get3A_30] : memref<64xf32, #tpu.memory_space<vmem>>, vector<64xf32>
      %broadcast_in_dim3A_32 = vector.shape_cast %get3A_31 : vector<64xf32> to vector<1x64xf32>
      %add3A_33 = vector.broadcast %broadcast_in_dim3A_32 : vector<1x64xf32> to vector<64x64xf32>
      %add3A_34 = arith.addf %dot_general3A_29, %add3A_33 : vector<64x64xf32>
      %swap3A_35 = arith.constant 0 : index
      %swap3A_36 = arith.constant 0 : index
      %swap3A_37 = vector.load %arg6[%swap3A_35, %swap3A_36] : memref<64x64xf32, #tpu.memory_space<vmem>>, vector<64x64xf32>
      tpu.vector_store %arg6[%swap3A_35, %swap3A_36], %add3A_34 {strides = array<i32>} : memref<64x64xf32, #tpu.memory_space<vmem>>, vector<64x64xf32>,
    } else {
    }
    return
  }
  func.func @transform_0(%arg0: i32) -> (i32, i32) {
    %c0_i32 = arith.constant 0 : i32
    %c0_i32_0 = arith.constant 0 : i32
    return %c0_i32, %arg0 : i32, i32
  }
  func.func @transform_1(%arg0: i32) -> (i32, i32) {
    %c0_i32 = arith.constant 0 : i32
    %c0_i32_0 = arith.constant 0 : i32
    return %arg0, %c0_i32 : i32, i32
  }
  func.func @transform_2(%arg0: i32) -> i32 {
    %c0_i32 = arith.constant 0 : i32
    %c0_i32_0 = arith.constant 0 : i32
    return %c0_i32 : i32
  }
  func.func @transform_3(%arg0: i32) -> (i32, i32) {
    %c0_i32 = arith.constant 0 : i32
    %c0_i32_0 = arith.constant 0 : i32
    %c0_i32_1 = arith.constant 0 : i32
    return %c0_i32, %c0_i32_0 : i32, i32
  }
  func.func @transform_4(%arg0: i32) -> i32 {
    %c0_i32 = arith.constant 0 : i32
    %c0_i32_0 = arith.constant 0 : i32
    return %c0_i32 : i32
  }
  func.func @transform_5(%arg0: i32) -> (i32, i32) {
    %c0_i32 = arith.constant 0 : i32
    %c0_i32_0 = arith.constant 0 : i32
    %c0_i32_1 = arith.constant 0 : i32
    return %c0_i32, %c0_i32_0 : i32, i32
  }
}

module attributes {stable_mosaic.version = 14 : i64} {
  func.func @_mid_body(%arg0: i32, %arg1: memref<2x2048x32xf32, #tpu.memory_space<vmem>>, %arg2: memref<2x2048x32xf32, #tpu.memory_space<vmem>>, %arg3: memref<2x2048x32xf32, #tpu.memory_space<vmem>>, %arg4: memref<2x2048x32xf32, #tpu.memory_space<vmem>>, %arg5: memref<2048xf32, #tpu.memory_space<vmem>>, %arg6: memref<128xf32, #tpu.memory_space<vmem>>, %arg7: memref<128x64xf32, #tpu.memory_space<vmem>>, %arg8: memref<2x2048x32xf32, #tpu.memory_space<vmem>>) attributes {dimension_semantics = [#tpu.dimension_semantics<arbitrary>], iteration_bounds = array<i64: 5>, scalar_prefetch = 0 : i64, scratch_operands = 0 : i64, tpu.core_type = #tpu.core_type<tc>, window_params = [{transform_indices = @transform_0, window_bounds = array<i64: 2, 2048, 32>}, {transform_indices = @transform_1, window_bounds = array<i64: 2, 2048, 32>}, {transform_indices = @transform_2, window_bounds = array<i64: 2, 2048, 32>}, {transform_indices = @transform_3, window_bounds = array<i64: 2, 2048, 32>}, {transform_indices = @transform_4, window_bounds = array<i64: 2048>}, {pipeline_mode = #tpu.pipeline_mode<synchronous>, transform_indices = @transform_5, window_bounds = array<i64: 128>}, {pipeline_mode = #tpu.pipeline_mode<synchronous>, transform_indices = @transform_6, window_bounds = array<i64: 128, 64>}, {transform_indices = @transform_7, window_bounds = array<i64: 2, 2048, 32>}]} {
    %get3A = arith.constant 0 : index
    %get3A_0 = vector.load %arg5[%get3A] : memref<2048xf32, #tpu.memory_space<vmem>>, vector<2048xf32>
    %get3A_1 = arith.constant 0 : index
    %get3A_2 = arith.constant 0 : index
    %get3A_3 = arith.constant 0 : index
    %get3A_4 = vector.load %arg1[%get3A_1, %get3A_2, %get3A_3] : memref<2x2048x32xf32, #tpu.memory_space<vmem>>, vector<1x2048x32xf32>
    %get3A_5 = vector.shape_cast %get3A_4 : vector<1x2048x32xf32> to vector<2048x32xf32>
    %get3A_6 = arith.constant 1 : index
    %get3A_7 = arith.constant 0 : index
    %get3A_8 = arith.constant 0 : index
    %get3A_9 = vector.load %arg1[%get3A_6, %get3A_7, %get3A_8] : memref<2x2048x32xf32, #tpu.memory_space<vmem>>, vector<1x2048x32xf32>
    %get3A_10 = vector.shape_cast %get3A_9 : vector<1x2048x32xf32> to vector<2048x32xf32>
    %get3A_11 = arith.constant 0 : index
    %get3A_12 = arith.constant 0 : index
    %get3A_13 = arith.constant 0 : index
    %get3A_14 = vector.load %arg2[%get3A_11, %get3A_12, %get3A_13] : memref<2x2048x32xf32, #tpu.memory_space<vmem>>, vector<1x2048x32xf32>
    %get3A_15 = vector.shape_cast %get3A_14 : vector<1x2048x32xf32> to vector<2048x32xf32>
    %get3A_16 = arith.constant 1 : index
    %get3A_17 = arith.constant 0 : index
    %get3A_18 = arith.constant 0 : index
    %get3A_19 = vector.load %arg2[%get3A_16, %get3A_17, %get3A_18] : memref<2x2048x32xf32, #tpu.memory_space<vmem>>, vector<1x2048x32xf32>
    %get3A_20 = vector.shape_cast %get3A_19 : vector<1x2048x32xf32> to vector<2048x32xf32>
    %concatenate3A = tpu.concatenate %get3A_5, %get3A_10, %get3A_15, %get3A_20 in 1 : vector<2048x32xf32>, vector<2048x32xf32>, vector<2048x32xf32>, vector<2048x32xf32> -> vector<2048x128xf32>
    %get3A_21 = arith.constant 0 : index
    %get3A_22 = arith.constant 0 : index
    %get3A_23 = arith.constant 0 : index
    %get3A_24 = vector.load %arg3[%get3A_21, %get3A_22, %get3A_23] : memref<2x2048x32xf32, #tpu.memory_space<vmem>>, vector<1x2048x32xf32>
    %get3A_25 = vector.shape_cast %get3A_24 : vector<1x2048x32xf32> to vector<2048x32xf32>
    %get3A_26 = arith.constant 1 : index
    %get3A_27 = arith.constant 0 : index
    %get3A_28 = arith.constant 0 : index
    %get3A_29 = vector.load %arg3[%get3A_26, %get3A_27, %get3A_28] : memref<2x2048x32xf32, #tpu.memory_space<vmem>>, vector<1x2048x32xf32>
    %get3A_30 = vector.shape_cast %get3A_29 : vector<1x2048x32xf32> to vector<2048x32xf32>
    %get3A_31 = arith.constant 0 : index
    %get3A_32 = arith.constant 0 : index
    %get3A_33 = arith.constant 0 : index
    %get3A_34 = vector.load %arg4[%get3A_31, %get3A_32, %get3A_33] : memref<2x2048x32xf32, #tpu.memory_space<vmem>>, vector<1x2048x32xf32>
    %get3A_35 = vector.shape_cast %get3A_34 : vector<1x2048x32xf32> to vector<2048x32xf32>
    %get3A_36 = arith.constant 1 : index
    %get3A_37 = arith.constant 0 : index
    %get3A_38 = arith.constant 0 : index
    %get3A_39 = vector.load %arg4[%get3A_36, %get3A_37, %get3A_38] : memref<2x2048x32xf32, #tpu.memory_space<vmem>>, vector<1x2048x32xf32>
    %get3A_40 = vector.shape_cast %get3A_39 : vector<1x2048x32xf32> to vector<2048x32xf32>
    %concatenate3A_41 = tpu.concatenate %get3A_25, %get3A_30, %get3A_35, %get3A_40 in 1 : vector<2048x32xf32>, vector<2048x32xf32>, vector<2048x32xf32>, vector<2048x32xf32> -> vector<2048x128xf32>
    %add3A = arith.addf %concatenate3A, %concatenate3A_41 : vector<2048x128xf32>
    %broadcast_in_dim3A = vector.shape_cast %get3A_0 : vector<2048xf32> to vector<2048x1xf32>
    %mul3A = vector.broadcast %broadcast_in_dim3A : vector<2048x1xf32> to vector<2048x128xf32>
    %mul3A_42 = arith.mulf %add3A, %mul3A : vector<2048x128xf32>
    %get3A_43 = arith.constant 0 : index
    %get3A_44 = vector.load %arg6[%get3A_43] : memref<128xf32, #tpu.memory_space<vmem>>, vector<128xf32>
    %broadcast_in_dim3A_45 = vector.shape_cast %get3A_44 : vector<128xf32> to vector<1x128xf32>
    %add3A_46 = vector.broadcast %broadcast_in_dim3A_45 : vector<1x128xf32> to vector<2048x128xf32>
    %add3A_47 = arith.addf %mul3A_42, %add3A_46 : vector<2048x128xf32>
    %max3A = arith.constant 0.000000e+00 : f32
    %max3A_48 = vector.broadcast %max3A : f32 to vector<2048x128xf32>
    %max3A_49 = arith.maximumf %add3A_47, %max3A_48 : vector<2048x128xf32>
    %get3A_50 = arith.constant 0 : index
    %get3A_51 = arith.constant 0 : index
    %get3A_52 = vector.load %arg7[%get3A_50, %get3A_51] : memref<128x64xf32, #tpu.memory_space<vmem>>, vector<128x64xf32>
    %dot_general3A = arith.constant dense<0.000000e+00> : vector<2048x64xf32>
    %dot_general3A_53 = tpu.matmul %max3A_49, %get3A_52, %dot_general3A {dimension_numbers = #tpu.dot_dimension_numbers<[1], [0], [0], [1], [0, 0, 1, 1], [], []>, precision = #tpu.contract_precision<fp32>, transpose_lhs_hint = false} : vector<2048x128xf32>, vector<128x64xf32>, vector<2048x64xf32> -> vector<2048x64xf32>
    %broadcast_in_dim3A_54 = vector.shape_cast %get3A_0 : vector<2048xf32> to vector<2048x1xf32>
    %mul3A_55 = vector.broadcast %broadcast_in_dim3A_54 : vector<2048x1xf32> to vector<2048x64xf32>
    %mul3A_56 = arith.mulf %dot_general3A_53, %mul3A_55 : vector<2048x64xf32>
    %slice3A = vector.extract_strided_slice %mul3A_56 {offsets = [0, 0], sizes = [2048, 32], strides = [1, 1]} : vector<2048x64xf32> to vector<2048x32xf32>
    %swap3A = arith.constant 0 : index
    %swap3A_57 = arith.constant 0 : index
    %swap3A_58 = arith.constant 0 : index
    %swap3A_59 = vector.load %arg8[%swap3A, %swap3A_57, %swap3A_58] : memref<2x2048x32xf32, #tpu.memory_space<vmem>>, vector<1x2048x32xf32>
    %swap3A_60 = vector.shape_cast %swap3A_59 : vector<1x2048x32xf32> to vector<2048x32xf32>
    %swap3A_61 = vector.shape_cast %slice3A : vector<2048x32xf32> to vector<1x2048x32xf32>
    tpu.vector_store %arg8[%swap3A, %swap3A_57, %swap3A_58], %swap3A_61 {strides = array<i32>} : memref<2x2048x32xf32, #tpu.memory_space<vmem>>, vector<1x2048x32xf32>,
    %slice3A_62 = vector.extract_strided_slice %mul3A_56 {offsets = [0, 32], sizes = [2048, 32], strides = [1, 1]} : vector<2048x64xf32> to vector<2048x32xf32>
    %swap3A_63 = arith.constant 1 : index
    %swap3A_64 = arith.constant 0 : index
    %swap3A_65 = arith.constant 0 : index
    %swap3A_66 = vector.load %arg8[%swap3A_63, %swap3A_64, %swap3A_65] : memref<2x2048x32xf32, #tpu.memory_space<vmem>>, vector<1x2048x32xf32>
    %swap3A_67 = vector.shape_cast %swap3A_66 : vector<1x2048x32xf32> to vector<2048x32xf32>
    %swap3A_68 = vector.shape_cast %slice3A_62 : vector<2048x32xf32> to vector<1x2048x32xf32>
    tpu.vector_store %arg8[%swap3A_63, %swap3A_64, %swap3A_65], %swap3A_68 {strides = array<i32>} : memref<2x2048x32xf32, #tpu.memory_space<vmem>>, vector<1x2048x32xf32>,
    return
  }
  func.func @transform_0(%arg0: i32) -> (i32, i32, i32) {
    %c0_i32 = arith.constant 0 : i32
    %c0_i32_0 = arith.constant 0 : i32
    %c0_i32_1 = arith.constant 0 : i32
    return %c0_i32, %arg0, %c0_i32_0 : i32, i32, i32
  }
  func.func @transform_1(%arg0: i32) -> (i32, i32, i32) {
    %c0_i32 = arith.constant 0 : i32
    %c0_i32_0 = arith.constant 0 : i32
    %c0_i32_1 = arith.constant 0 : i32
    return %c0_i32, %arg0, %c0_i32_0 : i32, i32, i32
  }
  func.func @transform_2(%arg0: i32) -> (i32, i32, i32) {
    %c0_i32 = arith.constant 0 : i32
    %c0_i32_0 = arith.constant 0 : i32
    %c0_i32_1 = arith.constant 0 : i32
    return %c0_i32, %arg0, %c0_i32_0 : i32, i32, i32
  }
  func.func @transform_3(%arg0: i32) -> (i32, i32, i32) {
    %c0_i32 = arith.constant 0 : i32
    %c0_i32_0 = arith.constant 0 : i32
    %c0_i32_1 = arith.constant 0 : i32
    return %c0_i32, %arg0, %c0_i32_0 : i32, i32, i32
  }
  func.func @transform_4(%arg0: i32) -> i32 {
    %c0_i32 = arith.constant 0 : i32
    return %arg0 : i32
  }
  func.func @transform_5(%arg0: i32) -> i32 {
    %c0_i32 = arith.constant 0 : i32
    %c0_i32_0 = arith.constant 0 : i32
    return %c0_i32 : i32
  }
  func.func @transform_6(%arg0: i32) -> (i32, i32) {
    %c0_i32 = arith.constant 0 : i32
    %c0_i32_0 = arith.constant 0 : i32
    %c0_i32_1 = arith.constant 0 : i32
    return %c0_i32, %c0_i32_0 : i32, i32
  }
  func.func @transform_7(%arg0: i32) -> (i32, i32, i32) {
    %c0_i32 = arith.constant 0 : i32
    %c0_i32_0 = arith.constant 0 : i32
    %c0_i32_1 = arith.constant 0 : i32
    return %c0_i32, %arg0, %c0_i32_0 : i32, i32, i32
  }
}

module attributes {stable_mosaic.version = 14 : i64} {
  func.func @_final_body(%arg0: i32, %arg1: memref<2x2048x32xf32, #tpu.memory_space<vmem>>, %arg2: memref<2x2048x32xf32, #tpu.memory_space<vmem>>, %arg3: memref<2048xf32, #tpu.memory_space<vmem>>, %arg4: memref<64xf32, #tpu.memory_space<vmem>>, %arg5: memref<2048xi32, #tpu.memory_space<vmem>>, %arg6: memref<64x64xf32, #tpu.memory_space<vmem>>, %arg7: memref<64x64xf32, #tpu.memory_space<vmem>>, %arg8: memref<64xf32, #tpu.memory_space<vmem>>, %arg9: memref<128x16xf32, #tpu.memory_space<vmem>>, %arg10: memref<16xf32, #tpu.memory_space<vmem>>, %arg11: memref<64x16xf32, #tpu.memory_space<vmem>>, %arg12: memref<64x64xf32, #tpu.memory_space<vmem>>) attributes {dimension_semantics = [#tpu.dimension_semantics<arbitrary>], iteration_bounds = array<i64: 5>, scalar_prefetch = 0 : i64, scratch_operands = 1 : i64, tpu.core_type = #tpu.core_type<tc>, window_params = [{transform_indices = @transform_0, window_bounds = array<i64: 2, 2048, 32>}, {transform_indices = @transform_1, window_bounds = array<i64: 2, 2048, 32>}, {transform_indices = @transform_2, window_bounds = array<i64: 2048>}, {pipeline_mode = #tpu.pipeline_mode<synchronous>, transform_indices = @transform_3, window_bounds = array<i64: 64>}, {transform_indices = @transform_4, window_bounds = array<i64: 2048>}, {pipeline_mode = #tpu.pipeline_mode<synchronous>, transform_indices = @transform_5, window_bounds = array<i64: 64, 64>}, {pipeline_mode = #tpu.pipeline_mode<synchronous>, transform_indices = @transform_6, window_bounds = array<i64: 64, 64>}, {pipeline_mode = #tpu.pipeline_mode<synchronous>, transform_indices = @transform_7, window_bounds = array<i64: 64>}, {pipeline_mode = #tpu.pipeline_mode<synchronous>, transform_indices = @transform_8, window_bounds = array<i64: 128, 16>}, {pipeline_mode = #tpu.pipeline_mode<synchronous>, transform_indices = @transform_9, window_bounds = array<i64: 16>}, {pipeline_mode = #tpu.pipeline_mode<synchronous>, transform_indices = @transform_10, window_bounds = array<i64: 64, 16>}]} {
    %eq3A = arith.constant 0 : i32
    %eq3A_0 = arith.cmpi eq, %arg0, %eq3A : i32
    %convert_element_type3A = arith.extui %eq3A_0 : i1 to i32
    %cond3A = arith.constant 0 : i32
    %cond3A_1 = arith.cmpi ne, %convert_element_type3A, %cond3A : i32
    scf.if %cond3A_1 {
      %broadcast_in_dim3A_51 = arith.constant 0.000000e+00 : f32
      %broadcast_in_dim3A_52 = vector.broadcast %broadcast_in_dim3A_51 : f32 to vector<64x64xf32>
      %swap3A_53 = arith.constant 0 : index
      %swap3A_54 = arith.constant 0 : index
      %swap3A_55 = vector.load %arg12[%swap3A_53, %swap3A_54] : memref<64x64xf32, #tpu.memory_space<vmem>>, vector<64x64xf32>
      tpu.vector_store %arg12[%swap3A_53, %swap3A_54], %broadcast_in_dim3A_52 {strides = array<i32>} : memref<64x64xf32, #tpu.memory_space<vmem>>, vector<64x64xf32>,
    } else {
    }
    %get3A = arith.constant 0 : index
    %get3A_2 = vector.load %arg3[%get3A] : memref<2048xf32, #tpu.memory_space<vmem>>, vector<2048xf32>
    %get3A_3 = arith.constant 0 : index
    %get3A_4 = arith.constant 0 : index
    %get3A_5 = arith.constant 0 : index
    %get3A_6 = vector.load %arg1[%get3A_3, %get3A_4, %get3A_5] : memref<2x2048x32xf32, #tpu.memory_space<vmem>>, vector<1x2048x32xf32>
    %get3A_7 = vector.shape_cast %get3A_6 : vector<1x2048x32xf32> to vector<2048x32xf32>
    %get3A_8 = arith.constant 1 : index
    %get3A_9 = arith.constant 0 : index
    %get3A_10 = arith.constant 0 : index
    %get3A_11 = vector.load %arg1[%get3A_8, %get3A_9, %get3A_10] : memref<2x2048x32xf32, #tpu.memory_space<vmem>>, vector<1x2048x32xf32>
    %get3A_12 = vector.shape_cast %get3A_11 : vector<1x2048x32xf32> to vector<2048x32xf32>
    %concatenate3A = tpu.concatenate %get3A_7, %get3A_12 in 1 : vector<2048x32xf32>, vector<2048x32xf32> -> vector<2048x64xf32>
    %get3A_13 = arith.constant 0 : index
    %get3A_14 = arith.constant 0 : index
    %get3A_15 = arith.constant 0 : index
    %get3A_16 = vector.load %arg2[%get3A_13, %get3A_14, %get3A_15] : memref<2x2048x32xf32, #tpu.memory_space<vmem>>, vector<1x2048x32xf32>
    %get3A_17 = vector.shape_cast %get3A_16 : vector<1x2048x32xf32> to vector<2048x32xf32>
    %get3A_18 = arith.constant 1 : index
    %get3A_19 = arith.constant 0 : index
    %get3A_20 = arith.constant 0 : index
    %get3A_21 = vector.load %arg2[%get3A_18, %get3A_19, %get3A_20] : memref<2x2048x32xf32, #tpu.memory_space<vmem>>, vector<1x2048x32xf32>
    %get3A_22 = vector.shape_cast %get3A_21 : vector<1x2048x32xf32> to vector<2048x32xf32>
    %concatenate3A_23 = tpu.concatenate %get3A_17, %get3A_22 in 1 : vector<2048x32xf32>, vector<2048x32xf32> -> vector<2048x64xf32>
    %add3A = arith.addf %concatenate3A, %concatenate3A_23 : vector<2048x64xf32>
    %broadcast_in_dim3A = vector.shape_cast %get3A_2 : vector<2048xf32> to vector<2048x1xf32>
    %mul3A = vector.broadcast %broadcast_in_dim3A : vector<2048x1xf32> to vector<2048x64xf32>
    %mul3A_24 = arith.mulf %add3A, %mul3A : vector<2048x64xf32>
    %get3A_25 = arith.constant 0 : index
    %get3A_26 = vector.load %arg4[%get3A_25] : memref<64xf32, #tpu.memory_space<vmem>>, vector<64xf32>
    %broadcast_in_dim3A_27 = vector.shape_cast %get3A_26 : vector<64xf32> to vector<1x64xf32>
    %add3A_28 = vector.broadcast %broadcast_in_dim3A_27 : vector<1x64xf32> to vector<2048x64xf32>
    %add3A_29 = arith.addf %mul3A_24, %add3A_28 : vector<2048x64xf32>
    %max3A = arith.constant 0.000000e+00 : f32
    %max3A_30 = vector.broadcast %max3A : f32 to vector<2048x64xf32>
    %max3A_31 = arith.maximumf %add3A_29, %max3A_30 : vector<2048x64xf32>
    %iota3A = tpu.iota {dimensions = array<i32: 0>} : vector<64x2048xi32>
    %get3A_32 = arith.constant 0 : index
    %get3A_33 = vector.load %arg5[%get3A_32] : memref<2048xi32, #tpu.memory_space<vmem>>, vector<2048xi32>
    %broadcast_in_dim3A_34 = vector.shape_cast %get3A_33 : vector<2048xi32> to vector<1x2048xi32>
    %eq3A_35 = vector.broadcast %broadcast_in_dim3A_34 : vector<1x2048xi32> to vector<64x2048xi32>
    %eq3A_36 = arith.cmpi eq, %eq3A_35, %iota3A : vector<64x2048xi32>
    %convert_element_type3A_37 = arith.extui %eq3A_36 : vector<64x2048xi1> to vector<64x2048xi32>
    %convert_element_type3A_38 = arith.sitofp %convert_element_type3A_37 : vector<64x2048xi32> to vector<64x2048xf32>
    %get3A_39 = arith.constant 0 : index
    %get3A_40 = arith.constant 0 : index
    %get3A_41 = vector.load %arg12[%get3A_39, %get3A_40] : memref<64x64xf32, #tpu.memory_space<vmem>>, vector<64x64xf32>
    %dot_general3A = arith.constant dense<0.000000e+00> : vector<64x64xf32>
    %dot_general3A_42 = tpu.matmul %convert_element_type3A_38, %max3A_31, %dot_general3A {dimension_numbers = #tpu.dot_dimension_numbers<[1], [0], [0], [1], [0, 0, 1, 1], [], []>, precision = #tpu.contract_precision<fp32>, transpose_lhs_hint = false} : vector<64x2048xf32>, vector<2048x64xf32>, vector<64x64xf32> -> vector<64x64xf32>
    %add3A_43 = arith.addf %get3A_41, %dot_general3A_42 : vector<64x64xf32>
    %swap3A = arith.constant 0 : index
    %swap3A_44 = arith.constant 0 : index
    %swap3A_45 = vector.load %arg12[%swap3A, %swap3A_44] : memref<64x64xf32, #tpu.memory_space<vmem>>, vector<64x64xf32>
    tpu.vector_store %arg12[%swap3A, %swap3A_44], %add3A_43 {strides = array<i32>} : memref<64x64xf32, #tpu.memory_space<vmem>>, vector<64x64xf32>,
    %eq3A_46 = arith.constant 4 : i32
    %eq3A_47 = arith.cmpi eq, %arg0, %eq3A_46 : i32
    %convert_element_type3A_48 = arith.extui %eq3A_47 : i1 to i32
    %cond3A_49 = arith.constant 0 : i32
    %cond3A_50 = arith.cmpi ne, %convert_element_type3A_48, %cond3A_49 : i32
    scf.if %cond3A_50 {
      %get3A_51 = arith.constant 0 : index
      %get3A_52 = arith.constant 0 : index
      %get3A_53 = vector.load %arg12[%get3A_51, %get3A_52] : memref<64x64xf32, #tpu.memory_space<vmem>>, vector<64x64xf32>
      %get3A_54 = arith.constant 0 : index
      %get3A_55 = arith.constant 0 : index
      %get3A_56 = vector.load %arg7[%get3A_54, %get3A_55] : memref<64x64xf32, #tpu.memory_space<vmem>>, vector<64x64xf32>
      %dot_general3A_57 = arith.constant dense<0.000000e+00> : vector<64x64xf32>
      %dot_general3A_58 = tpu.matmul %get3A_53, %get3A_56, %dot_general3A_57 {dimension_numbers = #tpu.dot_dimension_numbers<[1], [0], [0], [1], [0, 0, 1, 1], [], []>, precision = #tpu.contract_precision<fp32>, transpose_lhs_hint = false} : vector<64x64xf32>, vector<64x64xf32>, vector<64x64xf32> -> vector<64x64xf32>
      %get3A_59 = arith.constant 0 : index
      %get3A_60 = vector.load %arg8[%get3A_59] : memref<64xf32, #tpu.memory_space<vmem>>, vector<64xf32>
      %broadcast_in_dim3A_61 = vector.shape_cast %get3A_60 : vector<64xf32> to vector<1x64xf32>
      %add3A_62 = vector.broadcast %broadcast_in_dim3A_61 : vector<1x64xf32> to vector<64x64xf32>
      %add3A_63 = arith.addf %dot_general3A_58, %add3A_62 : vector<64x64xf32>
      %get3A_64 = arith.constant 0 : index
      %get3A_65 = arith.constant 0 : index
      %get3A_66 = vector.load %arg6[%get3A_64, %get3A_65] : memref<64x64xf32, #tpu.memory_space<vmem>>, vector<64x64xf32>
      %concatenate3A_67 = tpu.concatenate %get3A_66, %add3A_63 in 1 : vector<64x64xf32>, vector<64x64xf32> -> vector<64x128xf32>
      %get3A_68 = arith.constant 0 : index
      %get3A_69 = arith.constant 0 : index
      %get3A_70 = vector.load %arg9[%get3A_68, %get3A_69] : memref<128x16xf32, #tpu.memory_space<vmem>>, vector<128x16xf32>
      %dot_general3A_71 = arith.constant dense<0.000000e+00> : vector<64x16xf32>
      %dot_general3A_72 = tpu.matmul %concatenate3A_67, %get3A_70, %dot_general3A_71 {dimension_numbers = #tpu.dot_dimension_numbers<[1], [0], [0], [1], [0, 0, 1, 1], [], []>, precision = #tpu.contract_precision<fp32>, transpose_lhs_hint = false} : vector<64x128xf32>, vector<128x16xf32>, vector<64x16xf32> -> vector<64x16xf32>
      %get3A_73 = arith.constant 0 : index
      %get3A_74 = vector.load %arg10[%get3A_73] : memref<16xf32, #tpu.memory_space<vmem>>, vector<16xf32>
      %broadcast_in_dim3A_75 = vector.shape_cast %get3A_74 : vector<16xf32> to vector<1x16xf32>
      %add3A_76 = vector.broadcast %broadcast_in_dim3A_75 : vector<1x16xf32> to vector<64x16xf32>
      %add3A_77 = arith.addf %dot_general3A_72, %add3A_76 : vector<64x16xf32>
      %reduce_max3A = arith.constant dense<0xFF800000> : vector<64xf32>
      %reduce_max3A_78 = vector.multi_reduction <maximumf>, %add3A_77, %reduce_max3A [1] : vector<64x16xf32> to vector<64xf32>
      %broadcast_in_dim3A_79 = vector.shape_cast %reduce_max3A_78 : vector<64xf32> to vector<64x1xf32>
      %sub3A = vector.broadcast %broadcast_in_dim3A_79 : vector<64x1xf32> to vector<64x16xf32>
      %sub3A_80 = arith.subf %add3A_77, %sub3A : vector<64x16xf32>
      %exp3A = math.exp %sub3A_80 : vector<64x16xf32>
      %reduce_sum3A = arith.constant dense<0.000000e+00> : vector<64xf32>
      %reduce_sum3A_81 = vector.multi_reduction <add>, %exp3A, %reduce_sum3A [1] : vector<64x16xf32> to vector<64xf32>
      %broadcast_in_dim3A_82 = vector.shape_cast %reduce_sum3A_81 : vector<64xf32> to vector<64x1xf32>
      %log3A = math.log %broadcast_in_dim3A_82 : vector<64x1xf32>
      %add3A_83 = arith.addf %broadcast_in_dim3A_79, %log3A : vector<64x1xf32>
      %sub3A_84 = vector.broadcast %add3A_83 : vector<64x1xf32> to vector<64x16xf32>
      %sub3A_85 = arith.subf %add3A_77, %sub3A_84 : vector<64x16xf32>
      %swap3A_86 = arith.constant 0 : index
      %swap3A_87 = arith.constant 0 : index
      %swap3A_88 = vector.load %arg11[%swap3A_86, %swap3A_87] : memref<64x16xf32, #tpu.memory_space<vmem>>, vector<64x16xf32>
      tpu.vector_store %arg11[%swap3A_86, %swap3A_87], %sub3A_85 {strides = array<i32>} : memref<64x16xf32, #tpu.memory_space<vmem>>, vector<64x16xf32>,
    } else {
    }
    return
  }
  func.func @transform_0(%arg0: i32) -> (i32, i32, i32) {
    %c0_i32 = arith.constant 0 : i32
    %c0_i32_0 = arith.constant 0 : i32
    %c0_i32_1 = arith.constant 0 : i32
    return %c0_i32, %arg0, %c0_i32_0 : i32, i32, i32
  }
  func.func @transform_1(%arg0: i32) -> (i32, i32, i32) {
    %c0_i32 = arith.constant 0 : i32
    %c0_i32_0 = arith.constant 0 : i32
    %c0_i32_1 = arith.constant 0 : i32
    return %c0_i32, %arg0, %c0_i32_0 : i32, i32, i32
  }
  func.func @transform_2(%arg0: i32) -> i32 {
    %c0_i32 = arith.constant 0 : i32
    return %arg0 : i32
  }
  func.func @transform_3(%arg0: i32) -> i32 {
    %c0_i32 = arith.constant 0 : i32
    %c0_i32_0 = arith.constant 0 : i32
    return %c0_i32 : i32
  }
  func.func @transform_4(%arg0: i32) -> i32 {
    %c0_i32 = arith.constant 0 : i32
    return %arg0 : i32
  }
  func.func @transform_5(%arg0: i32) -> (i32, i32) {
    %c0_i32 = arith.constant 0 : i32
    %c0_i32_0 = arith.constant 0 : i32
    %c0_i32_1 = arith.constant 0 : i32
    return %c0_i32, %c0_i32_0 : i32, i32
  }
  func.func @transform_6(%arg0: i32) -> (i32, i32) {
    %c0_i32 = arith.constant 0 : i32
    %c0_i32_0 = arith.constant 0 : i32
    %c0_i32_1 = arith.constant 0 : i32
    return %c0_i32, %c0_i32_0 : i32, i32
  }
  func.func @transform_7(%arg0: i32) -> i32 {
    %c0_i32 = arith.constant 0 : i32
    %c0_i32_0 = arith.constant 0 : i32
    return %c0_i32 : i32
  }
  func.func @transform_8(%arg0: i32) -> (i32, i32) {
    %c0_i32 = arith.constant 0 : i32
    %c0_i32_0 = arith.constant 0 : i32
    %c0_i32_1 = arith.constant 0 : i32
    return %c0_i32, %c0_i32_0 : i32, i32
  }
  func.func @transform_9(%arg0: i32) -> i32 {
    %c0_i32 = arith.constant 0 : i32
    %c0_i32_0 = arith.constant 0 : i32
    return %c0_i32 : i32
  }
  func.func @transform_10(%arg0: i32) -> (i32, i32) {
    %c0_i32 = arith.constant 0 : i32
    %c0_i32_0 = arith.constant 0 : i32
    %c0_i32_1 = arith.constant 0 : i32
    return %c0_i32, %c0_i32_0 : i32, i32
  }
}

</mosaic_0001>

<sc_bundles>
// kernel: kernel.11.cloned.1.call-start
scs
__scs_entry_jumppad:
0x0: {  	(pc) =	sbr.rel $0x88, $3  }
0x1: {  	(tag) =	ssettag $0x0;
	lr =	simm.s32 $0x1  }
0x2: {  	[smem:$0x3F91] =	sst lr;
	_ =	strace $0xD0000000  }
0x3: {  	_ = 	snop  }
0x4: {  	_ = 	snop  }
0x5: {  	_ = 	snop  }
0x6: {  	_ = 	snop  }
0x7: {  	_ = 	snop  }
__scs_overlays_trampoline_lowered:
0x8: {  	[smem:$0x3FA0] =	sst s0  }
0x9: {  	[smem:$0x3FA1] =	sst s1  }
0xa: {  	[smem:$0x3FA2] =	sst s2  }
0xb: {  	[smem:$0x3FA3] =	sst s3  }
0xc: {  	[smem:$0x3FA4] =	sst s4  }
0xd: {  	[smem:$0x3FA5] =	sst s5  }
0xe: {  	[smem:$0x3FA6] =	sst s6  }
0xf: {  	[smem:$0x3FA7] =	sst s7  }
0x10: {  	[smem:$0x3FA8] =	sst s8  }
0x11: {  	[smem:$0x3FA9] =	sst s9;
	s0 =	simm.s32 @!p0 $0x0  }
0x12: {  	s1 =	sld [smem:$0x3F8F];
	s0 =	simm.s32 @p0 $0x1  }
0x13: {  	[smem:$0x3FAA] =	sst s0;
	s0 =	simm.s32 @!p1 $0x0  }
0x14: {  	s2 =	sld [smem:$0x3F8E];
	s0 =	simm.s32 @p1 $0x1  }
0x15: {  	[smem:$0x3FAB] =	sst s0;
	s0 =	simm.s32 @!p2 $0x0  }
0x16: {  	s3 =	sld [smem:$0x3FDB];
	s0 =	simm.s32 @p2 $0x1  }
0x17: {  	s4 =	simm.s32 $0x1BF5;
	[smem:$0x3FAD] =	sst s0  }
0x18: {  	s0 =	sld [smem:$0x3F90];
	_ =	swait.ge [sflag:s4], $0x0  }
0x19: {  	s7 =	sld [smem:$0x3F91]  }
0x1a: {  	s8 =	sadd.s32 $0xFFFFE003, lr  }
0x1b: {  	s9 =	sadd.s32 $0xFFFFFEF7, lr;
	s5 =	simm.s32 $0xFFFFFFFF;
	p2 =	slt.u32 s8, $0xFFFFF086  }
0x1c: {  	p1 =	slt.u32 s9, $0xF7A;
	s5 =	simm.s32 @!p2 $0x0  }
0x1d: {  	s5 =	simm.s32 @p1 $0x1;
	p0 =	seq.s32 s7, s2  }
0x1e: {  	s7 =	smul.u32 @!p0 $0xF7A, s2;
	p2 =	seq.s32 @!p0 s5, $0x0  }
0x1f: {  	s9 =	smul.u32 $0xF7A, s1;
	s8 =	simm.s32 @!p0 $0x1BF5;
	p2 =	por !p2, p0  }
0x20: {  	[sflag:s8] =	ssyncset.s32 @!p0 $0xFFFFF086;
	s6 =	sadd.s32 @!p0 s3, s7;
	s7 =	simm.s32 @!p0 $0x108  }
0x21: {  	s3 =	sadd.s32 s3, s9;
	s6 =	sadd.s32 @!p0 $0x88, s6;
	s7 =	simm.s32 @p2 $0x1082  }
0x22: {  	[simem:s7], [sflag:s8] =	dma.local @!p0 [hbm:s6], $0xF7A  }
0x23: {  	s9 =	sor.u32 $0xD0000000, s2;
	s6 =	simm.s32 $0x108;
	_ =	swait.ge @!p0 [sflag:s8], $0x0  }
0x24: {  	s3 =	sadd.s32 $0x88, s3;
	s6 =	simm.s32 @!p1 $0x1082;
	[sflag:s4] =	ssyncset.s32 $0xFFFFF086  }
0x25: {  	[simem:s6], [sflag:s4] =	dma.local [hbm:s3], $0xF7A  }
0x26: {  	[smem:$0x3F91] =	sst s1;
	(tag) =	ssettag s2;
	_ =	strace s9  }
0x27: {  	s1 =	sld [smem:$0x3FA1]  }
0x28: {  	s2 =	sld [smem:$0x3FA2]  }
0x29: {  	s4 =	sld [smem:$0x3FA4]  }
0x2a: {  	p0 =	seq.s32 s5, $0x0;
	s5 =	sld [smem:$0x3FA5]  }
0x2b: {  	s6 =	sld [smem:$0x3FA6]  }
0x2c: {  	s7 =	sld [smem:$0x3FA7]  }
0x2d: {  	s3 =	simm.s32 $0x108;
	s8 =	sld [smem:$0x3FA8]  }
0x2e: {  	s3 =	simm.s32 @!p0 $0x1082;
	s9 =	sld [smem:$0x3FA9]  }
0x2f: {  	lr =	sadd.s32 s0, s3;
	s0 =	sld [smem:$0x3FA0]  }
0x30: {  	s3 =	sld [smem:$0x3FA3]  }
0x31: {  	[smem:$0x3FAC] =	sst s10  }
0x32: {  	s10 =	sld [smem:$0x3FAA];
	_ =	sdelay $0x3  }
0x33: {  	p0 =	seq.s32 s10, $0x1;
	s10 =	sld [smem:$0x3FAC];
	_ =	sdelay $0x3  }
0x34: {  	[smem:$0x3FAC] =	sst s10  }
0x35: {  	s10 =	sld [smem:$0x3FAB];
	_ =	sdelay $0x3  }
0x36: {  	p1 =	seq.s32 s10, $0x1;
	s10 =	sld [smem:$0x3FAC];
	_ =	sdelay $0x3  }
0x37: {  	[smem:$0x3FAC] =	sst s10  }
0x38: {  	s10 =	sld [smem:$0x3FAD]  }
0x39: {  	_ = 	snop;
	(pc) =	sbr.ind lr, $3  }
0x3a: {  	_ = 	snop  }
0x3b: {  	_ = 	snop  }
0x3c: {  	p2 =	seq.s32 s10, $0x1;
	s10 =	sld [smem:$0x3FAC]  }
0x3d: {  	_ =	shalt  }
0x3e: {  	_ =	shalt  }
0x3f: {  	_ =	shalt  }
0x40: {  	_ =	shalt  }
0x41: {  	_ =	shalt  }
0x42: {  	_ =	shalt  }
0x43: {  	_ =	shalt  }
0x44: {  	_ =	shalt  }
0x45: {  	_ =	shalt  }
0x46: {  	_ =	shalt  }
0x47: {  	_ =	shalt  }
0x48: {  	_ =	shalt  }
0x49: {  	_ =	shalt  }
0x4a: {  	_ =	shalt  }
0x4b: {  	_ =	shalt  }
0x4c: {  	_ =	shalt  }
0x4d: {  	_ =	shalt  }
0x4e: {  	_ =	shalt  }
0x4f: {  	_ =	shalt  }
0x50: {  	_ =	shalt  }
0x51: {  	_ =	shalt  }
0x52: {  	_ =	shalt  }
0x53: {  	_ =	shalt  }
0x54: {  	_ =	shalt  }
0x55: {  	_ =	shalt  }
0x56: {  	_ =	shalt  }
0x57: {  	_ =	shalt  }
0x58: {  	_ =	shalt  }
0x59: {  	_ =	shalt  }
0x5a: {  	_ =	shalt  }
0x5b: {  	_ =	shalt  }
0x5c: {  	_ =	shalt  }
0x5d: {  	_ =	shalt  }
0x5e: {  	_ =	shalt  }
0x5f: {  	_ =	shalt  }
0x60: {  	_ =	shalt  }
0x61: {  	_ =	shalt  }
0x62: {  	_ =	shalt  }
0x63: {  	_ =	shalt  }
0x64: {  	_ =	shalt  }
0x65: {  	_ =	shalt  }
0x66: {  	_ =	shalt  }
0x67: {  	_ =	shalt  }
0x68: {  	_ =	shalt  }
0x69: {  	_ =	shalt  }
0x6a: {  	_ =	shalt  }
0x6b: {  	_ =	shalt  }
0x6c: {  	_ =	shalt  }
0x6d: {  	_ =	shalt  }
0x6e: {  	_ =	shalt  }
0x6f: {  	_ =	shalt  }
0x70: {  	_ =	shalt  }
0x71: {  	_ =	shalt  }
0x72: {  	_ =	shalt  }
0x73: {  	_ =	shalt  }
0x74: {  	_ =	shalt  }
0x75: {  	_ =	shalt  }
0x76: {  	_ =	shalt  }
0x77: {  	_ =	shalt  }
0x78: {  	_ =	shalt  }
0x79: {  	_ =	shalt  }
0x7a: {  	_ =	shalt  }
0x7b: {  	_ =	shalt  }
0x7c: {  	_ =	shalt  }
0x7d: {  	_ =	shalt  }
0x7e: {  	_ =	shalt  }
0x7f: {  	_ =	shalt  }
0x80: {  	_ =	shalt  }
0x81: {  	_ =	shalt  }
0x82: {  	_ =	shalt  }
0x83: {  	_ =	shalt  }
0x84: {  	_ =	shalt  }
0x85: {  	_ =	shalt  }
0x86: {  	_ =	shalt  }
0x87: {  	_ =	shalt  }
.Lfunc_end0:
.L_simem_size_0:
called_computation_lowered:
.L_overlay_start_0:
0x88: {  	s2 =	sld [smem:$0x3FD9]  }
0x89: {  	s3 =	sld [smem:$0x3FFE];
	_ =	sdelay $0x1  }
0x8a: {  	s1 =	srdreg.scid  }
0x8b: {  	s0 =	sand.u32 $0x1, s1  }
0x8c: {  	s16 =	sshll.u32 s0, $0xA;
	s2 =	sadd.s32 s3, s2  }
0x8d: {  	s2 =	sadd.s32 s2, s16  }
0x8e: {  	[smem:$0x3FB8] =	sst s2  }
0x8f: {  	_ = 	snop  }
0x90: {  	(tm) =	ssettm $0x1  }
0x91: {  	s17 =	sld [smem:$0x3FFB];
	_ =	sdelay $0x3  }
0x92: {  	_ =	strace s17  }
0x93: {  	s2 =	sld [smem:$0x3FFC];
	_ =	sdelay $0x3  }
0x94: {  	_ =	strace s2  }
0x95: {  	s2 =	sld [smem:$0x3FFD];
	_ =	sdelay $0x3  }
0x96: {  	_ =	strace s2  }
0x97: {  	_ =	strace $0x8FFFFFFF  }
0x98: {  	s18 =	sld [smem:$0x3FDB];
	_ =	sdelay $0x1  }
0x99: {  	s19 =	simm.s32 $_scs_section_size  }
0x9a: {  	s4 =	simm.s32 $_size__tile_overlayer_lowered;
	s5 =	simm.s32 $_tile_overlayer_lowered  }
0x9b: {  	s22 =	simm.s32 $0x1BFF;
	s21 =	sshll.u32 s5, $0x1;
	s2 =	sadd.s32 s19, s18  }
0x9c: {  	s6 =	simm.s32 $0x0;
	s20 =	sshll.u32 s4, $0x1;
	s4 =	sadd.s32 s21, s2  }
0x9d: {  	[timem:s6], [sflag:s22] =	dma.local [hbm:s4], s20  }
0x9e: {  	_ =	swait.ge [sflag:s22], s20  }
0x9f: {  	s3 =	ssub.s32 $0x0, s20;
	[sflag:s22] =	ssyncset.done $0x0  }
0xa0: {  	[sflag:s22] =	ssyncadd.s32 s3;
	_ =	sdelay $0x1  }
0xa1: {  	s23 =	simm.s32 $0x1B8B  }
0xa2: {  	_ =	swait.ge [sflag:s23], $0x1  }
0xa3: {  	[sflag:s23] =	ssyncset.done $0x0  }
0xa4: {  	s25 =	simm.s32 $0x1B8E;
	s24 =	sld [smem:$0x3FFE];
	[sflag:s23] =	ssyncadd.s32 $0xFFFFFFFF  }
0xa5: {  	s26 =	simm.s32 $execute0_lowered;
	[smem:$0x3FD2] =	sst s25  }
0xa6: {  	s4 =	sshll.u32 s26, $0x1;
	_ =	strace $0x80000046;
	[dreg:$0x1] =	wrdreg $0xFFFFFFFF  }
0xa7: {  	s28 =	simm.s32 $_size_execute0_lowered;
	s2 =	sadd.s32 s2, s4;
	[dreg:$0x0] =	wrdreg $0x0  }
0xa8: {  	s4 =	sshll.u32 s28, $0x1;
	[dreg:$0x2] =	wrdreg s2  }
0xa9: {  	[dreg:$0x3] =	wrdreg s4  }
0xaa: {  	[dreg:$0x4] =	wrdreg $0xC0  }
0xab: {  	_ =	task [dreg:s6], $0x5FFFF  }
0xac: {  	[dreg:$0x1] =	wrdreg $0xFFFFFFFF  }
0xad: {  	[dreg:$0x0] =	wrdreg $0x60  }
0xae: {  	[dreg:$0x2] =	wrdreg s24  }
0xaf: {  	[dreg:$0x3] =	wrdreg $0x30000  }
0xb0: {  	[dreg:$0x4] =	wrdreg $0x9  }
0xb1: {  	_ =	task.clear_ibuf [dreg:s6], $0x5FFFF;
	_ =	strace $0x90000046  }
0xb2: {  	s29 =	simm.s32 $0x9;
	_ =	strace $0x80000048  }
0xb3: {  	_ =	swait.ge [sflag:s29], $0x1  }
0xb4: {  	[sflag:s29] =	ssyncadd.s32 $0xFFFFFFFF  }
0xb5: {  	_ =	strace $0x90000048  }
0xb6: {  	_ =	sfence  }
0xb7: {  	s30 =	sld [smem:$0x0];
	_ =	sdelay $0x2  }
0xb8: {  	s31 =	sshll.u32 s1, $0xD;
	s1 =	sshrl.u32 s1, $0x2  }
0xb9: {  	s3 =	sand.u32 $0x4000, s31;
	s1 =	sadd.s32 s1, s30  }
0xba: {  	s0 =	sor.u32 s3, s0;
	s1 =	sshll.u32 s1, $0x11  }
0xbb: {  	s0 =	sor.u32 s1, s0  }
0xbc: {  	s0 =	sadd.s32 $0x8F2B, s0  }
0xbd: {  	[sflag:s0] =	ssyncadd.remote.s32 $0x1  }
0xbe: {  	_ =	sfence.sel $0xFFFF  }
0xbf: {  	[dreg:$0x0] =	wrdreg $0xFFFFFFFF;
	(pc) =	sbr.abs _section_cstart, $3  }
0xc0: {  	[dreg:$0x1] =	wrdreg $0xFFFFFFFF  }
0xc1: {  	_ =	task.clear_ibuf [dreg:s6], $0x2FFFF;
	_ =	strace $0x9FFFFFFF  }
0xc2: {  	(tm) =	ssettm $0x7FFFFFFF  }
0xc3: {  	_ =	shalt  }
tec
execute0_lowered:
.L_overlay_start_1:
0x0: {  	(tag) =	ssettag $0x1  }
0x1: {  	s4 =	rddreg [dreg:$0x0]  }
0x2: {  	s0 =	srdreg.scid;
	s2 =	rddreg [dreg:$0x1];
	s3 =	simm.s32 $0x0  }
0x3: {  	s19 =	simm.s32 $0x0;
	s5 =	sand.u32 $0x1, s0;
	s0 =	stileid.u32  }
0x4: {  	[smem:$0x7FF] =	sst s3;
	s14 =	sadd.s32 $0xDC00, s4;
	s8 =	smul.u32 $0x2800, s0  }
0x5: {  	s1 =	sshll.u32 s5, $0x4;
	s7 =	ssub.s32 $0x2, s5;
	s13 =	smul.u32 $0x28000, s5  }
0x6: {  	s6 =	sor.u32 s0, s1;
	s1 =	rddreg [dreg:$0x2];
	s29 =	sshrl.u32 s7, $0x1  }
0x7: {  	_ =	strace $0x80000047;
	s6 =	smul.u32 $0x500, s6;
	s15 =	ssub.s32 s7, s29  }
0x8: {  	s10 =	sadd.s32 $0x800, s8;
	s12 =	sadd.s32 $0x1000, s8;
	s16 =	sadd.s32 $0x1800, s8  }
0x9: {  	s17 =	sadd.s32 $0x2000, s8;
	s11 =	sadd.s32 s8, s13;
	s5 =	sadd.s32 s10, s2  }
0xa: {  	s7 =	sadd.s32 s16, s2;
	s11 =	sshrl.u32 s11, $0x3;
	s18 =	sadd.s32 s13, s10  }
0xb: {  	s16 =	sadd.s32 s13, s16;
	s15 =	smax.u32 s15, $0x1;
	s9 =	sadd.s32 s6, s4  }
0xc: {  	s4 =	sadd.s32 s8, s2;
	s6 =	sadd.s32 s12, s2;
	s8 =	sadd.s32 s17, s2  }
0xd: {  	s10 =	sadd.s32 s14, s11;
	s30 =	sshrl.u32 s18, $0x3;
	s12 =	sadd.s32 s13, s12  }
0xe: {  	s16 =	sshrl.u32 s16, $0x3;
	s17 =	sadd.s32 s13, s17;
	s18 =	simm.s32 $0x80  }
0xf: {  	s9 =	sadd.s32 $0x3C00, s9;
	s11 =	sadd.s32 s14, s30;
	s12 =	sshrl.u32 s12, $0x3  }
0x10: {  	s13 =	sadd.s32 s14, s16;
	s31 =	sshrl.u32 s17, $0x3;
	s16 =	simm.s32 $0x2800  }
0x11: {  	v0 =	vimm.f32 $0.0e+00;
	v1 =	vimm.f32 $1.000000000e+00;
	s17 =	simm.s32 $0x1;
	s12 =	sadd.s32 s14, s12;
	s14 =	sadd.s32 s14, s31  }
.LBB2_1:
0x12: {  	s20 =	simm.s32 $0x40;
	s21 =	simm.s32 $0x0  }
.LBB2_2:
0x13: {  	p0 =	sne.s32 s20, $0x1FC0;
	[tilespmem:s21+$0x2800] =	vst v0;
	s21 =	smov.u32 s20;
	s20 =	sadd.s32 $0x40, s20  }
.Ltmp0:
0x14: {  	(pc) =	sbr.rel @p0 .LBB2_2-.Ltmp0, $2  }
0x15: {  	_ =	sdelay $0x2  }
0x16: {  	s21 =	sshra.s32 s21, $0x2  }
0x17: {  	[tilespmem:s21+$0x2800] =	vst v0  }
0x18: {  	[spmem:s4] =	stream.linear.scatter [tilespmem:s16], [sflag:$0x1], $0x800, $0x38;
	[tilespmem:$0x5800] =	vst v63  }
0x19: {  	_ =	swait.ge [sflag:s17], $0x800  }
0x1a: {  	[sflag:s17] =	ssyncset.done $0x0  }
0x1b: {  	[sflag:s17] =	ssyncadd.s32 $0xFFFFF800  }
0x1c: {  	[spmem:s5] =	stream.linear.scatter [tilespmem:s16], [sflag:$0x1], $0x800, $0x38;
	[tilespmem:$0x5800] =	vst v63  }
0x1d: {  	_ =	swait.ge [sflag:s17], $0x800  }
0x1e: {  	[sflag:s17] =	ssyncset.done $0x0  }
0x1f: {  	[sflag:s17] =	ssyncadd.s32 $0xFFFFF800  }
0x20: {  	[spmem:s6] =	stream.linear.scatter [tilespmem:s16], [sflag:$0x1], $0x800, $0x38;
	[tilespmem:$0x5800] =	vst v63  }
0x21: {  	_ =	swait.ge [sflag:s17], $0x800  }
0x22: {  	[sflag:s17] =	ssyncset.done $0x0  }
0x23: {  	[sflag:s17] =	ssyncadd.s32 $0xFFFFF800  }
0x24: {  	[spmem:s7] =	stream.linear.scatter [tilespmem:s16], [sflag:$0x1], $0x800, $0x38;
	[tilespmem:$0x5800] =	vst v63  }
0x25: {  	_ =	swait.ge [sflag:s17], $0x800  }
0x26: {  	[sflag:s17] =	ssyncset.done $0x0  }
0x27: {  	[sflag:s17] =	ssyncadd.s32 $0xFFFFF800  }
0x28: {  	[spmem:s8] =	stream.linear.scatter [tilespmem:s16], [sflag:$0x1], $0x800, $0x38;
	[tilespmem:$0x5800] =	vst v63  }
0x29: {  	_ =	swait.ge [sflag:s17], $0x800  }
0x2a: {  	[sflag:s17] =	ssyncset.done $0x0  }
0x2b: {  	s20 =	simm.s32 $0x40;
	s21 =	simm.s32 $0x0;
	[sflag:s17] =	ssyncadd.s32 $0xFFFFF800  }
.LBB2_4:
0x2c: {  	p0 =	sne.s32 s20, $0x1FC0;
	[tilespmem:s21+$0x2800] =	vst v1;
	s21 =	smov.u32 s20;
	s20 =	sadd.s32 $0x40, s20  }
.Ltmp1:
0x2d: {  	(pc) =	sbr.rel @p0 .LBB2_4-.Ltmp1, $2  }
0x2e: {  	_ =	sdelay $0x2  }
0x2f: {  	s21 =	sshra.s32 s21, $0x2  }
0x30: {  	[tilespmem:s21+$0x2800] =	vst v1;
	s20 =	simm.s32 $0x0  }
0x31: {  	[tilespmem:s20], [sflag:$0x1] =	stream.linear.gather [hbm4b:s9+s20], $0x2800, $0x38;
	[tilespmem:$0x5800] =	vst v63  }
0x32: {  	_ =	swait.ge [sflag:s17], $0x2800  }
0x33: {  	[sflag:s17] =	ssyncset.done $0x0  }
0x34: {  	[sflag:s17] =	ssyncadd.s32 $0xFFFFD800  }
0x35: {  	s31 =	simm.s32 $0x0;
	[bflag:$0x0] =	sbarrier.arrive $0xFFFF  }
0x36: {  	[spmem:s2] =	stream.indirect.scatter.add.f32 [tilespmem:s16], [sflag:$0x1], $0x10, s31, s18, $0xb8;
	[tilespmem:$0x5800] =	vst v63  }
0x37: {  	_ =	swait.ge [sflag:s17], $0x800  }
0x38: {  	s20 =	simm.s32 $0x200;
	[sflag:s17] =	ssyncset.done $0x0  }
.LBB2_6:
0x39: {  	s21 =	sshra.s32 s20, $0x2;
	[sflag:s17] =	ssyncadd.s32 $0xFFFFF800;
	p0 =	sne.s32 s20, $0x9E00  }
0x3a: {  	[spmem:s2] =	stream.indirect.scatter.add.f32 [tilespmem:s16], [sflag:$0x1], $0x10, s21, s18, $0xb8;
	[tilespmem:$0x5800] =	vst v63  }
.Ltmp2:
0x3b: {  	_ = 	snop;
	(pc) =	sbr.rel @p0 .LBB2_6-.Ltmp2, $4  }
0x3c: {  	_ = 	snop  }
0x3d: {  	s20 =	sadd.s32 $0x200, s20  }
0x3e: {  	_ =	swait.ge [sflag:s17], $0x800  }
0x3f: {  	[sflag:s17] =	ssyncset.done $0x0  }
0x40: {  	[sflag:s17] =	ssyncadd.s32 $0xFFFFF800  }
0x41: {  	[bflag:$0x0] =	sbarrier.arrive $0xFFFF  }
0x42: {  	[tilespmem:s16], [sflag:$0x1] =	stream.linear.gather [spmem:s4], $0x800, $0x38;
	[tilespmem:$0x5800] =	vst v63  }
0x43: {  	_ =	swait.ge [sflag:s17], $0x800  }
0x44: {  	[sflag:s17] =	ssyncset.done $0x0  }
0x45: {  	[sflag:s17] =	ssyncadd.s32 $0xFFFFF800  }
0x46: {  	[hbm4b:s10+s3] =	stream.linear.scatter [tilespmem:s16], [sflag:$0x1], $0x800, $0x38;
	[tilespmem:$0x5800] =	vst v63  }
0x47: {  	_ =	swait.ge [sflag:s17], $0x800  }
0x48: {  	[sflag:s17] =	ssyncset.done $0x0  }
0x49: {  	[sflag:s17] =	ssyncadd.s32 $0xFFFFF800  }
0x4a: {  	[tilespmem:s16], [sflag:$0x1] =	stream.linear.gather [spmem:s5], $0x800, $0x38;
	[tilespmem:$0x5800] =	vst v63  }
0x4b: {  	_ =	swait.ge [sflag:s17], $0x800  }
0x4c: {  	[sflag:s17] =	ssyncset.done $0x0  }
0x4d: {  	[sflag:s17] =	ssyncadd.s32 $0xFFFFF800  }
0x4e: {  	[hbm4b:s11+s3] =	stream.linear.scatter [tilespmem:s16], [sflag:$0x1], $0x800, $0x38;
	[tilespmem:$0x5800] =	vst v63  }
0x4f: {  	_ =	swait.ge [sflag:s17], $0x800  }
0x50: {  	[sflag:s17] =	ssyncset.done $0x0  }
0x51: {  	[sflag:s17] =	ssyncadd.s32 $0xFFFFF800  }
0x52: {  	[tilespmem:s16], [sflag:$0x1] =	stream.linear.gather [spmem:s6], $0x800, $0x38;
	[tilespmem:$0x5800] =	vst v63  }
0x53: {  	_ =	swait.ge [sflag:s17], $0x800  }
0x54: {  	[sflag:s17] =	ssyncset.done $0x0  }
0x55: {  	[sflag:s17] =	ssyncadd.s32 $0xFFFFF800  }
0x56: {  	[hbm4b:s12+s3] =	stream.linear.scatter [tilespmem:s16], [sflag:$0x1], $0x800, $0x38;
	[tilespmem:$0x5800] =	vst v63  }
0x57: {  	_ =	swait.ge [sflag:s17], $0x800  }
0x58: {  	[sflag:s17] =	ssyncset.done $0x0  }
0x59: {  	[sflag:s17] =	ssyncadd.s32 $0xFFFFF800  }
0x5a: {  	[tilespmem:s16], [sflag:$0x1] =	stream.linear.gather [spmem:s7], $0x800, $0x38;
	[tilespmem:$0x5800] =	vst v63  }
0x5b: {  	_ =	swait.ge [sflag:s17], $0x800  }
0x5c: {  	[sflag:s17] =	ssyncset.done $0x0  }
0x5d: {  	[sflag:s17] =	ssyncadd.s32 $0xFFFFF800  }
0x5e: {  	[hbm4b:s13+s3] =	stream.linear.scatter [tilespmem:s16], [sflag:$0x1], $0x800, $0x38;
	[tilespmem:$0x5800] =	vst v63  }
0x5f: {  	_ =	swait.ge [sflag:s17], $0x800  }
0x60: {  	[sflag:s17] =	ssyncset.done $0x0  }
0x61: {  	[sflag:s17] =	ssyncadd.s32 $0xFFFFF800  }
0x62: {  	[tilespmem:s16], [sflag:$0x1] =	stream.linear.gather [spmem:s8], $0x800, $0x38;
	[tilespmem:$0x5800] =	vst v63  }
0x63: {  	s19 =	sadd.s32 $0x1, s19;
	_ =	swait.ge [sflag:s17], $0x800  }
0x64: {  	p0 =	sne.s32 s19, s15;
	[sflag:s17] =	ssyncset.done $0x0  }
.Ltmp3:
0x65: {  	[sflag:s17] =	ssyncadd.s32 $0xFFFFF800;
	(pc) =	sbr.rel @p0 .LBB2_1-.Ltmp3, $4  }
0x66: {  	[hbm4b:s14+s3] =	stream.linear.scatter [tilespmem:s16], [sflag:$0x1], $0x800, $0x38;
	[tilespmem:$0x5800] =	vst v63  }
0x67: {  	_ =	swait.ge [sflag:s17], $0x800  }
0x68: {  	[sflag:s17] =	ssyncset.done $0x0  }
0x69: {  	[sflag:s17] =	ssyncadd.s32 $0xFFFFF800  }
0x6a: {  	_ =	sfence.sel $0x180000  }
0x6b: {  	[bflag:$0x0] =	sbarrier.arrive $0xFFFF  }
0x6c: {  	p0 =	sne.s32 s0, $0x0;
	_ =	strace $0x90000047  }
0x6d: {  	s0 =	sadd.s32 @!p0 $0x100000, s1;
	[bflag:$0x2] =	sbarrier.arrive $0xFFFF  }
0x6e: {  	[sflag:s0] =	ssyncadd.tile.s32 @!p0 $0x1;
	_ =	shalt  }
.Lfunc_end2:
_tile_overlayer_lowered:
.L_overlay_start_2:
0x6f: {  	(tag) =	ssettag $0x2  }
0x70: {  	s0 =	rddreg [dreg:$0x0];
	s2 =	stileid.u32  }
0x71: {  	s1 =	rddreg [dreg:$0x1];
	p0 =	sne.s32 s2, $0x0  }
0x72: {  	s3 =	rddreg [dreg:$0x2];
	[bflag:$0x3] =	sbarrier.arrive $0xFFFF;
	s2 =	simm.s32 @!p0 $0x1C01  }
0x73: {  	[timem:s3], [sflag:s2] =	dma.local @!p0 [hbm:s0], s1  }
0x74: {  	s0 =	simm.s32 @!p0 $0x1  }
0x75: {  	_ =	swait.ge @!p0 [sflag:s0], s1  }
0x76: {  	s1 =	ssub.s32 @!p0 $0x0, s1;
	[sflag:s0] =	ssyncset.done @!p0 $0x0  }
0x77: {  	[sflag:s0] =	ssyncadd.s32 @!p0 s1  }
0x78: {  	[bflag:$0x3] =	sbarrier.arrive $0xFFFF  }
0x79: {  	_ =	shalt  }

// kernel: kernel.14.cloned.1.call-start
scs
__scs_entry_jumppad:
0x0: {  	(pc) =	sbr.rel $0x88, $3  }
0x1: {  	(tag) =	ssettag $0x0;
	lr =	simm.s32 $0x1  }
0x2: {  	[smem:$0x3F91] =	sst lr;
	_ =	strace $0xD0000000  }
0x3: {  	_ = 	snop  }
0x4: {  	_ = 	snop  }
0x5: {  	_ = 	snop  }
0x6: {  	_ = 	snop  }
0x7: {  	_ = 	snop  }
__scs_overlays_trampoline_lowered:
0x8: {  	[smem:$0x3FA0] =	sst s0  }
0x9: {  	[smem:$0x3FA1] =	sst s1  }
0xa: {  	[smem:$0x3FA2] =	sst s2  }
0xb: {  	[smem:$0x3FA3] =	sst s3  }
0xc: {  	[smem:$0x3FA4] =	sst s4  }
0xd: {  	[smem:$0x3FA5] =	sst s5  }
0xe: {  	[smem:$0x3FA6] =	sst s6  }
0xf: {  	[smem:$0x3FA7] =	sst s7  }
0x10: {  	[smem:$0x3FA8] =	sst s8  }
0x11: {  	[smem:$0x3FA9] =	sst s9;
	s0 =	simm.s32 @!p0 $0x0  }
0x12: {  	s1 =	sld [smem:$0x3F8F];
	s0 =	simm.s32 @p0 $0x1  }
0x13: {  	[smem:$0x3FAA] =	sst s0;
	s0 =	simm.s32 @!p1 $0x0  }
0x14: {  	s2 =	sld [smem:$0x3F8E];
	s0 =	simm.s32 @p1 $0x1  }
0x15: {  	[smem:$0x3FAB] =	sst s0;
	s0 =	simm.s32 @!p2 $0x0  }
0x16: {  	s3 =	sld [smem:$0x3FDB];
	s0 =	simm.s32 @p2 $0x1  }
0x17: {  	s4 =	simm.s32 $0x1BF5;
	[smem:$0x3FAD] =	sst s0  }
0x18: {  	s0 =	sld [smem:$0x3F90];
	_ =	swait.ge [sflag:s4], $0x0  }
0x19: {  	s7 =	sld [smem:$0x3F91]  }
0x1a: {  	s8 =	sadd.s32 $0xFFFFE003, lr  }
0x1b: {  	s9 =	sadd.s32 $0xFFFFFEF7, lr;
	s5 =	simm.s32 $0xFFFFFFFF;
	p2 =	slt.u32 s8, $0xFFFFF086  }
0x1c: {  	p1 =	slt.u32 s9, $0xF7A;
	s5 =	simm.s32 @!p2 $0x0  }
0x1d: {  	s5 =	simm.s32 @p1 $0x1;
	p0 =	seq.s32 s7, s2  }
0x1e: {  	s7 =	smul.u32 @!p0 $0xF7A, s2;
	p2 =	seq.s32 @!p0 s5, $0x0  }
0x1f: {  	s9 =	smul.u32 $0xF7A, s1;
	s8 =	simm.s32 @!p0 $0x1BF5;
	p2 =	por !p2, p0  }
0x20: {  	[sflag:s8] =	ssyncset.s32 @!p0 $0xFFFFF086;
	s6 =	sadd.s32 @!p0 s3, s7;
	s7 =	simm.s32 @!p0 $0x108  }
0x21: {  	s3 =	sadd.s32 s3, s9;
	s6 =	sadd.s32 @!p0 $0x88, s6;
	s7 =	simm.s32 @p2 $0x1082  }
0x22: {  	[simem:s7], [sflag:s8] =	dma.local @!p0 [hbm:s6], $0xF7A  }
0x23: {  	s9 =	sor.u32 $0xD0000000, s2;
	s6 =	simm.s32 $0x108;
	_ =	swait.ge @!p0 [sflag:s8], $0x0  }
0x24: {  	s3 =	sadd.s32 $0x88, s3;
	s6 =	simm.s32 @!p1 $0x1082;
	[sflag:s4] =	ssyncset.s32 $0xFFFFF086  }
0x25: {  	[simem:s6], [sflag:s4] =	dma.local [hbm:s3], $0xF7A  }
0x26: {  	[smem:$0x3F91] =	sst s1;
	(tag) =	ssettag s2;
	_ =	strace s9  }
0x27: {  	s1 =	sld [smem:$0x3FA1]  }
0x28: {  	s2 =	sld [smem:$0x3FA2]  }
0x29: {  	s4 =	sld [smem:$0x3FA4]  }
0x2a: {  	p0 =	seq.s32 s5, $0x0;
	s5 =	sld [smem:$0x3FA5]  }
0x2b: {  	s6 =	sld [smem:$0x3FA6]  }
0x2c: {  	s7 =	sld [smem:$0x3FA7]  }
0x2d: {  	s3 =	simm.s32 $0x108;
	s8 =	sld [smem:$0x3FA8]  }
0x2e: {  	s3 =	simm.s32 @!p0 $0x1082;
	s9 =	sld [smem:$0x3FA9]  }
0x2f: {  	lr =	sadd.s32 s0, s3;
	s0 =	sld [smem:$0x3FA0]  }
0x30: {  	s3 =	sld [smem:$0x3FA3]  }
0x31: {  	[smem:$0x3FAC] =	sst s10  }
0x32: {  	s10 =	sld [smem:$0x3FAA];
	_ =	sdelay $0x3  }
0x33: {  	p0 =	seq.s32 s10, $0x1;
	s10 =	sld [smem:$0x3FAC];
	_ =	sdelay $0x3  }
0x34: {  	[smem:$0x3FAC] =	sst s10  }
0x35: {  	s10 =	sld [smem:$0x3FAB];
	_ =	sdelay $0x3  }
0x36: {  	p1 =	seq.s32 s10, $0x1;
	s10 =	sld [smem:$0x3FAC];
	_ =	sdelay $0x3  }
0x37: {  	[smem:$0x3FAC] =	sst s10  }
0x38: {  	s10 =	sld [smem:$0x3FAD]  }
0x39: {  	_ = 	snop;
	(pc) =	sbr.ind lr, $3  }
0x3a: {  	_ = 	snop  }
0x3b: {  	_ = 	snop  }
0x3c: {  	p2 =	seq.s32 s10, $0x1;
	s10 =	sld [smem:$0x3FAC]  }
0x3d: {  	_ =	shalt  }
0x3e: {  	_ =	shalt  }
0x3f: {  	_ =	shalt  }
0x40: {  	_ =	shalt  }
0x41: {  	_ =	shalt  }
0x42: {  	_ =	shalt  }
0x43: {  	_ =	shalt  }
0x44: {  	_ =	shalt  }
0x45: {  	_ =	shalt  }
0x46: {  	_ =	shalt  }
0x47: {  	_ =	shalt  }
0x48: {  	_ =	shalt  }
0x49: {  	_ =	shalt  }
0x4a: {  	_ =	shalt  }
0x4b: {  	_ =	shalt  }
0x4c: {  	_ =	shalt  }
0x4d: {  	_ =	shalt  }
0x4e: {  	_ =	shalt  }
0x4f: {  	_ =	shalt  }
0x50: {  	_ =	shalt  }
0x51: {  	_ =	shalt  }
0x52: {  	_ =	shalt  }
0x53: {  	_ =	shalt  }
0x54: {  	_ =	shalt  }
0x55: {  	_ =	shalt  }
0x56: {  	_ =	shalt  }
0x57: {  	_ =	shalt  }
0x58: {  	_ =	shalt  }
0x59: {  	_ =	shalt  }
0x5a: {  	_ =	shalt  }
0x5b: {  	_ =	shalt  }
0x5c: {  	_ =	shalt  }
0x5d: {  	_ =	shalt  }
0x5e: {  	_ =	shalt  }
0x5f: {  	_ =	shalt  }
0x60: {  	_ =	shalt  }
0x61: {  	_ =	shalt  }
0x62: {  	_ =	shalt  }
0x63: {  	_ =	shalt  }
0x64: {  	_ =	shalt  }
0x65: {  	_ =	shalt  }
0x66: {  	_ =	shalt  }
0x67: {  	_ =	shalt  }
0x68: {  	_ =	shalt  }
0x69: {  	_ =	shalt  }
0x6a: {  	_ =	shalt  }
0x6b: {  	_ =	shalt  }
0x6c: {  	_ =	shalt  }
0x6d: {  	_ =	shalt  }
0x6e: {  	_ =	shalt  }
0x6f: {  	_ =	shalt  }
0x70: {  	_ =	shalt  }
0x71: {  	_ =	shalt  }
0x72: {  	_ =	shalt  }
0x73: {  	_ =	shalt  }
0x74: {  	_ =	shalt  }
0x75: {  	_ =	shalt  }
0x76: {  	_ =	shalt  }
0x77: {  	_ =	shalt  }
0x78: {  	_ =	shalt  }
0x79: {  	_ =	shalt  }
0x7a: {  	_ =	shalt  }
0x7b: {  	_ =	shalt  }
0x7c: {  	_ =	shalt  }
0x7d: {  	_ =	shalt  }
0x7e: {  	_ =	shalt  }
0x7f: {  	_ =	shalt  }
0x80: {  	_ =	shalt  }
0x81: {  	_ =	shalt  }
0x82: {  	_ =	shalt  }
0x83: {  	_ =	shalt  }
0x84: {  	_ =	shalt  }
0x85: {  	_ =	shalt  }
0x86: {  	_ =	shalt  }
0x87: {  	_ =	shalt  }
.Lfunc_end0:
.L_simem_size_0:
called_computation.1_lowered:
.L_overlay_start_0:
0x88: {  	s2 =	sld [smem:$0x3FD9]  }
0x89: {  	s3 =	sld [smem:$0x3FFE];
	_ =	sdelay $0x1  }
0x8a: {  	s1 =	srdreg.scid  }
0x8b: {  	s0 =	sand.u32 $0x1, s1  }
0x8c: {  	s17 =	sshll.u32 s0, $0xA;
	s2 =	sadd.s32 s3, s2  }
0x8d: {  	s2 =	sadd.s32 s2, s17  }
0x8e: {  	[smem:$0x3FB8] =	sst s2  }
0x8f: {  	_ = 	snop  }
0x90: {  	(tm) =	ssettm $0x1  }
0x91: {  	s18 =	sld [smem:$0x3FFB];
	_ =	sdelay $0x3  }
0x92: {  	_ =	strace s18  }
0x93: {  	s2 =	sld [smem:$0x3FFC];
	_ =	sdelay $0x3  }
0x94: {  	_ =	strace s2  }
0x95: {  	s2 =	sld [smem:$0x3FFD];
	_ =	sdelay $0x3  }
0x96: {  	_ =	strace s2  }
0x97: {  	_ =	strace $0x8FFFFFFF  }
0x98: {  	s19 =	sld [smem:$0x3FDB];
	_ =	sdelay $0x1  }
0x99: {  	s20 =	simm.s32 $_scs_section_size  }
0x9a: {  	s4 =	simm.s32 $_size__tile_overlayer_lowered;
	s5 =	simm.s32 $_tile_overlayer_lowered  }
0x9b: {  	s6 =	simm.s32 $0x1BFF;
	s21 =	sshll.u32 s5, $0x1;
	s3 =	sadd.s32 s20, s19  }
0x9c: {  	s22 =	simm.s32 $0x0;
	s4 =	sshll.u32 s4, $0x1;
	s5 =	sadd.s32 s21, s3  }
0x9d: {  	[timem:s22], [sflag:s6] =	dma.local [hbm:s5], s4  }
0x9e: {  	_ =	swait.ge [sflag:s6], s4  }
0x9f: {  	s4 =	ssub.s32 $0x0, s4;
	[sflag:s6] =	ssyncset.done $0x0  }
0xa0: {  	[sflag:s6] =	ssyncadd.s32 s4;
	_ =	sdelay $0x1  }
0xa1: {  	s23 =	simm.s32 $0x1B8B  }
0xa2: {  	_ =	swait.ge [sflag:s23], $0x1  }
0xa3: {  	[sflag:s23] =	ssyncset.done $0x0  }
0xa4: {  	[sflag:s23] =	ssyncadd.s32 $0xFFFFFFFF  }
0xa5: {  	s4 =	sld [smem:$0x0]  }
0xa6: {  	s5 =	sand.u32 $0xFFFFFFFE, s1  }
0xa7: {  	p0 =	sne.s32 s1, s5  }
0xa8: {  	s5 =	sshll.u32 @p0 s5, $0xE  }
0xa9: {  	s5 =	sadd.s32 @p0 $0x11B8D, s5;
	s6 =	sshll.u32 @p0 s4, $0x11  }
0xaa: {  	s5 =	sor.u32 @p0 s6, s5  }
0xab: {  	[sflag:s5] =	ssyncadd.remote.s32 @p0 $0x1;
	_ =	sdelay $0x1  }
0xac: {  	s5 =	simm.s32 @p0 $0x1B8D  }
0xad: {  	_ =	swait.eq @p0 [sflag:s5], $0x1  }
0xae: {  	[sflag:s5] =	ssyncadd.s32 @p0 $0xFFFFFFFF  }
0xaf: {  	s6 =	sshll.u32 @!p0 s1, $0xE  }
0xb0: {  	s6 =	sor.u32 @!p0 $0x4000, s6;
	s5 =	simm.s32 @!p0 $0x1B8D  }
0xb1: {  	s4 =	sshll.u32 @!p0 s4, $0x11;
	s6 =	sadd.s32 @!p0 $0x11B8D, s6;
	_ =	swait.eq @!p0 [sflag:s5], $0x1  }
0xb2: {  	s4 =	sor.u32 @!p0 s4, s6;
	[sflag:s5] =	ssyncadd.s32 @!p0 $0xFFFFFFFF  }
0xb3: {  	s25 =	simm.s32 $0x1B8E;
	s24 =	sld [smem:$0x3FFE];
	[sflag:s4] =	ssyncadd.remote.s32 @!p0 $0x1  }
0xb4: {  	s26 =	simm.s32 $execute0_lowered;
	[smem:$0x3FD2] =	sst s25  }
0xb5: {  	s5 =	sshll.u32 s26, $0x1;
	_ =	strace $0x8000004C;
	[dreg:$0x1] =	wrdreg $0xFFFFFFFF  }
0xb6: {  	s28 =	simm.s32 $_size_execute0_lowered;
	s3 =	sadd.s32 s3, s5;
	[dreg:$0x0] =	wrdreg $0x0  }
0xb7: {  	s5 =	sshll.u32 s28, $0x1;
	[dreg:$0x2] =	wrdreg s3  }
0xb8: {  	[dreg:$0x3] =	wrdreg s5  }
0xb9: {  	[dreg:$0x4] =	wrdreg $0xC0  }
0xba: {  	_ =	task [dreg:s22], $0x5FFFF  }
0xbb: {  	[dreg:$0x1] =	wrdreg $0xFFFFFFFF  }
0xbc: {  	[dreg:$0x0] =	wrdreg $0x60  }
0xbd: {  	[dreg:$0x2] =	wrdreg s24  }
0xbe: {  	[dreg:$0x3] =	wrdreg $0x130000  }
0xbf: {  	[dreg:$0x4] =	wrdreg $0xE0000  }
0xc0: {  	[dreg:$0x5] =	wrdreg $0x9  }
0xc1: {  	_ =	task.clear_ibuf [dreg:s22], $0x6FFFF;
	_ =	strace $0x9000004C  }
0xc2: {  	s29 =	simm.s32 $0x9;
	_ =	strace $0x8000004E  }
0xc3: {  	_ =	swait.ge [sflag:s29], $0x1  }
0xc4: {  	[sflag:s29] =	ssyncadd.s32 $0xFFFFFFFF  }
0xc5: {  	_ =	strace $0x9000004E  }
0xc6: {  	_ =	sfence  }
0xc7: {  	s30 =	sld [smem:$0x0];
	_ =	sdelay $0x2  }
0xc8: {  	s31 =	sshll.u32 s1, $0xD;
	s1 =	sshrl.u32 s1, $0x2  }
0xc9: {  	s4 =	sand.u32 $0x4000, s31;
	s1 =	sadd.s32 s1, s30  }
0xca: {  	s0 =	sor.u32 s4, s0;
	s1 =	sshll.u32 s1, $0x11  }
0xcb: {  	s0 =	sor.u32 s1, s0  }
0xcc: {  	s0 =	sadd.s32 $0x8F2B, s0  }
0xcd: {  	[sflag:s0] =	ssyncadd.remote.s32 $0x1  }
0xce: {  	_ =	sfence.sel $0xFFFF  }
0xcf: {  	[dreg:$0x0] =	wrdreg $0xFFFFFFFF;
	(pc) =	sbr.abs _section_cstart, $3  }
0xd0: {  	[dreg:$0x1] =	wrdreg $0xFFFFFFFF  }
0xd1: {  	_ =	task.clear_ibuf [dreg:s22], $0x2FFFF;
	_ =	strace $0x9FFFFFFF  }
0xd2: {  	(tm) =	ssettm $0x7FFFFFFF  }
0xd3: {  	_ =	shalt  }
tec
execute0_lowered:
.L_overlay_start_1:
0x0: {  	(tag) =	ssettag $0x1  }
0x1: {  	s0 =	rddreg [dreg:$0x0]  }
0x2: {  	s2 =	rddreg [dreg:$0x1]  }
0x3: {  	s3 =	rddreg [dreg:$0x2];
	s7 =	stileid.u32  }
0x4: {  	s1 =	srdreg.scid;
	s4 =	simm.s32 $0x0;
	s29 =	simm.s32 $0xA000  }
0x5: {  	s30 =	simm.s32 $0x9;
	s31 =	simm.s32 $0x5000;
	s5 =	smul.u32 $0xA00, s7  }
0x6: {  	s1 =	sand.u32 $0x1, s1;
	[smem:$0x7FF] =	sst s4;
	s7 =	smul.u32 $0x5000, s7  }
0x7: {  	s8 =	sadd.s32 $0xE9C00, s0;
	s6 =	smul.u32 $0x50000, s1;
	_ =	strace $0x8000004D  }
0x8: {  	s1 =	ssub.s32 $0x2, s1;
	s5 =	sadd.s32 s5, s0;
	s0 =	sadd.s32 $0xFDC00, s0  }
0x9: {  	s10 =	sadd.s32 $0x1000, s7;
	s11 =	sshrl.u32 s1, $0x1;
	s16 =	sadd.s32 s7, s2  }
0xa: {  	s18 =	sadd.s32 $0x2000, s7;
	s14 =	sadd.s32 $0x3000, s7;
	s9 =	sadd.s32 s7, s6  }
0xb: {  	s12 =	sadd.s32 s6, s10;
	s1 =	ssub.s32 s1, s11;
	[dreg:$0x5] =	wrdreg s16  }
0xc: {  	s13 =	sadd.s32 s10, s2;
	s19 =	sadd.s32 s6, s18;
	s15 =	sadd.s32 s6, s14  }
0xd: {  	s16 =	sadd.s32 $0x4000, s7;
	s20 =	sadd.s32 s18, s2;
	s11 =	simm.s32 $0x6  }
0xe: {  	s9 =	sshrl.u32 s9, $0x3;
	s26 =	sshrl.u32 s12, $0x3;
	[dreg:$0x7] =	wrdreg s13  }
0xf: {  	s13 =	sshrl.u32 s19, $0x3;
	s15 =	sshrl.u32 s15, $0x3;
	s6 =	sadd.s32 s6, s16  }
0x10: {  	[dreg:$0x9] =	wrdreg s20;
	s19 =	sadd.s32 s7, s3;
	s20 =	sadd.s32 s10, s3  }
0x11: {  	s28 =	smax.u32 s1, $0x1;
	s1 =	simm.s32 $0xB000;
	s7 =	simm.s32 $0xD000  }
0x12: {  	s10 =	simm.s32 $0x3;
	s12 =	simm.s32 $0x4;
	s25 =	sadd.s32 s8, s9  }
0x13: {  	s17 =	sadd.s32 s8, s26;
	s21 =	sadd.s32 s8, s15;
	[dreg:$0x4] =	wrdreg s25  }
0x14: {  	s6 =	sshrl.u32 s6, $0x3;
	s22 =	sadd.s32 s0, s9;
	[dreg:$0x6] =	wrdreg s17  }
0x15: {  	s23 =	sadd.s32 s0, s26;
	s24 =	sadd.s32 s0, s13;
	[dreg:$0xa] =	wrdreg s21  }
0x16: {  	s26 =	sadd.s32 s14, s2;
	s9 =	simm.s32 $0x5;
	[dreg:$0xc] =	wrdreg s22  }
0x17: {  	s17 =	sadd.s32 s8, s13;
	s8 =	sadd.s32 s8, s6;
	[dreg:$0xd] =	wrdreg s23  }
0x18: {  	[dreg:$0xe] =	wrdreg s24;
	s25 =	sadd.s32 s0, s15;
	s0 =	sadd.s32 s0, s6  }
0x19: {  	[dreg:$0x11] =	wrdreg s26;
	s21 =	sadd.s32 s18, s3;
	s22 =	sadd.s32 s14, s3  }
0x1a: {  	s23 =	sadd.s32 s16, s2;
	s24 =	sadd.s32 s16, s3;
	[dreg:$0x8] =	wrdreg s17  }
0x1b: {  	s26 =	sadd.s32 $0x3C00, s5;
	s6 =	simm.s32 $0x1;
	[dreg:$0xb] =	wrdreg s8  }
0x1c: {  	s13 =	simm.s32 $0x7;
	s14 =	simm.s32 $0x8;
	[dreg:$0xf] =	wrdreg s25  }
0x1d: {  	s15 =	simm.s32 $0x0;
	[dreg:$0x10] =	wrdreg s0;
	s25 =	sadd.s32 $0x17C00, s5  }
0x1e: {  	v0 =	vimm.f32 $0.0e+00;
	s0 =	simm.s32 $0x80;
	s5 =	simm.s32 $0xC000;
	s8 =	simm.s32 $0x2  }
.LBB2_1:
0x1f: {  	s16 =	rddreg [dreg:$0x4]  }
0x20: {  	[tilespmem:s29], [sflag:$0x9] =	stream.linear.gather [hbm4b:s16+s4], $0x1000, $0x38;
	[tilespmem:$0x18000] =	vst v63  }
0x21: {  	_ =	swait.ge [sflag:s30], $0x1000  }
0x22: {  	[sflag:s30] =	ssyncset.done $0x0  }
0x23: {  	s17 =	rddreg [dreg:$0x5];
	[sflag:s30] =	ssyncadd.s32 $0xFFFFF000  }
0x24: {  	[spmem:s17] =	stream.linear.scatter [tilespmem:s29], [sflag:$0x9], $0x1000, $0x38;
	[tilespmem:$0x18000] =	vst v63  }
0x25: {  	_ =	swait.ge [sflag:s30], $0x1000  }
0x26: {  	[sflag:s30] =	ssyncset.done $0x0  }
0x27: {  	s18 =	rddreg [dreg:$0x6];
	[sflag:s30] =	ssyncadd.s32 $0xFFFFF000  }
0x28: {  	[tilespmem:s29], [sflag:$0x9] =	stream.linear.gather [hbm4b:s18+s4], $0x1000, $0x38;
	[tilespmem:$0x18000] =	vst v63  }
0x29: {  	_ =	swait.ge [sflag:s30], $0x1000  }
0x2a: {  	[sflag:s30] =	ssyncset.done $0x0  }
0x2b: {  	s17 =	rddreg [dreg:$0x7];
	[sflag:s30] =	ssyncadd.s32 $0xFFFFF000  }
0x2c: {  	[spmem:s17] =	stream.linear.scatter [tilespmem:s29], [sflag:$0x9], $0x1000, $0x38;
	[tilespmem:$0x18000] =	vst v63  }
0x2d: {  	_ =	swait.ge [sflag:s30], $0x1000  }
0x2e: {  	[sflag:s30] =	ssyncset.done $0x0  }
0x2f: {  	s18 =	rddreg [dreg:$0x8];
	[sflag:s30] =	ssyncadd.s32 $0xFFFFF000  }
0x30: {  	[tilespmem:s29], [sflag:$0x9] =	stream.linear.gather [hbm4b:s18+s4], $0x1000, $0x38;
	[tilespmem:$0x18000] =	vst v63  }
0x31: {  	_ =	swait.ge [sflag:s30], $0x1000  }
0x32: {  	[sflag:s30] =	ssyncset.done $0x0  }
0x33: {  	s17 =	rddreg [dreg:$0x9];
	[sflag:s30] =	ssyncadd.s32 $0xFFFFF000  }
0x34: {  	[spmem:s17] =	stream.linear.scatter [tilespmem:s29], [sflag:$0x9], $0x1000, $0x38;
	[tilespmem:$0x18000] =	vst v63  }
0x35: {  	_ =	swait.ge [sflag:s30], $0x1000  }
0x36: {  	[sflag:s30] =	ssyncset.done $0x0  }
0x37: {  	s18 =	rddreg [dreg:$0xa];
	[sflag:s30] =	ssyncadd.s32 $0xFFFFF000  }
0x38: {  	[tilespmem:s29], [sflag:$0x9] =	stream.linear.gather [hbm4b:s18+s4], $0x1000, $0x38;
	[tilespmem:$0x18000] =	vst v63  }
0x39: {  	_ =	swait.ge [sflag:s30], $0x1000  }
0x3a: {  	[sflag:s30] =	ssyncset.done $0x0  }
0x3b: {  	s17 =	rddreg [dreg:$0x11];
	[sflag:s30] =	ssyncadd.s32 $0xFFFFF000  }
0x3c: {  	[spmem:s17] =	stream.linear.scatter [tilespmem:s29], [sflag:$0x9], $0x1000, $0x38;
	[tilespmem:$0x18000] =	vst v63  }
0x3d: {  	_ =	swait.ge [sflag:s30], $0x1000  }
0x3e: {  	[sflag:s30] =	ssyncset.done $0x0  }
0x3f: {  	s18 =	rddreg [dreg:$0xb];
	[sflag:s30] =	ssyncadd.s32 $0xFFFFF000  }
0x40: {  	[tilespmem:s29], [sflag:$0x9] =	stream.linear.gather [hbm4b:s18+s4], $0x1000, $0x38;
	[tilespmem:$0x18000] =	vst v63  }
0x41: {  	_ =	swait.ge [sflag:s30], $0x1000  }
0x42: {  	[sflag:s30] =	ssyncset.done $0x0  }
0x43: {  	[sflag:s30] =	ssyncadd.s32 $0xFFFFF000  }
0x44: {  	[spmem:s23] =	stream.linear.scatter [tilespmem:s29], [sflag:$0x9], $0x1000, $0x38;
	[tilespmem:$0x18000] =	vst v63  }
0x45: {  	_ =	swait.ge [sflag:s30], $0x1000  }
0x46: {  	[sflag:s30] =	ssyncset.done $0x0  }
0x47: {  	s16 =	simm.s32 $0x80;
	s17 =	simm.s32 $0x0;
	[sflag:s30] =	ssyncadd.s32 $0xFFFFF000  }
.LBB2_2:
0x48: {  	p0 =	sne.s32 s16, $0x3F80;
	[tilespmem:s17+$0xA000] =	vst v0;
	s18 =	smov.u32 s16;
	s16 =	sadd.s32 $0x80, s16  }
.Ltmp0:
0x49: {  	[tilespmem:s17+$0xA010] =	vst v0;
	(pc) =	sbr.rel @p0 .LBB2_2-.Ltmp0, $2  }
0x4a: {  	_ =	sdelay $0x2  }
0x4b: {  	s17 =	sshra.s32 s18, $0x2  }
0x4c: {  	[tilespmem:s17+$0xA000] =	vst v0  }
0x4d: {  	[tilespmem:s17+$0xA010] =	vst v0  }
0x4e: {  	[spmem:s19] =	stream.linear.scatter [tilespmem:s29], [sflag:$0x9], $0x1000, $0x38;
	[tilespmem:$0x18000] =	vst v63  }
0x4f: {  	_ =	swait.ge [sflag:s30], $0x1000  }
0x50: {  	[sflag:s30] =	ssyncset.done $0x0  }
0x51: {  	[sflag:s30] =	ssyncadd.s32 $0xFFFFF000  }
0x52: {  	[spmem:s20] =	stream.linear.scatter [tilespmem:s29], [sflag:$0x9], $0x1000, $0x38;
	[tilespmem:$0x18000] =	vst v63  }
0x53: {  	_ =	swait.ge [sflag:s30], $0x1000  }
0x54: {  	[sflag:s30] =	ssyncset.done $0x0  }
0x55: {  	[sflag:s30] =	ssyncadd.s32 $0xFFFFF000  }
0x56: {  	[spmem:s21] =	stream.linear.scatter [tilespmem:s29], [sflag:$0x9], $0x1000, $0x38;
	[tilespmem:$0x18000] =	vst v63  }
0x57: {  	_ =	swait.ge [sflag:s30], $0x1000  }
0x58: {  	[sflag:s30] =	ssyncset.done $0x0  }
0x59: {  	[sflag:s30] =	ssyncadd.s32 $0xFFFFF000  }
0x5a: {  	[spmem:s22] =	stream.linear.scatter [tilespmem:s29], [sflag:$0x9], $0x1000, $0x38;
	[tilespmem:$0x18000] =	vst v63  }
0x5b: {  	_ =	swait.ge [sflag:s30], $0x1000  }
0x5c: {  	[sflag:s30] =	ssyncset.done $0x0  }
0x5d: {  	[sflag:s30] =	ssyncadd.s32 $0xFFFFF000  }
0x5e: {  	[spmem:s24] =	stream.linear.scatter [tilespmem:s29], [sflag:$0x9], $0x1000, $0x38;
	[tilespmem:$0x18000] =	vst v63  }
0x5f: {  	_ =	swait.ge [sflag:s30], $0x1000  }
0x60: {  	[sflag:s30] =	ssyncset.done $0x0  }
0x61: {  	s16 =	simm.s32 $0x0;
	[sflag:s30] =	ssyncadd.s32 $0xFFFFF000  }
0x62: {  	[tilespmem:s16], [sflag:$0x9] =	stream.linear.gather [hbm4b:s25+s16], $0x5000, $0x38;
	[tilespmem:$0x18000] =	vst v63  }
0x63: {  	_ =	swait.ge [sflag:s30], $0x5000  }
0x64: {  	[sflag:s30] =	ssyncset.done $0x0  }
0x65: {  	[sflag:s30] =	ssyncadd.s32 $0xFFFFB000  }
0x66: {  	[tilespmem:s31], [sflag:$0x9] =	stream.linear.gather [hbm4b:s26+s16], $0x5000, $0x38;
	[tilespmem:$0x18000] =	vst v63  }
0x67: {  	_ =	swait.ge [sflag:s30], $0x5000  }
0x68: {  	[sflag:s30] =	ssyncset.done $0x0  }
0x69: {  	[sflag:s30] =	ssyncadd.s32 $0xFFFFB000  }
0x6a: {  	[bflag:$0x0] =	sbarrier.arrive $0xFFFF  }
0x6b: {  	[tilespmem:s29], [sflag:$0x1] =	stream.indirect.gather [spmem:s2], $0x20, s16, s0, $0xb8;
	[tilespmem:$0x18000] =	vst v63  }
0x6c: {  	_ = 	snop  }
0x6d: {  	[tilespmem:s1], [sflag:$0x2] =	stream.indirect.gather [spmem:s2], $0x20, s0, s0, $0xb8;
	[tilespmem:$0x18000] =	vst v63  }
0x6e: {  	s17 =	simm.s32 $0x100  }
0x6f: {  	[tilespmem:s5], [sflag:$0x3] =	stream.indirect.gather [spmem:s2], $0x20, s17, s0, $0xb8;
	[tilespmem:$0x18000] =	vst v63  }
0x70: {  	_ =	swait.ge [sflag:s6], $0x1000  }
0x71: {  	[sflag:s6] =	ssyncset.done $0x0  }
0x72: {  	[sflag:s6] =	ssyncadd.s32 $0xFFFFF000  }
0x73: {  	[spmem:s3] =	stream.indirect.scatter.add.f32 [tilespmem:s29], [sflag:$0x5], $0x20, s31, s0, $0xb8;
	[tilespmem:$0x18000] =	vst v63  }
0x74: {  	s18 =	simm.s32 $0x180  }
0x75: {  	[tilespmem:s7], [sflag:$0x4] =	stream.indirect.gather [spmem:s2], $0x20, s18, s0, $0xb8;
	[tilespmem:$0x18000] =	vst v63  }
0x76: {  	_ =	swait.ge [sflag:s8], $0x1000  }
0x77: {  	[sflag:s8] =	ssyncset.done $0x0  }
0x78: {  	s17 =	simm.s32 $0x5080;
	[sflag:s8] =	ssyncadd.s32 $0xFFFFF000  }
0x79: {  	[spmem:s3] =	stream.indirect.scatter.add.f32 [tilespmem:s1], [sflag:$0x6], $0x20, s17, s0, $0xb8;
	[tilespmem:$0x18000] =	vst v63  }
0x7a: {  	_ =	swait.ge [sflag:s9], $0x1000  }
0x7b: {  	[sflag:s9] =	ssyncset.done $0x0  }
0x7c: {  	s18 =	simm.s32 $0x200;
	[sflag:s9] =	ssyncadd.s32 $0xFFFFF000  }
0x7d: {  	[tilespmem:s29], [sflag:$0x1] =	stream.indirect.gather [spmem:s2], $0x20, s18, s0, $0xb8;
	[tilespmem:$0x18000] =	vst v63  }
0x7e: {  	_ =	swait.ge [sflag:s10], $0x1000  }
0x7f: {  	[sflag:s10] =	ssyncset.done $0x0  }
0x80: {  	s17 =	simm.s32 $0x5100;
	[sflag:s10] =	ssyncadd.s32 $0xFFFFF000  }
0x81: {  	[spmem:s3] =	stream.indirect.scatter.add.f32 [tilespmem:s5], [sflag:$0x7], $0x20, s17, s0, $0xb8;
	[tilespmem:$0x18000] =	vst v63  }
0x82: {  	_ =	swait.ge [sflag:s11], $0x1000  }
0x83: {  	[sflag:s11] =	ssyncset.done $0x0  }
0x84: {  	s18 =	simm.s32 $0x280;
	[sflag:s11] =	ssyncadd.s32 $0xFFFFF000  }
0x85: {  	[tilespmem:s1], [sflag:$0x2] =	stream.indirect.gather [spmem:s2], $0x20, s18, s0, $0xb8;
	[tilespmem:$0x18000] =	vst v63  }
0x86: {  	_ =	swait.ge [sflag:s12], $0x1000  }
0x87: {  	[sflag:s12] =	ssyncset.done $0x0  }
0x88: {  	s17 =	simm.s32 $0x5180;
	[sflag:s12] =	ssyncadd.s32 $0xFFFFF000  }
0x89: {  	[spmem:s3] =	stream.indirect.scatter.add.f32 [tilespmem:s7], [sflag:$0x8], $0x20, s17, s0, $0xb8;
	[tilespmem:$0x18000] =	vst v63  }
0x8a: {  	_ =	swait.ge [sflag:s13], $0x1000  }
0x8b: {  	[sflag:s13] =	ssyncset.done $0x0  }
0x8c: {  	s18 =	simm.s32 $0x300;
	[sflag:s13] =	ssyncadd.s32 $0xFFFFF000  }
0x8d: {  	[tilespmem:s5], [sflag:$0x3] =	stream.indirect.gather [spmem:s2], $0x20, s18, s0, $0xb8;
	[tilespmem:$0x18000] =	vst v63  }
0x8e: {  	_ =	swait.ge [sflag:s6], $0x1000  }
0x8f: {  	[sflag:s6] =	ssyncset.done $0x0  }
0x90: {  	s17 =	simm.s32 $0x5200;
	[sflag:s6] =	ssyncadd.s32 $0xFFFFF000  }
0x91: {  	[spmem:s3] =	stream.indirect.scatter.add.f32 [tilespmem:s29], [sflag:$0x5], $0x20, s17, s0, $0xb8;
	[tilespmem:$0x18000] =	vst v63  }
0x92: {  	_ =	swait.ge [sflag:s14], $0x1000  }
0x93: {  	[sflag:s14] =	ssyncset.done $0x0  }
0x94: {  	s18 =	simm.s32 $0x380;
	[sflag:s14] =	ssyncadd.s32 $0xFFFFF000  }
0x95: {  	[tilespmem:s7], [sflag:$0x4] =	stream.indirect.gather [spmem:s2], $0x20, s18, s0, $0xb8;
	[tilespmem:$0x18000] =	vst v63  }
0x96: {  	_ =	swait.ge [sflag:s8], $0x1000  }
0x97: {  	[sflag:s8] =	ssyncset.done $0x0  }
0x98: {  	s17 =	simm.s32 $0x5280;
	[sflag:s8] =	ssyncadd.s32 $0xFFFFF000  }
0x99: {  	[spmem:s3] =	stream.indirect.scatter.add.f32 [tilespmem:s1], [sflag:$0x6], $0x20, s17, s0, $0xb8;
	[tilespmem:$0x18000] =	vst v63  }
0x9a: {  	_ =	swait.ge [sflag:s9], $0x1000  }
0x9b: {  	[sflag:s9] =	ssyncset.done $0x0  }
0x9c: {  	s18 =	simm.s32 $0x400;
	[sflag:s9] =	ssyncadd.s32 $0xFFFFF000  }
0x9d: {  	[tilespmem:s29], [sflag:$0x1] =	stream.indirect.gather [spmem:s2], $0x20, s18, s0, $0xb8;
	[tilespmem:$0x18000] =	vst v63  }
0x9e: {  	_ =	swait.ge [sflag:s10], $0x1000  }
0x9f: {  	[sflag:s10] =	ssyncset.done $0x0  }
0xa0: {  	s17 =	simm.s32 $0x5300;
	[sflag:s10] =	ssyncadd.s32 $0xFFFFF000  }
0xa1: {  	[spmem:s3] =	stream.indirect.scatter.add.f32 [tilespmem:s5], [sflag:$0x7], $0x20, s17, s0, $0xb8;
	[tilespmem:$0x18000] =	vst v63  }
0xa2: {  	_ =	swait.ge [sflag:s11], $0x1000  }
0xa3: {  	[sflag:s11] =	ssyncset.done $0x0  }
0xa4: {  	s18 =	simm.s32 $0x480;
	[sflag:s11] =	ssyncadd.s32 $0xFFFFF000  }
0xa5: {  	[tilespmem:s1], [sflag:$0x2] =	stream.indirect.gather [spmem:s2], $0x20, s18, s0, $0xb8;
	[tilespmem:$0x18000] =	vst v63  }
0xa6: {  	_ =	swait.ge [sflag:s12], $0x1000  }
0xa7: {  	[sflag:s12] =	ssyncset.done $0x0  }
0xa8: {  	s16 =	simm.s32 $0x800;
	s17 =	simm.s32 $0x5380;
	[sflag:s12] =	ssyncadd.s32 $0xFFFFF000  }
.LBB2_4:
0xa9: {  	[spmem:s3] =	stream.indirect.scatter.add.f32 [tilespmem:s7], [sflag:$0x8], $0x20, s17, s0, $0xb8;
	[tilespmem:$0x18000] =	vst v63  }
0xaa: {  	s17 =	smov.u32 s16  }
0xab: {  	p0 =	sne.s32 s16, $0x12800;
	s16 =	sadd.s32 $0x800, s16;
	_ =	swait.ge [sflag:s13], $0x1000  }
0xac: {  	s17 =	sshra.s32 s17, $0x2;
	[sflag:s13] =	ssyncset.done $0x0  }
0xad: {  	s18 =	sadd.s32 $0x300, s17;
	[sflag:s13] =	ssyncadd.s32 $0xFFFFF000  }
0xae: {  	[tilespmem:s5], [sflag:$0x3] =	stream.indirect.gather [spmem:s2], $0x20, s18, s0, $0xb8;
	[tilespmem:$0x18000] =	vst v63  }
0xaf: {  	_ =	swait.ge [sflag:s6], $0x1000  }
0xb0: {  	[sflag:s6] =	ssyncset.done $0x0  }
0xb1: {  	s18 =	sadd.s32 $0x5200, s17;
	[sflag:s6] =	ssyncadd.s32 $0xFFFFF000  }
0xb2: {  	[spmem:s3] =	stream.indirect.scatter.add.f32 [tilespmem:s29], [sflag:$0x5], $0x20, s18, s0, $0xb8;
	[tilespmem:$0x18000] =	vst v63  }
0xb3: {  	_ =	swait.ge [sflag:s14], $0x1000  }
0xb4: {  	[sflag:s14] =	ssyncset.done $0x0  }
0xb5: {  	s18 =	sadd.s32 $0x380, s17;
	[sflag:s14] =	ssyncadd.s32 $0xFFFFF000  }
0xb6: {  	[tilespmem:s7], [sflag:$0x4] =	stream.indirect.gather [spmem:s2], $0x20, s18, s0, $0xb8;
	[tilespmem:$0x18000] =	vst v63  }
0xb7: {  	_ =	swait.ge [sflag:s8], $0x1000  }
0xb8: {  	[sflag:s8] =	ssyncset.done $0x0  }
0xb9: {  	s18 =	sadd.s32 $0x5280, s17;
	[sflag:s8] =	ssyncadd.s32 $0xFFFFF000  }
0xba: {  	[spmem:s3] =	stream.indirect.scatter.add.f32 [tilespmem:s1], [sflag:$0x6], $0x20, s18, s0, $0xb8;
	[tilespmem:$0x18000] =	vst v63  }
0xbb: {  	_ =	swait.ge [sflag:s9], $0x1000  }
0xbc: {  	[sflag:s9] =	ssyncset.done $0x0  }
0xbd: {  	s18 =	sadd.s32 $0x400, s17;
	[sflag:s9] =	ssyncadd.s32 $0xFFFFF000  }
0xbe: {  	[tilespmem:s29], [sflag:$0x1] =	stream.indirect.gather [spmem:s2], $0x20, s18, s0, $0xb8;
	[tilespmem:$0x18000] =	vst v63  }
0xbf: {  	_ =	swait.ge [sflag:s10], $0x1000  }
0xc0: {  	[sflag:s10] =	ssyncset.done $0x0  }
0xc1: {  	s18 =	sadd.s32 $0x5300, s17;
	[sflag:s10] =	ssyncadd.s32 $0xFFFFF000  }
0xc2: {  	[spmem:s3] =	stream.indirect.scatter.add.f32 [tilespmem:s5], [sflag:$0x7], $0x20, s18, s0, $0xb8;
	[tilespmem:$0x18000] =	vst v63  }
0xc3: {  	_ =	swait.ge [sflag:s11], $0x1000  }
0xc4: {  	[sflag:s11] =	ssyncset.done $0x0  }
.Ltmp1:
0xc5: {  	s18 =	sadd.s32 $0x480, s17;
	[sflag:s11] =	ssyncadd.s32 $0xFFFFF000;
	(pc) =	sbr.rel @p0 .LBB2_4-.Ltmp1, $4  }
0xc6: {  	[tilespmem:s1], [sflag:$0x2] =	stream.indirect.gather [spmem:s2], $0x20, s18, s0, $0xb8;
	[tilespmem:$0x18000] =	vst v63  }
0xc7: {  	_ =	swait.ge [sflag:s12], $0x1000  }
0xc8: {  	[sflag:s12] =	ssyncset.done $0x0  }
0xc9: {  	s17 =	sadd.s32 $0x5380, s17;
	[sflag:s12] =	ssyncadd.s32 $0xFFFFF000  }
0xca: {  	[spmem:s3] =	stream.indirect.scatter.add.f32 [tilespmem:s7], [sflag:$0x8], $0x20, s17, s0, $0xb8;
	[tilespmem:$0x18000] =	vst v63  }
0xcb: {  	_ =	swait.ge [sflag:s13], $0x1000  }
0xcc: {  	[sflag:s13] =	ssyncset.done $0x0  }
0xcd: {  	s16 =	simm.s32 $0x4F00;
	[sflag:s13] =	ssyncadd.s32 $0xFFFFF000  }
0xce: {  	[tilespmem:s5], [sflag:$0x3] =	stream.indirect.gather [spmem:s2], $0x20, s16, s0, $0xb8;
	[tilespmem:$0x18000] =	vst v63  }
0xcf: {  	_ =	swait.ge [sflag:s6], $0x1000  }
0xd0: {  	[sflag:s6] =	ssyncset.done $0x0  }
0xd1: {  	s17 =	simm.s32 $0x9E00;
	[sflag:s6] =	ssyncadd.s32 $0xFFFFF000  }
0xd2: {  	[spmem:s3] =	stream.indirect.scatter.add.f32 [tilespmem:s29], [sflag:$0x5], $0x20, s17, s0, $0xb8;
	[tilespmem:$0x18000] =	vst v63  }
0xd3: {  	_ =	swait.ge [sflag:s14], $0x1000  }
0xd4: {  	[sflag:s14] =	ssyncset.done $0x0  }
0xd5: {  	s18 =	simm.s32 $0x4F80;
	[sflag:s14] =	ssyncadd.s32 $0xFFFFF000  }
0xd6: {  	[tilespmem:s7], [sflag:$0x4] =	stream.indirect.gather [spmem:s2], $0x20, s18, s0, $0xb8;
	[tilespmem:$0x18000] =	vst v63  }
0xd7: {  	_ =	swait.ge [sflag:s8], $0x1000  }
0xd8: {  	[sflag:s8] =	ssyncset.done $0x0  }
0xd9: {  	s17 =	simm.s32 $0x9E80;
	[sflag:s8] =	ssyncadd.s32 $0xFFFFF000  }
0xda: {  	[spmem:s3] =	stream.indirect.scatter.add.f32 [tilespmem:s1], [sflag:$0x6], $0x20, s17, s0, $0xb8;
	[tilespmem:$0x18000] =	vst v63  }
0xdb: {  	_ =	swait.ge [sflag:s10], $0x1000  }
0xdc: {  	[sflag:s10] =	ssyncset.done $0x0  }
0xdd: {  	s18 =	simm.s32 $0x9F00;
	[sflag:s10] =	ssyncadd.s32 $0xFFFFF000  }
0xde: {  	[spmem:s3] =	stream.indirect.scatter.add.f32 [tilespmem:s5], [sflag:$0x7], $0x20, s18, s0, $0xb8;
	[tilespmem:$0x18000] =	vst v63  }
0xdf: {  	_ =	swait.ge [sflag:s12], $0x1000  }
0xe0: {  	[sflag:s12] =	ssyncset.done $0x0  }
0xe1: {  	s17 =	simm.s32 $0x9F80;
	[sflag:s12] =	ssyncadd.s32 $0xFFFFF000  }
0xe2: {  	[spmem:s3] =	stream.indirect.scatter.add.f32 [tilespmem:s7], [sflag:$0x8], $0x20, s17, s0, $0xb8;
	[tilespmem:$0x18000] =	vst v63  }
0xe3: {  	_ =	swait.ge [sflag:s9], $0x1000  }
0xe4: {  	[sflag:s9] =	ssyncset.done $0x0  }
0xe5: {  	[sflag:s9] =	ssyncadd.s32 $0xFFFFF000  }
0xe6: {  	_ =	swait.ge [sflag:s11], $0x1000  }
0xe7: {  	[sflag:s11] =	ssyncset.done $0x0  }
0xe8: {  	[sflag:s11] =	ssyncadd.s32 $0xFFFFF000  }
0xe9: {  	_ =	swait.ge [sflag:s13], $0x1000  }
0xea: {  	[sflag:s13] =	ssyncset.done $0x0  }
0xeb: {  	[sflag:s13] =	ssyncadd.s32 $0xFFFFF000  }
0xec: {  	_ =	swait.ge [sflag:s14], $0x1000  }
0xed: {  	[sflag:s14] =	ssyncset.done $0x0  }
0xee: {  	[sflag:s14] =	ssyncadd.s32 $0xFFFFF000  }
0xef: {  	[bflag:$0x0] =	sbarrier.arrive $0xFFFF  }
0xf0: {  	[tilespmem:s29], [sflag:$0x9] =	stream.linear.gather [spmem:s19], $0x1000, $0x38;
	[tilespmem:$0x18000] =	vst v63  }
0xf1: {  	_ =	swait.ge [sflag:s30], $0x1000  }
0xf2: {  	[sflag:s30] =	ssyncset.done $0x0  }
0xf3: {  	s18 =	rddreg [dreg:$0xc];
	[sflag:s30] =	ssyncadd.s32 $0xFFFFF000  }
0xf4: {  	[hbm4b:s18+s4] =	stream.linear.scatter [tilespmem:s29], [sflag:$0x9], $0x1000, $0x38;
	[tilespmem:$0x18000] =	vst v63  }
0xf5: {  	_ =	swait.ge [sflag:s30], $0x1000  }
0xf6: {  	[sflag:s30] =	ssyncset.done $0x0  }
0xf7: {  	[sflag:s30] =	ssyncadd.s32 $0xFFFFF000  }
0xf8: {  	[tilespmem:s29], [sflag:$0x9] =	stream.linear.gather [spmem:s20], $0x1000, $0x38;
	[tilespmem:$0x18000] =	vst v63  }
0xf9: {  	_ =	swait.ge [sflag:s30], $0x1000  }
0xfa: {  	[sflag:s30] =	ssyncset.done $0x0  }
0xfb: {  	s17 =	rddreg [dreg:$0xd];
	[sflag:s30] =	ssyncadd.s32 $0xFFFFF000  }
0xfc: {  	[hbm4b:s17+s4] =	stream.linear.scatter [tilespmem:s29], [sflag:$0x9], $0x1000, $0x38;
	[tilespmem:$0x18000] =	vst v63  }
0xfd: {  	_ =	swait.ge [sflag:s30], $0x1000  }
0xfe: {  	[sflag:s30] =	ssyncset.done $0x0  }
0xff: {  	[sflag:s30] =	ssyncadd.s32 $0xFFFFF000  }
0x100: {  	[tilespmem:s29], [sflag:$0x9] =	stream.linear.gather [spmem:s21], $0x1000, $0x38;
	[tilespmem:$0x18000] =	vst v63  }
0x101: {  	_ =	swait.ge [sflag:s30], $0x1000  }
0x102: {  	[sflag:s30] =	ssyncset.done $0x0  }
0x103: {  	s18 =	rddreg [dreg:$0xe];
	[sflag:s30] =	ssyncadd.s32 $0xFFFFF000  }
0x104: {  	[hbm4b:s18+s4] =	stream.linear.scatter [tilespmem:s29], [sflag:$0x9], $0x1000, $0x38;
	[tilespmem:$0x18000] =	vst v63  }
0x105: {  	_ =	swait.ge [sflag:s30], $0x1000  }
0x106: {  	[sflag:s30] =	ssyncset.done $0x0  }
0x107: {  	[sflag:s30] =	ssyncadd.s32 $0xFFFFF000  }
0x108: {  	[tilespmem:s29], [sflag:$0x9] =	stream.linear.gather [spmem:s22], $0x1000, $0x38;
	[tilespmem:$0x18000] =	vst v63  }
0x109: {  	_ =	swait.ge [sflag:s30], $0x1000  }
0x10a: {  	[sflag:s30] =	ssyncset.done $0x0  }
0x10b: {  	s17 =	rddreg [dreg:$0xf];
	[sflag:s30] =	ssyncadd.s32 $0xFFFFF000  }
0x10c: {  	[hbm4b:s17+s4] =	stream.linear.scatter [tilespmem:s29], [sflag:$0x9], $0x1000, $0x38;
	[tilespmem:$0x18000] =	vst v63  }
0x10d: {  	_ =	swait.ge [sflag:s30], $0x1000  }
0x10e: {  	[sflag:s30] =	ssyncset.done $0x0  }
0x10f: {  	[sflag:s30] =	ssyncadd.s32 $0xFFFFF000  }
0x110: {  	[tilespmem:s29], [sflag:$0x9] =	stream.linear.gather [spmem:s24], $0x1000, $0x38;
	[tilespmem:$0x18000] =	vst v63  }
0x111: {  	s15 =	sadd.s32 $0x1, s15;
	_ =	swait.ge [sflag:s30], $0x1000  }
0x112: {  	p0 =	sne.s32 s15, s28;
	[sflag:s30] =	ssyncset.done $0x0  }
.Ltmp2:
0x113: {  	s18 =	rddreg [dreg:$0x10];
	[sflag:s30] =	ssyncadd.s32 $0xFFFFF000;
	(pc) =	sbr.rel @p0 .LBB2_1-.Ltmp2, $4  }
0x114: {  	[hbm4b:s18+s4] =	stream.linear.scatter [tilespmem:s29], [sflag:$0x9], $0x1000, $0x38;
	[tilespmem:$0x18000] =	vst v63  }
0x115: {  	_ =	swait.ge [sflag:s30], $0x1000  }
0x116: {  	[sflag:s30] =	ssyncset.done $0x0  }
0x117: {  	[sflag:s30] =	ssyncadd.s32 $0xFFFFF000  }
0x118: {  	_ =	sfence.sel $0x180000  }
0x119: {  	[bflag:$0x0] =	sbarrier.arrive $0xFFFF  }
0x11a: {  	_ =	strace $0x9000004D  }
0x11b: {  	s0 =	stileid.u32;
	[bflag:$0x2] =	sbarrier.arrive $0xFFFF  }
0x11c: {  	p0 =	sne.s32 s0, $0x0;
	s0 =	rddreg [dreg:$0x3]  }
0x11d: {  	s0 =	sadd.s32 @!p0 $0x100000, s0  }
0x11e: {  	[sflag:s0] =	ssyncadd.tile.s32 @!p0 $0x1;
	_ =	shalt  }
.Lfunc_end2:
_tile_overlayer_lowered:
.L_overlay_start_2:
0x11f: {  	(tag) =	ssettag $0x2  }
0x120: {  	s0 =	rddreg [dreg:$0x0];
	s2 =	stileid.u32  }
0x121: {  	s1 =	rddreg [dreg:$0x1];
	p0 =	sne.s32 s2, $0x0  }
0x122: {  	s3 =	rddreg [dreg:$0x2];
	[bflag:$0x3] =	sbarrier.arrive $0xFFFF;
	s2 =	simm.s32 @!p0 $0x1C09  }
0x123: {  	[timem:s3], [sflag:s2] =	dma.local @!p0 [hbm:s0], s1  }
0x124: {  	s0 =	simm.s32 @!p0 $0x9  }
0x125: {  	_ =	swait.ge @!p0 [sflag:s0], s1  }
0x126: {  	s1 =	ssub.s32 @!p0 $0x0, s1;
	[sflag:s0] =	ssyncset.done @!p0 $0x0  }
0x127: {  	[sflag:s0] =	ssyncadd.s32 @!p0 s1  }
0x128: {  	[bflag:$0x3] =	sbarrier.arrive $0xFFFF  }
0x129: {  	_ =	shalt  }

// kernel: kernel.17.cloned.1.call-start
scs
__scs_entry_jumppad:
0x0: {  	(pc) =	sbr.rel $0x88, $3  }
0x1: {  	(tag) =	ssettag $0x0;
	lr =	simm.s32 $0x1  }
0x2: {  	[smem:$0x3F91] =	sst lr;
	_ =	strace $0xD0000000  }
0x3: {  	_ = 	snop  }
0x4: {  	_ = 	snop  }
0x5: {  	_ = 	snop  }
0x6: {  	_ = 	snop  }
0x7: {  	_ = 	snop  }
__scs_overlays_trampoline_lowered:
0x8: {  	[smem:$0x3FA0] =	sst s0  }
0x9: {  	[smem:$0x3FA1] =	sst s1  }
0xa: {  	[smem:$0x3FA2] =	sst s2  }
0xb: {  	[smem:$0x3FA3] =	sst s3  }
0xc: {  	[smem:$0x3FA4] =	sst s4  }
0xd: {  	[smem:$0x3FA5] =	sst s5  }
0xe: {  	[smem:$0x3FA6] =	sst s6  }
0xf: {  	[smem:$0x3FA7] =	sst s7  }
0x10: {  	[smem:$0x3FA8] =	sst s8  }
0x11: {  	[smem:$0x3FA9] =	sst s9;
	s0 =	simm.s32 @!p0 $0x0  }
0x12: {  	s1 =	sld [smem:$0x3F8F];
	s0 =	simm.s32 @p0 $0x1  }
0x13: {  	[smem:$0x3FAA] =	sst s0;
	s0 =	simm.s32 @!p1 $0x0  }
0x14: {  	s2 =	sld [smem:$0x3F8E];
	s0 =	simm.s32 @p1 $0x1  }
0x15: {  	[smem:$0x3FAB] =	sst s0;
	s0 =	simm.s32 @!p2 $0x0  }
0x16: {  	s3 =	sld [smem:$0x3FDB];
	s0 =	simm.s32 @p2 $0x1  }
0x17: {  	s4 =	simm.s32 $0x1BF5;
	[smem:$0x3FAD] =	sst s0  }
0x18: {  	s0 =	sld [smem:$0x3F90];
	_ =	swait.ge [sflag:s4], $0x0  }
0x19: {  	s7 =	sld [smem:$0x3F91]  }
0x1a: {  	s8 =	sadd.s32 $0xFFFFE003, lr  }
0x1b: {  	s9 =	sadd.s32 $0xFFFFFEF7, lr;
	s5 =	simm.s32 $0xFFFFFFFF;
	p2 =	slt.u32 s8, $0xFFFFF086  }
0x1c: {  	p1 =	slt.u32 s9, $0xF7A;
	s5 =	simm.s32 @!p2 $0x0  }
0x1d: {  	s5 =	simm.s32 @p1 $0x1;
	p0 =	seq.s32 s7, s2  }
0x1e: {  	s7 =	smul.u32 @!p0 $0xF7A, s2;
	p2 =	seq.s32 @!p0 s5, $0x0  }
0x1f: {  	s9 =	smul.u32 $0xF7A, s1;
	s8 =	simm.s32 @!p0 $0x1BF5;
	p2 =	por !p2, p0  }
0x20: {  	[sflag:s8] =	ssyncset.s32 @!p0 $0xFFFFF086;
	s6 =	sadd.s32 @!p0 s3, s7;
	s7 =	simm.s32 @!p0 $0x108  }
0x21: {  	s3 =	sadd.s32 s3, s9;
	s6 =	sadd.s32 @!p0 $0x88, s6;
	s7 =	simm.s32 @p2 $0x1082  }
0x22: {  	[simem:s7], [sflag:s8] =	dma.local @!p0 [hbm:s6], $0xF7A  }
0x23: {  	s9 =	sor.u32 $0xD0000000, s2;
	s6 =	simm.s32 $0x108;
	_ =	swait.ge @!p0 [sflag:s8], $0x0  }
0x24: {  	s3 =	sadd.s32 $0x88, s3;
	s6 =	simm.s32 @!p1 $0x1082;
	[sflag:s4] =	ssyncset.s32 $0xFFFFF086  }
0x25: {  	[simem:s6], [sflag:s4] =	dma.local [hbm:s3], $0xF7A  }
0x26: {  	[smem:$0x3F91] =	sst s1;
	(tag) =	ssettag s2;
	_ =	strace s9  }
0x27: {  	s1 =	sld [smem:$0x3FA1]  }
0x28: {  	s2 =	sld [smem:$0x3FA2]  }
0x29: {  	s4 =	sld [smem:$0x3FA4]  }
0x2a: {  	p0 =	seq.s32 s5, $0x0;
	s5 =	sld [smem:$0x3FA5]  }
0x2b: {  	s6 =	sld [smem:$0x3FA6]  }
0x2c: {  	s7 =	sld [smem:$0x3FA7]  }
0x2d: {  	s3 =	simm.s32 $0x108;
	s8 =	sld [smem:$0x3FA8]  }
0x2e: {  	s3 =	simm.s32 @!p0 $0x1082;
	s9 =	sld [smem:$0x3FA9]  }
0x2f: {  	lr =	sadd.s32 s0, s3;
	s0 =	sld [smem:$0x3FA0]  }
0x30: {  	s3 =	sld [smem:$0x3FA3]  }
0x31: {  	[smem:$0x3FAC] =	sst s10  }
0x32: {  	s10 =	sld [smem:$0x3FAA];
	_ =	sdelay $0x3  }
0x33: {  	p0 =	seq.s32 s10, $0x1;
	s10 =	sld [smem:$0x3FAC];
	_ =	sdelay $0x3  }
0x34: {  	[smem:$0x3FAC] =	sst s10  }
0x35: {  	s10 =	sld [smem:$0x3FAB];
	_ =	sdelay $0x3  }
0x36: {  	p1 =	seq.s32 s10, $0x1;
	s10 =	sld [smem:$0x3FAC];
	_ =	sdelay $0x3  }
0x37: {  	[smem:$0x3FAC] =	sst s10  }
0x38: {  	s10 =	sld [smem:$0x3FAD]  }
0x39: {  	_ = 	snop;
	(pc) =	sbr.ind lr, $3  }
0x3a: {  	_ = 	snop  }
0x3b: {  	_ = 	snop  }
0x3c: {  	p2 =	seq.s32 s10, $0x1;
	s10 =	sld [smem:$0x3FAC]  }
0x3d: {  	_ =	shalt  }
0x3e: {  	_ =	shalt  }
0x3f: {  	_ =	shalt  }
0x40: {  	_ =	shalt  }
0x41: {  	_ =	shalt  }
0x42: {  	_ =	shalt  }
0x43: {  	_ =	shalt  }
0x44: {  	_ =	shalt  }
0x45: {  	_ =	shalt  }
0x46: {  	_ =	shalt  }
0x47: {  	_ =	shalt  }
0x48: {  	_ =	shalt  }
0x49: {  	_ =	shalt  }
0x4a: {  	_ =	shalt  }
0x4b: {  	_ =	shalt  }
0x4c: {  	_ =	shalt  }
0x4d: {  	_ =	shalt  }
0x4e: {  	_ =	shalt  }
0x4f: {  	_ =	shalt  }
0x50: {  	_ =	shalt  }
0x51: {  	_ =	shalt  }
0x52: {  	_ =	shalt  }
0x53: {  	_ =	shalt  }
0x54: {  	_ =	shalt  }
0x55: {  	_ =	shalt  }
0x56: {  	_ =	shalt  }
0x57: {  	_ =	shalt  }
0x58: {  	_ =	shalt  }
0x59: {  	_ =	shalt  }
0x5a: {  	_ =	shalt  }
0x5b: {  	_ =	shalt  }
0x5c: {  	_ =	shalt  }
0x5d: {  	_ =	shalt  }
0x5e: {  	_ =	shalt  }
0x5f: {  	_ =	shalt  }
0x60: {  	_ =	shalt  }
0x61: {  	_ =	shalt  }
0x62: {  	_ =	shalt  }
0x63: {  	_ =	shalt  }
0x64: {  	_ =	shalt  }
0x65: {  	_ =	shalt  }
0x66: {  	_ =	shalt  }
0x67: {  	_ =	shalt  }
0x68: {  	_ =	shalt  }
0x69: {  	_ =	shalt  }
0x6a: {  	_ =	shalt  }
0x6b: {  	_ =	shalt  }
0x6c: {  	_ =	shalt  }
0x6d: {  	_ =	shalt  }
0x6e: {  	_ =	shalt  }
0x6f: {  	_ =	shalt  }
0x70: {  	_ =	shalt  }
0x71: {  	_ =	shalt  }
0x72: {  	_ =	shalt  }
0x73: {  	_ =	shalt  }
0x74: {  	_ =	shalt  }
0x75: {  	_ =	shalt  }
0x76: {  	_ =	shalt  }
0x77: {  	_ =	shalt  }
0x78: {  	_ =	shalt  }
0x79: {  	_ =	shalt  }
0x7a: {  	_ =	shalt  }
0x7b: {  	_ =	shalt  }
0x7c: {  	_ =	shalt  }
0x7d: {  	_ =	shalt  }
0x7e: {  	_ =	shalt  }
0x7f: {  	_ =	shalt  }
0x80: {  	_ =	shalt  }
0x81: {  	_ =	shalt  }
0x82: {  	_ =	shalt  }
0x83: {  	_ =	shalt  }
0x84: {  	_ =	shalt  }
0x85: {  	_ =	shalt  }
0x86: {  	_ =	shalt  }
0x87: {  	_ =	shalt  }
.Lfunc_end0:
.L_simem_size_0:
called_computation.2_lowered:
.L_overlay_start_0:
0x88: {  	s2 =	sld [smem:$0x3FD9]  }
0x89: {  	s3 =	sld [smem:$0x3FFE];
	_ =	sdelay $0x1  }
0x8a: {  	s1 =	srdreg.scid  }
0x8b: {  	s0 =	sand.u32 $0x1, s1  }
0x8c: {  	s16 =	sshll.u32 s0, $0xA;
	s2 =	sadd.s32 s3, s2  }
0x8d: {  	s2 =	sadd.s32 s2, s16  }
0x8e: {  	[smem:$0x3FB8] =	sst s2  }
0x8f: {  	_ = 	snop  }
0x90: {  	(tm) =	ssettm $0x1  }
0x91: {  	s17 =	sld [smem:$0x3FFB];
	_ =	sdelay $0x3  }
0x92: {  	_ =	strace s17  }
0x93: {  	s2 =	sld [smem:$0x3FFC];
	_ =	sdelay $0x3  }
0x94: {  	_ =	strace s2  }
0x95: {  	s2 =	sld [smem:$0x3FFD];
	_ =	sdelay $0x3  }
0x96: {  	_ =	strace s2  }
0x97: {  	_ =	strace $0x8FFFFFFF  }
0x98: {  	s18 =	sld [smem:$0x3FDB];
	_ =	sdelay $0x1  }
0x99: {  	s19 =	simm.s32 $_scs_section_size  }
0x9a: {  	s4 =	simm.s32 $_size__tile_overlayer_lowered;
	s5 =	simm.s32 $_tile_overlayer_lowered  }
0x9b: {  	s22 =	simm.s32 $0x1BFF;
	s21 =	sshll.u32 s5, $0x1;
	s2 =	sadd.s32 s19, s18  }
0x9c: {  	s6 =	simm.s32 $0x0;
	s20 =	sshll.u32 s4, $0x1;
	s4 =	sadd.s32 s21, s2  }
0x9d: {  	[timem:s6], [sflag:s22] =	dma.local [hbm:s4], s20  }
0x9e: {  	_ =	swait.ge [sflag:s22], s20  }
0x9f: {  	s3 =	ssub.s32 $0x0, s20;
	[sflag:s22] =	ssyncset.done $0x0  }
0xa0: {  	[sflag:s22] =	ssyncadd.s32 s3;
	_ =	sdelay $0x1  }
0xa1: {  	s23 =	simm.s32 $0x1B8B  }
0xa2: {  	_ =	swait.ge [sflag:s23], $0x1  }
0xa3: {  	[sflag:s23] =	ssyncset.done $0x0  }
0xa4: {  	s25 =	simm.s32 $0x1B8E;
	s24 =	sld [smem:$0x3FFE];
	[sflag:s23] =	ssyncadd.s32 $0xFFFFFFFF  }
0xa5: {  	s26 =	simm.s32 $execute0_lowered;
	[smem:$0x3FD2] =	sst s25  }
0xa6: {  	s4 =	sshll.u32 s26, $0x1;
	_ =	strace $0x80000049;
	[dreg:$0x1] =	wrdreg $0xFFFFFFFF  }
0xa7: {  	s28 =	simm.s32 $_size_execute0_lowered;
	s2 =	sadd.s32 s2, s4;
	[dreg:$0x0] =	wrdreg $0x0  }
0xa8: {  	s4 =	sshll.u32 s28, $0x1;
	[dreg:$0x2] =	wrdreg s2  }
0xa9: {  	[dreg:$0x3] =	wrdreg s4  }
0xaa: {  	[dreg:$0x4] =	wrdreg $0xC0  }
0xab: {  	_ =	task [dreg:s6], $0x5FFFF  }
0xac: {  	[dreg:$0x1] =	wrdreg $0xFFFFFFFF  }
0xad: {  	[dreg:$0x0] =	wrdreg $0x60  }
0xae: {  	[dreg:$0x2] =	wrdreg s24  }
0xaf: {  	[dreg:$0x3] =	wrdreg $0x130000  }
0xb0: {  	[dreg:$0x4] =	wrdreg $0xE0000  }
0xb1: {  	[dreg:$0x5] =	wrdreg $0xA  }
0xb2: {  	_ =	task.clear_ibuf [dreg:s6], $0x6FFFF;
	_ =	strace $0x90000049  }
0xb3: {  	s29 =	simm.s32 $0xA;
	_ =	strace $0x8000004B  }
0xb4: {  	_ =	swait.ge [sflag:s29], $0x1  }
0xb5: {  	[sflag:s29] =	ssyncadd.s32 $0xFFFFFFFF  }
0xb6: {  	_ =	strace $0x9000004B  }
0xb7: {  	_ =	sfence  }
0xb8: {  	s30 =	sld [smem:$0x0];
	_ =	sdelay $0x2  }
0xb9: {  	s31 =	sshll.u32 s1, $0xD;
	s1 =	sshrl.u32 s1, $0x2  }
0xba: {  	s3 =	sand.u32 $0x4000, s31;
	s1 =	sadd.s32 s1, s30  }
0xbb: {  	s0 =	sor.u32 s3, s0;
	s1 =	sshll.u32 s1, $0x11  }
0xbc: {  	s0 =	sor.u32 s1, s0  }
0xbd: {  	s0 =	sadd.s32 $0x8F2B, s0  }
0xbe: {  	[sflag:s0] =	ssyncadd.remote.s32 $0x1  }
0xbf: {  	_ =	sfence.sel $0xFFFF  }
0xc0: {  	[dreg:$0x0] =	wrdreg $0xFFFFFFFF;
	(pc) =	sbr.abs _section_cstart, $3  }
0xc1: {  	[dreg:$0x1] =	wrdreg $0xFFFFFFFF  }
0xc2: {  	_ =	task.clear_ibuf [dreg:s6], $0x2FFFF;
	_ =	strace $0x9FFFFFFF  }
0xc3: {  	(tm) =	ssettm $0x7FFFFFFF  }
tec
execute0_lowered:
.L_overlay_start_1:
0x0: {  	(tag) =	ssettag $0x1  }
0x1: {  	s0 =	rddreg [dreg:$0x0]  }
0x2: {  	s2 =	rddreg [dreg:$0x1]  }
0x3: {  	s3 =	rddreg [dreg:$0x2];
	s7 =	stileid.u32  }
0x4: {  	s1 =	srdreg.scid;
	s4 =	simm.s32 $0x0;
	s29 =	simm.s32 $0xA000  }
0x5: {  	s30 =	simm.s32 $0x9;
	s31 =	simm.s32 $0x5000;
	s5 =	smul.u32 $0xA00, s7  }
0x6: {  	s1 =	sand.u32 $0x1, s1;
	[smem:$0x7FF] =	sst s4;
	s7 =	smul.u32 $0x5000, s7  }
0x7: {  	s8 =	sadd.s32 $0xC1C00, s0;
	s6 =	smul.u32 $0x50000, s1;
	_ =	strace $0x8000004A  }
0x8: {  	s1 =	ssub.s32 $0x2, s1;
	s5 =	sadd.s32 s5, s0;
	s0 =	sadd.s32 $0xD5C00, s0  }
0x9: {  	s10 =	sadd.s32 $0x1000, s7;
	s11 =	sshrl.u32 s1, $0x1;
	s16 =	sadd.s32 s7, s2  }
0xa: {  	s18 =	sadd.s32 $0x2000, s7;
	s14 =	sadd.s32 $0x3000, s7;
	s9 =	sadd.s32 s7, s6  }
0xb: {  	s12 =	sadd.s32 s6, s10;
	s1 =	ssub.s32 s1, s11;
	[dreg:$0x5] =	wrdreg s16  }
0xc: {  	s13 =	sadd.s32 s10, s2;
	s19 =	sadd.s32 s6, s18;
	s15 =	sadd.s32 s6, s14  }
0xd: {  	s16 =	sadd.s32 $0x4000, s7;
	s20 =	sadd.s32 s18, s2;
	s11 =	simm.s32 $0x6  }
0xe: {  	s9 =	sshrl.u32 s9, $0x3;
	s26 =	sshrl.u32 s12, $0x3;
	[dreg:$0x7] =	wrdreg s13  }
0xf: {  	s13 =	sshrl.u32 s19, $0x3;
	s15 =	sshrl.u32 s15, $0x3;
	s6 =	sadd.s32 s6, s16  }
0x10: {  	[dreg:$0x9] =	wrdreg s20;
	s19 =	sadd.s32 s7, s3;
	s20 =	sadd.s32 s10, s3  }
0x11: {  	s28 =	smax.u32 s1, $0x1;
	s1 =	simm.s32 $0xB000;
	s7 =	simm.s32 $0xD000  }
0x12: {  	s10 =	simm.s32 $0x3;
	s12 =	simm.s32 $0x4;
	s25 =	sadd.s32 s8, s9  }
0x13: {  	s17 =	sadd.s32 s8, s26;
	s21 =	sadd.s32 s8, s15;
	[dreg:$0x4] =	wrdreg s25  }
0x14: {  	s6 =	sshrl.u32 s6, $0x3;
	s22 =	sadd.s32 s0, s9;
	[dreg:$0x6] =	wrdreg s17  }
0x15: {  	s23 =	sadd.s32 s0, s26;
	s24 =	sadd.s32 s0, s13;
	[dreg:$0xa] =	wrdreg s21  }
0x16: {  	s26 =	sadd.s32 s14, s2;
	s9 =	simm.s32 $0x5;
	[dreg:$0xc] =	wrdreg s22  }
0x17: {  	s17 =	sadd.s32 s8, s13;
	s8 =	sadd.s32 s8, s6;
	[dreg:$0xd] =	wrdreg s23  }
0x18: {  	[dreg:$0xe] =	wrdreg s24;
	s25 =	sadd.s32 s0, s15;
	s0 =	sadd.s32 s0, s6  }
0x19: {  	[dreg:$0x11] =	wrdreg s26;
	s21 =	sadd.s32 s18, s3;
	s22 =	sadd.s32 s14, s3  }
0x1a: {  	s23 =	sadd.s32 s16, s2;
	s24 =	sadd.s32 s16, s3;
	[dreg:$0x8] =	wrdreg s17  }
0x1b: {  	s26 =	sadd.s32 $0x3C00, s5;
	s6 =	simm.s32 $0x1;
	[dreg:$0xb] =	wrdreg s8  }
0x1c: {  	s13 =	simm.s32 $0x7;
	s14 =	simm.s32 $0x8;
	[dreg:$0xf] =	wrdreg s25  }
0x1d: {  	s15 =	simm.s32 $0x0;
	[dreg:$0x10] =	wrdreg s0;
	s25 =	sadd.s32 $0x17C00, s5  }
0x1e: {  	v0 =	vimm.f32 $0.0e+00;
	s0 =	simm.s32 $0x80;
	s5 =	simm.s32 $0xC000;
	s8 =	simm.s32 $0x2  }
.LBB2_1:
0x1f: {  	s16 =	rddreg [dreg:$0x4]  }
0x20: {  	[tilespmem:s29], [sflag:$0x9] =	stream.linear.gather [hbm4b:s16+s4], $0x1000, $0x38;
	[tilespmem:$0x18000] =	vst v63  }
0x21: {  	_ =	swait.ge [sflag:s30], $0x1000  }
0x22: {  	[sflag:s30] =	ssyncset.done $0x0  }
0x23: {  	s17 =	rddreg [dreg:$0x5];
	[sflag:s30] =	ssyncadd.s32 $0xFFFFF000  }
0x24: {  	[spmem:s17] =	stream.linear.scatter [tilespmem:s29], [sflag:$0x9], $0x1000, $0x38;
	[tilespmem:$0x18000] =	vst v63  }
0x25: {  	_ =	swait.ge [sflag:s30], $0x1000  }
0x26: {  	[sflag:s30] =	ssyncset.done $0x0  }
0x27: {  	s18 =	rddreg [dreg:$0x6];
	[sflag:s30] =	ssyncadd.s32 $0xFFFFF000  }
0x28: {  	[tilespmem:s29], [sflag:$0x9] =	stream.linear.gather [hbm4b:s18+s4], $0x1000, $0x38;
	[tilespmem:$0x18000] =	vst v63  }
0x29: {  	_ =	swait.ge [sflag:s30], $0x1000  }
0x2a: {  	[sflag:s30] =	ssyncset.done $0x0  }
0x2b: {  	s17 =	rddreg [dreg:$0x7];
	[sflag:s30] =	ssyncadd.s32 $0xFFFFF000  }
0x2c: {  	[spmem:s17] =	stream.linear.scatter [tilespmem:s29], [sflag:$0x9], $0x1000, $0x38;
	[tilespmem:$0x18000] =	vst v63  }
0x2d: {  	_ =	swait.ge [sflag:s30], $0x1000  }
0x2e: {  	[sflag:s30] =	ssyncset.done $0x0  }
0x2f: {  	s18 =	rddreg [dreg:$0x8];
	[sflag:s30] =	ssyncadd.s32 $0xFFFFF000  }
0x30: {  	[tilespmem:s29], [sflag:$0x9] =	stream.linear.gather [hbm4b:s18+s4], $0x1000, $0x38;
	[tilespmem:$0x18000] =	vst v63  }
0x31: {  	_ =	swait.ge [sflag:s30], $0x1000  }
0x32: {  	[sflag:s30] =	ssyncset.done $0x0  }
0x33: {  	s17 =	rddreg [dreg:$0x9];
	[sflag:s30] =	ssyncadd.s32 $0xFFFFF000  }
0x34: {  	[spmem:s17] =	stream.linear.scatter [tilespmem:s29], [sflag:$0x9], $0x1000, $0x38;
	[tilespmem:$0x18000] =	vst v63  }
0x35: {  	_ =	swait.ge [sflag:s30], $0x1000  }
0x36: {  	[sflag:s30] =	ssyncset.done $0x0  }
0x37: {  	s18 =	rddreg [dreg:$0xa];
	[sflag:s30] =	ssyncadd.s32 $0xFFFFF000  }
0x38: {  	[tilespmem:s29], [sflag:$0x9] =	stream.linear.gather [hbm4b:s18+s4], $0x1000, $0x38;
	[tilespmem:$0x18000] =	vst v63  }
0x39: {  	_ =	swait.ge [sflag:s30], $0x1000  }
0x3a: {  	[sflag:s30] =	ssyncset.done $0x0  }
0x3b: {  	s17 =	rddreg [dreg:$0x11];
	[sflag:s30] =	ssyncadd.s32 $0xFFFFF000  }
0x3c: {  	[spmem:s17] =	stream.linear.scatter [tilespmem:s29], [sflag:$0x9], $0x1000, $0x38;
	[tilespmem:$0x18000] =	vst v63  }
0x3d: {  	_ =	swait.ge [sflag:s30], $0x1000  }
0x3e: {  	[sflag:s30] =	ssyncset.done $0x0  }
0x3f: {  	s18 =	rddreg [dreg:$0xb];
	[sflag:s30] =	ssyncadd.s32 $0xFFFFF000  }
0x40: {  	[tilespmem:s29], [sflag:$0x9] =	stream.linear.gather [hbm4b:s18+s4], $0x1000, $0x38;
	[tilespmem:$0x18000] =	vst v63  }
0x41: {  	_ =	swait.ge [sflag:s30], $0x1000  }
0x42: {  	[sflag:s30] =	ssyncset.done $0x0  }
0x43: {  	[sflag:s30] =	ssyncadd.s32 $0xFFFFF000  }
0x44: {  	[spmem:s23] =	stream.linear.scatter [tilespmem:s29], [sflag:$0x9], $0x1000, $0x38;
	[tilespmem:$0x18000] =	vst v63  }
0x45: {  	_ =	swait.ge [sflag:s30], $0x1000  }
0x46: {  	[sflag:s30] =	ssyncset.done $0x0  }
0x47: {  	s16 =	simm.s32 $0x80;
	s17 =	simm.s32 $0x0;
	[sflag:s30] =	ssyncadd.s32 $0xFFFFF000  }
.LBB2_2:
0x48: {  	p0 =	sne.s32 s16, $0x3F80;
	[tilespmem:s17+$0xA000] =	vst v0;
	s18 =	smov.u32 s16;
	s16 =	sadd.s32 $0x80, s16  }
.Ltmp0:
0x49: {  	[tilespmem:s17+$0xA010] =	vst v0;
	(pc) =	sbr.rel @p0 .LBB2_2-.Ltmp0, $2  }
0x4a: {  	_ =	sdelay $0x2  }
0x4b: {  	s17 =	sshra.s32 s18, $0x2  }
0x4c: {  	[tilespmem:s17+$0xA000] =	vst v0  }
0x4d: {  	[tilespmem:s17+$0xA010] =	vst v0  }
0x4e: {  	[spmem:s19] =	stream.linear.scatter [tilespmem:s29], [sflag:$0x9], $0x1000, $0x38;
	[tilespmem:$0x18000] =	vst v63  }
0x4f: {  	_ =	swait.ge [sflag:s30], $0x1000  }
0x50: {  	[sflag:s30] =	ssyncset.done $0x0  }
0x51: {  	[sflag:s30] =	ssyncadd.s32 $0xFFFFF000  }
0x52: {  	[spmem:s20] =	stream.linear.scatter [tilespmem:s29], [sflag:$0x9], $0x1000, $0x38;
	[tilespmem:$0x18000] =	vst v63  }
0x53: {  	_ =	swait.ge [sflag:s30], $0x1000  }
0x54: {  	[sflag:s30] =	ssyncset.done $0x0  }
0x55: {  	[sflag:s30] =	ssyncadd.s32 $0xFFFFF000  }
0x56: {  	[spmem:s21] =	stream.linear.scatter [tilespmem:s29], [sflag:$0x9], $0x1000, $0x38;
	[tilespmem:$0x18000] =	vst v63  }
0x57: {  	_ =	swait.ge [sflag:s30], $0x1000  }
0x58: {  	[sflag:s30] =	ssyncset.done $0x0  }
0x59: {  	[sflag:s30] =	ssyncadd.s32 $0xFFFFF000  }
0x5a: {  	[spmem:s22] =	stream.linear.scatter [tilespmem:s29], [sflag:$0x9], $0x1000, $0x38;
	[tilespmem:$0x18000] =	vst v63  }
0x5b: {  	_ =	swait.ge [sflag:s30], $0x1000  }
0x5c: {  	[sflag:s30] =	ssyncset.done $0x0  }
0x5d: {  	[sflag:s30] =	ssyncadd.s32 $0xFFFFF000  }
0x5e: {  	[spmem:s24] =	stream.linear.scatter [tilespmem:s29], [sflag:$0x9], $0x1000, $0x38;
	[tilespmem:$0x18000] =	vst v63  }
0x5f: {  	_ =	swait.ge [sflag:s30], $0x1000  }
0x60: {  	[sflag:s30] =	ssyncset.done $0x0  }
0x61: {  	s16 =	simm.s32 $0x0;
	[sflag:s30] =	ssyncadd.s32 $0xFFFFF000  }
0x62: {  	[tilespmem:s16], [sflag:$0x9] =	stream.linear.gather [hbm4b:s25+s16], $0x5000, $0x38;
	[tilespmem:$0x18000] =	vst v63  }
0x63: {  	_ =	swait.ge [sflag:s30], $0x5000  }
0x64: {  	[sflag:s30] =	ssyncset.done $0x0  }
0x65: {  	[sflag:s30] =	ssyncadd.s32 $0xFFFFB000  }
0x66: {  	[tilespmem:s31], [sflag:$0x9] =	stream.linear.gather [hbm4b:s26+s16], $0x5000, $0x38;
	[tilespmem:$0x18000] =	vst v63  }
0x67: {  	_ =	swait.ge [sflag:s30], $0x5000  }
0x68: {  	[sflag:s30] =	ssyncset.done $0x0  }
0x69: {  	[sflag:s30] =	ssyncadd.s32 $0xFFFFB000  }
0x6a: {  	[bflag:$0x0] =	sbarrier.arrive $0xFFFF  }
0x6b: {  	[tilespmem:s29], [sflag:$0x1] =	stream.indirect.gather [spmem:s2], $0x20, s16, s0, $0xb8;
	[tilespmem:$0x18000] =	vst v63  }
0x6c: {  	_ = 	snop  }
0x6d: {  	[tilespmem:s1], [sflag:$0x2] =	stream.indirect.gather [spmem:s2], $0x20, s0, s0, $0xb8;
	[tilespmem:$0x18000] =	vst v63  }
0x6e: {  	s17 =	simm.s32 $0x100  }
0x6f: {  	[tilespmem:s5], [sflag:$0x3] =	stream.indirect.gather [spmem:s2], $0x20, s17, s0, $0xb8;
	[tilespmem:$0x18000] =	vst v63  }
0x70: {  	_ =	swait.ge [sflag:s6], $0x1000  }
0x71: {  	[sflag:s6] =	ssyncset.done $0x0  }
0x72: {  	[sflag:s6] =	ssyncadd.s32 $0xFFFFF000  }
0x73: {  	[spmem:s3] =	stream.indirect.scatter.add.f32 [tilespmem:s29], [sflag:$0x5], $0x20, s31, s0, $0xb8;
	[tilespmem:$0x18000] =	vst v63  }
0x74: {  	s18 =	simm.s32 $0x180  }
0x75: {  	[tilespmem:s7], [sflag:$0x4] =	stream.indirect.gather [spmem:s2], $0x20, s18, s0, $0xb8;
	[tilespmem:$0x18000] =	vst v63  }
0x76: {  	_ =	swait.ge [sflag:s8], $0x1000  }
0x77: {  	[sflag:s8] =	ssyncset.done $0x0  }
0x78: {  	s17 =	simm.s32 $0x5080;
	[sflag:s8] =	ssyncadd.s32 $0xFFFFF000  }
0x79: {  	[spmem:s3] =	stream.indirect.scatter.add.f32 [tilespmem:s1], [sflag:$0x6], $0x20, s17, s0, $0xb8;
	[tilespmem:$0x18000] =	vst v63  }
0x7a: {  	_ =	swait.ge [sflag:s9], $0x1000  }
0x7b: {  	[sflag:s9] =	ssyncset.done $0x0  }
0x7c: {  	s18 =	simm.s32 $0x200;
	[sflag:s9] =	ssyncadd.s32 $0xFFFFF000  }
0x7d: {  	[tilespmem:s29], [sflag:$0x1] =	stream.indirect.gather [spmem:s2], $0x20, s18, s0, $0xb8;
	[tilespmem:$0x18000] =	vst v63  }
0x7e: {  	_ =	swait.ge [sflag:s10], $0x1000  }
0x7f: {  	[sflag:s10] =	ssyncset.done $0x0  }
0x80: {  	s17 =	simm.s32 $0x5100;
	[sflag:s10] =	ssyncadd.s32 $0xFFFFF000  }
0x81: {  	[spmem:s3] =	stream.indirect.scatter.add.f32 [tilespmem:s5], [sflag:$0x7], $0x20, s17, s0, $0xb8;
	[tilespmem:$0x18000] =	vst v63  }
0x82: {  	_ =	swait.ge [sflag:s11], $0x1000  }
0x83: {  	[sflag:s11] =	ssyncset.done $0x0  }
0x84: {  	s18 =	simm.s32 $0x280;
	[sflag:s11] =	ssyncadd.s32 $0xFFFFF000  }
0x85: {  	[tilespmem:s1], [sflag:$0x2] =	stream.indirect.gather [spmem:s2], $0x20, s18, s0, $0xb8;
	[tilespmem:$0x18000] =	vst v63  }
0x86: {  	_ =	swait.ge [sflag:s12], $0x1000  }
0x87: {  	[sflag:s12] =	ssyncset.done $0x0  }
0x88: {  	s17 =	simm.s32 $0x5180;
	[sflag:s12] =	ssyncadd.s32 $0xFFFFF000  }
0x89: {  	[spmem:s3] =	stream.indirect.scatter.add.f32 [tilespmem:s7], [sflag:$0x8], $0x20, s17, s0, $0xb8;
	[tilespmem:$0x18000] =	vst v63  }
0x8a: {  	_ =	swait.ge [sflag:s13], $0x1000  }
0x8b: {  	[sflag:s13] =	ssyncset.done $0x0  }
0x8c: {  	s18 =	simm.s32 $0x300;
	[sflag:s13] =	ssyncadd.s32 $0xFFFFF000  }
0x8d: {  	[tilespmem:s5], [sflag:$0x3] =	stream.indirect.gather [spmem:s2], $0x20, s18, s0, $0xb8;
	[tilespmem:$0x18000] =	vst v63  }
0x8e: {  	_ =	swait.ge [sflag:s6], $0x1000  }
0x8f: {  	[sflag:s6] =	ssyncset.done $0x0  }
0x90: {  	s17 =	simm.s32 $0x5200;
	[sflag:s6] =	ssyncadd.s32 $0xFFFFF000  }
0x91: {  	[spmem:s3] =	stream.indirect.scatter.add.f32 [tilespmem:s29], [sflag:$0x5], $0x20, s17, s0, $0xb8;
	[tilespmem:$0x18000] =	vst v63  }
0x92: {  	_ =	swait.ge [sflag:s14], $0x1000  }
0x93: {  	[sflag:s14] =	ssyncset.done $0x0  }
0x94: {  	s18 =	simm.s32 $0x380;
	[sflag:s14] =	ssyncadd.s32 $0xFFFFF000  }
0x95: {  	[tilespmem:s7], [sflag:$0x4] =	stream.indirect.gather [spmem:s2], $0x20, s18, s0, $0xb8;
	[tilespmem:$0x18000] =	vst v63  }
0x96: {  	_ =	swait.ge [sflag:s8], $0x1000  }
0x97: {  	[sflag:s8] =	ssyncset.done $0x0  }
0x98: {  	s17 =	simm.s32 $0x5280;
	[sflag:s8] =	ssyncadd.s32 $0xFFFFF000  }
0x99: {  	[spmem:s3] =	stream.indirect.scatter.add.f32 [tilespmem:s1], [sflag:$0x6], $0x20, s17, s0, $0xb8;
	[tilespmem:$0x18000] =	vst v63  }
0x9a: {  	_ =	swait.ge [sflag:s9], $0x1000  }
0x9b: {  	[sflag:s9] =	ssyncset.done $0x0  }
0x9c: {  	s18 =	simm.s32 $0x400;
	[sflag:s9] =	ssyncadd.s32 $0xFFFFF000  }
0x9d: {  	[tilespmem:s29], [sflag:$0x1] =	stream.indirect.gather [spmem:s2], $0x20, s18, s0, $0xb8;
	[tilespmem:$0x18000] =	vst v63  }
0x9e: {  	_ =	swait.ge [sflag:s10], $0x1000  }
0x9f: {  	[sflag:s10] =	ssyncset.done $0x0  }
0xa0: {  	s17 =	simm.s32 $0x5300;
	[sflag:s10] =	ssyncadd.s32 $0xFFFFF000  }
0xa1: {  	[spmem:s3] =	stream.indirect.scatter.add.f32 [tilespmem:s5], [sflag:$0x7], $0x20, s17, s0, $0xb8;
	[tilespmem:$0x18000] =	vst v63  }
0xa2: {  	_ =	swait.ge [sflag:s11], $0x1000  }
0xa3: {  	[sflag:s11] =	ssyncset.done $0x0  }
0xa4: {  	s18 =	simm.s32 $0x480;
	[sflag:s11] =	ssyncadd.s32 $0xFFFFF000  }
0xa5: {  	[tilespmem:s1], [sflag:$0x2] =	stream.indirect.gather [spmem:s2], $0x20, s18, s0, $0xb8;
	[tilespmem:$0x18000] =	vst v63  }
0xa6: {  	_ =	swait.ge [sflag:s12], $0x1000  }
0xa7: {  	[sflag:s12] =	ssyncset.done $0x0  }
0xa8: {  	s16 =	simm.s32 $0x800;
	s17 =	simm.s32 $0x5380;
	[sflag:s12] =	ssyncadd.s32 $0xFFFFF000  }
.LBB2_4:
0xa9: {  	[spmem:s3] =	stream.indirect.scatter.add.f32 [tilespmem:s7], [sflag:$0x8], $0x20, s17, s0, $0xb8;
	[tilespmem:$0x18000] =	vst v63  }
0xaa: {  	s17 =	smov.u32 s16  }
0xab: {  	p0 =	sne.s32 s16, $0x12800;
	s16 =	sadd.s32 $0x800, s16;
	_ =	swait.ge [sflag:s13], $0x1000  }
0xac: {  	s17 =	sshra.s32 s17, $0x2;
	[sflag:s13] =	ssyncset.done $0x0  }
0xad: {  	s18 =	sadd.s32 $0x300, s17;
	[sflag:s13] =	ssyncadd.s32 $0xFFFFF000  }
0xae: {  	[tilespmem:s5], [sflag:$0x3] =	stream.indirect.gather [spmem:s2], $0x20, s18, s0, $0xb8;
	[tilespmem:$0x18000] =	vst v63  }
0xaf: {  	_ =	swait.ge [sflag:s6], $0x1000  }
0xb0: {  	[sflag:s6] =	ssyncset.done $0x0  }
0xb1: {  	s18 =	sadd.s32 $0x5200, s17;
	[sflag:s6] =	ssyncadd.s32 $0xFFFFF000  }
0xb2: {  	[spmem:s3] =	stream.indirect.scatter.add.f32 [tilespmem:s29], [sflag:$0x5], $0x20, s18, s0, $0xb8;
	[tilespmem:$0x18000] =	vst v63  }
0xb3: {  	_ =	swait.ge [sflag:s14], $0x1000  }
0xb4: {  	[sflag:s14] =	ssyncset.done $0x0  }
0xb5: {  	s18 =	sadd.s32 $0x380, s17;
	[sflag:s14] =	ssyncadd.s32 $0xFFFFF000  }
0xb6: {  	[tilespmem:s7], [sflag:$0x4] =	stream.indirect.gather [spmem:s2], $0x20, s18, s0, $0xb8;
	[tilespmem:$0x18000] =	vst v63  }
0xb7: {  	_ =	swait.ge [sflag:s8], $0x1000  }
0xb8: {  	[sflag:s8] =	ssyncset.done $0x0  }
0xb9: {  	s18 =	sadd.s32 $0x5280, s17;
	[sflag:s8] =	ssyncadd.s32 $0xFFFFF000  }
0xba: {  	[spmem:s3] =	stream.indirect.scatter.add.f32 [tilespmem:s1], [sflag:$0x6], $0x20, s18, s0, $0xb8;
	[tilespmem:$0x18000] =	vst v63  }
0xbb: {  	_ =	swait.ge [sflag:s9], $0x1000  }
0xbc: {  	[sflag:s9] =	ssyncset.done $0x0  }
0xbd: {  	s18 =	sadd.s32 $0x400, s17;
	[sflag:s9] =	ssyncadd.s32 $0xFFFFF000  }
0xbe: {  	[tilespmem:s29], [sflag:$0x1] =	stream.indirect.gather [spmem:s2], $0x20, s18, s0, $0xb8;
	[tilespmem:$0x18000] =	vst v63  }
0xbf: {  	_ =	swait.ge [sflag:s10], $0x1000  }
0xc0: {  	[sflag:s10] =	ssyncset.done $0x0  }
0xc1: {  	s18 =	sadd.s32 $0x5300, s17;
	[sflag:s10] =	ssyncadd.s32 $0xFFFFF000  }
0xc2: {  	[spmem:s3] =	stream.indirect.scatter.add.f32 [tilespmem:s5], [sflag:$0x7], $0x20, s18, s0, $0xb8;
	[tilespmem:$0x18000] =	vst v63  }
0xc3: {  	_ =	swait.ge [sflag:s11], $0x1000  }
0xc4: {  	[sflag:s11] =	ssyncset.done $0x0  }
.Ltmp1:
0xc5: {  	s18 =	sadd.s32 $0x480, s17;
	[sflag:s11] =	ssyncadd.s32 $0xFFFFF000;
	(pc) =	sbr.rel @p0 .LBB2_4-.Ltmp1, $4  }
0xc6: {  	[tilespmem:s1], [sflag:$0x2] =	stream.indirect.gather [spmem:s2], $0x20, s18, s0, $0xb8;
	[tilespmem:$0x18000] =	vst v63  }
0xc7: {  	_ =	swait.ge [sflag:s12], $0x1000  }
0xc8: {  	[sflag:s12] =	ssyncset.done $0x0  }
0xc9: {  	s17 =	sadd.s32 $0x5380, s17;
	[sflag:s12] =	ssyncadd.s32 $0xFFFFF000  }
0xca: {  	[spmem:s3] =	stream.indirect.scatter.add.f32 [tilespmem:s7], [sflag:$0x8], $0x20, s17, s0, $0xb8;
	[tilespmem:$0x18000] =	vst v63  }
0xcb: {  	_ =	swait.ge [sflag:s13], $0x1000  }
0xcc: {  	[sflag:s13] =	ssyncset.done $0x0  }
0xcd: {  	s16 =	simm.s32 $0x4F00;
	[sflag:s13] =	ssyncadd.s32 $0xFFFFF000  }
0xce: {  	[tilespmem:s5], [sflag:$0x3] =	stream.indirect.gather [spmem:s2], $0x20, s16, s0, $0xb8;
	[tilespmem:$0x18000] =	vst v63  }
0xcf: {  	_ =	swait.ge [sflag:s6], $0x1000  }
0xd0: {  	[sflag:s6] =	ssyncset.done $0x0  }
0xd1: {  	s17 =	simm.s32 $0x9E00;
	[sflag:s6] =	ssyncadd.s32 $0xFFFFF000  }
0xd2: {  	[spmem:s3] =	stream.indirect.scatter.add.f32 [tilespmem:s29], [sflag:$0x5], $0x20, s17, s0, $0xb8;
	[tilespmem:$0x18000] =	vst v63  }
0xd3: {  	_ =	swait.ge [sflag:s14], $0x1000  }
0xd4: {  	[sflag:s14] =	ssyncset.done $0x0  }
0xd5: {  	s18 =	simm.s32 $0x4F80;
	[sflag:s14] =	ssyncadd.s32 $0xFFFFF000  }
0xd6: {  	[tilespmem:s7], [sflag:$0x4] =	stream.indirect.gather [spmem:s2], $0x20, s18, s0, $0xb8;
	[tilespmem:$0x18000] =	vst v63  }
0xd7: {  	_ =	swait.ge [sflag:s8], $0x1000  }
0xd8: {  	[sflag:s8] =	ssyncset.done $0x0  }
0xd9: {  	s17 =	simm.s32 $0x9E80;
	[sflag:s8] =	ssyncadd.s32 $0xFFFFF000  }
0xda: {  	[spmem:s3] =	stream.indirect.scatter.add.f32 [tilespmem:s1], [sflag:$0x6], $0x20, s17, s0, $0xb8;
	[tilespmem:$0x18000] =	vst v63  }
0xdb: {  	_ =	swait.ge [sflag:s10], $0x1000  }
0xdc: {  	[sflag:s10] =	ssyncset.done $0x0  }
0xdd: {  	s18 =	simm.s32 $0x9F00;
	[sflag:s10] =	ssyncadd.s32 $0xFFFFF000  }
0xde: {  	[spmem:s3] =	stream.indirect.scatter.add.f32 [tilespmem:s5], [sflag:$0x7], $0x20, s18, s0, $0xb8;
	[tilespmem:$0x18000] =	vst v63  }
0xdf: {  	_ =	swait.ge [sflag:s12], $0x1000  }
0xe0: {  	[sflag:s12] =	ssyncset.done $0x0  }
0xe1: {  	s17 =	simm.s32 $0x9F80;
	[sflag:s12] =	ssyncadd.s32 $0xFFFFF000  }
0xe2: {  	[spmem:s3] =	stream.indirect.scatter.add.f32 [tilespmem:s7], [sflag:$0x8], $0x20, s17, s0, $0xb8;
	[tilespmem:$0x18000] =	vst v63  }
0xe3: {  	_ =	swait.ge [sflag:s9], $0x1000  }
0xe4: {  	[sflag:s9] =	ssyncset.done $0x0  }
0xe5: {  	[sflag:s9] =	ssyncadd.s32 $0xFFFFF000  }
0xe6: {  	_ =	swait.ge [sflag:s11], $0x1000  }
0xe7: {  	[sflag:s11] =	ssyncset.done $0x0  }
0xe8: {  	[sflag:s11] =	ssyncadd.s32 $0xFFFFF000  }
0xe9: {  	_ =	swait.ge [sflag:s13], $0x1000  }
0xea: {  	[sflag:s13] =	ssyncset.done $0x0  }
0xeb: {  	[sflag:s13] =	ssyncadd.s32 $0xFFFFF000  }
0xec: {  	_ =	swait.ge [sflag:s14], $0x1000  }
0xed: {  	[sflag:s14] =	ssyncset.done $0x0  }
0xee: {  	[sflag:s14] =	ssyncadd.s32 $0xFFFFF000  }
0xef: {  	[bflag:$0x0] =	sbarrier.arrive $0xFFFF  }
0xf0: {  	[tilespmem:s29], [sflag:$0x9] =	stream.linear.gather [spmem:s19], $0x1000, $0x38;
	[tilespmem:$0x18000] =	vst v63  }
0xf1: {  	_ =	swait.ge [sflag:s30], $0x1000  }
0xf2: {  	[sflag:s30] =	ssyncset.done $0x0  }
0xf3: {  	s18 =	rddreg [dreg:$0xc];
	[sflag:s30] =	ssyncadd.s32 $0xFFFFF000  }
0xf4: {  	[hbm4b:s18+s4] =	stream.linear.scatter [tilespmem:s29], [sflag:$0x9], $0x1000, $0x38;
	[tilespmem:$0x18000] =	vst v63  }
0xf5: {  	_ =	swait.ge [sflag:s30], $0x1000  }
0xf6: {  	[sflag:s30] =	ssyncset.done $0x0  }
0xf7: {  	[sflag:s30] =	ssyncadd.s32 $0xFFFFF000  }
0xf8: {  	[tilespmem:s29], [sflag:$0x9] =	stream.linear.gather [spmem:s20], $0x1000, $0x38;
	[tilespmem:$0x18000] =	vst v63  }
0xf9: {  	_ =	swait.ge [sflag:s30], $0x1000  }
0xfa: {  	[sflag:s30] =	ssyncset.done $0x0  }
0xfb: {  	s17 =	rddreg [dreg:$0xd];
	[sflag:s30] =	ssyncadd.s32 $0xFFFFF000  }
0xfc: {  	[hbm4b:s17+s4] =	stream.linear.scatter [tilespmem:s29], [sflag:$0x9], $0x1000, $0x38;
	[tilespmem:$0x18000] =	vst v63  }
0xfd: {  	_ =	swait.ge [sflag:s30], $0x1000  }
0xfe: {  	[sflag:s30] =	ssyncset.done $0x0  }
0xff: {  	[sflag:s30] =	ssyncadd.s32 $0xFFFFF000  }
0x100: {  	[tilespmem:s29], [sflag:$0x9] =	stream.linear.gather [spmem:s21], $0x1000, $0x38;
	[tilespmem:$0x18000] =	vst v63  }
0x101: {  	_ =	swait.ge [sflag:s30], $0x1000  }
0x102: {  	[sflag:s30] =	ssyncset.done $0x0  }
0x103: {  	s18 =	rddreg [dreg:$0xe];
	[sflag:s30] =	ssyncadd.s32 $0xFFFFF000  }
0x104: {  	[hbm4b:s18+s4] =	stream.linear.scatter [tilespmem:s29], [sflag:$0x9], $0x1000, $0x38;
	[tilespmem:$0x18000] =	vst v63  }
0x105: {  	_ =	swait.ge [sflag:s30], $0x1000  }
0x106: {  	[sflag:s30] =	ssyncset.done $0x0  }
0x107: {  	[sflag:s30] =	ssyncadd.s32 $0xFFFFF000  }
0x108: {  	[tilespmem:s29], [sflag:$0x9] =	stream.linear.gather [spmem:s22], $0x1000, $0x38;
	[tilespmem:$0x18000] =	vst v63  }
0x109: {  	_ =	swait.ge [sflag:s30], $0x1000  }
0x10a: {  	[sflag:s30] =	ssyncset.done $0x0  }
0x10b: {  	s17 =	rddreg [dreg:$0xf];
	[sflag:s30] =	ssyncadd.s32 $0xFFFFF000  }
0x10c: {  	[hbm4b:s17+s4] =	stream.linear.scatter [tilespmem:s29], [sflag:$0x9], $0x1000, $0x38;
	[tilespmem:$0x18000] =	vst v63  }
0x10d: {  	_ =	swait.ge [sflag:s30], $0x1000  }
0x10e: {  	[sflag:s30] =	ssyncset.done $0x0  }
0x10f: {  	[sflag:s30] =	ssyncadd.s32 $0xFFFFF000  }
0x110: {  	[tilespmem:s29], [sflag:$0x9] =	stream.linear.gather [spmem:s24], $0x1000, $0x38;
	[tilespmem:$0x18000] =	vst v63  }
0x111: {  	s15 =	sadd.s32 $0x1, s15;
	_ =	swait.ge [sflag:s30], $0x1000  }
0x112: {  	p0 =	sne.s32 s15, s28;
	[sflag:s30] =	ssyncset.done $0x0  }
.Ltmp2:
0x113: {  	s18 =	rddreg [dreg:$0x10];
	[sflag:s30] =	ssyncadd.s32 $0xFFFFF000;
	(pc) =	sbr.rel @p0 .LBB2_1-.Ltmp2, $4  }
0x114: {  	[hbm4b:s18+s4] =	stream.linear.scatter [tilespmem:s29], [sflag:$0x9], $0x1000, $0x38;
	[tilespmem:$0x18000] =	vst v63  }
0x115: {  	_ =	swait.ge [sflag:s30], $0x1000  }
0x116: {  	[sflag:s30] =	ssyncset.done $0x0  }
0x117: {  	[sflag:s30] =	ssyncadd.s32 $0xFFFFF000  }
0x118: {  	_ =	sfence.sel $0x180000  }
0x119: {  	[bflag:$0x0] =	sbarrier.arrive $0xFFFF  }
0x11a: {  	_ =	strace $0x9000004A  }
0x11b: {  	s0 =	stileid.u32;
	[bflag:$0x2] =	sbarrier.arrive $0xFFFF  }
0x11c: {  	p0 =	sne.s32 s0, $0x0;
	s0 =	rddreg [dreg:$0x3]  }
0x11d: {  	s0 =	sadd.s32 @!p0 $0x100000, s0  }
0x11e: {  	[sflag:s0] =	ssyncadd.tile.s32 @!p0 $0x1;
	_ =	shalt  }
.Lfunc_end2:
_tile_overlayer_lowered:
.L_overlay_start_2:
0x11f: {  	(tag) =	ssettag $0x2  }
0x120: {  	s0 =	rddreg [dreg:$0x0];
	s2 =	stileid.u32  }
0x121: {  	s1 =	rddreg [dreg:$0x1];
	p0 =	sne.s32 s2, $0x0  }
0x122: {  	s3 =	rddreg [dreg:$0x2];
	[bflag:$0x3] =	sbarrier.arrive $0xFFFF;
	s2 =	simm.s32 @!p0 $0x1C09  }
0x123: {  	[timem:s3], [sflag:s2] =	dma.local @!p0 [hbm:s0], s1  }
0x124: {  	s0 =	simm.s32 @!p0 $0x9  }
0x125: {  	_ =	swait.ge @!p0 [sflag:s0], s1  }
0x126: {  	s1 =	ssub.s32 @!p0 $0x0, s1;
	[sflag:s0] =	ssyncset.done @!p0 $0x0  }
0x127: {  	[sflag:s0] =	ssyncadd.s32 @!p0 s1  }
0x128: {  	[bflag:$0x3] =	sbarrier.arrive $0xFFFF  }
0x129: {  	_ =	shalt  }

// kernel: kernel.20.cloned.1.call-start
scs
__scs_entry_jumppad:
0x0: {  	(pc) =	sbr.rel $0x88, $3  }
0x1: {  	(tag) =	ssettag $0x0;
	lr =	simm.s32 $0x1  }
0x2: {  	[smem:$0x3F91] =	sst lr;
	_ =	strace $0xD0000000  }
0x3: {  	_ = 	snop  }
0x4: {  	_ = 	snop  }
0x5: {  	_ = 	snop  }
0x6: {  	_ = 	snop  }
0x7: {  	_ = 	snop  }
__scs_overlays_trampoline_lowered:
0x8: {  	[smem:$0x3FA0] =	sst s0  }
0x9: {  	[smem:$0x3FA1] =	sst s1  }
0xa: {  	[smem:$0x3FA2] =	sst s2  }
0xb: {  	[smem:$0x3FA3] =	sst s3  }
0xc: {  	[smem:$0x3FA4] =	sst s4  }
0xd: {  	[smem:$0x3FA5] =	sst s5  }
0xe: {  	[smem:$0x3FA6] =	sst s6  }
0xf: {  	[smem:$0x3FA7] =	sst s7  }
0x10: {  	[smem:$0x3FA8] =	sst s8  }
0x11: {  	[smem:$0x3FA9] =	sst s9;
	s0 =	simm.s32 @!p0 $0x0  }
0x12: {  	s1 =	sld [smem:$0x3F8F];
	s0 =	simm.s32 @p0 $0x1  }
0x13: {  	[smem:$0x3FAA] =	sst s0;
	s0 =	simm.s32 @!p1 $0x0  }
0x14: {  	s2 =	sld [smem:$0x3F8E];
	s0 =	simm.s32 @p1 $0x1  }
0x15: {  	[smem:$0x3FAB] =	sst s0;
	s0 =	simm.s32 @!p2 $0x0  }
0x16: {  	s3 =	sld [smem:$0x3FDB];
	s0 =	simm.s32 @p2 $0x1  }
0x17: {  	s4 =	simm.s32 $0x1BF5;
	[smem:$0x3FAD] =	sst s0  }
0x18: {  	s0 =	sld [smem:$0x3F90];
	_ =	swait.ge [sflag:s4], $0x0  }
0x19: {  	s7 =	sld [smem:$0x3F91]  }
0x1a: {  	s8 =	sadd.s32 $0xFFFFE003, lr  }
0x1b: {  	s9 =	sadd.s32 $0xFFFFFEF7, lr;
	s5 =	simm.s32 $0xFFFFFFFF;
	p2 =	slt.u32 s8, $0xFFFFF086  }
0x1c: {  	p1 =	slt.u32 s9, $0xF7A;
	s5 =	simm.s32 @!p2 $0x0  }
0x1d: {  	s5 =	simm.s32 @p1 $0x1;
	p0 =	seq.s32 s7, s2  }
0x1e: {  	s7 =	smul.u32 @!p0 $0xF7A, s2;
	p2 =	seq.s32 @!p0 s5, $0x0  }
0x1f: {  	s9 =	smul.u32 $0xF7A, s1;
	s8 =	simm.s32 @!p0 $0x1BF5;
	p2 =	por !p2, p0  }
0x20: {  	[sflag:s8] =	ssyncset.s32 @!p0 $0xFFFFF086;
	s6 =	sadd.s32 @!p0 s3, s7;
	s7 =	simm.s32 @!p0 $0x108  }
0x21: {  	s3 =	sadd.s32 s3, s9;
	s6 =	sadd.s32 @!p0 $0x88, s6;
	s7 =	simm.s32 @p2 $0x1082  }
0x22: {  	[simem:s7], [sflag:s8] =	dma.local @!p0 [hbm:s6], $0xF7A  }
0x23: {  	s9 =	sor.u32 $0xD0000000, s2;
	s6 =	simm.s32 $0x108;
	_ =	swait.ge @!p0 [sflag:s8], $0x0  }
0x24: {  	s3 =	sadd.s32 $0x88, s3;
	s6 =	simm.s32 @!p1 $0x1082;
	[sflag:s4] =	ssyncset.s32 $0xFFFFF086  }
0x25: {  	[simem:s6], [sflag:s4] =	dma.local [hbm:s3], $0xF7A  }
0x26: {  	[smem:$0x3F91] =	sst s1;
	(tag) =	ssettag s2;
	_ =	strace s9  }
0x27: {  	s1 =	sld [smem:$0x3FA1]  }
0x28: {  	s2 =	sld [smem:$0x3FA2]  }
0x29: {  	s4 =	sld [smem:$0x3FA4]  }
0x2a: {  	p0 =	seq.s32 s5, $0x0;
	s5 =	sld [smem:$0x3FA5]  }
0x2b: {  	s6 =	sld [smem:$0x3FA6]  }
0x2c: {  	s7 =	sld [smem:$0x3FA7]  }
0x2d: {  	s3 =	simm.s32 $0x108;
	s8 =	sld [smem:$0x3FA8]  }
0x2e: {  	s3 =	simm.s32 @!p0 $0x1082;
	s9 =	sld [smem:$0x3FA9]  }
0x2f: {  	lr =	sadd.s32 s0, s3;
	s0 =	sld [smem:$0x3FA0]  }
0x30: {  	s3 =	sld [smem:$0x3FA3]  }
0x31: {  	[smem:$0x3FAC] =	sst s10  }
0x32: {  	s10 =	sld [smem:$0x3FAA];
	_ =	sdelay $0x3  }
0x33: {  	p0 =	seq.s32 s10, $0x1;
	s10 =	sld [smem:$0x3FAC];
	_ =	sdelay $0x3  }
0x34: {  	[smem:$0x3FAC] =	sst s10  }
0x35: {  	s10 =	sld [smem:$0x3FAB];
	_ =	sdelay $0x3  }
0x36: {  	p1 =	seq.s32 s10, $0x1;
	s10 =	sld [smem:$0x3FAC];
	_ =	sdelay $0x3  }
0x37: {  	[smem:$0x3FAC] =	sst s10  }
0x38: {  	s10 =	sld [smem:$0x3FAD]  }
0x39: {  	_ = 	snop;
	(pc) =	sbr.ind lr, $3  }
0x3a: {  	_ = 	snop  }
0x3b: {  	_ = 	snop  }
0x3c: {  	p2 =	seq.s32 s10, $0x1;
	s10 =	sld [smem:$0x3FAC]  }
0x3d: {  	_ =	shalt  }
0x3e: {  	_ =	shalt  }
0x3f: {  	_ =	shalt  }
0x40: {  	_ =	shalt  }
0x41: {  	_ =	shalt  }
0x42: {  	_ =	shalt  }
0x43: {  	_ =	shalt  }
0x44: {  	_ =	shalt  }
0x45: {  	_ =	shalt  }
0x46: {  	_ =	shalt  }
0x47: {  	_ =	shalt  }
0x48: {  	_ =	shalt  }
0x49: {  	_ =	shalt  }
0x4a: {  	_ =	shalt  }
0x4b: {  	_ =	shalt  }
0x4c: {  	_ =	shalt  }
0x4d: {  	_ =	shalt  }
0x4e: {  	_ =	shalt  }
0x4f: {  	_ =	shalt  }
0x50: {  	_ =	shalt  }
0x51: {  	_ =	shalt  }
0x52: {  	_ =	shalt  }
0x53: {  	_ =	shalt  }
0x54: {  	_ =	shalt  }
0x55: {  	_ =	shalt  }
0x56: {  	_ =	shalt  }
0x57: {  	_ =	shalt  }
0x58: {  	_ =	shalt  }
0x59: {  	_ =	shalt  }
0x5a: {  	_ =	shalt  }
0x5b: {  	_ =	shalt  }
0x5c: {  	_ =	shalt  }
0x5d: {  	_ =	shalt  }
0x5e: {  	_ =	shalt  }
0x5f: {  	_ =	shalt  }
0x60: {  	_ =	shalt  }
0x61: {  	_ =	shalt  }
0x62: {  	_ =	shalt  }
0x63: {  	_ =	shalt  }
0x64: {  	_ =	shalt  }
0x65: {  	_ =	shalt  }
0x66: {  	_ =	shalt  }
0x67: {  	_ =	shalt  }
0x68: {  	_ =	shalt  }
0x69: {  	_ =	shalt  }
0x6a: {  	_ =	shalt  }
0x6b: {  	_ =	shalt  }
0x6c: {  	_ =	shalt  }
0x6d: {  	_ =	shalt  }
0x6e: {  	_ =	shalt  }
0x6f: {  	_ =	shalt  }
0x70: {  	_ =	shalt  }
0x71: {  	_ =	shalt  }
0x72: {  	_ =	shalt  }
0x73: {  	_ =	shalt  }
0x74: {  	_ =	shalt  }
0x75: {  	_ =	shalt  }
0x76: {  	_ =	shalt  }
0x77: {  	_ =	shalt  }
0x78: {  	_ =	shalt  }
0x79: {  	_ =	shalt  }
0x7a: {  	_ =	shalt  }
0x7b: {  	_ =	shalt  }
0x7c: {  	_ =	shalt  }
0x7d: {  	_ =	shalt  }
0x7e: {  	_ =	shalt  }
0x7f: {  	_ =	shalt  }
0x80: {  	_ =	shalt  }
0x81: {  	_ =	shalt  }
0x82: {  	_ =	shalt  }
0x83: {  	_ =	shalt  }
0x84: {  	_ =	shalt  }
0x85: {  	_ =	shalt  }
0x86: {  	_ =	shalt  }
0x87: {  	_ =	shalt  }
.Lfunc_end0:
.L_simem_size_0:
called_computation.3_lowered:
.L_overlay_start_0:
0x88: {  	s2 =	sld [smem:$0x3FD9]  }
0x89: {  	s3 =	sld [smem:$0x3FFE];
	_ =	sdelay $0x1  }
0x8a: {  	s1 =	srdreg.scid  }
0x8b: {  	s0 =	sand.u32 $0x1, s1  }
0x8c: {  	s16 =	sshll.u32 s0, $0xA;
	s2 =	sadd.s32 s3, s2  }
0x8d: {  	s2 =	sadd.s32 s2, s16  }
0x8e: {  	[smem:$0x3FB8] =	sst s2  }
0x8f: {  	_ = 	snop  }
0x90: {  	(tm) =	ssettm $0x1  }
0x91: {  	s17 =	sld [smem:$0x3FFB];
	_ =	sdelay $0x3  }
0x92: {  	_ =	strace s17  }
0x93: {  	s2 =	sld [smem:$0x3FFC];
	_ =	sdelay $0x3  }
0x94: {  	_ =	strace s2  }
0x95: {  	s2 =	sld [smem:$0x3FFD];
	_ =	sdelay $0x3  }
0x96: {  	_ =	strace s2  }
0x97: {  	_ =	strace $0x8FFFFFFF  }
0x98: {  	s18 =	sld [smem:$0x3FDB];
	_ =	sdelay $0x1  }
0x99: {  	s19 =	simm.s32 $_scs_section_size  }
0x9a: {  	s4 =	simm.s32 $_size__tile_overlayer_lowered;
	s5 =	simm.s32 $_tile_overlayer_lowered  }
0x9b: {  	s22 =	simm.s32 $0x1BFF;
	s21 =	sshll.u32 s5, $0x1;
	s2 =	sadd.s32 s19, s18  }
0x9c: {  	s6 =	simm.s32 $0x0;
	s20 =	sshll.u32 s4, $0x1;
	s4 =	sadd.s32 s21, s2  }
0x9d: {  	[timem:s6], [sflag:s22] =	dma.local [hbm:s4], s20  }
0x9e: {  	_ =	swait.ge [sflag:s22], s20  }
0x9f: {  	s3 =	ssub.s32 $0x0, s20;
	[sflag:s22] =	ssyncset.done $0x0  }
0xa0: {  	[sflag:s22] =	ssyncadd.s32 s3;
	_ =	sdelay $0x1  }
0xa1: {  	s23 =	simm.s32 $0x1B8B  }
0xa2: {  	_ =	swait.ge [sflag:s23], $0x1  }
0xa3: {  	[sflag:s23] =	ssyncset.done $0x0  }
0xa4: {  	s25 =	simm.s32 $0x1B8E;
	s24 =	sld [smem:$0x3FFE];
	[sflag:s23] =	ssyncadd.s32 $0xFFFFFFFF  }
0xa5: {  	s26 =	simm.s32 $execute0_lowered;
	[smem:$0x3FD2] =	sst s25  }
0xa6: {  	s4 =	sshll.u32 s26, $0x1;
	_ =	strace $0x8000004F;
	[dreg:$0x1] =	wrdreg $0xFFFFFFFF  }
0xa7: {  	s28 =	simm.s32 $_size_execute0_lowered;
	s2 =	sadd.s32 s2, s4;
	[dreg:$0x0] =	wrdreg $0x0  }
0xa8: {  	s4 =	sshll.u32 s28, $0x1;
	[dreg:$0x2] =	wrdreg s2  }
0xa9: {  	[dreg:$0x3] =	wrdreg s4  }
0xaa: {  	[dreg:$0x4] =	wrdreg $0xC0  }
0xab: {  	_ =	task [dreg:s6], $0x5FFFF  }
0xac: {  	[dreg:$0x1] =	wrdreg $0xFFFFFFFF  }
0xad: {  	[dreg:$0x0] =	wrdreg $0x60  }
0xae: {  	[dreg:$0x2] =	wrdreg s24  }
0xaf: {  	[dreg:$0x3] =	wrdreg $0x130000  }
0xb0: {  	[dreg:$0x4] =	wrdreg $0xE0000  }
0xb1: {  	[dreg:$0x5] =	wrdreg $0x9  }
0xb2: {  	_ =	task.clear_ibuf [dreg:s6], $0x6FFFF;
	_ =	strace $0x9000004F  }
0xb3: {  	s29 =	simm.s32 $0x9;
	_ =	strace $0x80000051  }
0xb4: {  	_ =	swait.ge [sflag:s29], $0x1  }
0xb5: {  	[sflag:s29] =	ssyncadd.s32 $0xFFFFFFFF  }
0xb6: {  	_ =	strace $0x90000051  }
0xb7: {  	_ =	sfence  }
0xb8: {  	s30 =	sld [smem:$0x0];
	_ =	sdelay $0x2  }
0xb9: {  	s31 =	sshll.u32 s1, $0xD;
	s1 =	sshrl.u32 s1, $0x2  }
0xba: {  	s3 =	sand.u32 $0x4000, s31;
	s1 =	sadd.s32 s1, s30  }
0xbb: {  	s0 =	sor.u32 s3, s0;
	s1 =	sshll.u32 s1, $0x11  }
0xbc: {  	s0 =	sor.u32 s1, s0  }
0xbd: {  	s0 =	sadd.s32 $0x8F2B, s0  }
0xbe: {  	[sflag:s0] =	ssyncadd.remote.s32 $0x1  }
0xbf: {  	_ =	sfence.sel $0xFFFF  }
0xc0: {  	[dreg:$0x0] =	wrdreg $0xFFFFFFFF;
	(pc) =	sbr.abs _section_cstart, $3  }
0xc1: {  	[dreg:$0x1] =	wrdreg $0xFFFFFFFF  }
0xc2: {  	_ =	task.clear_ibuf [dreg:s6], $0x2FFFF;
	_ =	strace $0x9FFFFFFF  }
0xc3: {  	(tm) =	ssettm $0x7FFFFFFF  }
tec
execute0_lowered:
.L_overlay_start_1:
0x0: {  	(tag) =	ssettag $0x1  }
0x1: {  	s0 =	rddreg [dreg:$0x0]  }
0x2: {  	s2 =	rddreg [dreg:$0x1]  }
0x3: {  	s3 =	rddreg [dreg:$0x2];
	s7 =	stileid.u32  }
0x4: {  	s1 =	srdreg.scid;
	s4 =	simm.s32 $0x0;
	s29 =	simm.s32 $0xA000  }
0x5: {  	s30 =	simm.s32 $0x9;
	s31 =	simm.s32 $0x5000;
	s5 =	smul.u32 $0xA00, s7  }
0x6: {  	s1 =	sand.u32 $0x1, s1;
	[smem:$0x7FF] =	sst s4;
	s7 =	smul.u32 $0x5000, s7  }
0x7: {  	s8 =	sadd.s32 $0x21C00, s0;
	s6 =	smul.u32 $0x50000, s1;
	_ =	strace $0x80000050  }
0x8: {  	s1 =	ssub.s32 $0x2, s1;
	s5 =	sadd.s32 s5, s0;
	s0 =	sadd.s32 $0x35C00, s0  }
0x9: {  	s10 =	sadd.s32 $0x1000, s7;
	s11 =	sshrl.u32 s1, $0x1;
	s16 =	sadd.s32 s7, s2  }
0xa: {  	s18 =	sadd.s32 $0x2000, s7;
	s14 =	sadd.s32 $0x3000, s7;
	s9 =	sadd.s32 s7, s6  }
0xb: {  	s12 =	sadd.s32 s6, s10;
	s1 =	ssub.s32 s1, s11;
	[dreg:$0x5] =	wrdreg s16  }
0xc: {  	s13 =	sadd.s32 s10, s2;
	s19 =	sadd.s32 s6, s18;
	s15 =	sadd.s32 s6, s14  }
0xd: {  	s16 =	sadd.s32 $0x4000, s7;
	s20 =	sadd.s32 s18, s2;
	s11 =	simm.s32 $0x6  }
0xe: {  	s9 =	sshrl.u32 s9, $0x3;
	s26 =	sshrl.u32 s12, $0x3;
	[dreg:$0x7] =	wrdreg s13  }
0xf: {  	s13 =	sshrl.u32 s19, $0x3;
	s15 =	sshrl.u32 s15, $0x3;
	s6 =	sadd.s32 s6, s16  }
0x10: {  	[dreg:$0x9] =	wrdreg s20;
	s19 =	sadd.s32 s7, s3;
	s20 =	sadd.s32 s10, s3  }
0x11: {  	s28 =	smax.u32 s1, $0x1;
	s1 =	simm.s32 $0xB000;
	s7 =	simm.s32 $0xD000  }
0x12: {  	s10 =	simm.s32 $0x3;
	s12 =	simm.s32 $0x4;
	s25 =	sadd.s32 s8, s9  }
0x13: {  	s17 =	sadd.s32 s8, s26;
	s21 =	sadd.s32 s8, s15;
	[dreg:$0x4] =	wrdreg s25  }
0x14: {  	s6 =	sshrl.u32 s6, $0x3;
	s22 =	sadd.s32 s0, s9;
	[dreg:$0x6] =	wrdreg s17  }
0x15: {  	s23 =	sadd.s32 s0, s26;
	s24 =	sadd.s32 s0, s13;
	[dreg:$0xa] =	wrdreg s21  }
0x16: {  	s26 =	sadd.s32 s14, s2;
	s9 =	simm.s32 $0x5;
	[dreg:$0xc] =	wrdreg s22  }
0x17: {  	s17 =	sadd.s32 s8, s13;
	s8 =	sadd.s32 s8, s6;
	[dreg:$0xd] =	wrdreg s23  }
0x18: {  	[dreg:$0xe] =	wrdreg s24;
	s25 =	sadd.s32 s0, s15;
	s0 =	sadd.s32 s0, s6  }
0x19: {  	[dreg:$0x11] =	wrdreg s26;
	s21 =	sadd.s32 s18, s3;
	s22 =	sadd.s32 s14, s3  }
0x1a: {  	s23 =	sadd.s32 s16, s2;
	s24 =	sadd.s32 s16, s3;
	[dreg:$0x8] =	wrdreg s17  }
0x1b: {  	s26 =	sadd.s32 $0x3C00, s5;
	s6 =	simm.s32 $0x1;
	[dreg:$0xb] =	wrdreg s8  }
0x1c: {  	s13 =	simm.s32 $0x7;
	s14 =	simm.s32 $0x8;
	[dreg:$0xf] =	wrdreg s25  }
0x1d: {  	s15 =	simm.s32 $0x0;
	[dreg:$0x10] =	wrdreg s0;
	s25 =	sadd.s32 $0x17C00, s5  }
0x1e: {  	v0 =	vimm.f32 $0.0e+00;
	s0 =	simm.s32 $0x80;
	s5 =	simm.s32 $0xC000;
	s8 =	simm.s32 $0x2  }
.LBB2_1:
0x1f: {  	s16 =	rddreg [dreg:$0x4]  }
0x20: {  	[tilespmem:s29], [sflag:$0x9] =	stream.linear.gather [hbm4b:s16+s4], $0x1000, $0x38;
	[tilespmem:$0x18000] =	vst v63  }
0x21: {  	_ =	swait.ge [sflag:s30], $0x1000  }
0x22: {  	[sflag:s30] =	ssyncset.done $0x0  }
0x23: {  	s17 =	rddreg [dreg:$0x5];
	[sflag:s30] =	ssyncadd.s32 $0xFFFFF000  }
0x24: {  	[spmem:s17] =	stream.linear.scatter [tilespmem:s29], [sflag:$0x9], $0x1000, $0x38;
	[tilespmem:$0x18000] =	vst v63  }
0x25: {  	_ =	swait.ge [sflag:s30], $0x1000  }
0x26: {  	[sflag:s30] =	ssyncset.done $0x0  }
0x27: {  	s18 =	rddreg [dreg:$0x6];
	[sflag:s30] =	ssyncadd.s32 $0xFFFFF000  }
0x28: {  	[tilespmem:s29], [sflag:$0x9] =	stream.linear.gather [hbm4b:s18+s4], $0x1000, $0x38;
	[tilespmem:$0x18000] =	vst v63  }
0x29: {  	_ =	swait.ge [sflag:s30], $0x1000  }
0x2a: {  	[sflag:s30] =	ssyncset.done $0x0  }
0x2b: {  	s17 =	rddreg [dreg:$0x7];
	[sflag:s30] =	ssyncadd.s32 $0xFFFFF000  }
0x2c: {  	[spmem:s17] =	stream.linear.scatter [tilespmem:s29], [sflag:$0x9], $0x1000, $0x38;
	[tilespmem:$0x18000] =	vst v63  }
0x2d: {  	_ =	swait.ge [sflag:s30], $0x1000  }
0x2e: {  	[sflag:s30] =	ssyncset.done $0x0  }
0x2f: {  	s18 =	rddreg [dreg:$0x8];
	[sflag:s30] =	ssyncadd.s32 $0xFFFFF000  }
0x30: {  	[tilespmem:s29], [sflag:$0x9] =	stream.linear.gather [hbm4b:s18+s4], $0x1000, $0x38;
	[tilespmem:$0x18000] =	vst v63  }
0x31: {  	_ =	swait.ge [sflag:s30], $0x1000  }
0x32: {  	[sflag:s30] =	ssyncset.done $0x0  }
0x33: {  	s17 =	rddreg [dreg:$0x9];
	[sflag:s30] =	ssyncadd.s32 $0xFFFFF000  }
0x34: {  	[spmem:s17] =	stream.linear.scatter [tilespmem:s29], [sflag:$0x9], $0x1000, $0x38;
	[tilespmem:$0x18000] =	vst v63  }
0x35: {  	_ =	swait.ge [sflag:s30], $0x1000  }
0x36: {  	[sflag:s30] =	ssyncset.done $0x0  }
0x37: {  	s18 =	rddreg [dreg:$0xa];
	[sflag:s30] =	ssyncadd.s32 $0xFFFFF000  }
0x38: {  	[tilespmem:s29], [sflag:$0x9] =	stream.linear.gather [hbm4b:s18+s4], $0x1000, $0x38;
	[tilespmem:$0x18000] =	vst v63  }
0x39: {  	_ =	swait.ge [sflag:s30], $0x1000  }
0x3a: {  	[sflag:s30] =	ssyncset.done $0x0  }
0x3b: {  	s17 =	rddreg [dreg:$0x11];
	[sflag:s30] =	ssyncadd.s32 $0xFFFFF000  }
0x3c: {  	[spmem:s17] =	stream.linear.scatter [tilespmem:s29], [sflag:$0x9], $0x1000, $0x38;
	[tilespmem:$0x18000] =	vst v63  }
0x3d: {  	_ =	swait.ge [sflag:s30], $0x1000  }
0x3e: {  	[sflag:s30] =	ssyncset.done $0x0  }
0x3f: {  	s18 =	rddreg [dreg:$0xb];
	[sflag:s30] =	ssyncadd.s32 $0xFFFFF000  }
0x40: {  	[tilespmem:s29], [sflag:$0x9] =	stream.linear.gather [hbm4b:s18+s4], $0x1000, $0x38;
	[tilespmem:$0x18000] =	vst v63  }
0x41: {  	_ =	swait.ge [sflag:s30], $0x1000  }
0x42: {  	[sflag:s30] =	ssyncset.done $0x0  }
0x43: {  	[sflag:s30] =	ssyncadd.s32 $0xFFFFF000  }
0x44: {  	[spmem:s23] =	stream.linear.scatter [tilespmem:s29], [sflag:$0x9], $0x1000, $0x38;
	[tilespmem:$0x18000] =	vst v63  }
0x45: {  	_ =	swait.ge [sflag:s30], $0x1000  }
0x46: {  	[sflag:s30] =	ssyncset.done $0x0  }
0x47: {  	s16 =	simm.s32 $0x80;
	s17 =	simm.s32 $0x0;
	[sflag:s30] =	ssyncadd.s32 $0xFFFFF000  }
.LBB2_2:
0x48: {  	p0 =	sne.s32 s16, $0x3F80;
	[tilespmem:s17+$0xA000] =	vst v0;
	s18 =	smov.u32 s16;
	s16 =	sadd.s32 $0x80, s16  }
.Ltmp0:
0x49: {  	[tilespmem:s17+$0xA010] =	vst v0;
	(pc) =	sbr.rel @p0 .LBB2_2-.Ltmp0, $2  }
0x4a: {  	_ =	sdelay $0x2  }
0x4b: {  	s17 =	sshra.s32 s18, $0x2  }
0x4c: {  	[tilespmem:s17+$0xA000] =	vst v0  }
0x4d: {  	[tilespmem:s17+$0xA010] =	vst v0  }
0x4e: {  	[spmem:s19] =	stream.linear.scatter [tilespmem:s29], [sflag:$0x9], $0x1000, $0x38;
	[tilespmem:$0x18000] =	vst v63  }
0x4f: {  	_ =	swait.ge [sflag:s30], $0x1000  }
0x50: {  	[sflag:s30] =	ssyncset.done $0x0  }
0x51: {  	[sflag:s30] =	ssyncadd.s32 $0xFFFFF000  }
0x52: {  	[spmem:s20] =	stream.linear.scatter [tilespmem:s29], [sflag:$0x9], $0x1000, $0x38;
	[tilespmem:$0x18000] =	vst v63  }
0x53: {  	_ =	swait.ge [sflag:s30], $0x1000  }
0x54: {  	[sflag:s30] =	ssyncset.done $0x0  }
0x55: {  	[sflag:s30] =	ssyncadd.s32 $0xFFFFF000  }
0x56: {  	[spmem:s21] =	stream.linear.scatter [tilespmem:s29], [sflag:$0x9], $0x1000, $0x38;
	[tilespmem:$0x18000] =	vst v63  }
0x57: {  	_ =	swait.ge [sflag:s30], $0x1000  }
0x58: {  	[sflag:s30] =	ssyncset.done $0x0  }
0x59: {  	[sflag:s30] =	ssyncadd.s32 $0xFFFFF000  }
0x5a: {  	[spmem:s22] =	stream.linear.scatter [tilespmem:s29], [sflag:$0x9], $0x1000, $0x38;
	[tilespmem:$0x18000] =	vst v63  }
0x5b: {  	_ =	swait.ge [sflag:s30], $0x1000  }
0x5c: {  	[sflag:s30] =	ssyncset.done $0x0  }
0x5d: {  	[sflag:s30] =	ssyncadd.s32 $0xFFFFF000  }
0x5e: {  	[spmem:s24] =	stream.linear.scatter [tilespmem:s29], [sflag:$0x9], $0x1000, $0x38;
	[tilespmem:$0x18000] =	vst v63  }
0x5f: {  	_ =	swait.ge [sflag:s30], $0x1000  }
0x60: {  	[sflag:s30] =	ssyncset.done $0x0  }
0x61: {  	s16 =	simm.s32 $0x0;
	[sflag:s30] =	ssyncadd.s32 $0xFFFFF000  }
0x62: {  	[tilespmem:s16], [sflag:$0x9] =	stream.linear.gather [hbm4b:s25+s16], $0x5000, $0x38;
	[tilespmem:$0x18000] =	vst v63  }
0x63: {  	_ =	swait.ge [sflag:s30], $0x5000  }
0x64: {  	[sflag:s30] =	ssyncset.done $0x0  }
0x65: {  	[sflag:s30] =	ssyncadd.s32 $0xFFFFB000  }
0x66: {  	[tilespmem:s31], [sflag:$0x9] =	stream.linear.gather [hbm4b:s26+s16], $0x5000, $0x38;
	[tilespmem:$0x18000] =	vst v63  }
0x67: {  	_ =	swait.ge [sflag:s30], $0x5000  }
0x68: {  	[sflag:s30] =	ssyncset.done $0x0  }
0x69: {  	[sflag:s30] =	ssyncadd.s32 $0xFFFFB000  }
0x6a: {  	[bflag:$0x0] =	sbarrier.arrive $0xFFFF  }
0x6b: {  	[tilespmem:s29], [sflag:$0x1] =	stream.indirect.gather [spmem:s2], $0x20, s16, s0, $0xb8;
	[tilespmem:$0x18000] =	vst v63  }
0x6c: {  	_ = 	snop  }
0x6d: {  	[tilespmem:s1], [sflag:$0x2] =	stream.indirect.gather [spmem:s2], $0x20, s0, s0, $0xb8;
	[tilespmem:$0x18000] =	vst v63  }
0x6e: {  	s17 =	simm.s32 $0x100  }
0x6f: {  	[tilespmem:s5], [sflag:$0x3] =	stream.indirect.gather [spmem:s2], $0x20, s17, s0, $0xb8;
	[tilespmem:$0x18000] =	vst v63  }
0x70: {  	_ =	swait.ge [sflag:s6], $0x1000  }
0x71: {  	[sflag:s6] =	ssyncset.done $0x0  }
0x72: {  	[sflag:s6] =	ssyncadd.s32 $0xFFFFF000  }
0x73: {  	[spmem:s3] =	stream.indirect.scatter.add.f32 [tilespmem:s29], [sflag:$0x5], $0x20, s31, s0, $0xb8;
	[tilespmem:$0x18000] =	vst v63  }
0x74: {  	s18 =	simm.s32 $0x180  }
0x75: {  	[tilespmem:s7], [sflag:$0x4] =	stream.indirect.gather [spmem:s2], $0x20, s18, s0, $0xb8;
	[tilespmem:$0x18000] =	vst v63  }
0x76: {  	_ =	swait.ge [sflag:s8], $0x1000  }
0x77: {  	[sflag:s8] =	ssyncset.done $0x0  }
0x78: {  	s17 =	simm.s32 $0x5080;
	[sflag:s8] =	ssyncadd.s32 $0xFFFFF000  }
0x79: {  	[spmem:s3] =	stream.indirect.scatter.add.f32 [tilespmem:s1], [sflag:$0x6], $0x20, s17, s0, $0xb8;
	[tilespmem:$0x18000] =	vst v63  }
0x7a: {  	_ =	swait.ge [sflag:s9], $0x1000  }
0x7b: {  	[sflag:s9] =	ssyncset.done $0x0  }
0x7c: {  	s18 =	simm.s32 $0x200;
	[sflag:s9] =	ssyncadd.s32 $0xFFFFF000  }
0x7d: {  	[tilespmem:s29], [sflag:$0x1] =	stream.indirect.gather [spmem:s2], $0x20, s18, s0, $0xb8;
	[tilespmem:$0x18000] =	vst v63  }
0x7e: {  	_ =	swait.ge [sflag:s10], $0x1000  }
0x7f: {  	[sflag:s10] =	ssyncset.done $0x0  }
0x80: {  	s17 =	simm.s32 $0x5100;
	[sflag:s10] =	ssyncadd.s32 $0xFFFFF000  }
0x81: {  	[spmem:s3] =	stream.indirect.scatter.add.f32 [tilespmem:s5], [sflag:$0x7], $0x20, s17, s0, $0xb8;
	[tilespmem:$0x18000] =	vst v63  }
0x82: {  	_ =	swait.ge [sflag:s11], $0x1000  }
0x83: {  	[sflag:s11] =	ssyncset.done $0x0  }
0x84: {  	s18 =	simm.s32 $0x280;
	[sflag:s11] =	ssyncadd.s32 $0xFFFFF000  }
0x85: {  	[tilespmem:s1], [sflag:$0x2] =	stream.indirect.gather [spmem:s2], $0x20, s18, s0, $0xb8;
	[tilespmem:$0x18000] =	vst v63  }
0x86: {  	_ =	swait.ge [sflag:s12], $0x1000  }
0x87: {  	[sflag:s12] =	ssyncset.done $0x0  }
0x88: {  	s17 =	simm.s32 $0x5180;
	[sflag:s12] =	ssyncadd.s32 $0xFFFFF000  }
0x89: {  	[spmem:s3] =	stream.indirect.scatter.add.f32 [tilespmem:s7], [sflag:$0x8], $0x20, s17, s0, $0xb8;
	[tilespmem:$0x18000] =	vst v63  }
0x8a: {  	_ =	swait.ge [sflag:s13], $0x1000  }
0x8b: {  	[sflag:s13] =	ssyncset.done $0x0  }
0x8c: {  	s18 =	simm.s32 $0x300;
	[sflag:s13] =	ssyncadd.s32 $0xFFFFF000  }
0x8d: {  	[tilespmem:s5], [sflag:$0x3] =	stream.indirect.gather [spmem:s2], $0x20, s18, s0, $0xb8;
	[tilespmem:$0x18000] =	vst v63  }
0x8e: {  	_ =	swait.ge [sflag:s6], $0x1000  }
0x8f: {  	[sflag:s6] =	ssyncset.done $0x0  }
0x90: {  	s17 =	simm.s32 $0x5200;
	[sflag:s6] =	ssyncadd.s32 $0xFFFFF000  }
0x91: {  	[spmem:s3] =	stream.indirect.scatter.add.f32 [tilespmem:s29], [sflag:$0x5], $0x20, s17, s0, $0xb8;
	[tilespmem:$0x18000] =	vst v63  }
0x92: {  	_ =	swait.ge [sflag:s14], $0x1000  }
0x93: {  	[sflag:s14] =	ssyncset.done $0x0  }
0x94: {  	s18 =	simm.s32 $0x380;
	[sflag:s14] =	ssyncadd.s32 $0xFFFFF000  }
0x95: {  	[tilespmem:s7], [sflag:$0x4] =	stream.indirect.gather [spmem:s2], $0x20, s18, s0, $0xb8;
	[tilespmem:$0x18000] =	vst v63  }
0x96: {  	_ =	swait.ge [sflag:s8], $0x1000  }
0x97: {  	[sflag:s8] =	ssyncset.done $0x0  }
0x98: {  	s17 =	simm.s32 $0x5280;
	[sflag:s8] =	ssyncadd.s32 $0xFFFFF000  }
0x99: {  	[spmem:s3] =	stream.indirect.scatter.add.f32 [tilespmem:s1], [sflag:$0x6], $0x20, s17, s0, $0xb8;
	[tilespmem:$0x18000] =	vst v63  }
0x9a: {  	_ =	swait.ge [sflag:s9], $0x1000  }
0x9b: {  	[sflag:s9] =	ssyncset.done $0x0  }
0x9c: {  	s18 =	simm.s32 $0x400;
	[sflag:s9] =	ssyncadd.s32 $0xFFFFF000  }
0x9d: {  	[tilespmem:s29], [sflag:$0x1] =	stream.indirect.gather [spmem:s2], $0x20, s18, s0, $0xb8;
	[tilespmem:$0x18000] =	vst v63  }
0x9e: {  	_ =	swait.ge [sflag:s10], $0x1000  }
0x9f: {  	[sflag:s10] =	ssyncset.done $0x0  }
0xa0: {  	s17 =	simm.s32 $0x5300;
	[sflag:s10] =	ssyncadd.s32 $0xFFFFF000  }
0xa1: {  	[spmem:s3] =	stream.indirect.scatter.add.f32 [tilespmem:s5], [sflag:$0x7], $0x20, s17, s0, $0xb8;
	[tilespmem:$0x18000] =	vst v63  }
0xa2: {  	_ =	swait.ge [sflag:s11], $0x1000  }
0xa3: {  	[sflag:s11] =	ssyncset.done $0x0  }
0xa4: {  	s18 =	simm.s32 $0x480;
	[sflag:s11] =	ssyncadd.s32 $0xFFFFF000  }
0xa5: {  	[tilespmem:s1], [sflag:$0x2] =	stream.indirect.gather [spmem:s2], $0x20, s18, s0, $0xb8;
	[tilespmem:$0x18000] =	vst v63  }
0xa6: {  	_ =	swait.ge [sflag:s12], $0x1000  }
0xa7: {  	[sflag:s12] =	ssyncset.done $0x0  }
0xa8: {  	s16 =	simm.s32 $0x800;
	s17 =	simm.s32 $0x5380;
	[sflag:s12] =	ssyncadd.s32 $0xFFFFF000  }
.LBB2_4:
0xa9: {  	[spmem:s3] =	stream.indirect.scatter.add.f32 [tilespmem:s7], [sflag:$0x8], $0x20, s17, s0, $0xb8;
	[tilespmem:$0x18000] =	vst v63  }
0xaa: {  	s17 =	smov.u32 s16  }
0xab: {  	p0 =	sne.s32 s16, $0x12800;
	s16 =	sadd.s32 $0x800, s16;
	_ =	swait.ge [sflag:s13], $0x1000  }
0xac: {  	s17 =	sshra.s32 s17, $0x2;
	[sflag:s13] =	ssyncset.done $0x0  }
0xad: {  	s18 =	sadd.s32 $0x300, s17;
	[sflag:s13] =	ssyncadd.s32 $0xFFFFF000  }
0xae: {  	[tilespmem:s5], [sflag:$0x3] =	stream.indirect.gather [spmem:s2], $0x20, s18, s0, $0xb8;
	[tilespmem:$0x18000] =	vst v63  }
0xaf: {  	_ =	swait.ge [sflag:s6], $0x1000  }
0xb0: {  	[sflag:s6] =	ssyncset.done $0x0  }
0xb1: {  	s18 =	sadd.s32 $0x5200, s17;
	[sflag:s6] =	ssyncadd.s32 $0xFFFFF000  }
0xb2: {  	[spmem:s3] =	stream.indirect.scatter.add.f32 [tilespmem:s29], [sflag:$0x5], $0x20, s18, s0, $0xb8;
	[tilespmem:$0x18000] =	vst v63  }
0xb3: {  	_ =	swait.ge [sflag:s14], $0x1000  }
0xb4: {  	[sflag:s14] =	ssyncset.done $0x0  }
0xb5: {  	s18 =	sadd.s32 $0x380, s17;
	[sflag:s14] =	ssyncadd.s32 $0xFFFFF000  }
0xb6: {  	[tilespmem:s7], [sflag:$0x4] =	stream.indirect.gather [spmem:s2], $0x20, s18, s0, $0xb8;
	[tilespmem:$0x18000] =	vst v63  }
0xb7: {  	_ =	swait.ge [sflag:s8], $0x1000  }
0xb8: {  	[sflag:s8] =	ssyncset.done $0x0  }
0xb9: {  	s18 =	sadd.s32 $0x5280, s17;
	[sflag:s8] =	ssyncadd.s32 $0xFFFFF000  }
0xba: {  	[spmem:s3] =	stream.indirect.scatter.add.f32 [tilespmem:s1], [sflag:$0x6], $0x20, s18, s0, $0xb8;
	[tilespmem:$0x18000] =	vst v63  }
0xbb: {  	_ =	swait.ge [sflag:s9], $0x1000  }
0xbc: {  	[sflag:s9] =	ssyncset.done $0x0  }
0xbd: {  	s18 =	sadd.s32 $0x400, s17;
	[sflag:s9] =	ssyncadd.s32 $0xFFFFF000  }
0xbe: {  	[tilespmem:s29], [sflag:$0x1] =	stream.indirect.gather [spmem:s2], $0x20, s18, s0, $0xb8;
	[tilespmem:$0x18000] =	vst v63  }
0xbf: {  	_ =	swait.ge [sflag:s10], $0x1000  }
0xc0: {  	[sflag:s10] =	ssyncset.done $0x0  }
0xc1: {  	s18 =	sadd.s32 $0x5300, s17;
	[sflag:s10] =	ssyncadd.s32 $0xFFFFF000  }
0xc2: {  	[spmem:s3] =	stream.indirect.scatter.add.f32 [tilespmem:s5], [sflag:$0x7], $0x20, s18, s0, $0xb8;
	[tilespmem:$0x18000] =	vst v63  }
0xc3: {  	_ =	swait.ge [sflag:s11], $0x1000  }
0xc4: {  	[sflag:s11] =	ssyncset.done $0x0  }
.Ltmp1:
0xc5: {  	s18 =	sadd.s32 $0x480, s17;
	[sflag:s11] =	ssyncadd.s32 $0xFFFFF000;
	(pc) =	sbr.rel @p0 .LBB2_4-.Ltmp1, $4  }
0xc6: {  	[tilespmem:s1], [sflag:$0x2] =	stream.indirect.gather [spmem:s2], $0x20, s18, s0, $0xb8;
	[tilespmem:$0x18000] =	vst v63  }
0xc7: {  	_ =	swait.ge [sflag:s12], $0x1000  }
0xc8: {  	[sflag:s12] =	ssyncset.done $0x0  }
0xc9: {  	s17 =	sadd.s32 $0x5380, s17;
	[sflag:s12] =	ssyncadd.s32 $0xFFFFF000  }
0xca: {  	[spmem:s3] =	stream.indirect.scatter.add.f32 [tilespmem:s7], [sflag:$0x8], $0x20, s17, s0, $0xb8;
	[tilespmem:$0x18000] =	vst v63  }
0xcb: {  	_ =	swait.ge [sflag:s13], $0x1000  }
0xcc: {  	[sflag:s13] =	ssyncset.done $0x0  }
0xcd: {  	s16 =	simm.s32 $0x4F00;
	[sflag:s13] =	ssyncadd.s32 $0xFFFFF000  }
0xce: {  	[tilespmem:s5], [sflag:$0x3] =	stream.indirect.gather [spmem:s2], $0x20, s16, s0, $0xb8;
	[tilespmem:$0x18000] =	vst v63  }
0xcf: {  	_ =	swait.ge [sflag:s6], $0x1000  }
0xd0: {  	[sflag:s6] =	ssyncset.done $0x0  }
0xd1: {  	s17 =	simm.s32 $0x9E00;
	[sflag:s6] =	ssyncadd.s32 $0xFFFFF000  }
0xd2: {  	[spmem:s3] =	stream.indirect.scatter.add.f32 [tilespmem:s29], [sflag:$0x5], $0x20, s17, s0, $0xb8;
	[tilespmem:$0x18000] =	vst v63  }
0xd3: {  	_ =	swait.ge [sflag:s14], $0x1000  }
0xd4: {  	[sflag:s14] =	ssyncset.done $0x0  }
0xd5: {  	s18 =	simm.s32 $0x4F80;
	[sflag:s14] =	ssyncadd.s32 $0xFFFFF000  }
0xd6: {  	[tilespmem:s7], [sflag:$0x4] =	stream.indirect.gather [spmem:s2], $0x20, s18, s0, $0xb8;
	[tilespmem:$0x18000] =	vst v63  }
0xd7: {  	_ =	swait.ge [sflag:s8], $0x1000  }
0xd8: {  	[sflag:s8] =	ssyncset.done $0x0  }
0xd9: {  	s17 =	simm.s32 $0x9E80;
	[sflag:s8] =	ssyncadd.s32 $0xFFFFF000  }
0xda: {  	[spmem:s3] =	stream.indirect.scatter.add.f32 [tilespmem:s1], [sflag:$0x6], $0x20, s17, s0, $0xb8;
	[tilespmem:$0x18000] =	vst v63  }
0xdb: {  	_ =	swait.ge [sflag:s10], $0x1000  }
0xdc: {  	[sflag:s10] =	ssyncset.done $0x0  }
0xdd: {  	s18 =	simm.s32 $0x9F00;
	[sflag:s10] =	ssyncadd.s32 $0xFFFFF000  }
0xde: {  	[spmem:s3] =	stream.indirect.scatter.add.f32 [tilespmem:s5], [sflag:$0x7], $0x20, s18, s0, $0xb8;
	[tilespmem:$0x18000] =	vst v63  }
0xdf: {  	_ =	swait.ge [sflag:s12], $0x1000  }
0xe0: {  	[sflag:s12] =	ssyncset.done $0x0  }
0xe1: {  	s17 =	simm.s32 $0x9F80;
	[sflag:s12] =	ssyncadd.s32 $0xFFFFF000  }
0xe2: {  	[spmem:s3] =	stream.indirect.scatter.add.f32 [tilespmem:s7], [sflag:$0x8], $0x20, s17, s0, $0xb8;
	[tilespmem:$0x18000] =	vst v63  }
0xe3: {  	_ =	swait.ge [sflag:s9], $0x1000  }
0xe4: {  	[sflag:s9] =	ssyncset.done $0x0  }
0xe5: {  	[sflag:s9] =	ssyncadd.s32 $0xFFFFF000  }
0xe6: {  	_ =	swait.ge [sflag:s11], $0x1000  }
0xe7: {  	[sflag:s11] =	ssyncset.done $0x0  }
0xe8: {  	[sflag:s11] =	ssyncadd.s32 $0xFFFFF000  }
0xe9: {  	_ =	swait.ge [sflag:s13], $0x1000  }
0xea: {  	[sflag:s13] =	ssyncset.done $0x0  }
0xeb: {  	[sflag:s13] =	ssyncadd.s32 $0xFFFFF000  }
0xec: {  	_ =	swait.ge [sflag:s14], $0x1000  }
0xed: {  	[sflag:s14] =	ssyncset.done $0x0  }
0xee: {  	[sflag:s14] =	ssyncadd.s32 $0xFFFFF000  }
0xef: {  	[bflag:$0x0] =	sbarrier.arrive $0xFFFF  }
0xf0: {  	[tilespmem:s29], [sflag:$0x9] =	stream.linear.gather [spmem:s19], $0x1000, $0x38;
	[tilespmem:$0x18000] =	vst v63  }
0xf1: {  	_ =	swait.ge [sflag:s30], $0x1000  }
0xf2: {  	[sflag:s30] =	ssyncset.done $0x0  }
0xf3: {  	s18 =	rddreg [dreg:$0xc];
	[sflag:s30] =	ssyncadd.s32 $0xFFFFF000  }
0xf4: {  	[hbm4b:s18+s4] =	stream.linear.scatter [tilespmem:s29], [sflag:$0x9], $0x1000, $0x38;
	[tilespmem:$0x18000] =	vst v63  }
0xf5: {  	_ =	swait.ge [sflag:s30], $0x1000  }
0xf6: {  	[sflag:s30] =	ssyncset.done $0x0  }
0xf7: {  	[sflag:s30] =	ssyncadd.s32 $0xFFFFF000  }
0xf8: {  	[tilespmem:s29], [sflag:$0x9] =	stream.linear.gather [spmem:s20], $0x1000, $0x38;
	[tilespmem:$0x18000] =	vst v63  }
0xf9: {  	_ =	swait.ge [sflag:s30], $0x1000  }
0xfa: {  	[sflag:s30] =	ssyncset.done $0x0  }
0xfb: {  	s17 =	rddreg [dreg:$0xd];
	[sflag:s30] =	ssyncadd.s32 $0xFFFFF000  }
0xfc: {  	[hbm4b:s17+s4] =	stream.linear.scatter [tilespmem:s29], [sflag:$0x9], $0x1000, $0x38;
	[tilespmem:$0x18000] =	vst v63  }
0xfd: {  	_ =	swait.ge [sflag:s30], $0x1000  }
0xfe: {  	[sflag:s30] =	ssyncset.done $0x0  }
0xff: {  	[sflag:s30] =	ssyncadd.s32 $0xFFFFF000  }
0x100: {  	[tilespmem:s29], [sflag:$0x9] =	stream.linear.gather [spmem:s21], $0x1000, $0x38;
	[tilespmem:$0x18000] =	vst v63  }
0x101: {  	_ =	swait.ge [sflag:s30], $0x1000  }
0x102: {  	[sflag:s30] =	ssyncset.done $0x0  }
0x103: {  	s18 =	rddreg [dreg:$0xe];
	[sflag:s30] =	ssyncadd.s32 $0xFFFFF000  }
0x104: {  	[hbm4b:s18+s4] =	stream.linear.scatter [tilespmem:s29], [sflag:$0x9], $0x1000, $0x38;
	[tilespmem:$0x18000] =	vst v63  }
0x105: {  	_ =	swait.ge [sflag:s30], $0x1000  }
0x106: {  	[sflag:s30] =	ssyncset.done $0x0  }
0x107: {  	[sflag:s30] =	ssyncadd.s32 $0xFFFFF000  }
0x108: {  	[tilespmem:s29], [sflag:$0x9] =	stream.linear.gather [spmem:s22], $0x1000, $0x38;
	[tilespmem:$0x18000] =	vst v63  }
0x109: {  	_ =	swait.ge [sflag:s30], $0x1000  }
0x10a: {  	[sflag:s30] =	ssyncset.done $0x0  }
0x10b: {  	s17 =	rddreg [dreg:$0xf];
	[sflag:s30] =	ssyncadd.s32 $0xFFFFF000  }
0x10c: {  	[hbm4b:s17+s4] =	stream.linear.scatter [tilespmem:s29], [sflag:$0x9], $0x1000, $0x38;
	[tilespmem:$0x18000] =	vst v63  }
0x10d: {  	_ =	swait.ge [sflag:s30], $0x1000  }
0x10e: {  	[sflag:s30] =	ssyncset.done $0x0  }
0x10f: {  	[sflag:s30] =	ssyncadd.s32 $0xFFFFF000  }
0x110: {  	[tilespmem:s29], [sflag:$0x9] =	stream.linear.gather [spmem:s24], $0x1000, $0x38;
	[tilespmem:$0x18000] =	vst v63  }
0x111: {  	s15 =	sadd.s32 $0x1, s15;
	_ =	swait.ge [sflag:s30], $0x1000  }
0x112: {  	p0 =	sne.s32 s15, s28;
	[sflag:s30] =	ssyncset.done $0x0  }
.Ltmp2:
0x113: {  	s18 =	rddreg [dreg:$0x10];
	[sflag:s30] =	ssyncadd.s32 $0xFFFFF000;
	(pc) =	sbr.rel @p0 .LBB2_1-.Ltmp2, $4  }
0x114: {  	[hbm4b:s18+s4] =	stream.linear.scatter [tilespmem:s29], [sflag:$0x9], $0x1000, $0x38;
	[tilespmem:$0x18000] =	vst v63  }
0x115: {  	_ =	swait.ge [sflag:s30], $0x1000  }
0x116: {  	[sflag:s30] =	ssyncset.done $0x0  }
0x117: {  	[sflag:s30] =	ssyncadd.s32 $0xFFFFF000  }
0x118: {  	_ =	sfence.sel $0x180000  }
0x119: {  	[bflag:$0x0] =	sbarrier.arrive $0xFFFF  }
0x11a: {  	_ =	strace $0x90000050  }
0x11b: {  	s0 =	stileid.u32;
	[bflag:$0x2] =	sbarrier.arrive $0xFFFF  }
0x11c: {  	p0 =	sne.s32 s0, $0x0;
	s0 =	rddreg [dreg:$0x3]  }
0x11d: {  	s0 =	sadd.s32 @!p0 $0x100000, s0  }
0x11e: {  	[sflag:s0] =	ssyncadd.tile.s32 @!p0 $0x1;
	_ =	shalt  }
.Lfunc_end2:
_tile_overlayer_lowered:
.L_overlay_start_2:
0x11f: {  	(tag) =	ssettag $0x2  }
0x120: {  	s0 =	rddreg [dreg:$0x0];
	s2 =	stileid.u32  }
0x121: {  	s1 =	rddreg [dreg:$0x1];
	p0 =	sne.s32 s2, $0x0  }
0x122: {  	s3 =	rddreg [dreg:$0x2];
	[bflag:$0x3] =	sbarrier.arrive $0xFFFF;
	s2 =	simm.s32 @!p0 $0x1C09  }
0x123: {  	[timem:s3], [sflag:s2] =	dma.local @!p0 [hbm:s0], s1  }
0x124: {  	s0 =	simm.s32 @!p0 $0x9  }
0x125: {  	_ =	swait.ge @!p0 [sflag:s0], s1  }
0x126: {  	s1 =	ssub.s32 @!p0 $0x0, s1;
	[sflag:s0] =	ssyncset.done @!p0 $0x0  }
0x127: {  	[sflag:s0] =	ssyncadd.s32 @!p0 s1  }
0x128: {  	[bflag:$0x3] =	sbarrier.arrive $0xFFFF  }
0x129: {  	_ =	shalt  }

</sc_bundles>
